<compile_context>
chip_gen: v7x
topology: tpu7x:2x2x1
jax: 0.10.2.dev20260603
libtpu: 0.0.44.dev20260713+nightly
codegen_flags: <defaults>
</compile_context>

<pallas_src>
import jax
import jax.numpy as jnp
from jax import lax
from jax.experimental import pallas as pl
from jax.experimental.pallas import tpu as pltpu
from jax.experimental.pallas import tpu_sc as plsc

_D = 32
_B = 16384
_L = 20

_NW = 32
_ROWS_W = _B // _NW
_C = 64
_NCHUNK = _ROWS_W // _C
_STEP = 128
_SPC = (_C * _L) // _STEP
_MSTEP = _ROWS_W // _STEP
_TOKS_W = _ROWS_W * _L


def _sc_body(mi_hbm, tok_hbm, mt_hbm, gt_hbm, out_hbm,
             mi_v, tok_v, t0_v, mrows, g0, g1, cb0, cb1,
             sem_m, sem_g0, sem_g1, sem_o0, sem_o1):
    wid = lax.axis_index("s") * 2 + lax.axis_index("c")
    base = wid * _ROWS_W

    pltpu.sync_copy(mi_hbm.at[wid], mi_v)
    pltpu.sync_copy(tok_hbm.at[wid], tok_v)
    pltpu.sync_copy(gt_hbm.at[0], t0_v)

    mdesc = [pltpu.async_copy(mt_hbm.at[mi_v.at[s]],
                              mrows.at[pl.ds(s * _STEP, _STEP)], sem_m)
             for s in range(_MSTEP)]

    gbufs, gsems = (g0, g1), (sem_g0, sem_g1)
    combs, osems = (cb0, cb1), (sem_o0, sem_o1)

    def fire(kk):
        buf = gbufs[kk % 2]
        return [pltpu.async_copy(
                    gt_hbm.at[tok_v.at[pl.ds(kk * _C * _L + s * _STEP, _STEP)]],
                    buf.at[pl.ds(s * _STEP, _STEP)], gsems[kk % 2])
                for s in range(_SPC)]

    pending = {0: fire(0)}
    odesc = [None, None]

    t0a = t0_v[pl.ds(0, 16)]
    t0b = t0_v[pl.ds(16, 16)]
    tail_mask = jax.lax.iota(jnp.int32, 16) >= (16 - (_L - 16))

    for kk in range(_NCHUNK):
        if kk + 1 < _NCHUNK:
            pending[kk + 1] = fire(kk + 1)
        for dsc in pending.pop(kk):
            dsc.wait()
        if kk % 2 == 0:
            mdesc[kk // 2].wait()
        buf = gbufs[kk % 2]
        comb = combs[kk % 2]
        if odesc[kk % 2] is not None:
            odesc[kk % 2].wait()

        def row_body(c, carry):
            gbase = c * _L
            acc0 = buf[gbase, pl.ds(0, 16)]
            acc1 = buf[gbase, pl.ds(16, 16)]
            for l in range(1, _L):
                acc0 = acc0 + buf[gbase + l, pl.ds(0, 16)]
                acc1 = acc1 + buf[gbase + l, pl.ds(16, 16)]
            tbase = kk * _C * _L + c * _L
            tok1 = tok_v[pl.ds(tbase, 16)]
            tok2 = tok_v[pl.ds(tbase + (_L - 16), 16)]
            nz = (plsc.all_reduce_population_count(tok1 == 0)
                  + plsc.all_reduce_population_count((tok2 == 0) & tail_mask))
            nzf = nz.astype(jnp.float32)
            inv = 1.0 / jnp.maximum(float(_L) - nzf, 1.0)
            comb[c, pl.ds(0, 16)] = mrows[kk * _C + c, pl.ds(0, 16)]
            comb[c, pl.ds(16, 16)] = mrows[kk * _C + c, pl.ds(16, 16)]
            comb[c, pl.ds(_D, 16)] = (acc0 - nzf * t0a) * inv
            comb[c, pl.ds(_D + 16, 16)] = (acc1 - nzf * t0b) * inv
            return carry
        lax.fori_loop(0, _C, row_body, 0)

        odesc[kk % 2] = pltpu.async_copy(
            comb, out_hbm.at[pl.ds(base + kk * _C, _C)], osems[kk % 2])

    for dsc in odesc:
        if dsc is not None:
            dsc.wait()


def kernel(movie_ids, genre_tokens, movie_table, genre_table):
    mi = movie_ids.astype(jnp.int32).reshape(_NW, _MSTEP, _STEP)
    tok = genre_tokens.astype(jnp.int32).reshape(_NW, _TOKS_W)
    mesh = plsc.VectorSubcoreMesh(core_axis_name="c", subcore_axis_name="s")
    run = pl.kernel(
        _sc_body,
        mesh=mesh,
        compiler_params=pltpu.CompilerParams(
            use_tc_tiling_on_sc=False, needs_layout_passes=False),
        out_type=jax.ShapeDtypeStruct((_B, 2 * _D), jnp.float32),
        scratch_types=[
            pltpu.VMEM((_MSTEP, _STEP), jnp.int32),
            pltpu.VMEM((_TOKS_W,), jnp.int32),
            pltpu.VMEM((_D,), jnp.float32),
            pltpu.VMEM((_ROWS_W, _D), jnp.float32),
            pltpu.VMEM((_C * _L, _D), jnp.float32),
            pltpu.VMEM((_C * _L, _D), jnp.float32),
            pltpu.VMEM((_C, 2 * _D), jnp.float32),
            pltpu.VMEM((_C, 2 * _D), jnp.float32),
            pltpu.SemaphoreType.DMA,
            pltpu.SemaphoreType.DMA,
            pltpu.SemaphoreType.DMA,
            pltpu.SemaphoreType.DMA,
            pltpu.SemaphoreType.DMA,
        ],
    )
    return run(mi, tok, movie_table, genre_table)

# --- scband reference (transcript-rebuilt; emitter-appended) ---
"""Pipeline reference for scband-movie-model-52218212385091 (READ-ONLY COPY).

The authoritative reference and input builder live on the scoring server;
editing this copy changes nothing except your own understanding.
"""

import jax, jax.numpy as jnp
import numpy as np

NUM_MOVIES = 100001  # len(unique_movie_titles) + 1 (StringLookup OOV row)
GENRE_VOCAB = 10000  # max_token in the module
EMBED_DIM = 32
BATCH = 16384
GENRE_LEN = 20


def setup_inputs(seed: int = 0) -> dict:
    key = jax.random.key(seed)
    k1, k2, k3, k4 = jax.random.split(key, 4)
    movie_ids = jax.random.randint(k1, (BATCH,), 0, NUM_MOVIES)
    # genre token ids; 0 is the mask/padding token (mask_zero=True in Embedding)
    genre_tokens = jax.random.randint(k2, (BATCH, GENRE_LEN), 0, GENRE_VOCAB)
    movie_table = jax.random.normal(k3, (NUM_MOVIES, EMBED_DIM), dtype=jnp.float32) * 0.05
    genre_table = jax.random.normal(k4, (GENRE_VOCAB, EMBED_DIM), dtype=jnp.float32) * 0.05
    return {
        "movie_ids": movie_ids,
        "genre_tokens": genre_tokens,
        "movie_table": movie_table,
        "genre_table": genre_table,
    }


def reference(movie_ids, genre_tokens, movie_table, genre_table):
    # movie branch: StringLookup -> Embedding  ==  integer gather from table
    movie_emb = jnp.take(movie_table, movie_ids, axis=0)  # [B, 32]

    # genre branch: TextVectorization -> Embedding(mask_zero=True) -> GlobalAveragePooling1D
    tok_emb = jnp.take(genre_table, genre_tokens, axis=0)  # [B, L, 32]
    mask = (genre_tokens != 0).astype(jnp.float32)          # [B, L]
    summed = jnp.sum(tok_emb * mask[..., None], axis=1)     # [B, 32]
    count = jnp.maximum(jnp.sum(mask, axis=1, keepdims=True), 1.0)
    genre_emb = summed / count                              # masked mean, matches GAP1D with mask

    return jnp.concatenate([movie_emb, genre_emb], axis=1)  # [B, 64]

if __name__ == "__main__":
    import jax
    _d = setup_inputs()
    print(jax.jit(kernel)(*tuple(_d.values())))

</pallas_src>

<mosaic_0001>
#map = affine_map<(d0, d1) -> (0, 0, 0)>
#map1 = affine_map<(d0, d1) -> (0, 0)>
module attributes {stable_mosaic.version = 14 : i64} {
  func.func @_sc_body(%arg0: i32, %arg1: i32, %arg2: memref<32x4x128xi32, #tpu.memory_space<hbm>>, %arg3: memref<32x10240xi32, #tpu.memory_space<hbm>>, %arg4: memref<100001x32xf32, #tpu.memory_space<hbm>>, %arg5: memref<10000x32xf32, #tpu.memory_space<hbm>>, %arg6: memref<16384x64xf32, #tpu.memory_space<hbm>>, %arg7: memref<4x128xi32, #tpu.memory_space<vmem>>, %arg8: memref<10240xi32, #tpu.memory_space<vmem>>, %arg9: memref<32xf32, #tpu.memory_space<vmem>>, %arg10: memref<512x32xf32, #tpu.memory_space<vmem>>, %arg11: memref<1280x32xf32, #tpu.memory_space<vmem>>, %arg12: memref<1280x32xf32, #tpu.memory_space<vmem>>, %arg13: memref<64x64xf32, #tpu.memory_space<vmem>>, %arg14: memref<64x64xf32, #tpu.memory_space<vmem>>, %arg15: memref<!tpu.dma_semaphore, #tpu.memory_space<semaphore_mem>>, %arg16: memref<!tpu.dma_semaphore, #tpu.memory_space<semaphore_mem>>, %arg17: memref<!tpu.dma_semaphore, #tpu.memory_space<semaphore_mem>>, %arg18: memref<!tpu.dma_semaphore, #tpu.memory_space<semaphore_mem>>, %arg19: memref<!tpu.dma_semaphore, #tpu.memory_space<semaphore_mem>>) attributes {dimension_semantics = [#tpu.dimension_semantics<core_parallel>, #tpu.dimension_semantics<subcore_parallel>], iteration_bounds = array<i64: 2, 16>, scalar_prefetch = 0 : i64, scratch_operands = 13 : i64, tpu.core_type = #tpu.core_type<sc_vector_subcore>, window_params = [{transform_indices = #map}, {transform_indices = #map1}, {transform_indices = #map1}, {transform_indices = #map1}, {transform_indices = #map1}]} {
    %mul3A = arith.constant 2 : i32
    %mul3A_0 = arith.muli %arg1, %mul3A : i32
    %add3A = arith.addi %mul3A_0, %arg0 : i32
    %mul3A_1 = arith.constant 512 : i32
    %mul3A_2 = arith.muli %add3A, %mul3A_1 : i32
    "tpu.region"() ({
      %run_scoped3A_1493 = tpu.sem_alloc : memref<!tpu.dma_semaphore, #tpu.memory_space<semaphore_mem>>
      %dma_start3A_1494 = arith.constant 0 : i32
      %dma_start3A_1495 = arith.constant 0 : i32
      %dma_start3A_1496 = tpu.memref_slice %arg2[%add3A, %dma_start3A_1494, %dma_start3A_1495] : memref<32x4x128xi32, #tpu.memory_space<hbm>> -> memref<1x4x128xi32, #tpu.memory_space<hbm>>
      %dma_start3A_1497 = tpu.memref_squeeze %dma_start3A_1496 : memref<1x4x128xi32, #tpu.memory_space<hbm>> -> memref<4x128xi32, #tpu.memory_space<hbm>>
      %dma_start3A_1498 = arith.constant 0 : i32
      %dma_start3A_1499 = arith.constant 0 : i32
      %dma_start3A_1500 = tpu.memref_slice %arg2[%add3A, %dma_start3A_1498, %dma_start3A_1499] : memref<32x4x128xi32, #tpu.memory_space<hbm>> -> memref<1x4x128xi32, #tpu.memory_space<hbm>>
      %dma_start3A_1501 = tpu.memref_squeeze %dma_start3A_1500 : memref<1x4x128xi32, #tpu.memory_space<hbm>> -> memref<4x128xi32, #tpu.memory_space<hbm>>
      tpu.enqueue_dma source(%dma_start3A_1501 : memref<4x128xi32, #tpu.memory_space<hbm>>) target(%arg7 : memref<4x128xi32, #tpu.memory_space<vmem>>) target_semaphore(%run_scoped3A_1493 : memref<!tpu.dma_semaphore, #tpu.memory_space<semaphore_mem>>)
      %dma_wait3A_1502 = arith.constant 0 : i32
      %dma_wait3A_1503 = arith.constant 0 : i32
      %dma_wait3A_1504 = tpu.memref_slice %arg2[%add3A, %dma_wait3A_1502, %dma_wait3A_1503] : memref<32x4x128xi32, #tpu.memory_space<hbm>> -> memref<1x4x128xi32, #tpu.memory_space<hbm>>
      %dma_wait3A_1505 = tpu.memref_squeeze %dma_wait3A_1504 : memref<1x4x128xi32, #tpu.memory_space<hbm>> -> memref<4x128xi32, #tpu.memory_space<hbm>>
      %dma_wait3A_1506 = arith.constant 0 : i32
      %dma_wait3A_1507 = arith.constant 0 : i32
      %dma_wait3A_1508 = tpu.memref_slice %arg2[%add3A, %dma_wait3A_1506, %dma_wait3A_1507] : memref<32x4x128xi32, #tpu.memory_space<hbm>> -> memref<1x4x128xi32, #tpu.memory_space<hbm>>
      %dma_wait3A_1509 = tpu.memref_squeeze %dma_wait3A_1508 : memref<1x4x128xi32, #tpu.memory_space<hbm>> -> memref<4x128xi32, #tpu.memory_space<hbm>>
      tpu.wait_dma2 semaphore(%run_scoped3A_1493 : memref<!tpu.dma_semaphore, #tpu.memory_space<semaphore_mem>>) src(%dma_wait3A_1509 : memref<4x128xi32, #tpu.memory_space<hbm>>) dst(%arg7 : memref<4x128xi32, #tpu.memory_space<vmem>>)
      tpu.yield
    }) : () -> ()
    "tpu.region"() ({
      %run_scoped3A_1493 = tpu.sem_alloc : memref<!tpu.dma_semaphore, #tpu.memory_space<semaphore_mem>>
      %dma_start3A_1494 = arith.constant 0 : i32
      %dma_start3A_1495 = tpu.memref_slice %arg3[%add3A, %dma_start3A_1494] : memref<32x10240xi32, #tpu.memory_space<hbm>> -> memref<1x10240xi32, #tpu.memory_space<hbm>>
      %dma_start3A_1496 = tpu.memref_squeeze %dma_start3A_1495 : memref<1x10240xi32, #tpu.memory_space<hbm>> -> memref<10240xi32, #tpu.memory_space<hbm>>
      %dma_start3A_1497 = arith.constant 0 : i32
      %dma_start3A_1498 = tpu.memref_slice %arg3[%add3A, %dma_start3A_1497] : memref<32x10240xi32, #tpu.memory_space<hbm>> -> memref<1x10240xi32, #tpu.memory_space<hbm>>
      %dma_start3A_1499 = tpu.memref_squeeze %dma_start3A_1498 : memref<1x10240xi32, #tpu.memory_space<hbm>> -> memref<10240xi32, #tpu.memory_space<hbm>>
      tpu.enqueue_dma source(%dma_start3A_1499 : memref<10240xi32, #tpu.memory_space<hbm>>) target(%arg8 : memref<10240xi32, #tpu.memory_space<vmem>>) target_semaphore(%run_scoped3A_1493 : memref<!tpu.dma_semaphore, #tpu.memory_space<semaphore_mem>>)
      %dma_wait3A_1500 = arith.constant 0 : i32
      %dma_wait3A_1501 = tpu.memref_slice %arg3[%add3A, %dma_wait3A_1500] : memref<32x10240xi32, #tpu.memory_space<hbm>> -> memref<1x10240xi32, #tpu.memory_space<hbm>>
      %dma_wait3A_1502 = tpu.memref_squeeze %dma_wait3A_1501 : memref<1x10240xi32, #tpu.memory_space<hbm>> -> memref<10240xi32, #tpu.memory_space<hbm>>
      %dma_wait3A_1503 = arith.constant 0 : i32
      %dma_wait3A_1504 = tpu.memref_slice %arg3[%add3A, %dma_wait3A_1503] : memref<32x10240xi32, #tpu.memory_space<hbm>> -> memref<1x10240xi32, #tpu.memory_space<hbm>>
      %dma_wait3A_1505 = tpu.memref_squeeze %dma_wait3A_1504 : memref<1x10240xi32, #tpu.memory_space<hbm>> -> memref<10240xi32, #tpu.memory_space<hbm>>
      tpu.wait_dma2 semaphore(%run_scoped3A_1493 : memref<!tpu.dma_semaphore, #tpu.memory_space<semaphore_mem>>) src(%dma_wait3A_1505 : memref<10240xi32, #tpu.memory_space<hbm>>) dst(%arg8 : memref<10240xi32, #tpu.memory_space<vmem>>)
      tpu.yield
    }) : () -> ()
    %run_scoped3A = arith.constant 0 : i32
    "tpu.region"() ({
      %run_scoped3A_1493 = tpu.sem_alloc : memref<!tpu.dma_semaphore, #tpu.memory_space<semaphore_mem>>
      %dma_start3A_1494 = arith.constant 0 : i32
      %dma_start3A_1495 = tpu.memref_slice %arg5[%run_scoped3A, %dma_start3A_1494] : memref<10000x32xf32, #tpu.memory_space<hbm>> -> memref<1x32xf32, #tpu.memory_space<hbm>>
      %dma_start3A_1496 = tpu.memref_squeeze %dma_start3A_1495 : memref<1x32xf32, #tpu.memory_space<hbm>> -> memref<32xf32, #tpu.memory_space<hbm>>
      %dma_start3A_1497 = arith.constant 0 : i32
      %dma_start3A_1498 = tpu.memref_slice %arg5[%run_scoped3A, %dma_start3A_1497] : memref<10000x32xf32, #tpu.memory_space<hbm>> -> memref<1x32xf32, #tpu.memory_space<hbm>>
      %dma_start3A_1499 = tpu.memref_squeeze %dma_start3A_1498 : memref<1x32xf32, #tpu.memory_space<hbm>> -> memref<32xf32, #tpu.memory_space<hbm>>
      tpu.enqueue_dma source(%dma_start3A_1499 : memref<32xf32, #tpu.memory_space<hbm>>) target(%arg9 : memref<32xf32, #tpu.memory_space<vmem>>) target_semaphore(%run_scoped3A_1493 : memref<!tpu.dma_semaphore, #tpu.memory_space<semaphore_mem>>)
      %dma_wait3A_1500 = arith.constant 0 : i32
      %dma_wait3A_1501 = tpu.memref_slice %arg5[%run_scoped3A, %dma_wait3A_1500] : memref<10000x32xf32, #tpu.memory_space<hbm>> -> memref<1x32xf32, #tpu.memory_space<hbm>>
      %dma_wait3A_1502 = tpu.memref_squeeze %dma_wait3A_1501 : memref<1x32xf32, #tpu.memory_space<hbm>> -> memref<32xf32, #tpu.memory_space<hbm>>
      %dma_wait3A_1503 = arith.constant 0 : i32
      %dma_wait3A_1504 = tpu.memref_slice %arg5[%run_scoped3A, %dma_wait3A_1503] : memref<10000x32xf32, #tpu.memory_space<hbm>> -> memref<1x32xf32, #tpu.memory_space<hbm>>
      %dma_wait3A_1505 = tpu.memref_squeeze %dma_wait3A_1504 : memref<1x32xf32, #tpu.memory_space<hbm>> -> memref<32xf32, #tpu.memory_space<hbm>>
      tpu.wait_dma2 semaphore(%run_scoped3A_1493 : memref<!tpu.dma_semaphore, #tpu.memory_space<semaphore_mem>>) src(%dma_wait3A_1505 : memref<32xf32, #tpu.memory_space<hbm>>) dst(%arg9 : memref<32xf32, #tpu.memory_space<vmem>>)
      tpu.yield
    }) : () -> ()
    %dma_start3A = arith.constant 0 : i32
    %dma_start3A_3 = arith.constant 0 : i32
    %dma_start3A_4 = arith.constant 0 : i32
    %dma_start3A_5 = tpu.memref_slice %arg10[%dma_start3A_3, %dma_start3A_4] : memref<512x32xf32, #tpu.memory_space<vmem>> -> memref<128x32xf32, #tpu.memory_space<vmem>>
    %dma_start3A_6 = arith.constant 0 : i32
    %dma_start3A_7 = tpu.memref_slice %arg7[%dma_start3A, %dma_start3A_6] : memref<4x128xi32, #tpu.memory_space<vmem>> -> memref<1x128xi32, #tpu.memory_space<vmem>>
    %dma_start3A_8 = tpu.memref_squeeze %dma_start3A_7 : memref<1x128xi32, #tpu.memory_space<vmem>> -> memref<128xi32, #tpu.memory_space<vmem>>
    %dma_start3A_9 = arith.constant 0 : i32
    %dma_start3A_10 = arith.constant 0 : i32
    %dma_start3A_11 = tpu.memref_slice %arg4[%dma_start3A_9, %dma_start3A_10] : memref<100001x32xf32, #tpu.memory_space<hbm>> -> memref<100001x32xf32, #tpu.memory_space<hbm>>
    tpu.enqueue_indirect_dma source(%dma_start3A_11 : memref<100001x32xf32, #tpu.memory_space<hbm>>) target(%dma_start3A_5 : memref<128x32xf32, #tpu.memory_space<vmem>>) offsets(%dma_start3A_8 : memref<128xi32, #tpu.memory_space<vmem>>) semaphore(%arg15 : memref<!tpu.dma_semaphore, #tpu.memory_space<semaphore_mem>>)
    %dma_start3A_12 = arith.constant 1 : i32
    %dma_start3A_13 = arith.constant 128 : i32
    %dma_start3A_14 = arith.constant 0 : i32
    %dma_start3A_15 = tpu.memref_slice %arg10[%dma_start3A_13, %dma_start3A_14] : memref<512x32xf32, #tpu.memory_space<vmem>> -> memref<128x32xf32, #tpu.memory_space<vmem>>
    %dma_start3A_16 = arith.constant 0 : i32
    %dma_start3A_17 = tpu.memref_slice %arg7[%dma_start3A_12, %dma_start3A_16] : memref<4x128xi32, #tpu.memory_space<vmem>> -> memref<1x128xi32, #tpu.memory_space<vmem>>
    %dma_start3A_18 = tpu.memref_squeeze %dma_start3A_17 : memref<1x128xi32, #tpu.memory_space<vmem>> -> memref<128xi32, #tpu.memory_space<vmem>>
    %dma_start3A_19 = arith.constant 0 : i32
    %dma_start3A_20 = arith.constant 0 : i32
    %dma_start3A_21 = tpu.memref_slice %arg4[%dma_start3A_19, %dma_start3A_20] : memref<100001x32xf32, #tpu.memory_space<hbm>> -> memref<100001x32xf32, #tpu.memory_space<hbm>>
    tpu.enqueue_indirect_dma source(%dma_start3A_21 : memref<100001x32xf32, #tpu.memory_space<hbm>>) target(%dma_start3A_15 : memref<128x32xf32, #tpu.memory_space<vmem>>) offsets(%dma_start3A_18 : memref<128xi32, #tpu.memory_space<vmem>>) semaphore(%arg15 : memref<!tpu.dma_semaphore, #tpu.memory_space<semaphore_mem>>)
    %dma_start3A_22 = arith.constant 2 : i32
    %dma_start3A_23 = arith.constant 256 : i32
    %dma_start3A_24 = arith.constant 0 : i32
    %dma_start3A_25 = tpu.memref_slice %arg10[%dma_start3A_23, %dma_start3A_24] : memref<512x32xf32, #tpu.memory_space<vmem>> -> memref<128x32xf32, #tpu.memory_space<vmem>>
    %dma_start3A_26 = arith.constant 0 : i32
    %dma_start3A_27 = tpu.memref_slice %arg7[%dma_start3A_22, %dma_start3A_26] : memref<4x128xi32, #tpu.memory_space<vmem>> -> memref<1x128xi32, #tpu.memory_space<vmem>>
    %dma_start3A_28 = tpu.memref_squeeze %dma_start3A_27 : memref<1x128xi32, #tpu.memory_space<vmem>> -> memref<128xi32, #tpu.memory_space<vmem>>
    %dma_start3A_29 = arith.constant 0 : i32
    %dma_start3A_30 = arith.constant 0 : i32
    %dma_start3A_31 = tpu.memref_slice %arg4[%dma_start3A_29, %dma_start3A_30] : memref<100001x32xf32, #tpu.memory_space<hbm>> -> memref<100001x32xf32, #tpu.memory_space<hbm>>
    tpu.enqueue_indirect_dma source(%dma_start3A_31 : memref<100001x32xf32, #tpu.memory_space<hbm>>) target(%dma_start3A_25 : memref<128x32xf32, #tpu.memory_space<vmem>>) offsets(%dma_start3A_28 : memref<128xi32, #tpu.memory_space<vmem>>) semaphore(%arg15 : memref<!tpu.dma_semaphore, #tpu.memory_space<semaphore_mem>>)
    %dma_start3A_32 = arith.constant 3 : i32
    %dma_start3A_33 = arith.constant 384 : i32
    %dma_start3A_34 = arith.constant 0 : i32
    %dma_start3A_35 = tpu.memref_slice %arg10[%dma_start3A_33, %dma_start3A_34] : memref<512x32xf32, #tpu.memory_space<vmem>> -> memref<128x32xf32, #tpu.memory_space<vmem>>
    %dma_start3A_36 = arith.constant 0 : i32
    %dma_start3A_37 = tpu.memref_slice %arg7[%dma_start3A_32, %dma_start3A_36] : memref<4x128xi32, #tpu.memory_space<vmem>> -> memref<1x128xi32, #tpu.memory_space<vmem>>
    %dma_start3A_38 = tpu.memref_squeeze %dma_start3A_37 : memref<1x128xi32, #tpu.memory_space<vmem>> -> memref<128xi32, #tpu.memory_space<vmem>>
    %dma_start3A_39 = arith.constant 0 : i32
    %dma_start3A_40 = arith.constant 0 : i32
    %dma_start3A_41 = tpu.memref_slice %arg4[%dma_start3A_39, %dma_start3A_40] : memref<100001x32xf32, #tpu.memory_space<hbm>> -> memref<100001x32xf32, #tpu.memory_space<hbm>>
    tpu.enqueue_indirect_dma source(%dma_start3A_41 : memref<100001x32xf32, #tpu.memory_space<hbm>>) target(%dma_start3A_35 : memref<128x32xf32, #tpu.memory_space<vmem>>) offsets(%dma_start3A_38 : memref<128xi32, #tpu.memory_space<vmem>>) semaphore(%arg15 : memref<!tpu.dma_semaphore, #tpu.memory_space<semaphore_mem>>)
    %dma_start3A_42 = arith.constant 0 : i32
    %dma_start3A_43 = arith.constant 0 : i32
    %dma_start3A_44 = tpu.memref_slice %arg11[%dma_start3A_42, %dma_start3A_43] : memref<1280x32xf32, #tpu.memory_space<vmem>> -> memref<128x32xf32, #tpu.memory_space<vmem>>
    %dma_start3A_45 = arith.constant 0 : i32
    %dma_start3A_46 = tpu.memref_slice %arg8[%dma_start3A_45] : memref<10240xi32, #tpu.memory_space<vmem>> -> memref<128xi32, #tpu.memory_space<vmem>>
    %dma_start3A_47 = arith.constant 0 : i32
    %dma_start3A_48 = arith.constant 0 : i32
    %dma_start3A_49 = tpu.memref_slice %arg5[%dma_start3A_47, %dma_start3A_48] : memref<10000x32xf32, #tpu.memory_space<hbm>> -> memref<10000x32xf32, #tpu.memory_space<hbm>>
    tpu.enqueue_indirect_dma source(%dma_start3A_49 : memref<10000x32xf32, #tpu.memory_space<hbm>>) target(%dma_start3A_44 : memref<128x32xf32, #tpu.memory_space<vmem>>) offsets(%dma_start3A_46 : memref<128xi32, #tpu.memory_space<vmem>>) semaphore(%arg16 : memref<!tpu.dma_semaphore, #tpu.memory_space<semaphore_mem>>)
    %dma_start3A_50 = arith.constant 128 : i32
    %dma_start3A_51 = arith.constant 0 : i32
    %dma_start3A_52 = tpu.memref_slice %arg11[%dma_start3A_50, %dma_start3A_51] : memref<1280x32xf32, #tpu.memory_space<vmem>> -> memref<128x32xf32, #tpu.memory_space<vmem>>
    %dma_start3A_53 = arith.constant 128 : i32
    %dma_start3A_54 = tpu.memref_slice %arg8[%dma_start3A_53] : memref<10240xi32, #tpu.memory_space<vmem>> -> memref<128xi32, #tpu.memory_space<vmem>>
    %dma_start3A_55 = arith.constant 0 : i32
    %dma_start3A_56 = arith.constant 0 : i32
    %dma_start3A_57 = tpu.memref_slice %arg5[%dma_start3A_55, %dma_start3A_56] : memref<10000x32xf32, #tpu.memory_space<hbm>> -> memref<10000x32xf32, #tpu.memory_space<hbm>>
    tpu.enqueue_indirect_dma source(%dma_start3A_57 : memref<10000x32xf32, #tpu.memory_space<hbm>>) target(%dma_start3A_52 : memref<128x32xf32, #tpu.memory_space<vmem>>) offsets(%dma_start3A_54 : memref<128xi32, #tpu.memory_space<vmem>>) semaphore(%arg16 : memref<!tpu.dma_semaphore, #tpu.memory_space<semaphore_mem>>)
    %dma_start3A_58 = arith.constant 256 : i32
    %dma_start3A_59 = arith.constant 0 : i32
    %dma_start3A_60 = tpu.memref_slice %arg11[%dma_start3A_58, %dma_start3A_59] : memref<1280x32xf32, #tpu.memory_space<vmem>> -> memref<128x32xf32, #tpu.memory_space<vmem>>
    %dma_start3A_61 = arith.constant 256 : i32
    %dma_start3A_62 = tpu.memref_slice %arg8[%dma_start3A_61] : memref<10240xi32, #tpu.memory_space<vmem>> -> memref<128xi32, #tpu.memory_space<vmem>>
    %dma_start3A_63 = arith.constant 0 : i32
    %dma_start3A_64 = arith.constant 0 : i32
    %dma_start3A_65 = tpu.memref_slice %arg5[%dma_start3A_63, %dma_start3A_64] : memref<10000x32xf32, #tpu.memory_space<hbm>> -> memref<10000x32xf32, #tpu.memory_space<hbm>>
    tpu.enqueue_indirect_dma source(%dma_start3A_65 : memref<10000x32xf32, #tpu.memory_space<hbm>>) target(%dma_start3A_60 : memref<128x32xf32, #tpu.memory_space<vmem>>) offsets(%dma_start3A_62 : memref<128xi32, #tpu.memory_space<vmem>>) semaphore(%arg16 : memref<!tpu.dma_semaphore, #tpu.memory_space<semaphore_mem>>)
    %dma_start3A_66 = arith.constant 384 : i32
    %dma_start3A_67 = arith.constant 0 : i32
    %dma_start3A_68 = tpu.memref_slice %arg11[%dma_start3A_66, %dma_start3A_67] : memref<1280x32xf32, #tpu.memory_space<vmem>> -> memref<128x32xf32, #tpu.memory_space<vmem>>
    %dma_start3A_69 = arith.constant 384 : i32
    %dma_start3A_70 = tpu.memref_slice %arg8[%dma_start3A_69] : memref<10240xi32, #tpu.memory_space<vmem>> -> memref<128xi32, #tpu.memory_space<vmem>>
    %dma_start3A_71 = arith.constant 0 : i32
    %dma_start3A_72 = arith.constant 0 : i32
    %dma_start3A_73 = tpu.memref_slice %arg5[%dma_start3A_71, %dma_start3A_72] : memref<10000x32xf32, #tpu.memory_space<hbm>> -> memref<10000x32xf32, #tpu.memory_space<hbm>>
    tpu.enqueue_indirect_dma source(%dma_start3A_73 : memref<10000x32xf32, #tpu.memory_space<hbm>>) target(%dma_start3A_68 : memref<128x32xf32, #tpu.memory_space<vmem>>) offsets(%dma_start3A_70 : memref<128xi32, #tpu.memory_space<vmem>>) semaphore(%arg16 : memref<!tpu.dma_semaphore, #tpu.memory_space<semaphore_mem>>)
    %dma_start3A_74 = arith.constant 512 : i32
    %dma_start3A_75 = arith.constant 0 : i32
    %dma_start3A_76 = tpu.memref_slice %arg11[%dma_start3A_74, %dma_start3A_75] : memref<1280x32xf32, #tpu.memory_space<vmem>> -> memref<128x32xf32, #tpu.memory_space<vmem>>
    %dma_start3A_77 = arith.constant 512 : i32
    %dma_start3A_78 = tpu.memref_slice %arg8[%dma_start3A_77] : memref<10240xi32, #tpu.memory_space<vmem>> -> memref<128xi32, #tpu.memory_space<vmem>>
    %dma_start3A_79 = arith.constant 0 : i32
    %dma_start3A_80 = arith.constant 0 : i32
    %dma_start3A_81 = tpu.memref_slice %arg5[%dma_start3A_79, %dma_start3A_80] : memref<10000x32xf32, #tpu.memory_space<hbm>> -> memref<10000x32xf32, #tpu.memory_space<hbm>>
    tpu.enqueue_indirect_dma source(%dma_start3A_81 : memref<10000x32xf32, #tpu.memory_space<hbm>>) target(%dma_start3A_76 : memref<128x32xf32, #tpu.memory_space<vmem>>) offsets(%dma_start3A_78 : memref<128xi32, #tpu.memory_space<vmem>>) semaphore(%arg16 : memref<!tpu.dma_semaphore, #tpu.memory_space<semaphore_mem>>)
    %dma_start3A_82 = arith.constant 640 : i32
    %dma_start3A_83 = arith.constant 0 : i32
    %dma_start3A_84 = tpu.memref_slice %arg11[%dma_start3A_82, %dma_start3A_83] : memref<1280x32xf32, #tpu.memory_space<vmem>> -> memref<128x32xf32, #tpu.memory_space<vmem>>
    %dma_start3A_85 = arith.constant 640 : i32
    %dma_start3A_86 = tpu.memref_slice %arg8[%dma_start3A_85] : memref<10240xi32, #tpu.memory_space<vmem>> -> memref<128xi32, #tpu.memory_space<vmem>>
    %dma_start3A_87 = arith.constant 0 : i32
    %dma_start3A_88 = arith.constant 0 : i32
    %dma_start3A_89 = tpu.memref_slice %arg5[%dma_start3A_87, %dma_start3A_88] : memref<10000x32xf32, #tpu.memory_space<hbm>> -> memref<10000x32xf32, #tpu.memory_space<hbm>>
    tpu.enqueue_indirect_dma source(%dma_start3A_89 : memref<10000x32xf32, #tpu.memory_space<hbm>>) target(%dma_start3A_84 : memref<128x32xf32, #tpu.memory_space<vmem>>) offsets(%dma_start3A_86 : memref<128xi32, #tpu.memory_space<vmem>>) semaphore(%arg16 : memref<!tpu.dma_semaphore, #tpu.memory_space<semaphore_mem>>)
    %dma_start3A_90 = arith.constant 768 : i32
    %dma_start3A_91 = arith.constant 0 : i32
    %dma_start3A_92 = tpu.memref_slice %arg11[%dma_start3A_90, %dma_start3A_91] : memref<1280x32xf32, #tpu.memory_space<vmem>> -> memref<128x32xf32, #tpu.memory_space<vmem>>
    %dma_start3A_93 = arith.constant 768 : i32
    %dma_start3A_94 = tpu.memref_slice %arg8[%dma_start3A_93] : memref<10240xi32, #tpu.memory_space<vmem>> -> memref<128xi32, #tpu.memory_space<vmem>>
    %dma_start3A_95 = arith.constant 0 : i32
    %dma_start3A_96 = arith.constant 0 : i32
    %dma_start3A_97 = tpu.memref_slice %arg5[%dma_start3A_95, %dma_start3A_96] : memref<10000x32xf32, #tpu.memory_space<hbm>> -> memref<10000x32xf32, #tpu.memory_space<hbm>>
    tpu.enqueue_indirect_dma source(%dma_start3A_97 : memref<10000x32xf32, #tpu.memory_space<hbm>>) target(%dma_start3A_92 : memref<128x32xf32, #tpu.memory_space<vmem>>) offsets(%dma_start3A_94 : memref<128xi32, #tpu.memory_space<vmem>>) semaphore(%arg16 : memref<!tpu.dma_semaphore, #tpu.memory_space<semaphore_mem>>)
    %dma_start3A_98 = arith.constant 896 : i32
    %dma_start3A_99 = arith.constant 0 : i32
    %dma_start3A_100 = tpu.memref_slice %arg11[%dma_start3A_98, %dma_start3A_99] : memref<1280x32xf32, #tpu.memory_space<vmem>> -> memref<128x32xf32, #tpu.memory_space<vmem>>
    %dma_start3A_101 = arith.constant 896 : i32
    %dma_start3A_102 = tpu.memref_slice %arg8[%dma_start3A_101] : memref<10240xi32, #tpu.memory_space<vmem>> -> memref<128xi32, #tpu.memory_space<vmem>>
    %dma_start3A_103 = arith.constant 0 : i32
    %dma_start3A_104 = arith.constant 0 : i32
    %dma_start3A_105 = tpu.memref_slice %arg5[%dma_start3A_103, %dma_start3A_104] : memref<10000x32xf32, #tpu.memory_space<hbm>> -> memref<10000x32xf32, #tpu.memory_space<hbm>>
    tpu.enqueue_indirect_dma source(%dma_start3A_105 : memref<10000x32xf32, #tpu.memory_space<hbm>>) target(%dma_start3A_100 : memref<128x32xf32, #tpu.memory_space<vmem>>) offsets(%dma_start3A_102 : memref<128xi32, #tpu.memory_space<vmem>>) semaphore(%arg16 : memref<!tpu.dma_semaphore, #tpu.memory_space<semaphore_mem>>)
    %dma_start3A_106 = arith.constant 1024 : i32
    %dma_start3A_107 = arith.constant 0 : i32
    %dma_start3A_108 = tpu.memref_slice %arg11[%dma_start3A_106, %dma_start3A_107] : memref<1280x32xf32, #tpu.memory_space<vmem>> -> memref<128x32xf32, #tpu.memory_space<vmem>>
    %dma_start3A_109 = arith.constant 1024 : i32
    %dma_start3A_110 = tpu.memref_slice %arg8[%dma_start3A_109] : memref<10240xi32, #tpu.memory_space<vmem>> -> memref<128xi32, #tpu.memory_space<vmem>>
    %dma_start3A_111 = arith.constant 0 : i32
    %dma_start3A_112 = arith.constant 0 : i32
    %dma_start3A_113 = tpu.memref_slice %arg5[%dma_start3A_111, %dma_start3A_112] : memref<10000x32xf32, #tpu.memory_space<hbm>> -> memref<10000x32xf32, #tpu.memory_space<hbm>>
    tpu.enqueue_indirect_dma source(%dma_start3A_113 : memref<10000x32xf32, #tpu.memory_space<hbm>>) target(%dma_start3A_108 : memref<128x32xf32, #tpu.memory_space<vmem>>) offsets(%dma_start3A_110 : memref<128xi32, #tpu.memory_space<vmem>>) semaphore(%arg16 : memref<!tpu.dma_semaphore, #tpu.memory_space<semaphore_mem>>)
    %dma_start3A_114 = arith.constant 1152 : i32
    %dma_start3A_115 = arith.constant 0 : i32
    %dma_start3A_116 = tpu.memref_slice %arg11[%dma_start3A_114, %dma_start3A_115] : memref<1280x32xf32, #tpu.memory_space<vmem>> -> memref<128x32xf32, #tpu.memory_space<vmem>>
    %dma_start3A_117 = arith.constant 1152 : i32
    %dma_start3A_118 = tpu.memref_slice %arg8[%dma_start3A_117] : memref<10240xi32, #tpu.memory_space<vmem>> -> memref<128xi32, #tpu.memory_space<vmem>>
    %dma_start3A_119 = arith.constant 0 : i32
    %dma_start3A_120 = arith.constant 0 : i32
    %dma_start3A_121 = tpu.memref_slice %arg5[%dma_start3A_119, %dma_start3A_120] : memref<10000x32xf32, #tpu.memory_space<hbm>> -> memref<10000x32xf32, #tpu.memory_space<hbm>>
    tpu.enqueue_indirect_dma source(%dma_start3A_121 : memref<10000x32xf32, #tpu.memory_space<hbm>>) target(%dma_start3A_116 : memref<128x32xf32, #tpu.memory_space<vmem>>) offsets(%dma_start3A_118 : memref<128xi32, #tpu.memory_space<vmem>>) semaphore(%arg16 : memref<!tpu.dma_semaphore, #tpu.memory_space<semaphore_mem>>)
    %get3A = arith.constant 0 : index
    %get3A_122 = tpu.vector_load %arg9[%get3A] {strides = array<i32>} : memref<32xf32, #tpu.memory_space<vmem>>, vector<16xf32>,
    %get3A_123 = arith.constant 16 : index
    %get3A_124 = tpu.vector_load %arg9[%get3A_123] {strides = array<i32>} : memref<32xf32, #tpu.memory_space<vmem>>, vector<16xf32>,
    %iota3A = tpu.iota {dimensions = array<i32: 0>} : vector<16xi32>
    %ge3A = arith.constant 12 : i32
    %ge3A_125 = vector.broadcast %ge3A : i32 to vector<16xi32>
    %ge3A_126 = arith.cmpi sge, %iota3A, %ge3A_125 : vector<16xi32>
    %dma_start3A_127 = arith.constant 0 : i32
    %dma_start3A_128 = arith.constant 0 : i32
    %dma_start3A_129 = tpu.memref_slice %arg12[%dma_start3A_127, %dma_start3A_128] : memref<1280x32xf32, #tpu.memory_space<vmem>> -> memref<128x32xf32, #tpu.memory_space<vmem>>
    %dma_start3A_130 = arith.constant 1280 : i32
    %dma_start3A_131 = tpu.memref_slice %arg8[%dma_start3A_130] : memref<10240xi32, #tpu.memory_space<vmem>> -> memref<128xi32, #tpu.memory_space<vmem>>
    %dma_start3A_132 = arith.constant 0 : i32
    %dma_start3A_133 = arith.constant 0 : i32
    %dma_start3A_134 = tpu.memref_slice %arg5[%dma_start3A_132, %dma_start3A_133] : memref<10000x32xf32, #tpu.memory_space<hbm>> -> memref<10000x32xf32, #tpu.memory_space<hbm>>
    tpu.enqueue_indirect_dma source(%dma_start3A_134 : memref<10000x32xf32, #tpu.memory_space<hbm>>) target(%dma_start3A_129 : memref<128x32xf32, #tpu.memory_space<vmem>>) offsets(%dma_start3A_131 : memref<128xi32, #tpu.memory_space<vmem>>) semaphore(%arg17 : memref<!tpu.dma_semaphore, #tpu.memory_space<semaphore_mem>>)
    %dma_start3A_135 = arith.constant 128 : i32
    %dma_start3A_136 = arith.constant 0 : i32
    %dma_start3A_137 = tpu.memref_slice %arg12[%dma_start3A_135, %dma_start3A_136] : memref<1280x32xf32, #tpu.memory_space<vmem>> -> memref<128x32xf32, #tpu.memory_space<vmem>>
    %dma_start3A_138 = arith.constant 1408 : i32
    %dma_start3A_139 = tpu.memref_slice %arg8[%dma_start3A_138] : memref<10240xi32, #tpu.memory_space<vmem>> -> memref<128xi32, #tpu.memory_space<vmem>>
    %dma_start3A_140 = arith.constant 0 : i32
    %dma_start3A_141 = arith.constant 0 : i32
    %dma_start3A_142 = tpu.memref_slice %arg5[%dma_start3A_140, %dma_start3A_141] : memref<10000x32xf32, #tpu.memory_space<hbm>> -> memref<10000x32xf32, #tpu.memory_space<hbm>>
    tpu.enqueue_indirect_dma source(%dma_start3A_142 : memref<10000x32xf32, #tpu.memory_space<hbm>>) target(%dma_start3A_137 : memref<128x32xf32, #tpu.memory_space<vmem>>) offsets(%dma_start3A_139 : memref<128xi32, #tpu.memory_space<vmem>>) semaphore(%arg17 : memref<!tpu.dma_semaphore, #tpu.memory_space<semaphore_mem>>)
    %dma_start3A_143 = arith.constant 256 : i32
    %dma_start3A_144 = arith.constant 0 : i32
    %dma_start3A_145 = tpu.memref_slice %arg12[%dma_start3A_143, %dma_start3A_144] : memref<1280x32xf32, #tpu.memory_space<vmem>> -> memref<128x32xf32, #tpu.memory_space<vmem>>
    %dma_start3A_146 = arith.constant 1536 : i32
    %dma_start3A_147 = tpu.memref_slice %arg8[%dma_start3A_146] : memref<10240xi32, #tpu.memory_space<vmem>> -> memref<128xi32, #tpu.memory_space<vmem>>
    %dma_start3A_148 = arith.constant 0 : i32
    %dma_start3A_149 = arith.constant 0 : i32
    %dma_start3A_150 = tpu.memref_slice %arg5[%dma_start3A_148, %dma_start3A_149] : memref<10000x32xf32, #tpu.memory_space<hbm>> -> memref<10000x32xf32, #tpu.memory_space<hbm>>
    tpu.enqueue_indirect_dma source(%dma_start3A_150 : memref<10000x32xf32, #tpu.memory_space<hbm>>) target(%dma_start3A_145 : memref<128x32xf32, #tpu.memory_space<vmem>>) offsets(%dma_start3A_147 : memref<128xi32, #tpu.memory_space<vmem>>) semaphore(%arg17 : memref<!tpu.dma_semaphore, #tpu.memory_space<semaphore_mem>>)
    %dma_start3A_151 = arith.constant 384 : i32
    %dma_start3A_152 = arith.constant 0 : i32
    %dma_start3A_153 = tpu.memref_slice %arg12[%dma_start3A_151, %dma_start3A_152] : memref<1280x32xf32, #tpu.memory_space<vmem>> -> memref<128x32xf32, #tpu.memory_space<vmem>>
    %dma_start3A_154 = arith.constant 1664 : i32
    %dma_start3A_155 = tpu.memref_slice %arg8[%dma_start3A_154] : memref<10240xi32, #tpu.memory_space<vmem>> -> memref<128xi32, #tpu.memory_space<vmem>>
    %dma_start3A_156 = arith.constant 0 : i32
    %dma_start3A_157 = arith.constant 0 : i32
    %dma_start3A_158 = tpu.memref_slice %arg5[%dma_start3A_156, %dma_start3A_157] : memref<10000x32xf32, #tpu.memory_space<hbm>> -> memref<10000x32xf32, #tpu.memory_space<hbm>>
    tpu.enqueue_indirect_dma source(%dma_start3A_158 : memref<10000x32xf32, #tpu.memory_space<hbm>>) target(%dma_start3A_153 : memref<128x32xf32, #tpu.memory_space<vmem>>) offsets(%dma_start3A_155 : memref<128xi32, #tpu.memory_space<vmem>>) semaphore(%arg17 : memref<!tpu.dma_semaphore, #tpu.memory_space<semaphore_mem>>)
    %dma_start3A_159 = arith.constant 512 : i32
    %dma_start3A_160 = arith.constant 0 : i32
    %dma_start3A_161 = tpu.memref_slice %arg12[%dma_start3A_159, %dma_start3A_160] : memref<1280x32xf32, #tpu.memory_space<vmem>> -> memref<128x32xf32, #tpu.memory_space<vmem>>
    %dma_start3A_162 = arith.constant 1792 : i32
    %dma_start3A_163 = tpu.memref_slice %arg8[%dma_start3A_162] : memref<10240xi32, #tpu.memory_space<vmem>> -> memref<128xi32, #tpu.memory_space<vmem>>
    %dma_start3A_164 = arith.constant 0 : i32
    %dma_start3A_165 = arith.constant 0 : i32
    %dma_start3A_166 = tpu.memref_slice %arg5[%dma_start3A_164, %dma_start3A_165] : memref<10000x32xf32, #tpu.memory_space<hbm>> -> memref<10000x32xf32, #tpu.memory_space<hbm>>
    tpu.enqueue_indirect_dma source(%dma_start3A_166 : memref<10000x32xf32, #tpu.memory_space<hbm>>) target(%dma_start3A_161 : memref<128x32xf32, #tpu.memory_space<vmem>>) offsets(%dma_start3A_163 : memref<128xi32, #tpu.memory_space<vmem>>) semaphore(%arg17 : memref<!tpu.dma_semaphore, #tpu.memory_space<semaphore_mem>>)
    %dma_start3A_167 = arith.constant 640 : i32
    %dma_start3A_168 = arith.constant 0 : i32
    %dma_start3A_169 = tpu.memref_slice %arg12[%dma_start3A_167, %dma_start3A_168] : memref<1280x32xf32, #tpu.memory_space<vmem>> -> memref<128x32xf32, #tpu.memory_space<vmem>>
    %dma_start3A_170 = arith.constant 1920 : i32
    %dma_start3A_171 = tpu.memref_slice %arg8[%dma_start3A_170] : memref<10240xi32, #tpu.memory_space<vmem>> -> memref<128xi32, #tpu.memory_space<vmem>>
    %dma_start3A_172 = arith.constant 0 : i32
    %dma_start3A_173 = arith.constant 0 : i32
    %dma_start3A_174 = tpu.memref_slice %arg5[%dma_start3A_172, %dma_start3A_173] : memref<10000x32xf32, #tpu.memory_space<hbm>> -> memref<10000x32xf32, #tpu.memory_space<hbm>>
    tpu.enqueue_indirect_dma source(%dma_start3A_174 : memref<10000x32xf32, #tpu.memory_space<hbm>>) target(%dma_start3A_169 : memref<128x32xf32, #tpu.memory_space<vmem>>) offsets(%dma_start3A_171 : memref<128xi32, #tpu.memory_space<vmem>>) semaphore(%arg17 : memref<!tpu.dma_semaphore, #tpu.memory_space<semaphore_mem>>)
    %dma_start3A_175 = arith.constant 768 : i32
    %dma_start3A_176 = arith.constant 0 : i32
    %dma_start3A_177 = tpu.memref_slice %arg12[%dma_start3A_175, %dma_start3A_176] : memref<1280x32xf32, #tpu.memory_space<vmem>> -> memref<128x32xf32, #tpu.memory_space<vmem>>
    %dma_start3A_178 = arith.constant 2048 : i32
    %dma_start3A_179 = tpu.memref_slice %arg8[%dma_start3A_178] : memref<10240xi32, #tpu.memory_space<vmem>> -> memref<128xi32, #tpu.memory_space<vmem>>
    %dma_start3A_180 = arith.constant 0 : i32
    %dma_start3A_181 = arith.constant 0 : i32
    %dma_start3A_182 = tpu.memref_slice %arg5[%dma_start3A_180, %dma_start3A_181] : memref<10000x32xf32, #tpu.memory_space<hbm>> -> memref<10000x32xf32, #tpu.memory_space<hbm>>
    tpu.enqueue_indirect_dma source(%dma_start3A_182 : memref<10000x32xf32, #tpu.memory_space<hbm>>) target(%dma_start3A_177 : memref<128x32xf32, #tpu.memory_space<vmem>>) offsets(%dma_start3A_179 : memref<128xi32, #tpu.memory_space<vmem>>) semaphore(%arg17 : memref<!tpu.dma_semaphore, #tpu.memory_space<semaphore_mem>>)
    %dma_start3A_183 = arith.constant 896 : i32
    %dma_start3A_184 = arith.constant 0 : i32
    %dma_start3A_185 = tpu.memref_slice %arg12[%dma_start3A_183, %dma_start3A_184] : memref<1280x32xf32, #tpu.memory_space<vmem>> -> memref<128x32xf32, #tpu.memory_space<vmem>>
    %dma_start3A_186 = arith.constant 2176 : i32
    %dma_start3A_187 = tpu.memref_slice %arg8[%dma_start3A_186] : memref<10240xi32, #tpu.memory_space<vmem>> -> memref<128xi32, #tpu.memory_space<vmem>>
    %dma_start3A_188 = arith.constant 0 : i32
    %dma_start3A_189 = arith.constant 0 : i32
    %dma_start3A_190 = tpu.memref_slice %arg5[%dma_start3A_188, %dma_start3A_189] : memref<10000x32xf32, #tpu.memory_space<hbm>> -> memref<10000x32xf32, #tpu.memory_space<hbm>>
    tpu.enqueue_indirect_dma source(%dma_start3A_190 : memref<10000x32xf32, #tpu.memory_space<hbm>>) target(%dma_start3A_185 : memref<128x32xf32, #tpu.memory_space<vmem>>) offsets(%dma_start3A_187 : memref<128xi32, #tpu.memory_space<vmem>>) semaphore(%arg17 : memref<!tpu.dma_semaphore, #tpu.memory_space<semaphore_mem>>)
    %dma_start3A_191 = arith.constant 1024 : i32
    %dma_start3A_192 = arith.constant 0 : i32
    %dma_start3A_193 = tpu.memref_slice %arg12[%dma_start3A_191, %dma_start3A_192] : memref<1280x32xf32, #tpu.memory_space<vmem>> -> memref<128x32xf32, #tpu.memory_space<vmem>>
    %dma_start3A_194 = arith.constant 2304 : i32
    %dma_start3A_195 = tpu.memref_slice %arg8[%dma_start3A_194] : memref<10240xi32, #tpu.memory_space<vmem>> -> memref<128xi32, #tpu.memory_space<vmem>>
    %dma_start3A_196 = arith.constant 0 : i32
    %dma_start3A_197 = arith.constant 0 : i32
    %dma_start3A_198 = tpu.memref_slice %arg5[%dma_start3A_196, %dma_start3A_197] : memref<10000x32xf32, #tpu.memory_space<hbm>> -> memref<10000x32xf32, #tpu.memory_space<hbm>>
    tpu.enqueue_indirect_dma source(%dma_start3A_198 : memref<10000x32xf32, #tpu.memory_space<hbm>>) target(%dma_start3A_193 : memref<128x32xf32, #tpu.memory_space<vmem>>) offsets(%dma_start3A_195 : memref<128xi32, #tpu.memory_space<vmem>>) semaphore(%arg17 : memref<!tpu.dma_semaphore, #tpu.memory_space<semaphore_mem>>)
    %dma_start3A_199 = arith.constant 1152 : i32
    %dma_start3A_200 = arith.constant 0 : i32
    %dma_start3A_201 = tpu.memref_slice %arg12[%dma_start3A_199, %dma_start3A_200] : memref<1280x32xf32, #tpu.memory_space<vmem>> -> memref<128x32xf32, #tpu.memory_space<vmem>>
    %dma_start3A_202 = arith.constant 2432 : i32
    %dma_start3A_203 = tpu.memref_slice %arg8[%dma_start3A_202] : memref<10240xi32, #tpu.memory_space<vmem>> -> memref<128xi32, #tpu.memory_space<vmem>>
    %dma_start3A_204 = arith.constant 0 : i32
    %dma_start3A_205 = arith.constant 0 : i32
    %dma_start3A_206 = tpu.memref_slice %arg5[%dma_start3A_204, %dma_start3A_205] : memref<10000x32xf32, #tpu.memory_space<hbm>> -> memref<10000x32xf32, #tpu.memory_space<hbm>>
    tpu.enqueue_indirect_dma source(%dma_start3A_206 : memref<10000x32xf32, #tpu.memory_space<hbm>>) target(%dma_start3A_201 : memref<128x32xf32, #tpu.memory_space<vmem>>) offsets(%dma_start3A_203 : memref<128xi32, #tpu.memory_space<vmem>>) semaphore(%arg17 : memref<!tpu.dma_semaphore, #tpu.memory_space<semaphore_mem>>)
    %dma_wait3A = arith.constant 0 : i32
    %dma_wait3A_207 = arith.constant 0 : i32
    %dma_wait3A_208 = tpu.memref_slice %arg11[%dma_wait3A, %dma_wait3A_207] : memref<1280x32xf32, #tpu.memory_space<vmem>> -> memref<128x32xf32, #tpu.memory_space<vmem>>
    %dma_wait3A_209 = arith.constant 0 : i32
    %dma_wait3A_210 = tpu.memref_slice %arg8[%dma_wait3A_209] : memref<10240xi32, #tpu.memory_space<vmem>> -> memref<128xi32, #tpu.memory_space<vmem>>
    %dma_wait3A_211 = arith.constant 0 : i32
    %dma_wait3A_212 = arith.constant 0 : i32
    %dma_wait3A_213 = tpu.memref_slice %arg5[%dma_wait3A_211, %dma_wait3A_212] : memref<10000x32xf32, #tpu.memory_space<hbm>> -> memref<10000x32xf32, #tpu.memory_space<hbm>>
    tpu.wait_indirect_dma semaphore(%arg16 : memref<!tpu.dma_semaphore, #tpu.memory_space<semaphore_mem>>) src(%dma_wait3A_213 : memref<10000x32xf32, #tpu.memory_space<hbm>>) dst(%dma_wait3A_208 : memref<128x32xf32, #tpu.memory_space<vmem>>)
    %dma_wait3A_214 = arith.constant 128 : i32
    %dma_wait3A_215 = arith.constant 0 : i32
    %dma_wait3A_216 = tpu.memref_slice %arg11[%dma_wait3A_214, %dma_wait3A_215] : memref<1280x32xf32, #tpu.memory_space<vmem>> -> memref<128x32xf32, #tpu.memory_space<vmem>>
    %dma_wait3A_217 = arith.constant 128 : i32
    %dma_wait3A_218 = tpu.memref_slice %arg8[%dma_wait3A_217] : memref<10240xi32, #tpu.memory_space<vmem>> -> memref<128xi32, #tpu.memory_space<vmem>>
    %dma_wait3A_219 = arith.constant 0 : i32
    %dma_wait3A_220 = arith.constant 0 : i32
    %dma_wait3A_221 = tpu.memref_slice %arg5[%dma_wait3A_219, %dma_wait3A_220] : memref<10000x32xf32, #tpu.memory_space<hbm>> -> memref<10000x32xf32, #tpu.memory_space<hbm>>
    tpu.wait_indirect_dma semaphore(%arg16 : memref<!tpu.dma_semaphore, #tpu.memory_space<semaphore_mem>>) src(%dma_wait3A_221 : memref<10000x32xf32, #tpu.memory_space<hbm>>) dst(%dma_wait3A_216 : memref<128x32xf32, #tpu.memory_space<vmem>>)
    %dma_wait3A_222 = arith.constant 256 : i32
    %dma_wait3A_223 = arith.constant 0 : i32
    %dma_wait3A_224 = tpu.memref_slice %arg11[%dma_wait3A_222, %dma_wait3A_223] : memref<1280x32xf32, #tpu.memory_space<vmem>> -> memref<128x32xf32, #tpu.memory_space<vmem>>
    %dma_wait3A_225 = arith.constant 256 : i32
    %dma_wait3A_226 = tpu.memref_slice %arg8[%dma_wait3A_225] : memref<10240xi32, #tpu.memory_space<vmem>> -> memref<128xi32, #tpu.memory_space<vmem>>
    %dma_wait3A_227 = arith.constant 0 : i32
    %dma_wait3A_228 = arith.constant 0 : i32
    %dma_wait3A_229 = tpu.memref_slice %arg5[%dma_wait3A_227, %dma_wait3A_228] : memref<10000x32xf32, #tpu.memory_space<hbm>> -> memref<10000x32xf32, #tpu.memory_space<hbm>>
    tpu.wait_indirect_dma semaphore(%arg16 : memref<!tpu.dma_semaphore, #tpu.memory_space<semaphore_mem>>) src(%dma_wait3A_229 : memref<10000x32xf32, #tpu.memory_space<hbm>>) dst(%dma_wait3A_224 : memref<128x32xf32, #tpu.memory_space<vmem>>)
    %dma_wait3A_230 = arith.constant 384 : i32
    %dma_wait3A_231 = arith.constant 0 : i32
    %dma_wait3A_232 = tpu.memref_slice %arg11[%dma_wait3A_230, %dma_wait3A_231] : memref<1280x32xf32, #tpu.memory_space<vmem>> -> memref<128x32xf32, #tpu.memory_space<vmem>>
    %dma_wait3A_233 = arith.constant 384 : i32
    %dma_wait3A_234 = tpu.memref_slice %arg8[%dma_wait3A_233] : memref<10240xi32, #tpu.memory_space<vmem>> -> memref<128xi32, #tpu.memory_space<vmem>>
    %dma_wait3A_235 = arith.constant 0 : i32
    %dma_wait3A_236 = arith.constant 0 : i32
    %dma_wait3A_237 = tpu.memref_slice %arg5[%dma_wait3A_235, %dma_wait3A_236] : memref<10000x32xf32, #tpu.memory_space<hbm>> -> memref<10000x32xf32, #tpu.memory_space<hbm>>
    tpu.wait_indirect_dma semaphore(%arg16 : memref<!tpu.dma_semaphore, #tpu.memory_space<semaphore_mem>>) src(%dma_wait3A_237 : memref<10000x32xf32, #tpu.memory_space<hbm>>) dst(%dma_wait3A_232 : memref<128x32xf32, #tpu.memory_space<vmem>>)
    %dma_wait3A_238 = arith.constant 512 : i32
    %dma_wait3A_239 = arith.constant 0 : i32
    %dma_wait3A_240 = tpu.memref_slice %arg11[%dma_wait3A_238, %dma_wait3A_239] : memref<1280x32xf32, #tpu.memory_space<vmem>> -> memref<128x32xf32, #tpu.memory_space<vmem>>
    %dma_wait3A_241 = arith.constant 512 : i32
    %dma_wait3A_242 = tpu.memref_slice %arg8[%dma_wait3A_241] : memref<10240xi32, #tpu.memory_space<vmem>> -> memref<128xi32, #tpu.memory_space<vmem>>
    %dma_wait3A_243 = arith.constant 0 : i32
    %dma_wait3A_244 = arith.constant 0 : i32
    %dma_wait3A_245 = tpu.memref_slice %arg5[%dma_wait3A_243, %dma_wait3A_244] : memref<10000x32xf32, #tpu.memory_space<hbm>> -> memref<10000x32xf32, #tpu.memory_space<hbm>>
    tpu.wait_indirect_dma semaphore(%arg16 : memref<!tpu.dma_semaphore, #tpu.memory_space<semaphore_mem>>) src(%dma_wait3A_245 : memref<10000x32xf32, #tpu.memory_space<hbm>>) dst(%dma_wait3A_240 : memref<128x32xf32, #tpu.memory_space<vmem>>)
    %dma_wait3A_246 = arith.constant 640 : i32
    %dma_wait3A_247 = arith.constant 0 : i32
    %dma_wait3A_248 = tpu.memref_slice %arg11[%dma_wait3A_246, %dma_wait3A_247] : memref<1280x32xf32, #tpu.memory_space<vmem>> -> memref<128x32xf32, #tpu.memory_space<vmem>>
    %dma_wait3A_249 = arith.constant 640 : i32
    %dma_wait3A_250 = tpu.memref_slice %arg8[%dma_wait3A_249] : memref<10240xi32, #tpu.memory_space<vmem>> -> memref<128xi32, #tpu.memory_space<vmem>>
    %dma_wait3A_251 = arith.constant 0 : i32
    %dma_wait3A_252 = arith.constant 0 : i32
    %dma_wait3A_253 = tpu.memref_slice %arg5[%dma_wait3A_251, %dma_wait3A_252] : memref<10000x32xf32, #tpu.memory_space<hbm>> -> memref<10000x32xf32, #tpu.memory_space<hbm>>
    tpu.wait_indirect_dma semaphore(%arg16 : memref<!tpu.dma_semaphore, #tpu.memory_space<semaphore_mem>>) src(%dma_wait3A_253 : memref<10000x32xf32, #tpu.memory_space<hbm>>) dst(%dma_wait3A_248 : memref<128x32xf32, #tpu.memory_space<vmem>>)
    %dma_wait3A_254 = arith.constant 768 : i32
    %dma_wait3A_255 = arith.constant 0 : i32
    %dma_wait3A_256 = tpu.memref_slice %arg11[%dma_wait3A_254, %dma_wait3A_255] : memref<1280x32xf32, #tpu.memory_space<vmem>> -> memref<128x32xf32, #tpu.memory_space<vmem>>
    %dma_wait3A_257 = arith.constant 768 : i32
    %dma_wait3A_258 = tpu.memref_slice %arg8[%dma_wait3A_257] : memref<10240xi32, #tpu.memory_space<vmem>> -> memref<128xi32, #tpu.memory_space<vmem>>
    %dma_wait3A_259 = arith.constant 0 : i32
    %dma_wait3A_260 = arith.constant 0 : i32
    %dma_wait3A_261 = tpu.memref_slice %arg5[%dma_wait3A_259, %dma_wait3A_260] : memref<10000x32xf32, #tpu.memory_space<hbm>> -> memref<10000x32xf32, #tpu.memory_space<hbm>>
    tpu.wait_indirect_dma semaphore(%arg16 : memref<!tpu.dma_semaphore, #tpu.memory_space<semaphore_mem>>) src(%dma_wait3A_261 : memref<10000x32xf32, #tpu.memory_space<hbm>>) dst(%dma_wait3A_256 : memref<128x32xf32, #tpu.memory_space<vmem>>)
    %dma_wait3A_262 = arith.constant 896 : i32
    %dma_wait3A_263 = arith.constant 0 : i32
    %dma_wait3A_264 = tpu.memref_slice %arg11[%dma_wait3A_262, %dma_wait3A_263] : memref<1280x32xf32, #tpu.memory_space<vmem>> -> memref<128x32xf32, #tpu.memory_space<vmem>>
    %dma_wait3A_265 = arith.constant 896 : i32
    %dma_wait3A_266 = tpu.memref_slice %arg8[%dma_wait3A_265] : memref<10240xi32, #tpu.memory_space<vmem>> -> memref<128xi32, #tpu.memory_space<vmem>>
    %dma_wait3A_267 = arith.constant 0 : i32
    %dma_wait3A_268 = arith.constant 0 : i32
    %dma_wait3A_269 = tpu.memref_slice %arg5[%dma_wait3A_267, %dma_wait3A_268] : memref<10000x32xf32, #tpu.memory_space<hbm>> -> memref<10000x32xf32, #tpu.memory_space<hbm>>
    tpu.wait_indirect_dma semaphore(%arg16 : memref<!tpu.dma_semaphore, #tpu.memory_space<semaphore_mem>>) src(%dma_wait3A_269 : memref<10000x32xf32, #tpu.memory_space<hbm>>) dst(%dma_wait3A_264 : memref<128x32xf32, #tpu.memory_space<vmem>>)
    %dma_wait3A_270 = arith.constant 1024 : i32
    %dma_wait3A_271 = arith.constant 0 : i32
    %dma_wait3A_272 = tpu.memref_slice %arg11[%dma_wait3A_270, %dma_wait3A_271] : memref<1280x32xf32, #tpu.memory_space<vmem>> -> memref<128x32xf32, #tpu.memory_space<vmem>>
    %dma_wait3A_273 = arith.constant 1024 : i32
    %dma_wait3A_274 = tpu.memref_slice %arg8[%dma_wait3A_273] : memref<10240xi32, #tpu.memory_space<vmem>> -> memref<128xi32, #tpu.memory_space<vmem>>
    %dma_wait3A_275 = arith.constant 0 : i32
    %dma_wait3A_276 = arith.constant 0 : i32
    %dma_wait3A_277 = tpu.memref_slice %arg5[%dma_wait3A_275, %dma_wait3A_276] : memref<10000x32xf32, #tpu.memory_space<hbm>> -> memref<10000x32xf32, #tpu.memory_space<hbm>>
    tpu.wait_indirect_dma semaphore(%arg16 : memref<!tpu.dma_semaphore, #tpu.memory_space<semaphore_mem>>) src(%dma_wait3A_277 : memref<10000x32xf32, #tpu.memory_space<hbm>>) dst(%dma_wait3A_272 : memref<128x32xf32, #tpu.memory_space<vmem>>)
    %dma_wait3A_278 = arith.constant 1152 : i32
    %dma_wait3A_279 = arith.constant 0 : i32
    %dma_wait3A_280 = tpu.memref_slice %arg11[%dma_wait3A_278, %dma_wait3A_279] : memref<1280x32xf32, #tpu.memory_space<vmem>> -> memref<128x32xf32, #tpu.memory_space<vmem>>
    %dma_wait3A_281 = arith.constant 1152 : i32
    %dma_wait3A_282 = tpu.memref_slice %arg8[%dma_wait3A_281] : memref<10240xi32, #tpu.memory_space<vmem>> -> memref<128xi32, #tpu.memory_space<vmem>>
    %dma_wait3A_283 = arith.constant 0 : i32
    %dma_wait3A_284 = arith.constant 0 : i32
    %dma_wait3A_285 = tpu.memref_slice %arg5[%dma_wait3A_283, %dma_wait3A_284] : memref<10000x32xf32, #tpu.memory_space<hbm>> -> memref<10000x32xf32, #tpu.memory_space<hbm>>
    tpu.wait_indirect_dma semaphore(%arg16 : memref<!tpu.dma_semaphore, #tpu.memory_space<semaphore_mem>>) src(%dma_wait3A_285 : memref<10000x32xf32, #tpu.memory_space<hbm>>) dst(%dma_wait3A_280 : memref<128x32xf32, #tpu.memory_space<vmem>>)
    %dma_wait3A_286 = arith.constant 0 : i32
    %dma_wait3A_287 = arith.constant 0 : i32
    %dma_wait3A_288 = arith.constant 0 : i32
    %dma_wait3A_289 = tpu.memref_slice %arg10[%dma_wait3A_287, %dma_wait3A_288] : memref<512x32xf32, #tpu.memory_space<vmem>> -> memref<128x32xf32, #tpu.memory_space<vmem>>
    %dma_wait3A_290 = arith.constant 0 : i32
    %dma_wait3A_291 = tpu.memref_slice %arg7[%dma_wait3A_286, %dma_wait3A_290] : memref<4x128xi32, #tpu.memory_space<vmem>> -> memref<1x128xi32, #tpu.memory_space<vmem>>
    %dma_wait3A_292 = tpu.memref_squeeze %dma_wait3A_291 : memref<1x128xi32, #tpu.memory_space<vmem>> -> memref<128xi32, #tpu.memory_space<vmem>>
    %dma_wait3A_293 = arith.constant 0 : i32
    %dma_wait3A_294 = arith.constant 0 : i32
    %dma_wait3A_295 = tpu.memref_slice %arg4[%dma_wait3A_293, %dma_wait3A_294] : memref<100001x32xf32, #tpu.memory_space<hbm>> -> memref<100001x32xf32, #tpu.memory_space<hbm>>
    tpu.wait_indirect_dma semaphore(%arg15 : memref<!tpu.dma_semaphore, #tpu.memory_space<semaphore_mem>>) src(%dma_wait3A_295 : memref<100001x32xf32, #tpu.memory_space<hbm>>) dst(%dma_wait3A_289 : memref<128x32xf32, #tpu.memory_space<vmem>>)
    %scan3A = arith.constant 0 : i32
    %scan3A_296 = arith.constant 0 : i32
    %scan3A_297 = arith.constant 64 : i32
    %scan3A_298 = arith.addi %scan3A_296, %scan3A_297 : i32
    %scan3A_299 = arith.constant 1 : i32
    scf.for %scan3A_1493 = %scan3A_296 to %scan3A_298 step %scan3A_299  : i32 {
      %mul3A_1494 = arith.constant 20 : i32
      %mul3A_1495 = arith.muli %scan3A_1493, %mul3A_1494 : i32
      %get3A_1496 = arith.index_cast %mul3A_1495 : i32 to index
      %get3A_1497 = arith.constant 0 : index
      %get3A_1498 = tpu.vector_load %arg11[%get3A_1496, %get3A_1497] {strides = array<i32>} : memref<1280x32xf32, #tpu.memory_space<vmem>>, vector<16xf32>,
      %get3A_1499 = arith.index_cast %mul3A_1495 : i32 to index
      %get3A_1500 = arith.constant 16 : index
      %get3A_1501 = tpu.vector_load %arg11[%get3A_1499, %get3A_1500] {strides = array<i32>} : memref<1280x32xf32, #tpu.memory_space<vmem>>, vector<16xf32>,
      %add3A_1502 = arith.constant 1 : i32
      %add3A_1503 = arith.addi %mul3A_1495, %add3A_1502 : i32
      %get3A_1504 = arith.index_cast %add3A_1503 : i32 to index
      %get3A_1505 = arith.constant 0 : index
      %get3A_1506 = tpu.vector_load %arg11[%get3A_1504, %get3A_1505] {strides = array<i32>} : memref<1280x32xf32, #tpu.memory_space<vmem>>, vector<16xf32>,
      %add3A_1507 = arith.addf %get3A_1498, %get3A_1506 : vector<16xf32>
      %add3A_1508 = arith.constant 1 : i32
      %add3A_1509 = arith.addi %mul3A_1495, %add3A_1508 : i32
      %get3A_1510 = arith.index_cast %add3A_1509 : i32 to index
      %get3A_1511 = arith.constant 16 : index
      %get3A_1512 = tpu.vector_load %arg11[%get3A_1510, %get3A_1511] {strides = array<i32>} : memref<1280x32xf32, #tpu.memory_space<vmem>>, vector<16xf32>,
      %add3A_1513 = arith.addf %get3A_1501, %get3A_1512 : vector<16xf32>
      %add3A_1514 = arith.constant 2 : i32
      %add3A_1515 = arith.addi %mul3A_1495, %add3A_1514 : i32
      %get3A_1516 = arith.index_cast %add3A_1515 : i32 to index
      %get3A_1517 = arith.constant 0 : index
      %get3A_1518 = tpu.vector_load %arg11[%get3A_1516, %get3A_1517] {strides = array<i32>} : memref<1280x32xf32, #tpu.memory_space<vmem>>, vector<16xf32>,
      %add3A_1519 = arith.addf %add3A_1507, %get3A_1518 : vector<16xf32>
      %add3A_1520 = arith.constant 2 : i32
      %add3A_1521 = arith.addi %mul3A_1495, %add3A_1520 : i32
      %get3A_1522 = arith.index_cast %add3A_1521 : i32 to index
      %get3A_1523 = arith.constant 16 : index
      %get3A_1524 = tpu.vector_load %arg11[%get3A_1522, %get3A_1523] {strides = array<i32>} : memref<1280x32xf32, #tpu.memory_space<vmem>>, vector<16xf32>,
      %add3A_1525 = arith.addf %add3A_1513, %get3A_1524 : vector<16xf32>
      %add3A_1526 = arith.constant 3 : i32
      %add3A_1527 = arith.addi %mul3A_1495, %add3A_1526 : i32
      %get3A_1528 = arith.index_cast %add3A_1527 : i32 to index
      %get3A_1529 = arith.constant 0 : index
      %get3A_1530 = tpu.vector_load %arg11[%get3A_1528, %get3A_1529] {strides = array<i32>} : memref<1280x32xf32, #tpu.memory_space<vmem>>, vector<16xf32>,
      %add3A_1531 = arith.addf %add3A_1519, %get3A_1530 : vector<16xf32>
      %add3A_1532 = arith.constant 3 : i32
      %add3A_1533 = arith.addi %mul3A_1495, %add3A_1532 : i32
      %get3A_1534 = arith.index_cast %add3A_1533 : i32 to index
      %get3A_1535 = arith.constant 16 : index
      %get3A_1536 = tpu.vector_load %arg11[%get3A_1534, %get3A_1535] {strides = array<i32>} : memref<1280x32xf32, #tpu.memory_space<vmem>>, vector<16xf32>,
      %add3A_1537 = arith.addf %add3A_1525, %get3A_1536 : vector<16xf32>
      %add3A_1538 = arith.constant 4 : i32
      %add3A_1539 = arith.addi %mul3A_1495, %add3A_1538 : i32
      %get3A_1540 = arith.index_cast %add3A_1539 : i32 to index
      %get3A_1541 = arith.constant 0 : index
      %get3A_1542 = tpu.vector_load %arg11[%get3A_1540, %get3A_1541] {strides = array<i32>} : memref<1280x32xf32, #tpu.memory_space<vmem>>, vector<16xf32>,
      %add3A_1543 = arith.addf %add3A_1531, %get3A_1542 : vector<16xf32>
      %add3A_1544 = arith.constant 4 : i32
      %add3A_1545 = arith.addi %mul3A_1495, %add3A_1544 : i32
      %get3A_1546 = arith.index_cast %add3A_1545 : i32 to index
      %get3A_1547 = arith.constant 16 : index
      %get3A_1548 = tpu.vector_load %arg11[%get3A_1546, %get3A_1547] {strides = array<i32>} : memref<1280x32xf32, #tpu.memory_space<vmem>>, vector<16xf32>,
      %add3A_1549 = arith.addf %add3A_1537, %get3A_1548 : vector<16xf32>
      %add3A_1550 = arith.constant 5 : i32
      %add3A_1551 = arith.addi %mul3A_1495, %add3A_1550 : i32
      %get3A_1552 = arith.index_cast %add3A_1551 : i32 to index
      %get3A_1553 = arith.constant 0 : index
      %get3A_1554 = tpu.vector_load %arg11[%get3A_1552, %get3A_1553] {strides = array<i32>} : memref<1280x32xf32, #tpu.memory_space<vmem>>, vector<16xf32>,
      %add3A_1555 = arith.addf %add3A_1543, %get3A_1554 : vector<16xf32>
      %add3A_1556 = arith.constant 5 : i32
      %add3A_1557 = arith.addi %mul3A_1495, %add3A_1556 : i32
      %get3A_1558 = arith.index_cast %add3A_1557 : i32 to index
      %get3A_1559 = arith.constant 16 : index
      %get3A_1560 = tpu.vector_load %arg11[%get3A_1558, %get3A_1559] {strides = array<i32>} : memref<1280x32xf32, #tpu.memory_space<vmem>>, vector<16xf32>,
      %add3A_1561 = arith.addf %add3A_1549, %get3A_1560 : vector<16xf32>
      %add3A_1562 = arith.constant 6 : i32
      %add3A_1563 = arith.addi %mul3A_1495, %add3A_1562 : i32
      %get3A_1564 = arith.index_cast %add3A_1563 : i32 to index
      %get3A_1565 = arith.constant 0 : index
      %get3A_1566 = tpu.vector_load %arg11[%get3A_1564, %get3A_1565] {strides = array<i32>} : memref<1280x32xf32, #tpu.memory_space<vmem>>, vector<16xf32>,
      %add3A_1567 = arith.addf %add3A_1555, %get3A_1566 : vector<16xf32>
      %add3A_1568 = arith.constant 6 : i32
      %add3A_1569 = arith.addi %mul3A_1495, %add3A_1568 : i32
      %get3A_1570 = arith.index_cast %add3A_1569 : i32 to index
      %get3A_1571 = arith.constant 16 : index
      %get3A_1572 = tpu.vector_load %arg11[%get3A_1570, %get3A_1571] {strides = array<i32>} : memref<1280x32xf32, #tpu.memory_space<vmem>>, vector<16xf32>,
      %add3A_1573 = arith.addf %add3A_1561, %get3A_1572 : vector<16xf32>
      %add3A_1574 = arith.constant 7 : i32
      %add3A_1575 = arith.addi %mul3A_1495, %add3A_1574 : i32
      %get3A_1576 = arith.index_cast %add3A_1575 : i32 to index
      %get3A_1577 = arith.constant 0 : index
      %get3A_1578 = tpu.vector_load %arg11[%get3A_1576, %get3A_1577] {strides = array<i32>} : memref<1280x32xf32, #tpu.memory_space<vmem>>, vector<16xf32>,
      %add3A_1579 = arith.addf %add3A_1567, %get3A_1578 : vector<16xf32>
      %add3A_1580 = arith.constant 7 : i32
      %add3A_1581 = arith.addi %mul3A_1495, %add3A_1580 : i32
      %get3A_1582 = arith.index_cast %add3A_1581 : i32 to index
      %get3A_1583 = arith.constant 16 : index
      %get3A_1584 = tpu.vector_load %arg11[%get3A_1582, %get3A_1583] {strides = array<i32>} : memref<1280x32xf32, #tpu.memory_space<vmem>>, vector<16xf32>,
      %add3A_1585 = arith.addf %add3A_1573, %get3A_1584 : vector<16xf32>
      %add3A_1586 = arith.constant 8 : i32
      %add3A_1587 = arith.addi %mul3A_1495, %add3A_1586 : i32
      %get3A_1588 = arith.index_cast %add3A_1587 : i32 to index
      %get3A_1589 = arith.constant 0 : index
      %get3A_1590 = tpu.vector_load %arg11[%get3A_1588, %get3A_1589] {strides = array<i32>} : memref<1280x32xf32, #tpu.memory_space<vmem>>, vector<16xf32>,
      %add3A_1591 = arith.addf %add3A_1579, %get3A_1590 : vector<16xf32>
      %add3A_1592 = arith.constant 8 : i32
      %add3A_1593 = arith.addi %mul3A_1495, %add3A_1592 : i32
      %get3A_1594 = arith.index_cast %add3A_1593 : i32 to index
      %get3A_1595 = arith.constant 16 : index
      %get3A_1596 = tpu.vector_load %arg11[%get3A_1594, %get3A_1595] {strides = array<i32>} : memref<1280x32xf32, #tpu.memory_space<vmem>>, vector<16xf32>,
      %add3A_1597 = arith.addf %add3A_1585, %get3A_1596 : vector<16xf32>
      %add3A_1598 = arith.constant 9 : i32
      %add3A_1599 = arith.addi %mul3A_1495, %add3A_1598 : i32
      %get3A_1600 = arith.index_cast %add3A_1599 : i32 to index
      %get3A_1601 = arith.constant 0 : index
      %get3A_1602 = tpu.vector_load %arg11[%get3A_1600, %get3A_1601] {strides = array<i32>} : memref<1280x32xf32, #tpu.memory_space<vmem>>, vector<16xf32>,
      %add3A_1603 = arith.addf %add3A_1591, %get3A_1602 : vector<16xf32>
      %add3A_1604 = arith.constant 9 : i32
      %add3A_1605 = arith.addi %mul3A_1495, %add3A_1604 : i32
      %get3A_1606 = arith.index_cast %add3A_1605 : i32 to index
      %get3A_1607 = arith.constant 16 : index
      %get3A_1608 = tpu.vector_load %arg11[%get3A_1606, %get3A_1607] {strides = array<i32>} : memref<1280x32xf32, #tpu.memory_space<vmem>>, vector<16xf32>,
      %add3A_1609 = arith.addf %add3A_1597, %get3A_1608 : vector<16xf32>
      %add3A_1610 = arith.constant 10 : i32
      %add3A_1611 = arith.addi %mul3A_1495, %add3A_1610 : i32
      %get3A_1612 = arith.index_cast %add3A_1611 : i32 to index
      %get3A_1613 = arith.constant 0 : index
      %get3A_1614 = tpu.vector_load %arg11[%get3A_1612, %get3A_1613] {strides = array<i32>} : memref<1280x32xf32, #tpu.memory_space<vmem>>, vector<16xf32>,
      %add3A_1615 = arith.addf %add3A_1603, %get3A_1614 : vector<16xf32>
      %add3A_1616 = arith.constant 10 : i32
      %add3A_1617 = arith.addi %mul3A_1495, %add3A_1616 : i32
      %get3A_1618 = arith.index_cast %add3A_1617 : i32 to index
      %get3A_1619 = arith.constant 16 : index
      %get3A_1620 = tpu.vector_load %arg11[%get3A_1618, %get3A_1619] {strides = array<i32>} : memref<1280x32xf32, #tpu.memory_space<vmem>>, vector<16xf32>,
      %add3A_1621 = arith.addf %add3A_1609, %get3A_1620 : vector<16xf32>
      %add3A_1622 = arith.constant 11 : i32
      %add3A_1623 = arith.addi %mul3A_1495, %add3A_1622 : i32
      %get3A_1624 = arith.index_cast %add3A_1623 : i32 to index
      %get3A_1625 = arith.constant 0 : index
      %get3A_1626 = tpu.vector_load %arg11[%get3A_1624, %get3A_1625] {strides = array<i32>} : memref<1280x32xf32, #tpu.memory_space<vmem>>, vector<16xf32>,
      %add3A_1627 = arith.addf %add3A_1615, %get3A_1626 : vector<16xf32>
      %add3A_1628 = arith.constant 11 : i32
      %add3A_1629 = arith.addi %mul3A_1495, %add3A_1628 : i32
      %get3A_1630 = arith.index_cast %add3A_1629 : i32 to index
      %get3A_1631 = arith.constant 16 : index
      %get3A_1632 = tpu.vector_load %arg11[%get3A_1630, %get3A_1631] {strides = array<i32>} : memref<1280x32xf32, #tpu.memory_space<vmem>>, vector<16xf32>,
      %add3A_1633 = arith.addf %add3A_1621, %get3A_1632 : vector<16xf32>
      %add3A_1634 = arith.constant 12 : i32
      %add3A_1635 = arith.addi %mul3A_1495, %add3A_1634 : i32
      %get3A_1636 = arith.index_cast %add3A_1635 : i32 to index
      %get3A_1637 = arith.constant 0 : index
      %get3A_1638 = tpu.vector_load %arg11[%get3A_1636, %get3A_1637] {strides = array<i32>} : memref<1280x32xf32, #tpu.memory_space<vmem>>, vector<16xf32>,
      %add3A_1639 = arith.addf %add3A_1627, %get3A_1638 : vector<16xf32>
      %add3A_1640 = arith.constant 12 : i32
      %add3A_1641 = arith.addi %mul3A_1495, %add3A_1640 : i32
      %get3A_1642 = arith.index_cast %add3A_1641 : i32 to index
      %get3A_1643 = arith.constant 16 : index
      %get3A_1644 = tpu.vector_load %arg11[%get3A_1642, %get3A_1643] {strides = array<i32>} : memref<1280x32xf32, #tpu.memory_space<vmem>>, vector<16xf32>,
      %add3A_1645 = arith.addf %add3A_1633, %get3A_1644 : vector<16xf32>
      %add3A_1646 = arith.constant 13 : i32
      %add3A_1647 = arith.addi %mul3A_1495, %add3A_1646 : i32
      %get3A_1648 = arith.index_cast %add3A_1647 : i32 to index
      %get3A_1649 = arith.constant 0 : index
      %get3A_1650 = tpu.vector_load %arg11[%get3A_1648, %get3A_1649] {strides = array<i32>} : memref<1280x32xf32, #tpu.memory_space<vmem>>, vector<16xf32>,
      %add3A_1651 = arith.addf %add3A_1639, %get3A_1650 : vector<16xf32>
      %add3A_1652 = arith.constant 13 : i32
      %add3A_1653 = arith.addi %mul3A_1495, %add3A_1652 : i32
      %get3A_1654 = arith.index_cast %add3A_1653 : i32 to index
      %get3A_1655 = arith.constant 16 : index
      %get3A_1656 = tpu.vector_load %arg11[%get3A_1654, %get3A_1655] {strides = array<i32>} : memref<1280x32xf32, #tpu.memory_space<vmem>>, vector<16xf32>,
      %add3A_1657 = arith.addf %add3A_1645, %get3A_1656 : vector<16xf32>
      %add3A_1658 = arith.constant 14 : i32
      %add3A_1659 = arith.addi %mul3A_1495, %add3A_1658 : i32
      %get3A_1660 = arith.index_cast %add3A_1659 : i32 to index
      %get3A_1661 = arith.constant 0 : index
      %get3A_1662 = tpu.vector_load %arg11[%get3A_1660, %get3A_1661] {strides = array<i32>} : memref<1280x32xf32, #tpu.memory_space<vmem>>, vector<16xf32>,
      %add3A_1663 = arith.addf %add3A_1651, %get3A_1662 : vector<16xf32>
      %add3A_1664 = arith.constant 14 : i32
      %add3A_1665 = arith.addi %mul3A_1495, %add3A_1664 : i32
      %get3A_1666 = arith.index_cast %add3A_1665 : i32 to index
      %get3A_1667 = arith.constant 16 : index
      %get3A_1668 = tpu.vector_load %arg11[%get3A_1666, %get3A_1667] {strides = array<i32>} : memref<1280x32xf32, #tpu.memory_space<vmem>>, vector<16xf32>,
      %add3A_1669 = arith.addf %add3A_1657, %get3A_1668 : vector<16xf32>
      %add3A_1670 = arith.constant 15 : i32
      %add3A_1671 = arith.addi %mul3A_1495, %add3A_1670 : i32
      %get3A_1672 = arith.index_cast %add3A_1671 : i32 to index
      %get3A_1673 = arith.constant 0 : index
      %get3A_1674 = tpu.vector_load %arg11[%get3A_1672, %get3A_1673] {strides = array<i32>} : memref<1280x32xf32, #tpu.memory_space<vmem>>, vector<16xf32>,
      %add3A_1675 = arith.addf %add3A_1663, %get3A_1674 : vector<16xf32>
      %add3A_1676 = arith.constant 15 : i32
      %add3A_1677 = arith.addi %mul3A_1495, %add3A_1676 : i32
      %get3A_1678 = arith.index_cast %add3A_1677 : i32 to index
      %get3A_1679 = arith.constant 16 : index
      %get3A_1680 = tpu.vector_load %arg11[%get3A_1678, %get3A_1679] {strides = array<i32>} : memref<1280x32xf32, #tpu.memory_space<vmem>>, vector<16xf32>,
      %add3A_1681 = arith.addf %add3A_1669, %get3A_1680 : vector<16xf32>
      %add3A_1682 = arith.constant 16 : i32
      %add3A_1683 = arith.addi %mul3A_1495, %add3A_1682 : i32
      %get3A_1684 = arith.index_cast %add3A_1683 : i32 to index
      %get3A_1685 = arith.constant 0 : index
      %get3A_1686 = tpu.vector_load %arg11[%get3A_1684, %get3A_1685] {strides = array<i32>} : memref<1280x32xf32, #tpu.memory_space<vmem>>, vector<16xf32>,
      %add3A_1687 = arith.addf %add3A_1675, %get3A_1686 : vector<16xf32>
      %add3A_1688 = arith.constant 16 : i32
      %add3A_1689 = arith.addi %mul3A_1495, %add3A_1688 : i32
      %get3A_1690 = arith.index_cast %add3A_1689 : i32 to index
      %get3A_1691 = arith.constant 16 : index
      %get3A_1692 = tpu.vector_load %arg11[%get3A_1690, %get3A_1691] {strides = array<i32>} : memref<1280x32xf32, #tpu.memory_space<vmem>>, vector<16xf32>,
      %add3A_1693 = arith.addf %add3A_1681, %get3A_1692 : vector<16xf32>
      %add3A_1694 = arith.constant 17 : i32
      %add3A_1695 = arith.addi %mul3A_1495, %add3A_1694 : i32
      %get3A_1696 = arith.index_cast %add3A_1695 : i32 to index
      %get3A_1697 = arith.constant 0 : index
      %get3A_1698 = tpu.vector_load %arg11[%get3A_1696, %get3A_1697] {strides = array<i32>} : memref<1280x32xf32, #tpu.memory_space<vmem>>, vector<16xf32>,
      %add3A_1699 = arith.addf %add3A_1687, %get3A_1698 : vector<16xf32>
      %add3A_1700 = arith.constant 17 : i32
      %add3A_1701 = arith.addi %mul3A_1495, %add3A_1700 : i32
      %get3A_1702 = arith.index_cast %add3A_1701 : i32 to index
      %get3A_1703 = arith.constant 16 : index
      %get3A_1704 = tpu.vector_load %arg11[%get3A_1702, %get3A_1703] {strides = array<i32>} : memref<1280x32xf32, #tpu.memory_space<vmem>>, vector<16xf32>,
      %add3A_1705 = arith.addf %add3A_1693, %get3A_1704 : vector<16xf32>
      %add3A_1706 = arith.constant 18 : i32
      %add3A_1707 = arith.addi %mul3A_1495, %add3A_1706 : i32
      %get3A_1708 = arith.index_cast %add3A_1707 : i32 to index
      %get3A_1709 = arith.constant 0 : index
      %get3A_1710 = tpu.vector_load %arg11[%get3A_1708, %get3A_1709] {strides = array<i32>} : memref<1280x32xf32, #tpu.memory_space<vmem>>, vector<16xf32>,
      %add3A_1711 = arith.addf %add3A_1699, %get3A_1710 : vector<16xf32>
      %add3A_1712 = arith.constant 18 : i32
      %add3A_1713 = arith.addi %mul3A_1495, %add3A_1712 : i32
      %get3A_1714 = arith.index_cast %add3A_1713 : i32 to index
      %get3A_1715 = arith.constant 16 : index
      %get3A_1716 = tpu.vector_load %arg11[%get3A_1714, %get3A_1715] {strides = array<i32>} : memref<1280x32xf32, #tpu.memory_space<vmem>>, vector<16xf32>,
      %add3A_1717 = arith.addf %add3A_1705, %get3A_1716 : vector<16xf32>
      %add3A_1718 = arith.constant 19 : i32
      %add3A_1719 = arith.addi %mul3A_1495, %add3A_1718 : i32
      %get3A_1720 = arith.index_cast %add3A_1719 : i32 to index
      %get3A_1721 = arith.constant 0 : index
      %get3A_1722 = tpu.vector_load %arg11[%get3A_1720, %get3A_1721] {strides = array<i32>} : memref<1280x32xf32, #tpu.memory_space<vmem>>, vector<16xf32>,
      %add3A_1723 = arith.addf %add3A_1711, %get3A_1722 : vector<16xf32>
      %add3A_1724 = arith.constant 19 : i32
      %add3A_1725 = arith.addi %mul3A_1495, %add3A_1724 : i32
      %get3A_1726 = arith.index_cast %add3A_1725 : i32 to index
      %get3A_1727 = arith.constant 16 : index
      %get3A_1728 = tpu.vector_load %arg11[%get3A_1726, %get3A_1727] {strides = array<i32>} : memref<1280x32xf32, #tpu.memory_space<vmem>>, vector<16xf32>,
      %add3A_1729 = arith.addf %add3A_1717, %get3A_1728 : vector<16xf32>
      %mul3A_1730 = arith.constant 20 : i32
      %mul3A_1731 = arith.muli %scan3A_1493, %mul3A_1730 : i32
      %add3A_1732 = arith.constant 0 : i32
      %add3A_1733 = arith.addi %add3A_1732, %mul3A_1731 : i32
      %get3A_1734 = arith.index_cast %add3A_1733 : i32 to index
      %get3A_1735 = tpu.vector_load %arg8[%get3A_1734] {strides = array<i32>} : memref<10240xi32, #tpu.memory_space<vmem>>, vector<16xi32>,
      %add3A_1736 = arith.constant 4 : i32
      %add3A_1737 = arith.addi %add3A_1733, %add3A_1736 : i32
      %get3A_1738 = arith.index_cast %add3A_1737 : i32 to index
      %get3A_1739 = tpu.vector_load %arg8[%get3A_1738] {strides = array<i32>} : memref<10240xi32, #tpu.memory_space<vmem>>, vector<16xi32>,
      %eq3A = arith.constant 0 : i32
      %eq3A_1740 = vector.broadcast %eq3A : i32 to vector<16xi32>
      %eq3A_1741 = arith.cmpi eq, %get3A_1735, %eq3A_1740 : vector<16xi32>
      %all_reduce_population_count3A = tpu.all_reduce %eq3A_1741 {dim = 0 : i64, kind = #tpu.reduction_kind<sum>} : vector<16xi1> -> vector<16xi32>
      %eq3A_1742 = arith.constant 0 : i32
      %eq3A_1743 = vector.broadcast %eq3A_1742 : i32 to vector<16xi32>
      %eq3A_1744 = arith.cmpi eq, %get3A_1739, %eq3A_1743 : vector<16xi32>
      %and3A = arith.andi %eq3A_1744, %ge3A_126 : vector<16xi1>
      %all_reduce_population_count3A_1745 = tpu.all_reduce %and3A {dim = 0 : i64, kind = #tpu.reduction_kind<sum>} : vector<16xi1> -> vector<16xi32>
      %add3A_1746 = arith.addi %all_reduce_population_count3A, %all_reduce_population_count3A_1745 : vector<16xi32>
      %convert_element_type3A = arith.sitofp %add3A_1746 : vector<16xi32> to vector<16xf32>
      %sub3A = arith.constant 2.000000e+01 : f32
      %sub3A_1747 = vector.broadcast %sub3A : f32 to vector<16xf32>
      %sub3A_1748 = arith.subf %sub3A_1747, %convert_element_type3A : vector<16xf32>
      %max3A = arith.constant 1.000000e+00 : f32
      %max3A_1749 = vector.broadcast %max3A : f32 to vector<16xf32>
      %max3A_1750 = arith.maximumf %sub3A_1748, %max3A_1749 : vector<16xf32>
      %div3A = arith.constant 1.000000e+00 : f32
      %div3A_1751 = vector.broadcast %div3A : f32 to vector<16xf32>
      %div3A_1752 = arith.divf %div3A_1751, %max3A_1750 : vector<16xf32>
      %add3A_1753 = arith.constant 0 : i32
      %add3A_1754 = arith.addi %add3A_1753, %scan3A_1493 : i32
      %get3A_1755 = arith.index_cast %add3A_1754 : i32 to index
      %get3A_1756 = arith.constant 0 : index
      %get3A_1757 = tpu.vector_load %arg10[%get3A_1755, %get3A_1756] {strides = array<i32>} : memref<512x32xf32, #tpu.memory_space<vmem>>, vector<16xf32>,
      %swap3A = arith.index_cast %scan3A_1493 : i32 to index
      %swap3A_1758 = arith.constant 0 : index
      %swap3A_1759 = tpu.vector_load %arg13[%swap3A, %swap3A_1758] {strides = array<i32>} : memref<64x64xf32, #tpu.memory_space<vmem>>, vector<16xf32>,
      tpu.vector_store %arg13[%swap3A, %swap3A_1758], %get3A_1757 {strides = array<i32>} : memref<64x64xf32, #tpu.memory_space<vmem>>, vector<16xf32>,
      %add3A_1760 = arith.constant 0 : i32
      %add3A_1761 = arith.addi %add3A_1760, %scan3A_1493 : i32
      %get3A_1762 = arith.index_cast %add3A_1761 : i32 to index
      %get3A_1763 = arith.constant 16 : index
      %get3A_1764 = tpu.vector_load %arg10[%get3A_1762, %get3A_1763] {strides = array<i32>} : memref<512x32xf32, #tpu.memory_space<vmem>>, vector<16xf32>,
      %swap3A_1765 = arith.index_cast %scan3A_1493 : i32 to index
      %swap3A_1766 = arith.constant 16 : index
      %swap3A_1767 = tpu.vector_load %arg13[%swap3A_1765, %swap3A_1766] {strides = array<i32>} : memref<64x64xf32, #tpu.memory_space<vmem>>, vector<16xf32>,
      tpu.vector_store %arg13[%swap3A_1765, %swap3A_1766], %get3A_1764 {strides = array<i32>} : memref<64x64xf32, #tpu.memory_space<vmem>>, vector<16xf32>,
      %mul3A_1768 = arith.mulf %convert_element_type3A, %get3A_122 : vector<16xf32>
      %sub3A_1769 = arith.subf %add3A_1723, %mul3A_1768 : vector<16xf32>
      %mul3A_1770 = arith.mulf %sub3A_1769, %div3A_1752 : vector<16xf32>
      %swap3A_1771 = arith.index_cast %scan3A_1493 : i32 to index
      %swap3A_1772 = arith.constant 32 : index
      %swap3A_1773 = tpu.vector_load %arg13[%swap3A_1771, %swap3A_1772] {strides = array<i32>} : memref<64x64xf32, #tpu.memory_space<vmem>>, vector<16xf32>,
      tpu.vector_store %arg13[%swap3A_1771, %swap3A_1772], %mul3A_1770 {strides = array<i32>} : memref<64x64xf32, #tpu.memory_space<vmem>>, vector<16xf32>,
      %mul3A_1774 = arith.mulf %convert_element_type3A, %get3A_124 : vector<16xf32>
      %sub3A_1775 = arith.subf %add3A_1729, %mul3A_1774 : vector<16xf32>
      %mul3A_1776 = arith.mulf %sub3A_1775, %div3A_1752 : vector<16xf32>
      %swap3A_1777 = arith.index_cast %scan3A_1493 : i32 to index
      %swap3A_1778 = arith.constant 48 : index
      %swap3A_1779 = tpu.vector_load %arg13[%swap3A_1777, %swap3A_1778] {strides = array<i32>} : memref<64x64xf32, #tpu.memory_space<vmem>>, vector<16xf32>,
      tpu.vector_store %arg13[%swap3A_1777, %swap3A_1778], %mul3A_1776 {strides = array<i32>} : memref<64x64xf32, #tpu.memory_space<vmem>>, vector<16xf32>,
    }
    %scan3A_300 = arith.constant 64 : i32
    %add3A_301 = arith.constant 0 : i32
    %add3A_302 = arith.addi %mul3A_2, %add3A_301 : i32
    %dma_start3A_303 = arith.constant 0 : i32
    %dma_start3A_304 = tpu.memref_slice %arg6[%add3A_302, %dma_start3A_303] : memref<16384x64xf32, #tpu.memory_space<hbm>> -> memref<64x64xf32, #tpu.memory_space<hbm>>
    %dma_start3A_305 = arith.constant 0 : i32
    %dma_start3A_306 = tpu.memref_slice %arg6[%add3A_302, %dma_start3A_305] : memref<16384x64xf32, #tpu.memory_space<hbm>> -> memref<64x64xf32, #tpu.memory_space<hbm>>
    tpu.enqueue_dma source(%arg13 : memref<64x64xf32, #tpu.memory_space<vmem>>) target(%dma_start3A_306 : memref<64x64xf32, #tpu.memory_space<hbm>>) target_semaphore(%arg18 : memref<!tpu.dma_semaphore, #tpu.memory_space<semaphore_mem>>)
    %dma_start3A_307 = arith.constant 0 : i32
    %dma_start3A_308 = arith.constant 0 : i32
    %dma_start3A_309 = tpu.memref_slice %arg11[%dma_start3A_307, %dma_start3A_308] : memref<1280x32xf32, #tpu.memory_space<vmem>> -> memref<128x32xf32, #tpu.memory_space<vmem>>
    %dma_start3A_310 = arith.constant 2560 : i32
    %dma_start3A_311 = tpu.memref_slice %arg8[%dma_start3A_310] : memref<10240xi32, #tpu.memory_space<vmem>> -> memref<128xi32, #tpu.memory_space<vmem>>
    %dma_start3A_312 = arith.constant 0 : i32
    %dma_start3A_313 = arith.constant 0 : i32
    %dma_start3A_314 = tpu.memref_slice %arg5[%dma_start3A_312, %dma_start3A_313] : memref<10000x32xf32, #tpu.memory_space<hbm>> -> memref<10000x32xf32, #tpu.memory_space<hbm>>
    tpu.enqueue_indirect_dma source(%dma_start3A_314 : memref<10000x32xf32, #tpu.memory_space<hbm>>) target(%dma_start3A_309 : memref<128x32xf32, #tpu.memory_space<vmem>>) offsets(%dma_start3A_311 : memref<128xi32, #tpu.memory_space<vmem>>) semaphore(%arg16 : memref<!tpu.dma_semaphore, #tpu.memory_space<semaphore_mem>>)
    %dma_start3A_315 = arith.constant 128 : i32
    %dma_start3A_316 = arith.constant 0 : i32
    %dma_start3A_317 = tpu.memref_slice %arg11[%dma_start3A_315, %dma_start3A_316] : memref<1280x32xf32, #tpu.memory_space<vmem>> -> memref<128x32xf32, #tpu.memory_space<vmem>>
    %dma_start3A_318 = arith.constant 2688 : i32
    %dma_start3A_319 = tpu.memref_slice %arg8[%dma_start3A_318] : memref<10240xi32, #tpu.memory_space<vmem>> -> memref<128xi32, #tpu.memory_space<vmem>>
    %dma_start3A_320 = arith.constant 0 : i32
    %dma_start3A_321 = arith.constant 0 : i32
    %dma_start3A_322 = tpu.memref_slice %arg5[%dma_start3A_320, %dma_start3A_321] : memref<10000x32xf32, #tpu.memory_space<hbm>> -> memref<10000x32xf32, #tpu.memory_space<hbm>>
    tpu.enqueue_indirect_dma source(%dma_start3A_322 : memref<10000x32xf32, #tpu.memory_space<hbm>>) target(%dma_start3A_317 : memref<128x32xf32, #tpu.memory_space<vmem>>) offsets(%dma_start3A_319 : memref<128xi32, #tpu.memory_space<vmem>>) semaphore(%arg16 : memref<!tpu.dma_semaphore, #tpu.memory_space<semaphore_mem>>)
    %dma_start3A_323 = arith.constant 256 : i32
    %dma_start3A_324 = arith.constant 0 : i32
    %dma_start3A_325 = tpu.memref_slice %arg11[%dma_start3A_323, %dma_start3A_324] : memref<1280x32xf32, #tpu.memory_space<vmem>> -> memref<128x32xf32, #tpu.memory_space<vmem>>
    %dma_start3A_326 = arith.constant 2816 : i32
    %dma_start3A_327 = tpu.memref_slice %arg8[%dma_start3A_326] : memref<10240xi32, #tpu.memory_space<vmem>> -> memref<128xi32, #tpu.memory_space<vmem>>
    %dma_start3A_328 = arith.constant 0 : i32
    %dma_start3A_329 = arith.constant 0 : i32
    %dma_start3A_330 = tpu.memref_slice %arg5[%dma_start3A_328, %dma_start3A_329] : memref<10000x32xf32, #tpu.memory_space<hbm>> -> memref<10000x32xf32, #tpu.memory_space<hbm>>
    tpu.enqueue_indirect_dma source(%dma_start3A_330 : memref<10000x32xf32, #tpu.memory_space<hbm>>) target(%dma_start3A_325 : memref<128x32xf32, #tpu.memory_space<vmem>>) offsets(%dma_start3A_327 : memref<128xi32, #tpu.memory_space<vmem>>) semaphore(%arg16 : memref<!tpu.dma_semaphore, #tpu.memory_space<semaphore_mem>>)
    %dma_start3A_331 = arith.constant 384 : i32
    %dma_start3A_332 = arith.constant 0 : i32
    %dma_start3A_333 = tpu.memref_slice %arg11[%dma_start3A_331, %dma_start3A_332] : memref<1280x32xf32, #tpu.memory_space<vmem>> -> memref<128x32xf32, #tpu.memory_space<vmem>>
    %dma_start3A_334 = arith.constant 2944 : i32
    %dma_start3A_335 = tpu.memref_slice %arg8[%dma_start3A_334] : memref<10240xi32, #tpu.memory_space<vmem>> -> memref<128xi32, #tpu.memory_space<vmem>>
    %dma_start3A_336 = arith.constant 0 : i32
    %dma_start3A_337 = arith.constant 0 : i32
    %dma_start3A_338 = tpu.memref_slice %arg5[%dma_start3A_336, %dma_start3A_337] : memref<10000x32xf32, #tpu.memory_space<hbm>> -> memref<10000x32xf32, #tpu.memory_space<hbm>>
    tpu.enqueue_indirect_dma source(%dma_start3A_338 : memref<10000x32xf32, #tpu.memory_space<hbm>>) target(%dma_start3A_333 : memref<128x32xf32, #tpu.memory_space<vmem>>) offsets(%dma_start3A_335 : memref<128xi32, #tpu.memory_space<vmem>>) semaphore(%arg16 : memref<!tpu.dma_semaphore, #tpu.memory_space<semaphore_mem>>)
    %dma_start3A_339 = arith.constant 512 : i32
    %dma_start3A_340 = arith.constant 0 : i32
    %dma_start3A_341 = tpu.memref_slice %arg11[%dma_start3A_339, %dma_start3A_340] : memref<1280x32xf32, #tpu.memory_space<vmem>> -> memref<128x32xf32, #tpu.memory_space<vmem>>
    %dma_start3A_342 = arith.constant 3072 : i32
    %dma_start3A_343 = tpu.memref_slice %arg8[%dma_start3A_342] : memref<10240xi32, #tpu.memory_space<vmem>> -> memref<128xi32, #tpu.memory_space<vmem>>
    %dma_start3A_344 = arith.constant 0 : i32
    %dma_start3A_345 = arith.constant 0 : i32
    %dma_start3A_346 = tpu.memref_slice %arg5[%dma_start3A_344, %dma_start3A_345] : memref<10000x32xf32, #tpu.memory_space<hbm>> -> memref<10000x32xf32, #tpu.memory_space<hbm>>
    tpu.enqueue_indirect_dma source(%dma_start3A_346 : memref<10000x32xf32, #tpu.memory_space<hbm>>) target(%dma_start3A_341 : memref<128x32xf32, #tpu.memory_space<vmem>>) offsets(%dma_start3A_343 : memref<128xi32, #tpu.memory_space<vmem>>) semaphore(%arg16 : memref<!tpu.dma_semaphore, #tpu.memory_space<semaphore_mem>>)
    %dma_start3A_347 = arith.constant 640 : i32
    %dma_start3A_348 = arith.constant 0 : i32
    %dma_start3A_349 = tpu.memref_slice %arg11[%dma_start3A_347, %dma_start3A_348] : memref<1280x32xf32, #tpu.memory_space<vmem>> -> memref<128x32xf32, #tpu.memory_space<vmem>>
    %dma_start3A_350 = arith.constant 3200 : i32
    %dma_start3A_351 = tpu.memref_slice %arg8[%dma_start3A_350] : memref<10240xi32, #tpu.memory_space<vmem>> -> memref<128xi32, #tpu.memory_space<vmem>>
    %dma_start3A_352 = arith.constant 0 : i32
    %dma_start3A_353 = arith.constant 0 : i32
    %dma_start3A_354 = tpu.memref_slice %arg5[%dma_start3A_352, %dma_start3A_353] : memref<10000x32xf32, #tpu.memory_space<hbm>> -> memref<10000x32xf32, #tpu.memory_space<hbm>>
    tpu.enqueue_indirect_dma source(%dma_start3A_354 : memref<10000x32xf32, #tpu.memory_space<hbm>>) target(%dma_start3A_349 : memref<128x32xf32, #tpu.memory_space<vmem>>) offsets(%dma_start3A_351 : memref<128xi32, #tpu.memory_space<vmem>>) semaphore(%arg16 : memref<!tpu.dma_semaphore, #tpu.memory_space<semaphore_mem>>)
    %dma_start3A_355 = arith.constant 768 : i32
    %dma_start3A_356 = arith.constant 0 : i32
    %dma_start3A_357 = tpu.memref_slice %arg11[%dma_start3A_355, %dma_start3A_356] : memref<1280x32xf32, #tpu.memory_space<vmem>> -> memref<128x32xf32, #tpu.memory_space<vmem>>
    %dma_start3A_358 = arith.constant 3328 : i32
    %dma_start3A_359 = tpu.memref_slice %arg8[%dma_start3A_358] : memref<10240xi32, #tpu.memory_space<vmem>> -> memref<128xi32, #tpu.memory_space<vmem>>
    %dma_start3A_360 = arith.constant 0 : i32
    %dma_start3A_361 = arith.constant 0 : i32
    %dma_start3A_362 = tpu.memref_slice %arg5[%dma_start3A_360, %dma_start3A_361] : memref<10000x32xf32, #tpu.memory_space<hbm>> -> memref<10000x32xf32, #tpu.memory_space<hbm>>
    tpu.enqueue_indirect_dma source(%dma_start3A_362 : memref<10000x32xf32, #tpu.memory_space<hbm>>) target(%dma_start3A_357 : memref<128x32xf32, #tpu.memory_space<vmem>>) offsets(%dma_start3A_359 : memref<128xi32, #tpu.memory_space<vmem>>) semaphore(%arg16 : memref<!tpu.dma_semaphore, #tpu.memory_space<semaphore_mem>>)
    %dma_start3A_363 = arith.constant 896 : i32
    %dma_start3A_364 = arith.constant 0 : i32
    %dma_start3A_365 = tpu.memref_slice %arg11[%dma_start3A_363, %dma_start3A_364] : memref<1280x32xf32, #tpu.memory_space<vmem>> -> memref<128x32xf32, #tpu.memory_space<vmem>>
    %dma_start3A_366 = arith.constant 3456 : i32
    %dma_start3A_367 = tpu.memref_slice %arg8[%dma_start3A_366] : memref<10240xi32, #tpu.memory_space<vmem>> -> memref<128xi32, #tpu.memory_space<vmem>>
    %dma_start3A_368 = arith.constant 0 : i32
    %dma_start3A_369 = arith.constant 0 : i32
    %dma_start3A_370 = tpu.memref_slice %arg5[%dma_start3A_368, %dma_start3A_369] : memref<10000x32xf32, #tpu.memory_space<hbm>> -> memref<10000x32xf32, #tpu.memory_space<hbm>>
    tpu.enqueue_indirect_dma source(%dma_start3A_370 : memref<10000x32xf32, #tpu.memory_space<hbm>>) target(%dma_start3A_365 : memref<128x32xf32, #tpu.memory_space<vmem>>) offsets(%dma_start3A_367 : memref<128xi32, #tpu.memory_space<vmem>>) semaphore(%arg16 : memref<!tpu.dma_semaphore, #tpu.memory_space<semaphore_mem>>)
    %dma_start3A_371 = arith.constant 1024 : i32
    %dma_start3A_372 = arith.constant 0 : i32
    %dma_start3A_373 = tpu.memref_slice %arg11[%dma_start3A_371, %dma_start3A_372] : memref<1280x32xf32, #tpu.memory_space<vmem>> -> memref<128x32xf32, #tpu.memory_space<vmem>>
    %dma_start3A_374 = arith.constant 3584 : i32
    %dma_start3A_375 = tpu.memref_slice %arg8[%dma_start3A_374] : memref<10240xi32, #tpu.memory_space<vmem>> -> memref<128xi32, #tpu.memory_space<vmem>>
    %dma_start3A_376 = arith.constant 0 : i32
    %dma_start3A_377 = arith.constant 0 : i32
    %dma_start3A_378 = tpu.memref_slice %arg5[%dma_start3A_376, %dma_start3A_377] : memref<10000x32xf32, #tpu.memory_space<hbm>> -> memref<10000x32xf32, #tpu.memory_space<hbm>>
    tpu.enqueue_indirect_dma source(%dma_start3A_378 : memref<10000x32xf32, #tpu.memory_space<hbm>>) target(%dma_start3A_373 : memref<128x32xf32, #tpu.memory_space<vmem>>) offsets(%dma_start3A_375 : memref<128xi32, #tpu.memory_space<vmem>>) semaphore(%arg16 : memref<!tpu.dma_semaphore, #tpu.memory_space<semaphore_mem>>)
    %dma_start3A_379 = arith.constant 1152 : i32
    %dma_start3A_380 = arith.constant 0 : i32
    %dma_start3A_381 = tpu.memref_slice %arg11[%dma_start3A_379, %dma_start3A_380] : memref<1280x32xf32, #tpu.memory_space<vmem>> -> memref<128x32xf32, #tpu.memory_space<vmem>>
    %dma_start3A_382 = arith.constant 3712 : i32
    %dma_start3A_383 = tpu.memref_slice %arg8[%dma_start3A_382] : memref<10240xi32, #tpu.memory_space<vmem>> -> memref<128xi32, #tpu.memory_space<vmem>>
    %dma_start3A_384 = arith.constant 0 : i32
    %dma_start3A_385 = arith.constant 0 : i32
    %dma_start3A_386 = tpu.memref_slice %arg5[%dma_start3A_384, %dma_start3A_385] : memref<10000x32xf32, #tpu.memory_space<hbm>> -> memref<10000x32xf32, #tpu.memory_space<hbm>>
    tpu.enqueue_indirect_dma source(%dma_start3A_386 : memref<10000x32xf32, #tpu.memory_space<hbm>>) target(%dma_start3A_381 : memref<128x32xf32, #tpu.memory_space<vmem>>) offsets(%dma_start3A_383 : memref<128xi32, #tpu.memory_space<vmem>>) semaphore(%arg16 : memref<!tpu.dma_semaphore, #tpu.memory_space<semaphore_mem>>)
    %dma_wait3A_387 = arith.constant 0 : i32
    %dma_wait3A_388 = arith.constant 0 : i32
    %dma_wait3A_389 = tpu.memref_slice %arg12[%dma_wait3A_387, %dma_wait3A_388] : memref<1280x32xf32, #tpu.memory_space<vmem>> -> memref<128x32xf32, #tpu.memory_space<vmem>>
    %dma_wait3A_390 = arith.constant 1280 : i32
    %dma_wait3A_391 = tpu.memref_slice %arg8[%dma_wait3A_390] : memref<10240xi32, #tpu.memory_space<vmem>> -> memref<128xi32, #tpu.memory_space<vmem>>
    %dma_wait3A_392 = arith.constant 0 : i32
    %dma_wait3A_393 = arith.constant 0 : i32
    %dma_wait3A_394 = tpu.memref_slice %arg5[%dma_wait3A_392, %dma_wait3A_393] : memref<10000x32xf32, #tpu.memory_space<hbm>> -> memref<10000x32xf32, #tpu.memory_space<hbm>>
    tpu.wait_indirect_dma semaphore(%arg17 : memref<!tpu.dma_semaphore, #tpu.memory_space<semaphore_mem>>) src(%dma_wait3A_394 : memref<10000x32xf32, #tpu.memory_space<hbm>>) dst(%dma_wait3A_389 : memref<128x32xf32, #tpu.memory_space<vmem>>)
    %dma_wait3A_395 = arith.constant 128 : i32
    %dma_wait3A_396 = arith.constant 0 : i32
    %dma_wait3A_397 = tpu.memref_slice %arg12[%dma_wait3A_395, %dma_wait3A_396] : memref<1280x32xf32, #tpu.memory_space<vmem>> -> memref<128x32xf32, #tpu.memory_space<vmem>>
    %dma_wait3A_398 = arith.constant 1408 : i32
    %dma_wait3A_399 = tpu.memref_slice %arg8[%dma_wait3A_398] : memref<10240xi32, #tpu.memory_space<vmem>> -> memref<128xi32, #tpu.memory_space<vmem>>
    %dma_wait3A_400 = arith.constant 0 : i32
    %dma_wait3A_401 = arith.constant 0 : i32
    %dma_wait3A_402 = tpu.memref_slice %arg5[%dma_wait3A_400, %dma_wait3A_401] : memref<10000x32xf32, #tpu.memory_space<hbm>> -> memref<10000x32xf32, #tpu.memory_space<hbm>>
    tpu.wait_indirect_dma semaphore(%arg17 : memref<!tpu.dma_semaphore, #tpu.memory_space<semaphore_mem>>) src(%dma_wait3A_402 : memref<10000x32xf32, #tpu.memory_space<hbm>>) dst(%dma_wait3A_397 : memref<128x32xf32, #tpu.memory_space<vmem>>)
    %dma_wait3A_403 = arith.constant 256 : i32
    %dma_wait3A_404 = arith.constant 0 : i32
    %dma_wait3A_405 = tpu.memref_slice %arg12[%dma_wait3A_403, %dma_wait3A_404] : memref<1280x32xf32, #tpu.memory_space<vmem>> -> memref<128x32xf32, #tpu.memory_space<vmem>>
    %dma_wait3A_406 = arith.constant 1536 : i32
    %dma_wait3A_407 = tpu.memref_slice %arg8[%dma_wait3A_406] : memref<10240xi32, #tpu.memory_space<vmem>> -> memref<128xi32, #tpu.memory_space<vmem>>
    %dma_wait3A_408 = arith.constant 0 : i32
    %dma_wait3A_409 = arith.constant 0 : i32
    %dma_wait3A_410 = tpu.memref_slice %arg5[%dma_wait3A_408, %dma_wait3A_409] : memref<10000x32xf32, #tpu.memory_space<hbm>> -> memref<10000x32xf32, #tpu.memory_space<hbm>>
    tpu.wait_indirect_dma semaphore(%arg17 : memref<!tpu.dma_semaphore, #tpu.memory_space<semaphore_mem>>) src(%dma_wait3A_410 : memref<10000x32xf32, #tpu.memory_space<hbm>>) dst(%dma_wait3A_405 : memref<128x32xf32, #tpu.memory_space<vmem>>)
    %dma_wait3A_411 = arith.constant 384 : i32
    %dma_wait3A_412 = arith.constant 0 : i32
    %dma_wait3A_413 = tpu.memref_slice %arg12[%dma_wait3A_411, %dma_wait3A_412] : memref<1280x32xf32, #tpu.memory_space<vmem>> -> memref<128x32xf32, #tpu.memory_space<vmem>>
    %dma_wait3A_414 = arith.constant 1664 : i32
    %dma_wait3A_415 = tpu.memref_slice %arg8[%dma_wait3A_414] : memref<10240xi32, #tpu.memory_space<vmem>> -> memref<128xi32, #tpu.memory_space<vmem>>
    %dma_wait3A_416 = arith.constant 0 : i32
    %dma_wait3A_417 = arith.constant 0 : i32
    %dma_wait3A_418 = tpu.memref_slice %arg5[%dma_wait3A_416, %dma_wait3A_417] : memref<10000x32xf32, #tpu.memory_space<hbm>> -> memref<10000x32xf32, #tpu.memory_space<hbm>>
    tpu.wait_indirect_dma semaphore(%arg17 : memref<!tpu.dma_semaphore, #tpu.memory_space<semaphore_mem>>) src(%dma_wait3A_418 : memref<10000x32xf32, #tpu.memory_space<hbm>>) dst(%dma_wait3A_413 : memref<128x32xf32, #tpu.memory_space<vmem>>)
    %dma_wait3A_419 = arith.constant 512 : i32
    %dma_wait3A_420 = arith.constant 0 : i32
    %dma_wait3A_421 = tpu.memref_slice %arg12[%dma_wait3A_419, %dma_wait3A_420] : memref<1280x32xf32, #tpu.memory_space<vmem>> -> memref<128x32xf32, #tpu.memory_space<vmem>>
    %dma_wait3A_422 = arith.constant 1792 : i32
    %dma_wait3A_423 = tpu.memref_slice %arg8[%dma_wait3A_422] : memref<10240xi32, #tpu.memory_space<vmem>> -> memref<128xi32, #tpu.memory_space<vmem>>
    %dma_wait3A_424 = arith.constant 0 : i32
    %dma_wait3A_425 = arith.constant 0 : i32
    %dma_wait3A_426 = tpu.memref_slice %arg5[%dma_wait3A_424, %dma_wait3A_425] : memref<10000x32xf32, #tpu.memory_space<hbm>> -> memref<10000x32xf32, #tpu.memory_space<hbm>>
    tpu.wait_indirect_dma semaphore(%arg17 : memref<!tpu.dma_semaphore, #tpu.memory_space<semaphore_mem>>) src(%dma_wait3A_426 : memref<10000x32xf32, #tpu.memory_space<hbm>>) dst(%dma_wait3A_421 : memref<128x32xf32, #tpu.memory_space<vmem>>)
    %dma_wait3A_427 = arith.constant 640 : i32
    %dma_wait3A_428 = arith.constant 0 : i32
    %dma_wait3A_429 = tpu.memref_slice %arg12[%dma_wait3A_427, %dma_wait3A_428] : memref<1280x32xf32, #tpu.memory_space<vmem>> -> memref<128x32xf32, #tpu.memory_space<vmem>>
    %dma_wait3A_430 = arith.constant 1920 : i32
    %dma_wait3A_431 = tpu.memref_slice %arg8[%dma_wait3A_430] : memref<10240xi32, #tpu.memory_space<vmem>> -> memref<128xi32, #tpu.memory_space<vmem>>
    %dma_wait3A_432 = arith.constant 0 : i32
    %dma_wait3A_433 = arith.constant 0 : i32
    %dma_wait3A_434 = tpu.memref_slice %arg5[%dma_wait3A_432, %dma_wait3A_433] : memref<10000x32xf32, #tpu.memory_space<hbm>> -> memref<10000x32xf32, #tpu.memory_space<hbm>>
    tpu.wait_indirect_dma semaphore(%arg17 : memref<!tpu.dma_semaphore, #tpu.memory_space<semaphore_mem>>) src(%dma_wait3A_434 : memref<10000x32xf32, #tpu.memory_space<hbm>>) dst(%dma_wait3A_429 : memref<128x32xf32, #tpu.memory_space<vmem>>)
    %dma_wait3A_435 = arith.constant 768 : i32
    %dma_wait3A_436 = arith.constant 0 : i32
    %dma_wait3A_437 = tpu.memref_slice %arg12[%dma_wait3A_435, %dma_wait3A_436] : memref<1280x32xf32, #tpu.memory_space<vmem>> -> memref<128x32xf32, #tpu.memory_space<vmem>>
    %dma_wait3A_438 = arith.constant 2048 : i32
    %dma_wait3A_439 = tpu.memref_slice %arg8[%dma_wait3A_438] : memref<10240xi32, #tpu.memory_space<vmem>> -> memref<128xi32, #tpu.memory_space<vmem>>
    %dma_wait3A_440 = arith.constant 0 : i32
    %dma_wait3A_441 = arith.constant 0 : i32
    %dma_wait3A_442 = tpu.memref_slice %arg5[%dma_wait3A_440, %dma_wait3A_441] : memref<10000x32xf32, #tpu.memory_space<hbm>> -> memref<10000x32xf32, #tpu.memory_space<hbm>>
    tpu.wait_indirect_dma semaphore(%arg17 : memref<!tpu.dma_semaphore, #tpu.memory_space<semaphore_mem>>) src(%dma_wait3A_442 : memref<10000x32xf32, #tpu.memory_space<hbm>>) dst(%dma_wait3A_437 : memref<128x32xf32, #tpu.memory_space<vmem>>)
    %dma_wait3A_443 = arith.constant 896 : i32
    %dma_wait3A_444 = arith.constant 0 : i32
    %dma_wait3A_445 = tpu.memref_slice %arg12[%dma_wait3A_443, %dma_wait3A_444] : memref<1280x32xf32, #tpu.memory_space<vmem>> -> memref<128x32xf32, #tpu.memory_space<vmem>>
    %dma_wait3A_446 = arith.constant 2176 : i32
    %dma_wait3A_447 = tpu.memref_slice %arg8[%dma_wait3A_446] : memref<10240xi32, #tpu.memory_space<vmem>> -> memref<128xi32, #tpu.memory_space<vmem>>
    %dma_wait3A_448 = arith.constant 0 : i32
    %dma_wait3A_449 = arith.constant 0 : i32
    %dma_wait3A_450 = tpu.memref_slice %arg5[%dma_wait3A_448, %dma_wait3A_449] : memref<10000x32xf32, #tpu.memory_space<hbm>> -> memref<10000x32xf32, #tpu.memory_space<hbm>>
    tpu.wait_indirect_dma semaphore(%arg17 : memref<!tpu.dma_semaphore, #tpu.memory_space<semaphore_mem>>) src(%dma_wait3A_450 : memref<10000x32xf32, #tpu.memory_space<hbm>>) dst(%dma_wait3A_445 : memref<128x32xf32, #tpu.memory_space<vmem>>)
    %dma_wait3A_451 = arith.constant 1024 : i32
    %dma_wait3A_452 = arith.constant 0 : i32
    %dma_wait3A_453 = tpu.memref_slice %arg12[%dma_wait3A_451, %dma_wait3A_452] : memref<1280x32xf32, #tpu.memory_space<vmem>> -> memref<128x32xf32, #tpu.memory_space<vmem>>
    %dma_wait3A_454 = arith.constant 2304 : i32
    %dma_wait3A_455 = tpu.memref_slice %arg8[%dma_wait3A_454] : memref<10240xi32, #tpu.memory_space<vmem>> -> memref<128xi32, #tpu.memory_space<vmem>>
    %dma_wait3A_456 = arith.constant 0 : i32
    %dma_wait3A_457 = arith.constant 0 : i32
    %dma_wait3A_458 = tpu.memref_slice %arg5[%dma_wait3A_456, %dma_wait3A_457] : memref<10000x32xf32, #tpu.memory_space<hbm>> -> memref<10000x32xf32, #tpu.memory_space<hbm>>
    tpu.wait_indirect_dma semaphore(%arg17 : memref<!tpu.dma_semaphore, #tpu.memory_space<semaphore_mem>>) src(%dma_wait3A_458 : memref<10000x32xf32, #tpu.memory_space<hbm>>) dst(%dma_wait3A_453 : memref<128x32xf32, #tpu.memory_space<vmem>>)
    %dma_wait3A_459 = arith.constant 1152 : i32
    %dma_wait3A_460 = arith.constant 0 : i32
    %dma_wait3A_461 = tpu.memref_slice %arg12[%dma_wait3A_459, %dma_wait3A_460] : memref<1280x32xf32, #tpu.memory_space<vmem>> -> memref<128x32xf32, #tpu.memory_space<vmem>>
    %dma_wait3A_462 = arith.constant 2432 : i32
    %dma_wait3A_463 = tpu.memref_slice %arg8[%dma_wait3A_462] : memref<10240xi32, #tpu.memory_space<vmem>> -> memref<128xi32, #tpu.memory_space<vmem>>
    %dma_wait3A_464 = arith.constant 0 : i32
    %dma_wait3A_465 = arith.constant 0 : i32
    %dma_wait3A_466 = tpu.memref_slice %arg5[%dma_wait3A_464, %dma_wait3A_465] : memref<10000x32xf32, #tpu.memory_space<hbm>> -> memref<10000x32xf32, #tpu.memory_space<hbm>>
    tpu.wait_indirect_dma semaphore(%arg17 : memref<!tpu.dma_semaphore, #tpu.memory_space<semaphore_mem>>) src(%dma_wait3A_466 : memref<10000x32xf32, #tpu.memory_space<hbm>>) dst(%dma_wait3A_461 : memref<128x32xf32, #tpu.memory_space<vmem>>)
    %scan3A_467 = arith.constant 0 : i32
    %scan3A_468 = arith.constant 0 : i32
    %scan3A_469 = arith.constant 64 : i32
    %scan3A_470 = arith.addi %scan3A_468, %scan3A_469 : i32
    %scan3A_471 = arith.constant 1 : i32
    scf.for %scan3A_1493 = %scan3A_468 to %scan3A_470 step %scan3A_471  : i32 {
      %mul3A_1494 = arith.constant 20 : i32
      %mul3A_1495 = arith.muli %scan3A_1493, %mul3A_1494 : i32
      %get3A_1496 = arith.index_cast %mul3A_1495 : i32 to index
      %get3A_1497 = arith.constant 0 : index
      %get3A_1498 = tpu.vector_load %arg12[%get3A_1496, %get3A_1497] {strides = array<i32>} : memref<1280x32xf32, #tpu.memory_space<vmem>>, vector<16xf32>,
      %get3A_1499 = arith.index_cast %mul3A_1495 : i32 to index
      %get3A_1500 = arith.constant 16 : index
      %get3A_1501 = tpu.vector_load %arg12[%get3A_1499, %get3A_1500] {strides = array<i32>} : memref<1280x32xf32, #tpu.memory_space<vmem>>, vector<16xf32>,
      %add3A_1502 = arith.constant 1 : i32
      %add3A_1503 = arith.addi %mul3A_1495, %add3A_1502 : i32
      %get3A_1504 = arith.index_cast %add3A_1503 : i32 to index
      %get3A_1505 = arith.constant 0 : index
      %get3A_1506 = tpu.vector_load %arg12[%get3A_1504, %get3A_1505] {strides = array<i32>} : memref<1280x32xf32, #tpu.memory_space<vmem>>, vector<16xf32>,
      %add3A_1507 = arith.addf %get3A_1498, %get3A_1506 : vector<16xf32>
      %add3A_1508 = arith.constant 1 : i32
      %add3A_1509 = arith.addi %mul3A_1495, %add3A_1508 : i32
      %get3A_1510 = arith.index_cast %add3A_1509 : i32 to index
      %get3A_1511 = arith.constant 16 : index
      %get3A_1512 = tpu.vector_load %arg12[%get3A_1510, %get3A_1511] {strides = array<i32>} : memref<1280x32xf32, #tpu.memory_space<vmem>>, vector<16xf32>,
      %add3A_1513 = arith.addf %get3A_1501, %get3A_1512 : vector<16xf32>
      %add3A_1514 = arith.constant 2 : i32
      %add3A_1515 = arith.addi %mul3A_1495, %add3A_1514 : i32
      %get3A_1516 = arith.index_cast %add3A_1515 : i32 to index
      %get3A_1517 = arith.constant 0 : index
      %get3A_1518 = tpu.vector_load %arg12[%get3A_1516, %get3A_1517] {strides = array<i32>} : memref<1280x32xf32, #tpu.memory_space<vmem>>, vector<16xf32>,
      %add3A_1519 = arith.addf %add3A_1507, %get3A_1518 : vector<16xf32>
      %add3A_1520 = arith.constant 2 : i32
      %add3A_1521 = arith.addi %mul3A_1495, %add3A_1520 : i32
      %get3A_1522 = arith.index_cast %add3A_1521 : i32 to index
      %get3A_1523 = arith.constant 16 : index
      %get3A_1524 = tpu.vector_load %arg12[%get3A_1522, %get3A_1523] {strides = array<i32>} : memref<1280x32xf32, #tpu.memory_space<vmem>>, vector<16xf32>,
      %add3A_1525 = arith.addf %add3A_1513, %get3A_1524 : vector<16xf32>
      %add3A_1526 = arith.constant 3 : i32
      %add3A_1527 = arith.addi %mul3A_1495, %add3A_1526 : i32
      %get3A_1528 = arith.index_cast %add3A_1527 : i32 to index
      %get3A_1529 = arith.constant 0 : index
      %get3A_1530 = tpu.vector_load %arg12[%get3A_1528, %get3A_1529] {strides = array<i32>} : memref<1280x32xf32, #tpu.memory_space<vmem>>, vector<16xf32>,
      %add3A_1531 = arith.addf %add3A_1519, %get3A_1530 : vector<16xf32>
      %add3A_1532 = arith.constant 3 : i32
      %add3A_1533 = arith.addi %mul3A_1495, %add3A_1532 : i32
      %get3A_1534 = arith.index_cast %add3A_1533 : i32 to index
      %get3A_1535 = arith.constant 16 : index
      %get3A_1536 = tpu.vector_load %arg12[%get3A_1534, %get3A_1535] {strides = array<i32>} : memref<1280x32xf32, #tpu.memory_space<vmem>>, vector<16xf32>,
      %add3A_1537 = arith.addf %add3A_1525, %get3A_1536 : vector<16xf32>
      %add3A_1538 = arith.constant 4 : i32
      %add3A_1539 = arith.addi %mul3A_1495, %add3A_1538 : i32
      %get3A_1540 = arith.index_cast %add3A_1539 : i32 to index
      %get3A_1541 = arith.constant 0 : index
      %get3A_1542 = tpu.vector_load %arg12[%get3A_1540, %get3A_1541] {strides = array<i32>} : memref<1280x32xf32, #tpu.memory_space<vmem>>, vector<16xf32>,
      %add3A_1543 = arith.addf %add3A_1531, %get3A_1542 : vector<16xf32>
      %add3A_1544 = arith.constant 4 : i32
      %add3A_1545 = arith.addi %mul3A_1495, %add3A_1544 : i32
      %get3A_1546 = arith.index_cast %add3A_1545 : i32 to index
      %get3A_1547 = arith.constant 16 : index
      %get3A_1548 = tpu.vector_load %arg12[%get3A_1546, %get3A_1547] {strides = array<i32>} : memref<1280x32xf32, #tpu.memory_space<vmem>>, vector<16xf32>,
      %add3A_1549 = arith.addf %add3A_1537, %get3A_1548 : vector<16xf32>
      %add3A_1550 = arith.constant 5 : i32
      %add3A_1551 = arith.addi %mul3A_1495, %add3A_1550 : i32
      %get3A_1552 = arith.index_cast %add3A_1551 : i32 to index
      %get3A_1553 = arith.constant 0 : index
      %get3A_1554 = tpu.vector_load %arg12[%get3A_1552, %get3A_1553] {strides = array<i32>} : memref<1280x32xf32, #tpu.memory_space<vmem>>, vector<16xf32>,
      %add3A_1555 = arith.addf %add3A_1543, %get3A_1554 : vector<16xf32>
      %add3A_1556 = arith.constant 5 : i32
      %add3A_1557 = arith.addi %mul3A_1495, %add3A_1556 : i32
      %get3A_1558 = arith.index_cast %add3A_1557 : i32 to index
      %get3A_1559 = arith.constant 16 : index
      %get3A_1560 = tpu.vector_load %arg12[%get3A_1558, %get3A_1559] {strides = array<i32>} : memref<1280x32xf32, #tpu.memory_space<vmem>>, vector<16xf32>,
      %add3A_1561 = arith.addf %add3A_1549, %get3A_1560 : vector<16xf32>
      %add3A_1562 = arith.constant 6 : i32
      %add3A_1563 = arith.addi %mul3A_1495, %add3A_1562 : i32
      %get3A_1564 = arith.index_cast %add3A_1563 : i32 to index
      %get3A_1565 = arith.constant 0 : index
      %get3A_1566 = tpu.vector_load %arg12[%get3A_1564, %get3A_1565] {strides = array<i32>} : memref<1280x32xf32, #tpu.memory_space<vmem>>, vector<16xf32>,
      %add3A_1567 = arith.addf %add3A_1555, %get3A_1566 : vector<16xf32>
      %add3A_1568 = arith.constant 6 : i32
      %add3A_1569 = arith.addi %mul3A_1495, %add3A_1568 : i32
      %get3A_1570 = arith.index_cast %add3A_1569 : i32 to index
      %get3A_1571 = arith.constant 16 : index
      %get3A_1572 = tpu.vector_load %arg12[%get3A_1570, %get3A_1571] {strides = array<i32>} : memref<1280x32xf32, #tpu.memory_space<vmem>>, vector<16xf32>,
      %add3A_1573 = arith.addf %add3A_1561, %get3A_1572 : vector<16xf32>
      %add3A_1574 = arith.constant 7 : i32
      %add3A_1575 = arith.addi %mul3A_1495, %add3A_1574 : i32
      %get3A_1576 = arith.index_cast %add3A_1575 : i32 to index
      %get3A_1577 = arith.constant 0 : index
      %get3A_1578 = tpu.vector_load %arg12[%get3A_1576, %get3A_1577] {strides = array<i32>} : memref<1280x32xf32, #tpu.memory_space<vmem>>, vector<16xf32>,
      %add3A_1579 = arith.addf %add3A_1567, %get3A_1578 : vector<16xf32>
      %add3A_1580 = arith.constant 7 : i32
      %add3A_1581 = arith.addi %mul3A_1495, %add3A_1580 : i32
      %get3A_1582 = arith.index_cast %add3A_1581 : i32 to index
      %get3A_1583 = arith.constant 16 : index
      %get3A_1584 = tpu.vector_load %arg12[%get3A_1582, %get3A_1583] {strides = array<i32>} : memref<1280x32xf32, #tpu.memory_space<vmem>>, vector<16xf32>,
      %add3A_1585 = arith.addf %add3A_1573, %get3A_1584 : vector<16xf32>
      %add3A_1586 = arith.constant 8 : i32
      %add3A_1587 = arith.addi %mul3A_1495, %add3A_1586 : i32
      %get3A_1588 = arith.index_cast %add3A_1587 : i32 to index
      %get3A_1589 = arith.constant 0 : index
      %get3A_1590 = tpu.vector_load %arg12[%get3A_1588, %get3A_1589] {strides = array<i32>} : memref<1280x32xf32, #tpu.memory_space<vmem>>, vector<16xf32>,
      %add3A_1591 = arith.addf %add3A_1579, %get3A_1590 : vector<16xf32>
      %add3A_1592 = arith.constant 8 : i32
      %add3A_1593 = arith.addi %mul3A_1495, %add3A_1592 : i32
      %get3A_1594 = arith.index_cast %add3A_1593 : i32 to index
      %get3A_1595 = arith.constant 16 : index
      %get3A_1596 = tpu.vector_load %arg12[%get3A_1594, %get3A_1595] {strides = array<i32>} : memref<1280x32xf32, #tpu.memory_space<vmem>>, vector<16xf32>,
      %add3A_1597 = arith.addf %add3A_1585, %get3A_1596 : vector<16xf32>
      %add3A_1598 = arith.constant 9 : i32
      %add3A_1599 = arith.addi %mul3A_1495, %add3A_1598 : i32
      %get3A_1600 = arith.index_cast %add3A_1599 : i32 to index
      %get3A_1601 = arith.constant 0 : index
      %get3A_1602 = tpu.vector_load %arg12[%get3A_1600, %get3A_1601] {strides = array<i32>} : memref<1280x32xf32, #tpu.memory_space<vmem>>, vector<16xf32>,
      %add3A_1603 = arith.addf %add3A_1591, %get3A_1602 : vector<16xf32>
      %add3A_1604 = arith.constant 9 : i32
      %add3A_1605 = arith.addi %mul3A_1495, %add3A_1604 : i32
      %get3A_1606 = arith.index_cast %add3A_1605 : i32 to index
      %get3A_1607 = arith.constant 16 : index
      %get3A_1608 = tpu.vector_load %arg12[%get3A_1606, %get3A_1607] {strides = array<i32>} : memref<1280x32xf32, #tpu.memory_space<vmem>>, vector<16xf32>,
      %add3A_1609 = arith.addf %add3A_1597, %get3A_1608 : vector<16xf32>
      %add3A_1610 = arith.constant 10 : i32
      %add3A_1611 = arith.addi %mul3A_1495, %add3A_1610 : i32
      %get3A_1612 = arith.index_cast %add3A_1611 : i32 to index
      %get3A_1613 = arith.constant 0 : index
      %get3A_1614 = tpu.vector_load %arg12[%get3A_1612, %get3A_1613] {strides = array<i32>} : memref<1280x32xf32, #tpu.memory_space<vmem>>, vector<16xf32>,
      %add3A_1615 = arith.addf %add3A_1603, %get3A_1614 : vector<16xf32>
      %add3A_1616 = arith.constant 10 : i32
      %add3A_1617 = arith.addi %mul3A_1495, %add3A_1616 : i32
      %get3A_1618 = arith.index_cast %add3A_1617 : i32 to index
      %get3A_1619 = arith.constant 16 : index
      %get3A_1620 = tpu.vector_load %arg12[%get3A_1618, %get3A_1619] {strides = array<i32>} : memref<1280x32xf32, #tpu.memory_space<vmem>>, vector<16xf32>,
      %add3A_1621 = arith.addf %add3A_1609, %get3A_1620 : vector<16xf32>
      %add3A_1622 = arith.constant 11 : i32
      %add3A_1623 = arith.addi %mul3A_1495, %add3A_1622 : i32
      %get3A_1624 = arith.index_cast %add3A_1623 : i32 to index
      %get3A_1625 = arith.constant 0 : index
      %get3A_1626 = tpu.vector_load %arg12[%get3A_1624, %get3A_1625] {strides = array<i32>} : memref<1280x32xf32, #tpu.memory_space<vmem>>, vector<16xf32>,
      %add3A_1627 = arith.addf %add3A_1615, %get3A_1626 : vector<16xf32>
      %add3A_1628 = arith.constant 11 : i32
      %add3A_1629 = arith.addi %mul3A_1495, %add3A_1628 : i32
      %get3A_1630 = arith.index_cast %add3A_1629 : i32 to index
      %get3A_1631 = arith.constant 16 : index
      %get3A_1632 = tpu.vector_load %arg12[%get3A_1630, %get3A_1631] {strides = array<i32>} : memref<1280x32xf32, #tpu.memory_space<vmem>>, vector<16xf32>,
      %add3A_1633 = arith.addf %add3A_1621, %get3A_1632 : vector<16xf32>
      %add3A_1634 = arith.constant 12 : i32
      %add3A_1635 = arith.addi %mul3A_1495, %add3A_1634 : i32
      %get3A_1636 = arith.index_cast %add3A_1635 : i32 to index
      %get3A_1637 = arith.constant 0 : index
      %get3A_1638 = tpu.vector_load %arg12[%get3A_1636, %get3A_1637] {strides = array<i32>} : memref<1280x32xf32, #tpu.memory_space<vmem>>, vector<16xf32>,
      %add3A_1639 = arith.addf %add3A_1627, %get3A_1638 : vector<16xf32>
      %add3A_1640 = arith.constant 12 : i32
      %add3A_1641 = arith.addi %mul3A_1495, %add3A_1640 : i32
      %get3A_1642 = arith.index_cast %add3A_1641 : i32 to index
      %get3A_1643 = arith.constant 16 : index
      %get3A_1644 = tpu.vector_load %arg12[%get3A_1642, %get3A_1643] {strides = array<i32>} : memref<1280x32xf32, #tpu.memory_space<vmem>>, vector<16xf32>,
      %add3A_1645 = arith.addf %add3A_1633, %get3A_1644 : vector<16xf32>
      %add3A_1646 = arith.constant 13 : i32
      %add3A_1647 = arith.addi %mul3A_1495, %add3A_1646 : i32
      %get3A_1648 = arith.index_cast %add3A_1647 : i32 to index
      %get3A_1649 = arith.constant 0 : index
      %get3A_1650 = tpu.vector_load %arg12[%get3A_1648, %get3A_1649] {strides = array<i32>} : memref<1280x32xf32, #tpu.memory_space<vmem>>, vector<16xf32>,
      %add3A_1651 = arith.addf %add3A_1639, %get3A_1650 : vector<16xf32>
      %add3A_1652 = arith.constant 13 : i32
      %add3A_1653 = arith.addi %mul3A_1495, %add3A_1652 : i32
      %get3A_1654 = arith.index_cast %add3A_1653 : i32 to index
      %get3A_1655 = arith.constant 16 : index
      %get3A_1656 = tpu.vector_load %arg12[%get3A_1654, %get3A_1655] {strides = array<i32>} : memref<1280x32xf32, #tpu.memory_space<vmem>>, vector<16xf32>,
      %add3A_1657 = arith.addf %add3A_1645, %get3A_1656 : vector<16xf32>
      %add3A_1658 = arith.constant 14 : i32
      %add3A_1659 = arith.addi %mul3A_1495, %add3A_1658 : i32
      %get3A_1660 = arith.index_cast %add3A_1659 : i32 to index
      %get3A_1661 = arith.constant 0 : index
      %get3A_1662 = tpu.vector_load %arg12[%get3A_1660, %get3A_1661] {strides = array<i32>} : memref<1280x32xf32, #tpu.memory_space<vmem>>, vector<16xf32>,
      %add3A_1663 = arith.addf %add3A_1651, %get3A_1662 : vector<16xf32>
      %add3A_1664 = arith.constant 14 : i32
      %add3A_1665 = arith.addi %mul3A_1495, %add3A_1664 : i32
      %get3A_1666 = arith.index_cast %add3A_1665 : i32 to index
      %get3A_1667 = arith.constant 16 : index
      %get3A_1668 = tpu.vector_load %arg12[%get3A_1666, %get3A_1667] {strides = array<i32>} : memref<1280x32xf32, #tpu.memory_space<vmem>>, vector<16xf32>,
      %add3A_1669 = arith.addf %add3A_1657, %get3A_1668 : vector<16xf32>
      %add3A_1670 = arith.constant 15 : i32
      %add3A_1671 = arith.addi %mul3A_1495, %add3A_1670 : i32
      %get3A_1672 = arith.index_cast %add3A_1671 : i32 to index
      %get3A_1673 = arith.constant 0 : index
      %get3A_1674 = tpu.vector_load %arg12[%get3A_1672, %get3A_1673] {strides = array<i32>} : memref<1280x32xf32, #tpu.memory_space<vmem>>, vector<16xf32>,
      %add3A_1675 = arith.addf %add3A_1663, %get3A_1674 : vector<16xf32>
      %add3A_1676 = arith.constant 15 : i32
      %add3A_1677 = arith.addi %mul3A_1495, %add3A_1676 : i32
      %get3A_1678 = arith.index_cast %add3A_1677 : i32 to index
      %get3A_1679 = arith.constant 16 : index
      %get3A_1680 = tpu.vector_load %arg12[%get3A_1678, %get3A_1679] {strides = array<i32>} : memref<1280x32xf32, #tpu.memory_space<vmem>>, vector<16xf32>,
      %add3A_1681 = arith.addf %add3A_1669, %get3A_1680 : vector<16xf32>
      %add3A_1682 = arith.constant 16 : i32
      %add3A_1683 = arith.addi %mul3A_1495, %add3A_1682 : i32
      %get3A_1684 = arith.index_cast %add3A_1683 : i32 to index
      %get3A_1685 = arith.constant 0 : index
      %get3A_1686 = tpu.vector_load %arg12[%get3A_1684, %get3A_1685] {strides = array<i32>} : memref<1280x32xf32, #tpu.memory_space<vmem>>, vector<16xf32>,
      %add3A_1687 = arith.addf %add3A_1675, %get3A_1686 : vector<16xf32>
      %add3A_1688 = arith.constant 16 : i32
      %add3A_1689 = arith.addi %mul3A_1495, %add3A_1688 : i32
      %get3A_1690 = arith.index_cast %add3A_1689 : i32 to index
      %get3A_1691 = arith.constant 16 : index
      %get3A_1692 = tpu.vector_load %arg12[%get3A_1690, %get3A_1691] {strides = array<i32>} : memref<1280x32xf32, #tpu.memory_space<vmem>>, vector<16xf32>,
      %add3A_1693 = arith.addf %add3A_1681, %get3A_1692 : vector<16xf32>
      %add3A_1694 = arith.constant 17 : i32
      %add3A_1695 = arith.addi %mul3A_1495, %add3A_1694 : i32
      %get3A_1696 = arith.index_cast %add3A_1695 : i32 to index
      %get3A_1697 = arith.constant 0 : index
      %get3A_1698 = tpu.vector_load %arg12[%get3A_1696, %get3A_1697] {strides = array<i32>} : memref<1280x32xf32, #tpu.memory_space<vmem>>, vector<16xf32>,
      %add3A_1699 = arith.addf %add3A_1687, %get3A_1698 : vector<16xf32>
      %add3A_1700 = arith.constant 17 : i32
      %add3A_1701 = arith.addi %mul3A_1495, %add3A_1700 : i32
      %get3A_1702 = arith.index_cast %add3A_1701 : i32 to index
      %get3A_1703 = arith.constant 16 : index
      %get3A_1704 = tpu.vector_load %arg12[%get3A_1702, %get3A_1703] {strides = array<i32>} : memref<1280x32xf32, #tpu.memory_space<vmem>>, vector<16xf32>,
      %add3A_1705 = arith.addf %add3A_1693, %get3A_1704 : vector<16xf32>
      %add3A_1706 = arith.constant 18 : i32
      %add3A_1707 = arith.addi %mul3A_1495, %add3A_1706 : i32
      %get3A_1708 = arith.index_cast %add3A_1707 : i32 to index
      %get3A_1709 = arith.constant 0 : index
      %get3A_1710 = tpu.vector_load %arg12[%get3A_1708, %get3A_1709] {strides = array<i32>} : memref<1280x32xf32, #tpu.memory_space<vmem>>, vector<16xf32>,
      %add3A_1711 = arith.addf %add3A_1699, %get3A_1710 : vector<16xf32>
      %add3A_1712 = arith.constant 18 : i32
      %add3A_1713 = arith.addi %mul3A_1495, %add3A_1712 : i32
      %get3A_1714 = arith.index_cast %add3A_1713 : i32 to index
      %get3A_1715 = arith.constant 16 : index
      %get3A_1716 = tpu.vector_load %arg12[%get3A_1714, %get3A_1715] {strides = array<i32>} : memref<1280x32xf32, #tpu.memory_space<vmem>>, vector<16xf32>,
      %add3A_1717 = arith.addf %add3A_1705, %get3A_1716 : vector<16xf32>
      %add3A_1718 = arith.constant 19 : i32
      %add3A_1719 = arith.addi %mul3A_1495, %add3A_1718 : i32
      %get3A_1720 = arith.index_cast %add3A_1719 : i32 to index
      %get3A_1721 = arith.constant 0 : index
      %get3A_1722 = tpu.vector_load %arg12[%get3A_1720, %get3A_1721] {strides = array<i32>} : memref<1280x32xf32, #tpu.memory_space<vmem>>, vector<16xf32>,
      %add3A_1723 = arith.addf %add3A_1711, %get3A_1722 : vector<16xf32>
      %add3A_1724 = arith.constant 19 : i32
      %add3A_1725 = arith.addi %mul3A_1495, %add3A_1724 : i32
      %get3A_1726 = arith.index_cast %add3A_1725 : i32 to index
      %get3A_1727 = arith.constant 16 : index
      %get3A_1728 = tpu.vector_load %arg12[%get3A_1726, %get3A_1727] {strides = array<i32>} : memref<1280x32xf32, #tpu.memory_space<vmem>>, vector<16xf32>,
      %add3A_1729 = arith.addf %add3A_1717, %get3A_1728 : vector<16xf32>
      %mul3A_1730 = arith.constant 20 : i32
      %mul3A_1731 = arith.muli %scan3A_1493, %mul3A_1730 : i32
      %add3A_1732 = arith.constant 1280 : i32
      %add3A_1733 = arith.addi %add3A_1732, %mul3A_1731 : i32
      %get3A_1734 = arith.index_cast %add3A_1733 : i32 to index
      %get3A_1735 = tpu.vector_load %arg8[%get3A_1734] {strides = array<i32>} : memref<10240xi32, #tpu.memory_space<vmem>>, vector<16xi32>,
      %add3A_1736 = arith.constant 4 : i32
      %add3A_1737 = arith.addi %add3A_1733, %add3A_1736 : i32
      %get3A_1738 = arith.index_cast %add3A_1737 : i32 to index
      %get3A_1739 = tpu.vector_load %arg8[%get3A_1738] {strides = array<i32>} : memref<10240xi32, #tpu.memory_space<vmem>>, vector<16xi32>,
      %eq3A = arith.constant 0 : i32
      %eq3A_1740 = vector.broadcast %eq3A : i32 to vector<16xi32>
      %eq3A_1741 = arith.cmpi eq, %get3A_1735, %eq3A_1740 : vector<16xi32>
      %all_reduce_population_count3A = tpu.all_reduce %eq3A_1741 {dim = 0 : i64, kind = #tpu.reduction_kind<sum>} : vector<16xi1> -> vector<16xi32>
      %eq3A_1742 = arith.constant 0 : i32
      %eq3A_1743 = vector.broadcast %eq3A_1742 : i32 to vector<16xi32>
      %eq3A_1744 = arith.cmpi eq, %get3A_1739, %eq3A_1743 : vector<16xi32>
      %and3A = arith.andi %eq3A_1744, %ge3A_126 : vector<16xi1>
      %all_reduce_population_count3A_1745 = tpu.all_reduce %and3A {dim = 0 : i64, kind = #tpu.reduction_kind<sum>} : vector<16xi1> -> vector<16xi32>
      %add3A_1746 = arith.addi %all_reduce_population_count3A, %all_reduce_population_count3A_1745 : vector<16xi32>
      %convert_element_type3A = arith.sitofp %add3A_1746 : vector<16xi32> to vector<16xf32>
      %sub3A = arith.constant 2.000000e+01 : f32
      %sub3A_1747 = vector.broadcast %sub3A : f32 to vector<16xf32>
      %sub3A_1748 = arith.subf %sub3A_1747, %convert_element_type3A : vector<16xf32>
      %max3A = arith.constant 1.000000e+00 : f32
      %max3A_1749 = vector.broadcast %max3A : f32 to vector<16xf32>
      %max3A_1750 = arith.maximumf %sub3A_1748, %max3A_1749 : vector<16xf32>
      %div3A = arith.constant 1.000000e+00 : f32
      %div3A_1751 = vector.broadcast %div3A : f32 to vector<16xf32>
      %div3A_1752 = arith.divf %div3A_1751, %max3A_1750 : vector<16xf32>
      %add3A_1753 = arith.constant 64 : i32
      %add3A_1754 = arith.addi %add3A_1753, %scan3A_1493 : i32
      %get3A_1755 = arith.index_cast %add3A_1754 : i32 to index
      %get3A_1756 = arith.constant 0 : index
      %get3A_1757 = tpu.vector_load %arg10[%get3A_1755, %get3A_1756] {strides = array<i32>} : memref<512x32xf32, #tpu.memory_space<vmem>>, vector<16xf32>,
      %swap3A = arith.index_cast %scan3A_1493 : i32 to index
      %swap3A_1758 = arith.constant 0 : index
      %swap3A_1759 = tpu.vector_load %arg14[%swap3A, %swap3A_1758] {strides = array<i32>} : memref<64x64xf32, #tpu.memory_space<vmem>>, vector<16xf32>,
      tpu.vector_store %arg14[%swap3A, %swap3A_1758], %get3A_1757 {strides = array<i32>} : memref<64x64xf32, #tpu.memory_space<vmem>>, vector<16xf32>,
      %add3A_1760 = arith.constant 64 : i32
      %add3A_1761 = arith.addi %add3A_1760, %scan3A_1493 : i32
      %get3A_1762 = arith.index_cast %add3A_1761 : i32 to index
      %get3A_1763 = arith.constant 16 : index
      %get3A_1764 = tpu.vector_load %arg10[%get3A_1762, %get3A_1763] {strides = array<i32>} : memref<512x32xf32, #tpu.memory_space<vmem>>, vector<16xf32>,
      %swap3A_1765 = arith.index_cast %scan3A_1493 : i32 to index
      %swap3A_1766 = arith.constant 16 : index
      %swap3A_1767 = tpu.vector_load %arg14[%swap3A_1765, %swap3A_1766] {strides = array<i32>} : memref<64x64xf32, #tpu.memory_space<vmem>>, vector<16xf32>,
      tpu.vector_store %arg14[%swap3A_1765, %swap3A_1766], %get3A_1764 {strides = array<i32>} : memref<64x64xf32, #tpu.memory_space<vmem>>, vector<16xf32>,
      %mul3A_1768 = arith.mulf %convert_element_type3A, %get3A_122 : vector<16xf32>
      %sub3A_1769 = arith.subf %add3A_1723, %mul3A_1768 : vector<16xf32>
      %mul3A_1770 = arith.mulf %sub3A_1769, %div3A_1752 : vector<16xf32>
      %swap3A_1771 = arith.index_cast %scan3A_1493 : i32 to index
      %swap3A_1772 = arith.constant 32 : index
      %swap3A_1773 = tpu.vector_load %arg14[%swap3A_1771, %swap3A_1772] {strides = array<i32>} : memref<64x64xf32, #tpu.memory_space<vmem>>, vector<16xf32>,
      tpu.vector_store %arg14[%swap3A_1771, %swap3A_1772], %mul3A_1770 {strides = array<i32>} : memref<64x64xf32, #tpu.memory_space<vmem>>, vector<16xf32>,
      %mul3A_1774 = arith.mulf %convert_element_type3A, %get3A_124 : vector<16xf32>
      %sub3A_1775 = arith.subf %add3A_1729, %mul3A_1774 : vector<16xf32>
      %mul3A_1776 = arith.mulf %sub3A_1775, %div3A_1752 : vector<16xf32>
      %swap3A_1777 = arith.index_cast %scan3A_1493 : i32 to index
      %swap3A_1778 = arith.constant 48 : index
      %swap3A_1779 = tpu.vector_load %arg14[%swap3A_1777, %swap3A_1778] {strides = array<i32>} : memref<64x64xf32, #tpu.memory_space<vmem>>, vector<16xf32>,
      tpu.vector_store %arg14[%swap3A_1777, %swap3A_1778], %mul3A_1776 {strides = array<i32>} : memref<64x64xf32, #tpu.memory_space<vmem>>, vector<16xf32>,
    }
    %scan3A_472 = arith.constant 64 : i32
    %add3A_473 = arith.constant 64 : i32
    %add3A_474 = arith.addi %mul3A_2, %add3A_473 : i32
    %dma_start3A_475 = arith.constant 0 : i32
    %dma_start3A_476 = tpu.memref_slice %arg6[%add3A_474, %dma_start3A_475] : memref<16384x64xf32, #tpu.memory_space<hbm>> -> memref<64x64xf32, #tpu.memory_space<hbm>>
    %dma_start3A_477 = arith.constant 0 : i32
    %dma_start3A_478 = tpu.memref_slice %arg6[%add3A_474, %dma_start3A_477] : memref<16384x64xf32, #tpu.memory_space<hbm>> -> memref<64x64xf32, #tpu.memory_space<hbm>>
    tpu.enqueue_dma source(%arg14 : memref<64x64xf32, #tpu.memory_space<vmem>>) target(%dma_start3A_478 : memref<64x64xf32, #tpu.memory_space<hbm>>) target_semaphore(%arg19 : memref<!tpu.dma_semaphore, #tpu.memory_space<semaphore_mem>>)
    %dma_start3A_479 = arith.constant 0 : i32
    %dma_start3A_480 = arith.constant 0 : i32
    %dma_start3A_481 = tpu.memref_slice %arg12[%dma_start3A_479, %dma_start3A_480] : memref<1280x32xf32, #tpu.memory_space<vmem>> -> memref<128x32xf32, #tpu.memory_space<vmem>>
    %dma_start3A_482 = arith.constant 3840 : i32
    %dma_start3A_483 = tpu.memref_slice %arg8[%dma_start3A_482] : memref<10240xi32, #tpu.memory_space<vmem>> -> memref<128xi32, #tpu.memory_space<vmem>>
    %dma_start3A_484 = arith.constant 0 : i32
    %dma_start3A_485 = arith.constant 0 : i32
    %dma_start3A_486 = tpu.memref_slice %arg5[%dma_start3A_484, %dma_start3A_485] : memref<10000x32xf32, #tpu.memory_space<hbm>> -> memref<10000x32xf32, #tpu.memory_space<hbm>>
    tpu.enqueue_indirect_dma source(%dma_start3A_486 : memref<10000x32xf32, #tpu.memory_space<hbm>>) target(%dma_start3A_481 : memref<128x32xf32, #tpu.memory_space<vmem>>) offsets(%dma_start3A_483 : memref<128xi32, #tpu.memory_space<vmem>>) semaphore(%arg17 : memref<!tpu.dma_semaphore, #tpu.memory_space<semaphore_mem>>)
    %dma_start3A_487 = arith.constant 128 : i32
    %dma_start3A_488 = arith.constant 0 : i32
    %dma_start3A_489 = tpu.memref_slice %arg12[%dma_start3A_487, %dma_start3A_488] : memref<1280x32xf32, #tpu.memory_space<vmem>> -> memref<128x32xf32, #tpu.memory_space<vmem>>
    %dma_start3A_490 = arith.constant 3968 : i32
    %dma_start3A_491 = tpu.memref_slice %arg8[%dma_start3A_490] : memref<10240xi32, #tpu.memory_space<vmem>> -> memref<128xi32, #tpu.memory_space<vmem>>
    %dma_start3A_492 = arith.constant 0 : i32
    %dma_start3A_493 = arith.constant 0 : i32
    %dma_start3A_494 = tpu.memref_slice %arg5[%dma_start3A_492, %dma_start3A_493] : memref<10000x32xf32, #tpu.memory_space<hbm>> -> memref<10000x32xf32, #tpu.memory_space<hbm>>
    tpu.enqueue_indirect_dma source(%dma_start3A_494 : memref<10000x32xf32, #tpu.memory_space<hbm>>) target(%dma_start3A_489 : memref<128x32xf32, #tpu.memory_space<vmem>>) offsets(%dma_start3A_491 : memref<128xi32, #tpu.memory_space<vmem>>) semaphore(%arg17 : memref<!tpu.dma_semaphore, #tpu.memory_space<semaphore_mem>>)
    %dma_start3A_495 = arith.constant 256 : i32
    %dma_start3A_496 = arith.constant 0 : i32
    %dma_start3A_497 = tpu.memref_slice %arg12[%dma_start3A_495, %dma_start3A_496] : memref<1280x32xf32, #tpu.memory_space<vmem>> -> memref<128x32xf32, #tpu.memory_space<vmem>>
    %dma_start3A_498 = arith.constant 4096 : i32
    %dma_start3A_499 = tpu.memref_slice %arg8[%dma_start3A_498] : memref<10240xi32, #tpu.memory_space<vmem>> -> memref<128xi32, #tpu.memory_space<vmem>>
    %dma_start3A_500 = arith.constant 0 : i32
    %dma_start3A_501 = arith.constant 0 : i32
    %dma_start3A_502 = tpu.memref_slice %arg5[%dma_start3A_500, %dma_start3A_501] : memref<10000x32xf32, #tpu.memory_space<hbm>> -> memref<10000x32xf32, #tpu.memory_space<hbm>>
    tpu.enqueue_indirect_dma source(%dma_start3A_502 : memref<10000x32xf32, #tpu.memory_space<hbm>>) target(%dma_start3A_497 : memref<128x32xf32, #tpu.memory_space<vmem>>) offsets(%dma_start3A_499 : memref<128xi32, #tpu.memory_space<vmem>>) semaphore(%arg17 : memref<!tpu.dma_semaphore, #tpu.memory_space<semaphore_mem>>)
    %dma_start3A_503 = arith.constant 384 : i32
    %dma_start3A_504 = arith.constant 0 : i32
    %dma_start3A_505 = tpu.memref_slice %arg12[%dma_start3A_503, %dma_start3A_504] : memref<1280x32xf32, #tpu.memory_space<vmem>> -> memref<128x32xf32, #tpu.memory_space<vmem>>
    %dma_start3A_506 = arith.constant 4224 : i32
    %dma_start3A_507 = tpu.memref_slice %arg8[%dma_start3A_506] : memref<10240xi32, #tpu.memory_space<vmem>> -> memref<128xi32, #tpu.memory_space<vmem>>
    %dma_start3A_508 = arith.constant 0 : i32
    %dma_start3A_509 = arith.constant 0 : i32
    %dma_start3A_510 = tpu.memref_slice %arg5[%dma_start3A_508, %dma_start3A_509] : memref<10000x32xf32, #tpu.memory_space<hbm>> -> memref<10000x32xf32, #tpu.memory_space<hbm>>
    tpu.enqueue_indirect_dma source(%dma_start3A_510 : memref<10000x32xf32, #tpu.memory_space<hbm>>) target(%dma_start3A_505 : memref<128x32xf32, #tpu.memory_space<vmem>>) offsets(%dma_start3A_507 : memref<128xi32, #tpu.memory_space<vmem>>) semaphore(%arg17 : memref<!tpu.dma_semaphore, #tpu.memory_space<semaphore_mem>>)
    %dma_start3A_511 = arith.constant 512 : i32
    %dma_start3A_512 = arith.constant 0 : i32
    %dma_start3A_513 = tpu.memref_slice %arg12[%dma_start3A_511, %dma_start3A_512] : memref<1280x32xf32, #tpu.memory_space<vmem>> -> memref<128x32xf32, #tpu.memory_space<vmem>>
    %dma_start3A_514 = arith.constant 4352 : i32
    %dma_start3A_515 = tpu.memref_slice %arg8[%dma_start3A_514] : memref<10240xi32, #tpu.memory_space<vmem>> -> memref<128xi32, #tpu.memory_space<vmem>>
    %dma_start3A_516 = arith.constant 0 : i32
    %dma_start3A_517 = arith.constant 0 : i32
    %dma_start3A_518 = tpu.memref_slice %arg5[%dma_start3A_516, %dma_start3A_517] : memref<10000x32xf32, #tpu.memory_space<hbm>> -> memref<10000x32xf32, #tpu.memory_space<hbm>>
    tpu.enqueue_indirect_dma source(%dma_start3A_518 : memref<10000x32xf32, #tpu.memory_space<hbm>>) target(%dma_start3A_513 : memref<128x32xf32, #tpu.memory_space<vmem>>) offsets(%dma_start3A_515 : memref<128xi32, #tpu.memory_space<vmem>>) semaphore(%arg17 : memref<!tpu.dma_semaphore, #tpu.memory_space<semaphore_mem>>)
    %dma_start3A_519 = arith.constant 640 : i32
    %dma_start3A_520 = arith.constant 0 : i32
    %dma_start3A_521 = tpu.memref_slice %arg12[%dma_start3A_519, %dma_start3A_520] : memref<1280x32xf32, #tpu.memory_space<vmem>> -> memref<128x32xf32, #tpu.memory_space<vmem>>
    %dma_start3A_522 = arith.constant 4480 : i32
    %dma_start3A_523 = tpu.memref_slice %arg8[%dma_start3A_522] : memref<10240xi32, #tpu.memory_space<vmem>> -> memref<128xi32, #tpu.memory_space<vmem>>
    %dma_start3A_524 = arith.constant 0 : i32
    %dma_start3A_525 = arith.constant 0 : i32
    %dma_start3A_526 = tpu.memref_slice %arg5[%dma_start3A_524, %dma_start3A_525] : memref<10000x32xf32, #tpu.memory_space<hbm>> -> memref<10000x32xf32, #tpu.memory_space<hbm>>
    tpu.enqueue_indirect_dma source(%dma_start3A_526 : memref<10000x32xf32, #tpu.memory_space<hbm>>) target(%dma_start3A_521 : memref<128x32xf32, #tpu.memory_space<vmem>>) offsets(%dma_start3A_523 : memref<128xi32, #tpu.memory_space<vmem>>) semaphore(%arg17 : memref<!tpu.dma_semaphore, #tpu.memory_space<semaphore_mem>>)
    %dma_start3A_527 = arith.constant 768 : i32
    %dma_start3A_528 = arith.constant 0 : i32
    %dma_start3A_529 = tpu.memref_slice %arg12[%dma_start3A_527, %dma_start3A_528] : memref<1280x32xf32, #tpu.memory_space<vmem>> -> memref<128x32xf32, #tpu.memory_space<vmem>>
    %dma_start3A_530 = arith.constant 4608 : i32
    %dma_start3A_531 = tpu.memref_slice %arg8[%dma_start3A_530] : memref<10240xi32, #tpu.memory_space<vmem>> -> memref<128xi32, #tpu.memory_space<vmem>>
    %dma_start3A_532 = arith.constant 0 : i32
    %dma_start3A_533 = arith.constant 0 : i32
    %dma_start3A_534 = tpu.memref_slice %arg5[%dma_start3A_532, %dma_start3A_533] : memref<10000x32xf32, #tpu.memory_space<hbm>> -> memref<10000x32xf32, #tpu.memory_space<hbm>>
    tpu.enqueue_indirect_dma source(%dma_start3A_534 : memref<10000x32xf32, #tpu.memory_space<hbm>>) target(%dma_start3A_529 : memref<128x32xf32, #tpu.memory_space<vmem>>) offsets(%dma_start3A_531 : memref<128xi32, #tpu.memory_space<vmem>>) semaphore(%arg17 : memref<!tpu.dma_semaphore, #tpu.memory_space<semaphore_mem>>)
    %dma_start3A_535 = arith.constant 896 : i32
    %dma_start3A_536 = arith.constant 0 : i32
    %dma_start3A_537 = tpu.memref_slice %arg12[%dma_start3A_535, %dma_start3A_536] : memref<1280x32xf32, #tpu.memory_space<vmem>> -> memref<128x32xf32, #tpu.memory_space<vmem>>
    %dma_start3A_538 = arith.constant 4736 : i32
    %dma_start3A_539 = tpu.memref_slice %arg8[%dma_start3A_538] : memref<10240xi32, #tpu.memory_space<vmem>> -> memref<128xi32, #tpu.memory_space<vmem>>
    %dma_start3A_540 = arith.constant 0 : i32
    %dma_start3A_541 = arith.constant 0 : i32
    %dma_start3A_542 = tpu.memref_slice %arg5[%dma_start3A_540, %dma_start3A_541] : memref<10000x32xf32, #tpu.memory_space<hbm>> -> memref<10000x32xf32, #tpu.memory_space<hbm>>
    tpu.enqueue_indirect_dma source(%dma_start3A_542 : memref<10000x32xf32, #tpu.memory_space<hbm>>) target(%dma_start3A_537 : memref<128x32xf32, #tpu.memory_space<vmem>>) offsets(%dma_start3A_539 : memref<128xi32, #tpu.memory_space<vmem>>) semaphore(%arg17 : memref<!tpu.dma_semaphore, #tpu.memory_space<semaphore_mem>>)
    %dma_start3A_543 = arith.constant 1024 : i32
    %dma_start3A_544 = arith.constant 0 : i32
    %dma_start3A_545 = tpu.memref_slice %arg12[%dma_start3A_543, %dma_start3A_544] : memref<1280x32xf32, #tpu.memory_space<vmem>> -> memref<128x32xf32, #tpu.memory_space<vmem>>
    %dma_start3A_546 = arith.constant 4864 : i32
    %dma_start3A_547 = tpu.memref_slice %arg8[%dma_start3A_546] : memref<10240xi32, #tpu.memory_space<vmem>> -> memref<128xi32, #tpu.memory_space<vmem>>
    %dma_start3A_548 = arith.constant 0 : i32
    %dma_start3A_549 = arith.constant 0 : i32
    %dma_start3A_550 = tpu.memref_slice %arg5[%dma_start3A_548, %dma_start3A_549] : memref<10000x32xf32, #tpu.memory_space<hbm>> -> memref<10000x32xf32, #tpu.memory_space<hbm>>
    tpu.enqueue_indirect_dma source(%dma_start3A_550 : memref<10000x32xf32, #tpu.memory_space<hbm>>) target(%dma_start3A_545 : memref<128x32xf32, #tpu.memory_space<vmem>>) offsets(%dma_start3A_547 : memref<128xi32, #tpu.memory_space<vmem>>) semaphore(%arg17 : memref<!tpu.dma_semaphore, #tpu.memory_space<semaphore_mem>>)
    %dma_start3A_551 = arith.constant 1152 : i32
    %dma_start3A_552 = arith.constant 0 : i32
    %dma_start3A_553 = tpu.memref_slice %arg12[%dma_start3A_551, %dma_start3A_552] : memref<1280x32xf32, #tpu.memory_space<vmem>> -> memref<128x32xf32, #tpu.memory_space<vmem>>
    %dma_start3A_554 = arith.constant 4992 : i32
    %dma_start3A_555 = tpu.memref_slice %arg8[%dma_start3A_554] : memref<10240xi32, #tpu.memory_space<vmem>> -> memref<128xi32, #tpu.memory_space<vmem>>
    %dma_start3A_556 = arith.constant 0 : i32
    %dma_start3A_557 = arith.constant 0 : i32
    %dma_start3A_558 = tpu.memref_slice %arg5[%dma_start3A_556, %dma_start3A_557] : memref<10000x32xf32, #tpu.memory_space<hbm>> -> memref<10000x32xf32, #tpu.memory_space<hbm>>
    tpu.enqueue_indirect_dma source(%dma_start3A_558 : memref<10000x32xf32, #tpu.memory_space<hbm>>) target(%dma_start3A_553 : memref<128x32xf32, #tpu.memory_space<vmem>>) offsets(%dma_start3A_555 : memref<128xi32, #tpu.memory_space<vmem>>) semaphore(%arg17 : memref<!tpu.dma_semaphore, #tpu.memory_space<semaphore_mem>>)
    %dma_wait3A_559 = arith.constant 0 : i32
    %dma_wait3A_560 = arith.constant 0 : i32
    %dma_wait3A_561 = tpu.memref_slice %arg11[%dma_wait3A_559, %dma_wait3A_560] : memref<1280x32xf32, #tpu.memory_space<vmem>> -> memref<128x32xf32, #tpu.memory_space<vmem>>
    %dma_wait3A_562 = arith.constant 2560 : i32
    %dma_wait3A_563 = tpu.memref_slice %arg8[%dma_wait3A_562] : memref<10240xi32, #tpu.memory_space<vmem>> -> memref<128xi32, #tpu.memory_space<vmem>>
    %dma_wait3A_564 = arith.constant 0 : i32
    %dma_wait3A_565 = arith.constant 0 : i32
    %dma_wait3A_566 = tpu.memref_slice %arg5[%dma_wait3A_564, %dma_wait3A_565] : memref<10000x32xf32, #tpu.memory_space<hbm>> -> memref<10000x32xf32, #tpu.memory_space<hbm>>
    tpu.wait_indirect_dma semaphore(%arg16 : memref<!tpu.dma_semaphore, #tpu.memory_space<semaphore_mem>>) src(%dma_wait3A_566 : memref<10000x32xf32, #tpu.memory_space<hbm>>) dst(%dma_wait3A_561 : memref<128x32xf32, #tpu.memory_space<vmem>>)
    %dma_wait3A_567 = arith.constant 128 : i32
    %dma_wait3A_568 = arith.constant 0 : i32
    %dma_wait3A_569 = tpu.memref_slice %arg11[%dma_wait3A_567, %dma_wait3A_568] : memref<1280x32xf32, #tpu.memory_space<vmem>> -> memref<128x32xf32, #tpu.memory_space<vmem>>
    %dma_wait3A_570 = arith.constant 2688 : i32
    %dma_wait3A_571 = tpu.memref_slice %arg8[%dma_wait3A_570] : memref<10240xi32, #tpu.memory_space<vmem>> -> memref<128xi32, #tpu.memory_space<vmem>>
    %dma_wait3A_572 = arith.constant 0 : i32
    %dma_wait3A_573 = arith.constant 0 : i32
    %dma_wait3A_574 = tpu.memref_slice %arg5[%dma_wait3A_572, %dma_wait3A_573] : memref<10000x32xf32, #tpu.memory_space<hbm>> -> memref<10000x32xf32, #tpu.memory_space<hbm>>
    tpu.wait_indirect_dma semaphore(%arg16 : memref<!tpu.dma_semaphore, #tpu.memory_space<semaphore_mem>>) src(%dma_wait3A_574 : memref<10000x32xf32, #tpu.memory_space<hbm>>) dst(%dma_wait3A_569 : memref<128x32xf32, #tpu.memory_space<vmem>>)
    %dma_wait3A_575 = arith.constant 256 : i32
    %dma_wait3A_576 = arith.constant 0 : i32
    %dma_wait3A_577 = tpu.memref_slice %arg11[%dma_wait3A_575, %dma_wait3A_576] : memref<1280x32xf32, #tpu.memory_space<vmem>> -> memref<128x32xf32, #tpu.memory_space<vmem>>
    %dma_wait3A_578 = arith.constant 2816 : i32
    %dma_wait3A_579 = tpu.memref_slice %arg8[%dma_wait3A_578] : memref<10240xi32, #tpu.memory_space<vmem>> -> memref<128xi32, #tpu.memory_space<vmem>>
    %dma_wait3A_580 = arith.constant 0 : i32
    %dma_wait3A_581 = arith.constant 0 : i32
    %dma_wait3A_582 = tpu.memref_slice %arg5[%dma_wait3A_580, %dma_wait3A_581] : memref<10000x32xf32, #tpu.memory_space<hbm>> -> memref<10000x32xf32, #tpu.memory_space<hbm>>
    tpu.wait_indirect_dma semaphore(%arg16 : memref<!tpu.dma_semaphore, #tpu.memory_space<semaphore_mem>>) src(%dma_wait3A_582 : memref<10000x32xf32, #tpu.memory_space<hbm>>) dst(%dma_wait3A_577 : memref<128x32xf32, #tpu.memory_space<vmem>>)
    %dma_wait3A_583 = arith.constant 384 : i32
    %dma_wait3A_584 = arith.constant 0 : i32
    %dma_wait3A_585 = tpu.memref_slice %arg11[%dma_wait3A_583, %dma_wait3A_584] : memref<1280x32xf32, #tpu.memory_space<vmem>> -> memref<128x32xf32, #tpu.memory_space<vmem>>
    %dma_wait3A_586 = arith.constant 2944 : i32
    %dma_wait3A_587 = tpu.memref_slice %arg8[%dma_wait3A_586] : memref<10240xi32, #tpu.memory_space<vmem>> -> memref<128xi32, #tpu.memory_space<vmem>>
    %dma_wait3A_588 = arith.constant 0 : i32
    %dma_wait3A_589 = arith.constant 0 : i32
    %dma_wait3A_590 = tpu.memref_slice %arg5[%dma_wait3A_588, %dma_wait3A_589] : memref<10000x32xf32, #tpu.memory_space<hbm>> -> memref<10000x32xf32, #tpu.memory_space<hbm>>
    tpu.wait_indirect_dma semaphore(%arg16 : memref<!tpu.dma_semaphore, #tpu.memory_space<semaphore_mem>>) src(%dma_wait3A_590 : memref<10000x32xf32, #tpu.memory_space<hbm>>) dst(%dma_wait3A_585 : memref<128x32xf32, #tpu.memory_space<vmem>>)
    %dma_wait3A_591 = arith.constant 512 : i32
    %dma_wait3A_592 = arith.constant 0 : i32
    %dma_wait3A_593 = tpu.memref_slice %arg11[%dma_wait3A_591, %dma_wait3A_592] : memref<1280x32xf32, #tpu.memory_space<vmem>> -> memref<128x32xf32, #tpu.memory_space<vmem>>
    %dma_wait3A_594 = arith.constant 3072 : i32
    %dma_wait3A_595 = tpu.memref_slice %arg8[%dma_wait3A_594] : memref<10240xi32, #tpu.memory_space<vmem>> -> memref<128xi32, #tpu.memory_space<vmem>>
    %dma_wait3A_596 = arith.constant 0 : i32
    %dma_wait3A_597 = arith.constant 0 : i32
    %dma_wait3A_598 = tpu.memref_slice %arg5[%dma_wait3A_596, %dma_wait3A_597] : memref<10000x32xf32, #tpu.memory_space<hbm>> -> memref<10000x32xf32, #tpu.memory_space<hbm>>
    tpu.wait_indirect_dma semaphore(%arg16 : memref<!tpu.dma_semaphore, #tpu.memory_space<semaphore_mem>>) src(%dma_wait3A_598 : memref<10000x32xf32, #tpu.memory_space<hbm>>) dst(%dma_wait3A_593 : memref<128x32xf32, #tpu.memory_space<vmem>>)
    %dma_wait3A_599 = arith.constant 640 : i32
    %dma_wait3A_600 = arith.constant 0 : i32
    %dma_wait3A_601 = tpu.memref_slice %arg11[%dma_wait3A_599, %dma_wait3A_600] : memref<1280x32xf32, #tpu.memory_space<vmem>> -> memref<128x32xf32, #tpu.memory_space<vmem>>
    %dma_wait3A_602 = arith.constant 3200 : i32
    %dma_wait3A_603 = tpu.memref_slice %arg8[%dma_wait3A_602] : memref<10240xi32, #tpu.memory_space<vmem>> -> memref<128xi32, #tpu.memory_space<vmem>>
    %dma_wait3A_604 = arith.constant 0 : i32
    %dma_wait3A_605 = arith.constant 0 : i32
    %dma_wait3A_606 = tpu.memref_slice %arg5[%dma_wait3A_604, %dma_wait3A_605] : memref<10000x32xf32, #tpu.memory_space<hbm>> -> memref<10000x32xf32, #tpu.memory_space<hbm>>
    tpu.wait_indirect_dma semaphore(%arg16 : memref<!tpu.dma_semaphore, #tpu.memory_space<semaphore_mem>>) src(%dma_wait3A_606 : memref<10000x32xf32, #tpu.memory_space<hbm>>) dst(%dma_wait3A_601 : memref<128x32xf32, #tpu.memory_space<vmem>>)
    %dma_wait3A_607 = arith.constant 768 : i32
    %dma_wait3A_608 = arith.constant 0 : i32
    %dma_wait3A_609 = tpu.memref_slice %arg11[%dma_wait3A_607, %dma_wait3A_608] : memref<1280x32xf32, #tpu.memory_space<vmem>> -> memref<128x32xf32, #tpu.memory_space<vmem>>
    %dma_wait3A_610 = arith.constant 3328 : i32
    %dma_wait3A_611 = tpu.memref_slice %arg8[%dma_wait3A_610] : memref<10240xi32, #tpu.memory_space<vmem>> -> memref<128xi32, #tpu.memory_space<vmem>>
    %dma_wait3A_612 = arith.constant 0 : i32
    %dma_wait3A_613 = arith.constant 0 : i32
    %dma_wait3A_614 = tpu.memref_slice %arg5[%dma_wait3A_612, %dma_wait3A_613] : memref<10000x32xf32, #tpu.memory_space<hbm>> -> memref<10000x32xf32, #tpu.memory_space<hbm>>
    tpu.wait_indirect_dma semaphore(%arg16 : memref<!tpu.dma_semaphore, #tpu.memory_space<semaphore_mem>>) src(%dma_wait3A_614 : memref<10000x32xf32, #tpu.memory_space<hbm>>) dst(%dma_wait3A_609 : memref<128x32xf32, #tpu.memory_space<vmem>>)
    %dma_wait3A_615 = arith.constant 896 : i32
    %dma_wait3A_616 = arith.constant 0 : i32
    %dma_wait3A_617 = tpu.memref_slice %arg11[%dma_wait3A_615, %dma_wait3A_616] : memref<1280x32xf32, #tpu.memory_space<vmem>> -> memref<128x32xf32, #tpu.memory_space<vmem>>
    %dma_wait3A_618 = arith.constant 3456 : i32
    %dma_wait3A_619 = tpu.memref_slice %arg8[%dma_wait3A_618] : memref<10240xi32, #tpu.memory_space<vmem>> -> memref<128xi32, #tpu.memory_space<vmem>>
    %dma_wait3A_620 = arith.constant 0 : i32
    %dma_wait3A_621 = arith.constant 0 : i32
    %dma_wait3A_622 = tpu.memref_slice %arg5[%dma_wait3A_620, %dma_wait3A_621] : memref<10000x32xf32, #tpu.memory_space<hbm>> -> memref<10000x32xf32, #tpu.memory_space<hbm>>
    tpu.wait_indirect_dma semaphore(%arg16 : memref<!tpu.dma_semaphore, #tpu.memory_space<semaphore_mem>>) src(%dma_wait3A_622 : memref<10000x32xf32, #tpu.memory_space<hbm>>) dst(%dma_wait3A_617 : memref<128x32xf32, #tpu.memory_space<vmem>>)
    %dma_wait3A_623 = arith.constant 1024 : i32
    %dma_wait3A_624 = arith.constant 0 : i32
    %dma_wait3A_625 = tpu.memref_slice %arg11[%dma_wait3A_623, %dma_wait3A_624] : memref<1280x32xf32, #tpu.memory_space<vmem>> -> memref<128x32xf32, #tpu.memory_space<vmem>>
    %dma_wait3A_626 = arith.constant 3584 : i32
    %dma_wait3A_627 = tpu.memref_slice %arg8[%dma_wait3A_626] : memref<10240xi32, #tpu.memory_space<vmem>> -> memref<128xi32, #tpu.memory_space<vmem>>
    %dma_wait3A_628 = arith.constant 0 : i32
    %dma_wait3A_629 = arith.constant 0 : i32
    %dma_wait3A_630 = tpu.memref_slice %arg5[%dma_wait3A_628, %dma_wait3A_629] : memref<10000x32xf32, #tpu.memory_space<hbm>> -> memref<10000x32xf32, #tpu.memory_space<hbm>>
    tpu.wait_indirect_dma semaphore(%arg16 : memref<!tpu.dma_semaphore, #tpu.memory_space<semaphore_mem>>) src(%dma_wait3A_630 : memref<10000x32xf32, #tpu.memory_space<hbm>>) dst(%dma_wait3A_625 : memref<128x32xf32, #tpu.memory_space<vmem>>)
    %dma_wait3A_631 = arith.constant 1152 : i32
    %dma_wait3A_632 = arith.constant 0 : i32
    %dma_wait3A_633 = tpu.memref_slice %arg11[%dma_wait3A_631, %dma_wait3A_632] : memref<1280x32xf32, #tpu.memory_space<vmem>> -> memref<128x32xf32, #tpu.memory_space<vmem>>
    %dma_wait3A_634 = arith.constant 3712 : i32
    %dma_wait3A_635 = tpu.memref_slice %arg8[%dma_wait3A_634] : memref<10240xi32, #tpu.memory_space<vmem>> -> memref<128xi32, #tpu.memory_space<vmem>>
    %dma_wait3A_636 = arith.constant 0 : i32
    %dma_wait3A_637 = arith.constant 0 : i32
    %dma_wait3A_638 = tpu.memref_slice %arg5[%dma_wait3A_636, %dma_wait3A_637] : memref<10000x32xf32, #tpu.memory_space<hbm>> -> memref<10000x32xf32, #tpu.memory_space<hbm>>
    tpu.wait_indirect_dma semaphore(%arg16 : memref<!tpu.dma_semaphore, #tpu.memory_space<semaphore_mem>>) src(%dma_wait3A_638 : memref<10000x32xf32, #tpu.memory_space<hbm>>) dst(%dma_wait3A_633 : memref<128x32xf32, #tpu.memory_space<vmem>>)
    %dma_wait3A_639 = arith.constant 1 : i32
    %dma_wait3A_640 = arith.constant 128 : i32
    %dma_wait3A_641 = arith.constant 0 : i32
    %dma_wait3A_642 = tpu.memref_slice %arg10[%dma_wait3A_640, %dma_wait3A_641] : memref<512x32xf32, #tpu.memory_space<vmem>> -> memref<128x32xf32, #tpu.memory_space<vmem>>
    %dma_wait3A_643 = arith.constant 0 : i32
    %dma_wait3A_644 = tpu.memref_slice %arg7[%dma_wait3A_639, %dma_wait3A_643] : memref<4x128xi32, #tpu.memory_space<vmem>> -> memref<1x128xi32, #tpu.memory_space<vmem>>
    %dma_wait3A_645 = tpu.memref_squeeze %dma_wait3A_644 : memref<1x128xi32, #tpu.memory_space<vmem>> -> memref<128xi32, #tpu.memory_space<vmem>>
    %dma_wait3A_646 = arith.constant 0 : i32
    %dma_wait3A_647 = arith.constant 0 : i32
    %dma_wait3A_648 = tpu.memref_slice %arg4[%dma_wait3A_646, %dma_wait3A_647] : memref<100001x32xf32, #tpu.memory_space<hbm>> -> memref<100001x32xf32, #tpu.memory_space<hbm>>
    tpu.wait_indirect_dma semaphore(%arg15 : memref<!tpu.dma_semaphore, #tpu.memory_space<semaphore_mem>>) src(%dma_wait3A_648 : memref<100001x32xf32, #tpu.memory_space<hbm>>) dst(%dma_wait3A_642 : memref<128x32xf32, #tpu.memory_space<vmem>>)
    %dma_wait3A_649 = arith.constant 0 : i32
    %dma_wait3A_650 = tpu.memref_slice %arg6[%add3A_302, %dma_wait3A_649] : memref<16384x64xf32, #tpu.memory_space<hbm>> -> memref<64x64xf32, #tpu.memory_space<hbm>>
    %dma_wait3A_651 = arith.constant 0 : i32
    %dma_wait3A_652 = tpu.memref_slice %arg6[%add3A_302, %dma_wait3A_651] : memref<16384x64xf32, #tpu.memory_space<hbm>> -> memref<64x64xf32, #tpu.memory_space<hbm>>
    tpu.wait_dma2 semaphore(%arg18 : memref<!tpu.dma_semaphore, #tpu.memory_space<semaphore_mem>>) src(%arg13 : memref<64x64xf32, #tpu.memory_space<vmem>>) dst(%dma_wait3A_652 : memref<64x64xf32, #tpu.memory_space<hbm>>)
    %scan3A_653 = arith.constant 0 : i32
    %scan3A_654 = arith.constant 0 : i32
    %scan3A_655 = arith.constant 64 : i32
    %scan3A_656 = arith.addi %scan3A_654, %scan3A_655 : i32
    %scan3A_657 = arith.constant 1 : i32
    scf.for %scan3A_1493 = %scan3A_654 to %scan3A_656 step %scan3A_657  : i32 {
      %mul3A_1494 = arith.constant 20 : i32
      %mul3A_1495 = arith.muli %scan3A_1493, %mul3A_1494 : i32
      %get3A_1496 = arith.index_cast %mul3A_1495 : i32 to index
      %get3A_1497 = arith.constant 0 : index
      %get3A_1498 = tpu.vector_load %arg11[%get3A_1496, %get3A_1497] {strides = array<i32>} : memref<1280x32xf32, #tpu.memory_space<vmem>>, vector<16xf32>,
      %get3A_1499 = arith.index_cast %mul3A_1495 : i32 to index
      %get3A_1500 = arith.constant 16 : index
      %get3A_1501 = tpu.vector_load %arg11[%get3A_1499, %get3A_1500] {strides = array<i32>} : memref<1280x32xf32, #tpu.memory_space<vmem>>, vector<16xf32>,
      %add3A_1502 = arith.constant 1 : i32
      %add3A_1503 = arith.addi %mul3A_1495, %add3A_1502 : i32
      %get3A_1504 = arith.index_cast %add3A_1503 : i32 to index
      %get3A_1505 = arith.constant 0 : index
      %get3A_1506 = tpu.vector_load %arg11[%get3A_1504, %get3A_1505] {strides = array<i32>} : memref<1280x32xf32, #tpu.memory_space<vmem>>, vector<16xf32>,
      %add3A_1507 = arith.addf %get3A_1498, %get3A_1506 : vector<16xf32>
      %add3A_1508 = arith.constant 1 : i32
      %add3A_1509 = arith.addi %mul3A_1495, %add3A_1508 : i32
      %get3A_1510 = arith.index_cast %add3A_1509 : i32 to index
      %get3A_1511 = arith.constant 16 : index
      %get3A_1512 = tpu.vector_load %arg11[%get3A_1510, %get3A_1511] {strides = array<i32>} : memref<1280x32xf32, #tpu.memory_space<vmem>>, vector<16xf32>,
      %add3A_1513 = arith.addf %get3A_1501, %get3A_1512 : vector<16xf32>
      %add3A_1514 = arith.constant 2 : i32
      %add3A_1515 = arith.addi %mul3A_1495, %add3A_1514 : i32
      %get3A_1516 = arith.index_cast %add3A_1515 : i32 to index
      %get3A_1517 = arith.constant 0 : index
      %get3A_1518 = tpu.vector_load %arg11[%get3A_1516, %get3A_1517] {strides = array<i32>} : memref<1280x32xf32, #tpu.memory_space<vmem>>, vector<16xf32>,
      %add3A_1519 = arith.addf %add3A_1507, %get3A_1518 : vector<16xf32>
      %add3A_1520 = arith.constant 2 : i32
      %add3A_1521 = arith.addi %mul3A_1495, %add3A_1520 : i32
      %get3A_1522 = arith.index_cast %add3A_1521 : i32 to index
      %get3A_1523 = arith.constant 16 : index
      %get3A_1524 = tpu.vector_load %arg11[%get3A_1522, %get3A_1523] {strides = array<i32>} : memref<1280x32xf32, #tpu.memory_space<vmem>>, vector<16xf32>,
      %add3A_1525 = arith.addf %add3A_1513, %get3A_1524 : vector<16xf32>
      %add3A_1526 = arith.constant 3 : i32
      %add3A_1527 = arith.addi %mul3A_1495, %add3A_1526 : i32
      %get3A_1528 = arith.index_cast %add3A_1527 : i32 to index
      %get3A_1529 = arith.constant 0 : index
      %get3A_1530 = tpu.vector_load %arg11[%get3A_1528, %get3A_1529] {strides = array<i32>} : memref<1280x32xf32, #tpu.memory_space<vmem>>, vector<16xf32>,
      %add3A_1531 = arith.addf %add3A_1519, %get3A_1530 : vector<16xf32>
      %add3A_1532 = arith.constant 3 : i32
      %add3A_1533 = arith.addi %mul3A_1495, %add3A_1532 : i32
      %get3A_1534 = arith.index_cast %add3A_1533 : i32 to index
      %get3A_1535 = arith.constant 16 : index
      %get3A_1536 = tpu.vector_load %arg11[%get3A_1534, %get3A_1535] {strides = array<i32>} : memref<1280x32xf32, #tpu.memory_space<vmem>>, vector<16xf32>,
      %add3A_1537 = arith.addf %add3A_1525, %get3A_1536 : vector<16xf32>
      %add3A_1538 = arith.constant 4 : i32
      %add3A_1539 = arith.addi %mul3A_1495, %add3A_1538 : i32
      %get3A_1540 = arith.index_cast %add3A_1539 : i32 to index
      %get3A_1541 = arith.constant 0 : index
      %get3A_1542 = tpu.vector_load %arg11[%get3A_1540, %get3A_1541] {strides = array<i32>} : memref<1280x32xf32, #tpu.memory_space<vmem>>, vector<16xf32>,
      %add3A_1543 = arith.addf %add3A_1531, %get3A_1542 : vector<16xf32>
      %add3A_1544 = arith.constant 4 : i32
      %add3A_1545 = arith.addi %mul3A_1495, %add3A_1544 : i32
      %get3A_1546 = arith.index_cast %add3A_1545 : i32 to index
      %get3A_1547 = arith.constant 16 : index
      %get3A_1548 = tpu.vector_load %arg11[%get3A_1546, %get3A_1547] {strides = array<i32>} : memref<1280x32xf32, #tpu.memory_space<vmem>>, vector<16xf32>,
      %add3A_1549 = arith.addf %add3A_1537, %get3A_1548 : vector<16xf32>
      %add3A_1550 = arith.constant 5 : i32
      %add3A_1551 = arith.addi %mul3A_1495, %add3A_1550 : i32
      %get3A_1552 = arith.index_cast %add3A_1551 : i32 to index
      %get3A_1553 = arith.constant 0 : index
      %get3A_1554 = tpu.vector_load %arg11[%get3A_1552, %get3A_1553] {strides = array<i32>} : memref<1280x32xf32, #tpu.memory_space<vmem>>, vector<16xf32>,
      %add3A_1555 = arith.addf %add3A_1543, %get3A_1554 : vector<16xf32>
      %add3A_1556 = arith.constant 5 : i32
      %add3A_1557 = arith.addi %mul3A_1495, %add3A_1556 : i32
      %get3A_1558 = arith.index_cast %add3A_1557 : i32 to index
      %get3A_1559 = arith.constant 16 : index
      %get3A_1560 = tpu.vector_load %arg11[%get3A_1558, %get3A_1559] {strides = array<i32>} : memref<1280x32xf32, #tpu.memory_space<vmem>>, vector<16xf32>,
      %add3A_1561 = arith.addf %add3A_1549, %get3A_1560 : vector<16xf32>
      %add3A_1562 = arith.constant 6 : i32
      %add3A_1563 = arith.addi %mul3A_1495, %add3A_1562 : i32
      %get3A_1564 = arith.index_cast %add3A_1563 : i32 to index
      %get3A_1565 = arith.constant 0 : index
      %get3A_1566 = tpu.vector_load %arg11[%get3A_1564, %get3A_1565] {strides = array<i32>} : memref<1280x32xf32, #tpu.memory_space<vmem>>, vector<16xf32>,
      %add3A_1567 = arith.addf %add3A_1555, %get3A_1566 : vector<16xf32>
      %add3A_1568 = arith.constant 6 : i32
      %add3A_1569 = arith.addi %mul3A_1495, %add3A_1568 : i32
      %get3A_1570 = arith.index_cast %add3A_1569 : i32 to index
      %get3A_1571 = arith.constant 16 : index
      %get3A_1572 = tpu.vector_load %arg11[%get3A_1570, %get3A_1571] {strides = array<i32>} : memref<1280x32xf32, #tpu.memory_space<vmem>>, vector<16xf32>,
      %add3A_1573 = arith.addf %add3A_1561, %get3A_1572 : vector<16xf32>
      %add3A_1574 = arith.constant 7 : i32
      %add3A_1575 = arith.addi %mul3A_1495, %add3A_1574 : i32
      %get3A_1576 = arith.index_cast %add3A_1575 : i32 to index
      %get3A_1577 = arith.constant 0 : index
      %get3A_1578 = tpu.vector_load %arg11[%get3A_1576, %get3A_1577] {strides = array<i32>} : memref<1280x32xf32, #tpu.memory_space<vmem>>, vector<16xf32>,
      %add3A_1579 = arith.addf %add3A_1567, %get3A_1578 : vector<16xf32>
      %add3A_1580 = arith.constant 7 : i32
      %add3A_1581 = arith.addi %mul3A_1495, %add3A_1580 : i32
      %get3A_1582 = arith.index_cast %add3A_1581 : i32 to index
      %get3A_1583 = arith.constant 16 : index
      %get3A_1584 = tpu.vector_load %arg11[%get3A_1582, %get3A_1583] {strides = array<i32>} : memref<1280x32xf32, #tpu.memory_space<vmem>>, vector<16xf32>,
      %add3A_1585 = arith.addf %add3A_1573, %get3A_1584 : vector<16xf32>
      %add3A_1586 = arith.constant 8 : i32
      %add3A_1587 = arith.addi %mul3A_1495, %add3A_1586 : i32
      %get3A_1588 = arith.index_cast %add3A_1587 : i32 to index
      %get3A_1589 = arith.constant 0 : index
      %get3A_1590 = tpu.vector_load %arg11[%get3A_1588, %get3A_1589] {strides = array<i32>} : memref<1280x32xf32, #tpu.memory_space<vmem>>, vector<16xf32>,
      %add3A_1591 = arith.addf %add3A_1579, %get3A_1590 : vector<16xf32>
      %add3A_1592 = arith.constant 8 : i32
      %add3A_1593 = arith.addi %mul3A_1495, %add3A_1592 : i32
      %get3A_1594 = arith.index_cast %add3A_1593 : i32 to index
      %get3A_1595 = arith.constant 16 : index
      %get3A_1596 = tpu.vector_load %arg11[%get3A_1594, %get3A_1595] {strides = array<i32>} : memref<1280x32xf32, #tpu.memory_space<vmem>>, vector<16xf32>,
      %add3A_1597 = arith.addf %add3A_1585, %get3A_1596 : vector<16xf32>
      %add3A_1598 = arith.constant 9 : i32
      %add3A_1599 = arith.addi %mul3A_1495, %add3A_1598 : i32
      %get3A_1600 = arith.index_cast %add3A_1599 : i32 to index
      %get3A_1601 = arith.constant 0 : index
      %get3A_1602 = tpu.vector_load %arg11[%get3A_1600, %get3A_1601] {strides = array<i32>} : memref<1280x32xf32, #tpu.memory_space<vmem>>, vector<16xf32>,
      %add3A_1603 = arith.addf %add3A_1591, %get3A_1602 : vector<16xf32>
      %add3A_1604 = arith.constant 9 : i32
      %add3A_1605 = arith.addi %mul3A_1495, %add3A_1604 : i32
      %get3A_1606 = arith.index_cast %add3A_1605 : i32 to index
      %get3A_1607 = arith.constant 16 : index
      %get3A_1608 = tpu.vector_load %arg11[%get3A_1606, %get3A_1607] {strides = array<i32>} : memref<1280x32xf32, #tpu.memory_space<vmem>>, vector<16xf32>,
      %add3A_1609 = arith.addf %add3A_1597, %get3A_1608 : vector<16xf32>
      %add3A_1610 = arith.constant 10 : i32
      %add3A_1611 = arith.addi %mul3A_1495, %add3A_1610 : i32
      %get3A_1612 = arith.index_cast %add3A_1611 : i32 to index
      %get3A_1613 = arith.constant 0 : index
      %get3A_1614 = tpu.vector_load %arg11[%get3A_1612, %get3A_1613] {strides = array<i32>} : memref<1280x32xf32, #tpu.memory_space<vmem>>, vector<16xf32>,
      %add3A_1615 = arith.addf %add3A_1603, %get3A_1614 : vector<16xf32>
      %add3A_1616 = arith.constant 10 : i32
      %add3A_1617 = arith.addi %mul3A_1495, %add3A_1616 : i32
      %get3A_1618 = arith.index_cast %add3A_1617 : i32 to index
      %get3A_1619 = arith.constant 16 : index
      %get3A_1620 = tpu.vector_load %arg11[%get3A_1618, %get3A_1619] {strides = array<i32>} : memref<1280x32xf32, #tpu.memory_space<vmem>>, vector<16xf32>,
      %add3A_1621 = arith.addf %add3A_1609, %get3A_1620 : vector<16xf32>
      %add3A_1622 = arith.constant 11 : i32
      %add3A_1623 = arith.addi %mul3A_1495, %add3A_1622 : i32
      %get3A_1624 = arith.index_cast %add3A_1623 : i32 to index
      %get3A_1625 = arith.constant 0 : index
      %get3A_1626 = tpu.vector_load %arg11[%get3A_1624, %get3A_1625] {strides = array<i32>} : memref<1280x32xf32, #tpu.memory_space<vmem>>, vector<16xf32>,
      %add3A_1627 = arith.addf %add3A_1615, %get3A_1626 : vector<16xf32>
      %add3A_1628 = arith.constant 11 : i32
      %add3A_1629 = arith.addi %mul3A_1495, %add3A_1628 : i32
      %get3A_1630 = arith.index_cast %add3A_1629 : i32 to index
      %get3A_1631 = arith.constant 16 : index
      %get3A_1632 = tpu.vector_load %arg11[%get3A_1630, %get3A_1631] {strides = array<i32>} : memref<1280x32xf32, #tpu.memory_space<vmem>>, vector<16xf32>,
      %add3A_1633 = arith.addf %add3A_1621, %get3A_1632 : vector<16xf32>
      %add3A_1634 = arith.constant 12 : i32
      %add3A_1635 = arith.addi %mul3A_1495, %add3A_1634 : i32
      %get3A_1636 = arith.index_cast %add3A_1635 : i32 to index
      %get3A_1637 = arith.constant 0 : index
      %get3A_1638 = tpu.vector_load %arg11[%get3A_1636, %get3A_1637] {strides = array<i32>} : memref<1280x32xf32, #tpu.memory_space<vmem>>, vector<16xf32>,
      %add3A_1639 = arith.addf %add3A_1627, %get3A_1638 : vector<16xf32>
      %add3A_1640 = arith.constant 12 : i32
      %add3A_1641 = arith.addi %mul3A_1495, %add3A_1640 : i32
      %get3A_1642 = arith.index_cast %add3A_1641 : i32 to index
      %get3A_1643 = arith.constant 16 : index
      %get3A_1644 = tpu.vector_load %arg11[%get3A_1642, %get3A_1643] {strides = array<i32>} : memref<1280x32xf32, #tpu.memory_space<vmem>>, vector<16xf32>,
      %add3A_1645 = arith.addf %add3A_1633, %get3A_1644 : vector<16xf32>
      %add3A_1646 = arith.constant 13 : i32
      %add3A_1647 = arith.addi %mul3A_1495, %add3A_1646 : i32
      %get3A_1648 = arith.index_cast %add3A_1647 : i32 to index
      %get3A_1649 = arith.constant 0 : index
      %get3A_1650 = tpu.vector_load %arg11[%get3A_1648, %get3A_1649] {strides = array<i32>} : memref<1280x32xf32, #tpu.memory_space<vmem>>, vector<16xf32>,
      %add3A_1651 = arith.addf %add3A_1639, %get3A_1650 : vector<16xf32>
      %add3A_1652 = arith.constant 13 : i32
      %add3A_1653 = arith.addi %mul3A_1495, %add3A_1652 : i32
      %get3A_1654 = arith.index_cast %add3A_1653 : i32 to index
      %get3A_1655 = arith.constant 16 : index
      %get3A_1656 = tpu.vector_load %arg11[%get3A_1654, %get3A_1655] {strides = array<i32>} : memref<1280x32xf32, #tpu.memory_space<vmem>>, vector<16xf32>,
      %add3A_1657 = arith.addf %add3A_1645, %get3A_1656 : vector<16xf32>
      %add3A_1658 = arith.constant 14 : i32
      %add3A_1659 = arith.addi %mul3A_1495, %add3A_1658 : i32
      %get3A_1660 = arith.index_cast %add3A_1659 : i32 to index
      %get3A_1661 = arith.constant 0 : index
      %get3A_1662 = tpu.vector_load %arg11[%get3A_1660, %get3A_1661] {strides = array<i32>} : memref<1280x32xf32, #tpu.memory_space<vmem>>, vector<16xf32>,
      %add3A_1663 = arith.addf %add3A_1651, %get3A_1662 : vector<16xf32>
      %add3A_1664 = arith.constant 14 : i32
      %add3A_1665 = arith.addi %mul3A_1495, %add3A_1664 : i32
      %get3A_1666 = arith.index_cast %add3A_1665 : i32 to index
      %get3A_1667 = arith.constant 16 : index
      %get3A_1668 = tpu.vector_load %arg11[%get3A_1666, %get3A_1667] {strides = array<i32>} : memref<1280x32xf32, #tpu.memory_space<vmem>>, vector<16xf32>,
      %add3A_1669 = arith.addf %add3A_1657, %get3A_1668 : vector<16xf32>
      %add3A_1670 = arith.constant 15 : i32
      %add3A_1671 = arith.addi %mul3A_1495, %add3A_1670 : i32
      %get3A_1672 = arith.index_cast %add3A_1671 : i32 to index
      %get3A_1673 = arith.constant 0 : index
      %get3A_1674 = tpu.vector_load %arg11[%get3A_1672, %get3A_1673] {strides = array<i32>} : memref<1280x32xf32, #tpu.memory_space<vmem>>, vector<16xf32>,
      %add3A_1675 = arith.addf %add3A_1663, %get3A_1674 : vector<16xf32>
      %add3A_1676 = arith.constant 15 : i32
      %add3A_1677 = arith.addi %mul3A_1495, %add3A_1676 : i32
      %get3A_1678 = arith.index_cast %add3A_1677 : i32 to index
      %get3A_1679 = arith.constant 16 : index
      %get3A_1680 = tpu.vector_load %arg11[%get3A_1678, %get3A_1679] {strides = array<i32>} : memref<1280x32xf32, #tpu.memory_space<vmem>>, vector<16xf32>,
      %add3A_1681 = arith.addf %add3A_1669, %get3A_1680 : vector<16xf32>
      %add3A_1682 = arith.constant 16 : i32
      %add3A_1683 = arith.addi %mul3A_1495, %add3A_1682 : i32
      %get3A_1684 = arith.index_cast %add3A_1683 : i32 to index
      %get3A_1685 = arith.constant 0 : index
      %get3A_1686 = tpu.vector_load %arg11[%get3A_1684, %get3A_1685] {strides = array<i32>} : memref<1280x32xf32, #tpu.memory_space<vmem>>, vector<16xf32>,
      %add3A_1687 = arith.addf %add3A_1675, %get3A_1686 : vector<16xf32>
      %add3A_1688 = arith.constant 16 : i32
      %add3A_1689 = arith.addi %mul3A_1495, %add3A_1688 : i32
      %get3A_1690 = arith.index_cast %add3A_1689 : i32 to index
      %get3A_1691 = arith.constant 16 : index
      %get3A_1692 = tpu.vector_load %arg11[%get3A_1690, %get3A_1691] {strides = array<i32>} : memref<1280x32xf32, #tpu.memory_space<vmem>>, vector<16xf32>,
      %add3A_1693 = arith.addf %add3A_1681, %get3A_1692 : vector<16xf32>
      %add3A_1694 = arith.constant 17 : i32
      %add3A_1695 = arith.addi %mul3A_1495, %add3A_1694 : i32
      %get3A_1696 = arith.index_cast %add3A_1695 : i32 to index
      %get3A_1697 = arith.constant 0 : index
      %get3A_1698 = tpu.vector_load %arg11[%get3A_1696, %get3A_1697] {strides = array<i32>} : memref<1280x32xf32, #tpu.memory_space<vmem>>, vector<16xf32>,
      %add3A_1699 = arith.addf %add3A_1687, %get3A_1698 : vector<16xf32>
      %add3A_1700 = arith.constant 17 : i32
      %add3A_1701 = arith.addi %mul3A_1495, %add3A_1700 : i32
      %get3A_1702 = arith.index_cast %add3A_1701 : i32 to index
      %get3A_1703 = arith.constant 16 : index
      %get3A_1704 = tpu.vector_load %arg11[%get3A_1702, %get3A_1703] {strides = array<i32>} : memref<1280x32xf32, #tpu.memory_space<vmem>>, vector<16xf32>,
      %add3A_1705 = arith.addf %add3A_1693, %get3A_1704 : vector<16xf32>
      %add3A_1706 = arith.constant 18 : i32
      %add3A_1707 = arith.addi %mul3A_1495, %add3A_1706 : i32
      %get3A_1708 = arith.index_cast %add3A_1707 : i32 to index
      %get3A_1709 = arith.constant 0 : index
      %get3A_1710 = tpu.vector_load %arg11[%get3A_1708, %get3A_1709] {strides = array<i32>} : memref<1280x32xf32, #tpu.memory_space<vmem>>, vector<16xf32>,
      %add3A_1711 = arith.addf %add3A_1699, %get3A_1710 : vector<16xf32>
      %add3A_1712 = arith.constant 18 : i32
      %add3A_1713 = arith.addi %mul3A_1495, %add3A_1712 : i32
      %get3A_1714 = arith.index_cast %add3A_1713 : i32 to index
      %get3A_1715 = arith.constant 16 : index
      %get3A_1716 = tpu.vector_load %arg11[%get3A_1714, %get3A_1715] {strides = array<i32>} : memref<1280x32xf32, #tpu.memory_space<vmem>>, vector<16xf32>,
      %add3A_1717 = arith.addf %add3A_1705, %get3A_1716 : vector<16xf32>
      %add3A_1718 = arith.constant 19 : i32
      %add3A_1719 = arith.addi %mul3A_1495, %add3A_1718 : i32
      %get3A_1720 = arith.index_cast %add3A_1719 : i32 to index
      %get3A_1721 = arith.constant 0 : index
      %get3A_1722 = tpu.vector_load %arg11[%get3A_1720, %get3A_1721] {strides = array<i32>} : memref<1280x32xf32, #tpu.memory_space<vmem>>, vector<16xf32>,
      %add3A_1723 = arith.addf %add3A_1711, %get3A_1722 : vector<16xf32>
      %add3A_1724 = arith.constant 19 : i32
      %add3A_1725 = arith.addi %mul3A_1495, %add3A_1724 : i32
      %get3A_1726 = arith.index_cast %add3A_1725 : i32 to index
      %get3A_1727 = arith.constant 16 : index
      %get3A_1728 = tpu.vector_load %arg11[%get3A_1726, %get3A_1727] {strides = array<i32>} : memref<1280x32xf32, #tpu.memory_space<vmem>>, vector<16xf32>,
      %add3A_1729 = arith.addf %add3A_1717, %get3A_1728 : vector<16xf32>
      %mul3A_1730 = arith.constant 20 : i32
      %mul3A_1731 = arith.muli %scan3A_1493, %mul3A_1730 : i32
      %add3A_1732 = arith.constant 2560 : i32
      %add3A_1733 = arith.addi %add3A_1732, %mul3A_1731 : i32
      %get3A_1734 = arith.index_cast %add3A_1733 : i32 to index
      %get3A_1735 = tpu.vector_load %arg8[%get3A_1734] {strides = array<i32>} : memref<10240xi32, #tpu.memory_space<vmem>>, vector<16xi32>,
      %add3A_1736 = arith.constant 4 : i32
      %add3A_1737 = arith.addi %add3A_1733, %add3A_1736 : i32
      %get3A_1738 = arith.index_cast %add3A_1737 : i32 to index
      %get3A_1739 = tpu.vector_load %arg8[%get3A_1738] {strides = array<i32>} : memref<10240xi32, #tpu.memory_space<vmem>>, vector<16xi32>,
      %eq3A = arith.constant 0 : i32
      %eq3A_1740 = vector.broadcast %eq3A : i32 to vector<16xi32>
      %eq3A_1741 = arith.cmpi eq, %get3A_1735, %eq3A_1740 : vector<16xi32>
      %all_reduce_population_count3A = tpu.all_reduce %eq3A_1741 {dim = 0 : i64, kind = #tpu.reduction_kind<sum>} : vector<16xi1> -> vector<16xi32>
      %eq3A_1742 = arith.constant 0 : i32
      %eq3A_1743 = vector.broadcast %eq3A_1742 : i32 to vector<16xi32>
      %eq3A_1744 = arith.cmpi eq, %get3A_1739, %eq3A_1743 : vector<16xi32>
      %and3A = arith.andi %eq3A_1744, %ge3A_126 : vector<16xi1>
      %all_reduce_population_count3A_1745 = tpu.all_reduce %and3A {dim = 0 : i64, kind = #tpu.reduction_kind<sum>} : vector<16xi1> -> vector<16xi32>
      %add3A_1746 = arith.addi %all_reduce_population_count3A, %all_reduce_population_count3A_1745 : vector<16xi32>
      %convert_element_type3A = arith.sitofp %add3A_1746 : vector<16xi32> to vector<16xf32>
      %sub3A = arith.constant 2.000000e+01 : f32
      %sub3A_1747 = vector.broadcast %sub3A : f32 to vector<16xf32>
      %sub3A_1748 = arith.subf %sub3A_1747, %convert_element_type3A : vector<16xf32>
      %max3A = arith.constant 1.000000e+00 : f32
      %max3A_1749 = vector.broadcast %max3A : f32 to vector<16xf32>
      %max3A_1750 = arith.maximumf %sub3A_1748, %max3A_1749 : vector<16xf32>
      %div3A = arith.constant 1.000000e+00 : f32
      %div3A_1751 = vector.broadcast %div3A : f32 to vector<16xf32>
      %div3A_1752 = arith.divf %div3A_1751, %max3A_1750 : vector<16xf32>
      %add3A_1753 = arith.constant 128 : i32
      %add3A_1754 = arith.addi %add3A_1753, %scan3A_1493 : i32
      %get3A_1755 = arith.index_cast %add3A_1754 : i32 to index
      %get3A_1756 = arith.constant 0 : index
      %get3A_1757 = tpu.vector_load %arg10[%get3A_1755, %get3A_1756] {strides = array<i32>} : memref<512x32xf32, #tpu.memory_space<vmem>>, vector<16xf32>,
      %swap3A = arith.index_cast %scan3A_1493 : i32 to index
      %swap3A_1758 = arith.constant 0 : index
      %swap3A_1759 = tpu.vector_load %arg13[%swap3A, %swap3A_1758] {strides = array<i32>} : memref<64x64xf32, #tpu.memory_space<vmem>>, vector<16xf32>,
      tpu.vector_store %arg13[%swap3A, %swap3A_1758], %get3A_1757 {strides = array<i32>} : memref<64x64xf32, #tpu.memory_space<vmem>>, vector<16xf32>,
      %add3A_1760 = arith.constant 128 : i32
      %add3A_1761 = arith.addi %add3A_1760, %scan3A_1493 : i32
      %get3A_1762 = arith.index_cast %add3A_1761 : i32 to index
      %get3A_1763 = arith.constant 16 : index
      %get3A_1764 = tpu.vector_load %arg10[%get3A_1762, %get3A_1763] {strides = array<i32>} : memref<512x32xf32, #tpu.memory_space<vmem>>, vector<16xf32>,
      %swap3A_1765 = arith.index_cast %scan3A_1493 : i32 to index
      %swap3A_1766 = arith.constant 16 : index
      %swap3A_1767 = tpu.vector_load %arg13[%swap3A_1765, %swap3A_1766] {strides = array<i32>} : memref<64x64xf32, #tpu.memory_space<vmem>>, vector<16xf32>,
      tpu.vector_store %arg13[%swap3A_1765, %swap3A_1766], %get3A_1764 {strides = array<i32>} : memref<64x64xf32, #tpu.memory_space<vmem>>, vector<16xf32>,
      %mul3A_1768 = arith.mulf %convert_element_type3A, %get3A_122 : vector<16xf32>
      %sub3A_1769 = arith.subf %add3A_1723, %mul3A_1768 : vector<16xf32>
      %mul3A_1770 = arith.mulf %sub3A_1769, %div3A_1752 : vector<16xf32>
      %swap3A_1771 = arith.index_cast %scan3A_1493 : i32 to index
      %swap3A_1772 = arith.constant 32 : index
      %swap3A_1773 = tpu.vector_load %arg13[%swap3A_1771, %swap3A_1772] {strides = array<i32>} : memref<64x64xf32, #tpu.memory_space<vmem>>, vector<16xf32>,
      tpu.vector_store %arg13[%swap3A_1771, %swap3A_1772], %mul3A_1770 {strides = array<i32>} : memref<64x64xf32, #tpu.memory_space<vmem>>, vector<16xf32>,
      %mul3A_1774 = arith.mulf %convert_element_type3A, %get3A_124 : vector<16xf32>
      %sub3A_1775 = arith.subf %add3A_1729, %mul3A_1774 : vector<16xf32>
      %mul3A_1776 = arith.mulf %sub3A_1775, %div3A_1752 : vector<16xf32>
      %swap3A_1777 = arith.index_cast %scan3A_1493 : i32 to index
      %swap3A_1778 = arith.constant 48 : index
      %swap3A_1779 = tpu.vector_load %arg13[%swap3A_1777, %swap3A_1778] {strides = array<i32>} : memref<64x64xf32, #tpu.memory_space<vmem>>, vector<16xf32>,
      tpu.vector_store %arg13[%swap3A_1777, %swap3A_1778], %mul3A_1776 {strides = array<i32>} : memref<64x64xf32, #tpu.memory_space<vmem>>, vector<16xf32>,
    }
    %scan3A_658 = arith.constant 64 : i32
    %add3A_659 = arith.constant 128 : i32
    %add3A_660 = arith.addi %mul3A_2, %add3A_659 : i32
    %dma_start3A_661 = arith.constant 0 : i32
    %dma_start3A_662 = tpu.memref_slice %arg6[%add3A_660, %dma_start3A_661] : memref<16384x64xf32, #tpu.memory_space<hbm>> -> memref<64x64xf32, #tpu.memory_space<hbm>>
    %dma_start3A_663 = arith.constant 0 : i32
    %dma_start3A_664 = tpu.memref_slice %arg6[%add3A_660, %dma_start3A_663] : memref<16384x64xf32, #tpu.memory_space<hbm>> -> memref<64x64xf32, #tpu.memory_space<hbm>>
    tpu.enqueue_dma source(%arg13 : memref<64x64xf32, #tpu.memory_space<vmem>>) target(%dma_start3A_664 : memref<64x64xf32, #tpu.memory_space<hbm>>) target_semaphore(%arg18 : memref<!tpu.dma_semaphore, #tpu.memory_space<semaphore_mem>>)
    %dma_start3A_665 = arith.constant 0 : i32
    %dma_start3A_666 = arith.constant 0 : i32
    %dma_start3A_667 = tpu.memref_slice %arg11[%dma_start3A_665, %dma_start3A_666] : memref<1280x32xf32, #tpu.memory_space<vmem>> -> memref<128x32xf32, #tpu.memory_space<vmem>>
    %dma_start3A_668 = arith.constant 5120 : i32
    %dma_start3A_669 = tpu.memref_slice %arg8[%dma_start3A_668] : memref<10240xi32, #tpu.memory_space<vmem>> -> memref<128xi32, #tpu.memory_space<vmem>>
    %dma_start3A_670 = arith.constant 0 : i32
    %dma_start3A_671 = arith.constant 0 : i32
    %dma_start3A_672 = tpu.memref_slice %arg5[%dma_start3A_670, %dma_start3A_671] : memref<10000x32xf32, #tpu.memory_space<hbm>> -> memref<10000x32xf32, #tpu.memory_space<hbm>>
    tpu.enqueue_indirect_dma source(%dma_start3A_672 : memref<10000x32xf32, #tpu.memory_space<hbm>>) target(%dma_start3A_667 : memref<128x32xf32, #tpu.memory_space<vmem>>) offsets(%dma_start3A_669 : memref<128xi32, #tpu.memory_space<vmem>>) semaphore(%arg16 : memref<!tpu.dma_semaphore, #tpu.memory_space<semaphore_mem>>)
    %dma_start3A_673 = arith.constant 128 : i32
    %dma_start3A_674 = arith.constant 0 : i32
    %dma_start3A_675 = tpu.memref_slice %arg11[%dma_start3A_673, %dma_start3A_674] : memref<1280x32xf32, #tpu.memory_space<vmem>> -> memref<128x32xf32, #tpu.memory_space<vmem>>
    %dma_start3A_676 = arith.constant 5248 : i32
    %dma_start3A_677 = tpu.memref_slice %arg8[%dma_start3A_676] : memref<10240xi32, #tpu.memory_space<vmem>> -> memref<128xi32, #tpu.memory_space<vmem>>
    %dma_start3A_678 = arith.constant 0 : i32
    %dma_start3A_679 = arith.constant 0 : i32
    %dma_start3A_680 = tpu.memref_slice %arg5[%dma_start3A_678, %dma_start3A_679] : memref<10000x32xf32, #tpu.memory_space<hbm>> -> memref<10000x32xf32, #tpu.memory_space<hbm>>
    tpu.enqueue_indirect_dma source(%dma_start3A_680 : memref<10000x32xf32, #tpu.memory_space<hbm>>) target(%dma_start3A_675 : memref<128x32xf32, #tpu.memory_space<vmem>>) offsets(%dma_start3A_677 : memref<128xi32, #tpu.memory_space<vmem>>) semaphore(%arg16 : memref<!tpu.dma_semaphore, #tpu.memory_space<semaphore_mem>>)
    %dma_start3A_681 = arith.constant 256 : i32
    %dma_start3A_682 = arith.constant 0 : i32
    %dma_start3A_683 = tpu.memref_slice %arg11[%dma_start3A_681, %dma_start3A_682] : memref<1280x32xf32, #tpu.memory_space<vmem>> -> memref<128x32xf32, #tpu.memory_space<vmem>>
    %dma_start3A_684 = arith.constant 5376 : i32
    %dma_start3A_685 = tpu.memref_slice %arg8[%dma_start3A_684] : memref<10240xi32, #tpu.memory_space<vmem>> -> memref<128xi32, #tpu.memory_space<vmem>>
    %dma_start3A_686 = arith.constant 0 : i32
    %dma_start3A_687 = arith.constant 0 : i32
    %dma_start3A_688 = tpu.memref_slice %arg5[%dma_start3A_686, %dma_start3A_687] : memref<10000x32xf32, #tpu.memory_space<hbm>> -> memref<10000x32xf32, #tpu.memory_space<hbm>>
    tpu.enqueue_indirect_dma source(%dma_start3A_688 : memref<10000x32xf32, #tpu.memory_space<hbm>>) target(%dma_start3A_683 : memref<128x32xf32, #tpu.memory_space<vmem>>) offsets(%dma_start3A_685 : memref<128xi32, #tpu.memory_space<vmem>>) semaphore(%arg16 : memref<!tpu.dma_semaphore, #tpu.memory_space<semaphore_mem>>)
    %dma_start3A_689 = arith.constant 384 : i32
    %dma_start3A_690 = arith.constant 0 : i32
    %dma_start3A_691 = tpu.memref_slice %arg11[%dma_start3A_689, %dma_start3A_690] : memref<1280x32xf32, #tpu.memory_space<vmem>> -> memref<128x32xf32, #tpu.memory_space<vmem>>
    %dma_start3A_692 = arith.constant 5504 : i32
    %dma_start3A_693 = tpu.memref_slice %arg8[%dma_start3A_692] : memref<10240xi32, #tpu.memory_space<vmem>> -> memref<128xi32, #tpu.memory_space<vmem>>
    %dma_start3A_694 = arith.constant 0 : i32
    %dma_start3A_695 = arith.constant 0 : i32
    %dma_start3A_696 = tpu.memref_slice %arg5[%dma_start3A_694, %dma_start3A_695] : memref<10000x32xf32, #tpu.memory_space<hbm>> -> memref<10000x32xf32, #tpu.memory_space<hbm>>
    tpu.enqueue_indirect_dma source(%dma_start3A_696 : memref<10000x32xf32, #tpu.memory_space<hbm>>) target(%dma_start3A_691 : memref<128x32xf32, #tpu.memory_space<vmem>>) offsets(%dma_start3A_693 : memref<128xi32, #tpu.memory_space<vmem>>) semaphore(%arg16 : memref<!tpu.dma_semaphore, #tpu.memory_space<semaphore_mem>>)
    %dma_start3A_697 = arith.constant 512 : i32
    %dma_start3A_698 = arith.constant 0 : i32
    %dma_start3A_699 = tpu.memref_slice %arg11[%dma_start3A_697, %dma_start3A_698] : memref<1280x32xf32, #tpu.memory_space<vmem>> -> memref<128x32xf32, #tpu.memory_space<vmem>>
    %dma_start3A_700 = arith.constant 5632 : i32
    %dma_start3A_701 = tpu.memref_slice %arg8[%dma_start3A_700] : memref<10240xi32, #tpu.memory_space<vmem>> -> memref<128xi32, #tpu.memory_space<vmem>>
    %dma_start3A_702 = arith.constant 0 : i32
    %dma_start3A_703 = arith.constant 0 : i32
    %dma_start3A_704 = tpu.memref_slice %arg5[%dma_start3A_702, %dma_start3A_703] : memref<10000x32xf32, #tpu.memory_space<hbm>> -> memref<10000x32xf32, #tpu.memory_space<hbm>>
    tpu.enqueue_indirect_dma source(%dma_start3A_704 : memref<10000x32xf32, #tpu.memory_space<hbm>>) target(%dma_start3A_699 : memref<128x32xf32, #tpu.memory_space<vmem>>) offsets(%dma_start3A_701 : memref<128xi32, #tpu.memory_space<vmem>>) semaphore(%arg16 : memref<!tpu.dma_semaphore, #tpu.memory_space<semaphore_mem>>)
    %dma_start3A_705 = arith.constant 640 : i32
    %dma_start3A_706 = arith.constant 0 : i32
    %dma_start3A_707 = tpu.memref_slice %arg11[%dma_start3A_705, %dma_start3A_706] : memref<1280x32xf32, #tpu.memory_space<vmem>> -> memref<128x32xf32, #tpu.memory_space<vmem>>
    %dma_start3A_708 = arith.constant 5760 : i32
    %dma_start3A_709 = tpu.memref_slice %arg8[%dma_start3A_708] : memref<10240xi32, #tpu.memory_space<vmem>> -> memref<128xi32, #tpu.memory_space<vmem>>
    %dma_start3A_710 = arith.constant 0 : i32
    %dma_start3A_711 = arith.constant 0 : i32
    %dma_start3A_712 = tpu.memref_slice %arg5[%dma_start3A_710, %dma_start3A_711] : memref<10000x32xf32, #tpu.memory_space<hbm>> -> memref<10000x32xf32, #tpu.memory_space<hbm>>
    tpu.enqueue_indirect_dma source(%dma_start3A_712 : memref<10000x32xf32, #tpu.memory_space<hbm>>) target(%dma_start3A_707 : memref<128x32xf32, #tpu.memory_space<vmem>>) offsets(%dma_start3A_709 : memref<128xi32, #tpu.memory_space<vmem>>) semaphore(%arg16 : memref<!tpu.dma_semaphore, #tpu.memory_space<semaphore_mem>>)
    %dma_start3A_713 = arith.constant 768 : i32
    %dma_start3A_714 = arith.constant 0 : i32
    %dma_start3A_715 = tpu.memref_slice %arg11[%dma_start3A_713, %dma_start3A_714] : memref<1280x32xf32, #tpu.memory_space<vmem>> -> memref<128x32xf32, #tpu.memory_space<vmem>>
    %dma_start3A_716 = arith.constant 5888 : i32
    %dma_start3A_717 = tpu.memref_slice %arg8[%dma_start3A_716] : memref<10240xi32, #tpu.memory_space<vmem>> -> memref<128xi32, #tpu.memory_space<vmem>>
    %dma_start3A_718 = arith.constant 0 : i32
    %dma_start3A_719 = arith.constant 0 : i32
    %dma_start3A_720 = tpu.memref_slice %arg5[%dma_start3A_718, %dma_start3A_719] : memref<10000x32xf32, #tpu.memory_space<hbm>> -> memref<10000x32xf32, #tpu.memory_space<hbm>>
    tpu.enqueue_indirect_dma source(%dma_start3A_720 : memref<10000x32xf32, #tpu.memory_space<hbm>>) target(%dma_start3A_715 : memref<128x32xf32, #tpu.memory_space<vmem>>) offsets(%dma_start3A_717 : memref<128xi32, #tpu.memory_space<vmem>>) semaphore(%arg16 : memref<!tpu.dma_semaphore, #tpu.memory_space<semaphore_mem>>)
    %dma_start3A_721 = arith.constant 896 : i32
    %dma_start3A_722 = arith.constant 0 : i32
    %dma_start3A_723 = tpu.memref_slice %arg11[%dma_start3A_721, %dma_start3A_722] : memref<1280x32xf32, #tpu.memory_space<vmem>> -> memref<128x32xf32, #tpu.memory_space<vmem>>
    %dma_start3A_724 = arith.constant 6016 : i32
    %dma_start3A_725 = tpu.memref_slice %arg8[%dma_start3A_724] : memref<10240xi32, #tpu.memory_space<vmem>> -> memref<128xi32, #tpu.memory_space<vmem>>
    %dma_start3A_726 = arith.constant 0 : i32
    %dma_start3A_727 = arith.constant 0 : i32
    %dma_start3A_728 = tpu.memref_slice %arg5[%dma_start3A_726, %dma_start3A_727] : memref<10000x32xf32, #tpu.memory_space<hbm>> -> memref<10000x32xf32, #tpu.memory_space<hbm>>
    tpu.enqueue_indirect_dma source(%dma_start3A_728 : memref<10000x32xf32, #tpu.memory_space<hbm>>) target(%dma_start3A_723 : memref<128x32xf32, #tpu.memory_space<vmem>>) offsets(%dma_start3A_725 : memref<128xi32, #tpu.memory_space<vmem>>) semaphore(%arg16 : memref<!tpu.dma_semaphore, #tpu.memory_space<semaphore_mem>>)
    %dma_start3A_729 = arith.constant 1024 : i32
    %dma_start3A_730 = arith.constant 0 : i32
    %dma_start3A_731 = tpu.memref_slice %arg11[%dma_start3A_729, %dma_start3A_730] : memref<1280x32xf32, #tpu.memory_space<vmem>> -> memref<128x32xf32, #tpu.memory_space<vmem>>
    %dma_start3A_732 = arith.constant 6144 : i32
    %dma_start3A_733 = tpu.memref_slice %arg8[%dma_start3A_732] : memref<10240xi32, #tpu.memory_space<vmem>> -> memref<128xi32, #tpu.memory_space<vmem>>
    %dma_start3A_734 = arith.constant 0 : i32
    %dma_start3A_735 = arith.constant 0 : i32
    %dma_start3A_736 = tpu.memref_slice %arg5[%dma_start3A_734, %dma_start3A_735] : memref<10000x32xf32, #tpu.memory_space<hbm>> -> memref<10000x32xf32, #tpu.memory_space<hbm>>
    tpu.enqueue_indirect_dma source(%dma_start3A_736 : memref<10000x32xf32, #tpu.memory_space<hbm>>) target(%dma_start3A_731 : memref<128x32xf32, #tpu.memory_space<vmem>>) offsets(%dma_start3A_733 : memref<128xi32, #tpu.memory_space<vmem>>) semaphore(%arg16 : memref<!tpu.dma_semaphore, #tpu.memory_space<semaphore_mem>>)
    %dma_start3A_737 = arith.constant 1152 : i32
    %dma_start3A_738 = arith.constant 0 : i32
    %dma_start3A_739 = tpu.memref_slice %arg11[%dma_start3A_737, %dma_start3A_738] : memref<1280x32xf32, #tpu.memory_space<vmem>> -> memref<128x32xf32, #tpu.memory_space<vmem>>
    %dma_start3A_740 = arith.constant 6272 : i32
    %dma_start3A_741 = tpu.memref_slice %arg8[%dma_start3A_740] : memref<10240xi32, #tpu.memory_space<vmem>> -> memref<128xi32, #tpu.memory_space<vmem>>
    %dma_start3A_742 = arith.constant 0 : i32
    %dma_start3A_743 = arith.constant 0 : i32
    %dma_start3A_744 = tpu.memref_slice %arg5[%dma_start3A_742, %dma_start3A_743] : memref<10000x32xf32, #tpu.memory_space<hbm>> -> memref<10000x32xf32, #tpu.memory_space<hbm>>
    tpu.enqueue_indirect_dma source(%dma_start3A_744 : memref<10000x32xf32, #tpu.memory_space<hbm>>) target(%dma_start3A_739 : memref<128x32xf32, #tpu.memory_space<vmem>>) offsets(%dma_start3A_741 : memref<128xi32, #tpu.memory_space<vmem>>) semaphore(%arg16 : memref<!tpu.dma_semaphore, #tpu.memory_space<semaphore_mem>>)
    %dma_wait3A_745 = arith.constant 0 : i32
    %dma_wait3A_746 = arith.constant 0 : i32
    %dma_wait3A_747 = tpu.memref_slice %arg12[%dma_wait3A_745, %dma_wait3A_746] : memref<1280x32xf32, #tpu.memory_space<vmem>> -> memref<128x32xf32, #tpu.memory_space<vmem>>
    %dma_wait3A_748 = arith.constant 3840 : i32
    %dma_wait3A_749 = tpu.memref_slice %arg8[%dma_wait3A_748] : memref<10240xi32, #tpu.memory_space<vmem>> -> memref<128xi32, #tpu.memory_space<vmem>>
    %dma_wait3A_750 = arith.constant 0 : i32
    %dma_wait3A_751 = arith.constant 0 : i32
    %dma_wait3A_752 = tpu.memref_slice %arg5[%dma_wait3A_750, %dma_wait3A_751] : memref<10000x32xf32, #tpu.memory_space<hbm>> -> memref<10000x32xf32, #tpu.memory_space<hbm>>
    tpu.wait_indirect_dma semaphore(%arg17 : memref<!tpu.dma_semaphore, #tpu.memory_space<semaphore_mem>>) src(%dma_wait3A_752 : memref<10000x32xf32, #tpu.memory_space<hbm>>) dst(%dma_wait3A_747 : memref<128x32xf32, #tpu.memory_space<vmem>>)
    %dma_wait3A_753 = arith.constant 128 : i32
    %dma_wait3A_754 = arith.constant 0 : i32
    %dma_wait3A_755 = tpu.memref_slice %arg12[%dma_wait3A_753, %dma_wait3A_754] : memref<1280x32xf32, #tpu.memory_space<vmem>> -> memref<128x32xf32, #tpu.memory_space<vmem>>
    %dma_wait3A_756 = arith.constant 3968 : i32
    %dma_wait3A_757 = tpu.memref_slice %arg8[%dma_wait3A_756] : memref<10240xi32, #tpu.memory_space<vmem>> -> memref<128xi32, #tpu.memory_space<vmem>>
    %dma_wait3A_758 = arith.constant 0 : i32
    %dma_wait3A_759 = arith.constant 0 : i32
    %dma_wait3A_760 = tpu.memref_slice %arg5[%dma_wait3A_758, %dma_wait3A_759] : memref<10000x32xf32, #tpu.memory_space<hbm>> -> memref<10000x32xf32, #tpu.memory_space<hbm>>
    tpu.wait_indirect_dma semaphore(%arg17 : memref<!tpu.dma_semaphore, #tpu.memory_space<semaphore_mem>>) src(%dma_wait3A_760 : memref<10000x32xf32, #tpu.memory_space<hbm>>) dst(%dma_wait3A_755 : memref<128x32xf32, #tpu.memory_space<vmem>>)
    %dma_wait3A_761 = arith.constant 256 : i32
    %dma_wait3A_762 = arith.constant 0 : i32
    %dma_wait3A_763 = tpu.memref_slice %arg12[%dma_wait3A_761, %dma_wait3A_762] : memref<1280x32xf32, #tpu.memory_space<vmem>> -> memref<128x32xf32, #tpu.memory_space<vmem>>
    %dma_wait3A_764 = arith.constant 4096 : i32
    %dma_wait3A_765 = tpu.memref_slice %arg8[%dma_wait3A_764] : memref<10240xi32, #tpu.memory_space<vmem>> -> memref<128xi32, #tpu.memory_space<vmem>>
    %dma_wait3A_766 = arith.constant 0 : i32
    %dma_wait3A_767 = arith.constant 0 : i32
    %dma_wait3A_768 = tpu.memref_slice %arg5[%dma_wait3A_766, %dma_wait3A_767] : memref<10000x32xf32, #tpu.memory_space<hbm>> -> memref<10000x32xf32, #tpu.memory_space<hbm>>
    tpu.wait_indirect_dma semaphore(%arg17 : memref<!tpu.dma_semaphore, #tpu.memory_space<semaphore_mem>>) src(%dma_wait3A_768 : memref<10000x32xf32, #tpu.memory_space<hbm>>) dst(%dma_wait3A_763 : memref<128x32xf32, #tpu.memory_space<vmem>>)
    %dma_wait3A_769 = arith.constant 384 : i32
    %dma_wait3A_770 = arith.constant 0 : i32
    %dma_wait3A_771 = tpu.memref_slice %arg12[%dma_wait3A_769, %dma_wait3A_770] : memref<1280x32xf32, #tpu.memory_space<vmem>> -> memref<128x32xf32, #tpu.memory_space<vmem>>
    %dma_wait3A_772 = arith.constant 4224 : i32
    %dma_wait3A_773 = tpu.memref_slice %arg8[%dma_wait3A_772] : memref<10240xi32, #tpu.memory_space<vmem>> -> memref<128xi32, #tpu.memory_space<vmem>>
    %dma_wait3A_774 = arith.constant 0 : i32
    %dma_wait3A_775 = arith.constant 0 : i32
    %dma_wait3A_776 = tpu.memref_slice %arg5[%dma_wait3A_774, %dma_wait3A_775] : memref<10000x32xf32, #tpu.memory_space<hbm>> -> memref<10000x32xf32, #tpu.memory_space<hbm>>
    tpu.wait_indirect_dma semaphore(%arg17 : memref<!tpu.dma_semaphore, #tpu.memory_space<semaphore_mem>>) src(%dma_wait3A_776 : memref<10000x32xf32, #tpu.memory_space<hbm>>) dst(%dma_wait3A_771 : memref<128x32xf32, #tpu.memory_space<vmem>>)
    %dma_wait3A_777 = arith.constant 512 : i32
    %dma_wait3A_778 = arith.constant 0 : i32
    %dma_wait3A_779 = tpu.memref_slice %arg12[%dma_wait3A_777, %dma_wait3A_778] : memref<1280x32xf32, #tpu.memory_space<vmem>> -> memref<128x32xf32, #tpu.memory_space<vmem>>
    %dma_wait3A_780 = arith.constant 4352 : i32
    %dma_wait3A_781 = tpu.memref_slice %arg8[%dma_wait3A_780] : memref<10240xi32, #tpu.memory_space<vmem>> -> memref<128xi32, #tpu.memory_space<vmem>>
    %dma_wait3A_782 = arith.constant 0 : i32
    %dma_wait3A_783 = arith.constant 0 : i32
    %dma_wait3A_784 = tpu.memref_slice %arg5[%dma_wait3A_782, %dma_wait3A_783] : memref<10000x32xf32, #tpu.memory_space<hbm>> -> memref<10000x32xf32, #tpu.memory_space<hbm>>
    tpu.wait_indirect_dma semaphore(%arg17 : memref<!tpu.dma_semaphore, #tpu.memory_space<semaphore_mem>>) src(%dma_wait3A_784 : memref<10000x32xf32, #tpu.memory_space<hbm>>) dst(%dma_wait3A_779 : memref<128x32xf32, #tpu.memory_space<vmem>>)
    %dma_wait3A_785 = arith.constant 640 : i32
    %dma_wait3A_786 = arith.constant 0 : i32
    %dma_wait3A_787 = tpu.memref_slice %arg12[%dma_wait3A_785, %dma_wait3A_786] : memref<1280x32xf32, #tpu.memory_space<vmem>> -> memref<128x32xf32, #tpu.memory_space<vmem>>
    %dma_wait3A_788 = arith.constant 4480 : i32
    %dma_wait3A_789 = tpu.memref_slice %arg8[%dma_wait3A_788] : memref<10240xi32, #tpu.memory_space<vmem>> -> memref<128xi32, #tpu.memory_space<vmem>>
    %dma_wait3A_790 = arith.constant 0 : i32
    %dma_wait3A_791 = arith.constant 0 : i32
    %dma_wait3A_792 = tpu.memref_slice %arg5[%dma_wait3A_790, %dma_wait3A_791] : memref<10000x32xf32, #tpu.memory_space<hbm>> -> memref<10000x32xf32, #tpu.memory_space<hbm>>
    tpu.wait_indirect_dma semaphore(%arg17 : memref<!tpu.dma_semaphore, #tpu.memory_space<semaphore_mem>>) src(%dma_wait3A_792 : memref<10000x32xf32, #tpu.memory_space<hbm>>) dst(%dma_wait3A_787 : memref<128x32xf32, #tpu.memory_space<vmem>>)
    %dma_wait3A_793 = arith.constant 768 : i32
    %dma_wait3A_794 = arith.constant 0 : i32
    %dma_wait3A_795 = tpu.memref_slice %arg12[%dma_wait3A_793, %dma_wait3A_794] : memref<1280x32xf32, #tpu.memory_space<vmem>> -> memref<128x32xf32, #tpu.memory_space<vmem>>
    %dma_wait3A_796 = arith.constant 4608 : i32
    %dma_wait3A_797 = tpu.memref_slice %arg8[%dma_wait3A_796] : memref<10240xi32, #tpu.memory_space<vmem>> -> memref<128xi32, #tpu.memory_space<vmem>>
    %dma_wait3A_798 = arith.constant 0 : i32
    %dma_wait3A_799 = arith.constant 0 : i32
    %dma_wait3A_800 = tpu.memref_slice %arg5[%dma_wait3A_798, %dma_wait3A_799] : memref<10000x32xf32, #tpu.memory_space<hbm>> -> memref<10000x32xf32, #tpu.memory_space<hbm>>
    tpu.wait_indirect_dma semaphore(%arg17 : memref<!tpu.dma_semaphore, #tpu.memory_space<semaphore_mem>>) src(%dma_wait3A_800 : memref<10000x32xf32, #tpu.memory_space<hbm>>) dst(%dma_wait3A_795 : memref<128x32xf32, #tpu.memory_space<vmem>>)
    %dma_wait3A_801 = arith.constant 896 : i32
    %dma_wait3A_802 = arith.constant 0 : i32
    %dma_wait3A_803 = tpu.memref_slice %arg12[%dma_wait3A_801, %dma_wait3A_802] : memref<1280x32xf32, #tpu.memory_space<vmem>> -> memref<128x32xf32, #tpu.memory_space<vmem>>
    %dma_wait3A_804 = arith.constant 4736 : i32
    %dma_wait3A_805 = tpu.memref_slice %arg8[%dma_wait3A_804] : memref<10240xi32, #tpu.memory_space<vmem>> -> memref<128xi32, #tpu.memory_space<vmem>>
    %dma_wait3A_806 = arith.constant 0 : i32
    %dma_wait3A_807 = arith.constant 0 : i32
    %dma_wait3A_808 = tpu.memref_slice %arg5[%dma_wait3A_806, %dma_wait3A_807] : memref<10000x32xf32, #tpu.memory_space<hbm>> -> memref<10000x32xf32, #tpu.memory_space<hbm>>
    tpu.wait_indirect_dma semaphore(%arg17 : memref<!tpu.dma_semaphore, #tpu.memory_space<semaphore_mem>>) src(%dma_wait3A_808 : memref<10000x32xf32, #tpu.memory_space<hbm>>) dst(%dma_wait3A_803 : memref<128x32xf32, #tpu.memory_space<vmem>>)
    %dma_wait3A_809 = arith.constant 1024 : i32
    %dma_wait3A_810 = arith.constant 0 : i32
    %dma_wait3A_811 = tpu.memref_slice %arg12[%dma_wait3A_809, %dma_wait3A_810] : memref<1280x32xf32, #tpu.memory_space<vmem>> -> memref<128x32xf32, #tpu.memory_space<vmem>>
    %dma_wait3A_812 = arith.constant 4864 : i32
    %dma_wait3A_813 = tpu.memref_slice %arg8[%dma_wait3A_812] : memref<10240xi32, #tpu.memory_space<vmem>> -> memref<128xi32, #tpu.memory_space<vmem>>
    %dma_wait3A_814 = arith.constant 0 : i32
    %dma_wait3A_815 = arith.constant 0 : i32
    %dma_wait3A_816 = tpu.memref_slice %arg5[%dma_wait3A_814, %dma_wait3A_815] : memref<10000x32xf32, #tpu.memory_space<hbm>> -> memref<10000x32xf32, #tpu.memory_space<hbm>>
    tpu.wait_indirect_dma semaphore(%arg17 : memref<!tpu.dma_semaphore, #tpu.memory_space<semaphore_mem>>) src(%dma_wait3A_816 : memref<10000x32xf32, #tpu.memory_space<hbm>>) dst(%dma_wait3A_811 : memref<128x32xf32, #tpu.memory_space<vmem>>)
    %dma_wait3A_817 = arith.constant 1152 : i32
    %dma_wait3A_818 = arith.constant 0 : i32
    %dma_wait3A_819 = tpu.memref_slice %arg12[%dma_wait3A_817, %dma_wait3A_818] : memref<1280x32xf32, #tpu.memory_space<vmem>> -> memref<128x32xf32, #tpu.memory_space<vmem>>
    %dma_wait3A_820 = arith.constant 4992 : i32
    %dma_wait3A_821 = tpu.memref_slice %arg8[%dma_wait3A_820] : memref<10240xi32, #tpu.memory_space<vmem>> -> memref<128xi32, #tpu.memory_space<vmem>>
    %dma_wait3A_822 = arith.constant 0 : i32
    %dma_wait3A_823 = arith.constant 0 : i32
    %dma_wait3A_824 = tpu.memref_slice %arg5[%dma_wait3A_822, %dma_wait3A_823] : memref<10000x32xf32, #tpu.memory_space<hbm>> -> memref<10000x32xf32, #tpu.memory_space<hbm>>
    tpu.wait_indirect_dma semaphore(%arg17 : memref<!tpu.dma_semaphore, #tpu.memory_space<semaphore_mem>>) src(%dma_wait3A_824 : memref<10000x32xf32, #tpu.memory_space<hbm>>) dst(%dma_wait3A_819 : memref<128x32xf32, #tpu.memory_space<vmem>>)
    %dma_wait3A_825 = arith.constant 0 : i32
    %dma_wait3A_826 = tpu.memref_slice %arg6[%add3A_474, %dma_wait3A_825] : memref<16384x64xf32, #tpu.memory_space<hbm>> -> memref<64x64xf32, #tpu.memory_space<hbm>>
    %dma_wait3A_827 = arith.constant 0 : i32
    %dma_wait3A_828 = tpu.memref_slice %arg6[%add3A_474, %dma_wait3A_827] : memref<16384x64xf32, #tpu.memory_space<hbm>> -> memref<64x64xf32, #tpu.memory_space<hbm>>
    tpu.wait_dma2 semaphore(%arg19 : memref<!tpu.dma_semaphore, #tpu.memory_space<semaphore_mem>>) src(%arg14 : memref<64x64xf32, #tpu.memory_space<vmem>>) dst(%dma_wait3A_828 : memref<64x64xf32, #tpu.memory_space<hbm>>)
    %scan3A_829 = arith.constant 0 : i32
    %scan3A_830 = arith.constant 0 : i32
    %scan3A_831 = arith.constant 64 : i32
    %scan3A_832 = arith.addi %scan3A_830, %scan3A_831 : i32
    %scan3A_833 = arith.constant 1 : i32
    scf.for %scan3A_1493 = %scan3A_830 to %scan3A_832 step %scan3A_833  : i32 {
      %mul3A_1494 = arith.constant 20 : i32
      %mul3A_1495 = arith.muli %scan3A_1493, %mul3A_1494 : i32
      %get3A_1496 = arith.index_cast %mul3A_1495 : i32 to index
      %get3A_1497 = arith.constant 0 : index
      %get3A_1498 = tpu.vector_load %arg12[%get3A_1496, %get3A_1497] {strides = array<i32>} : memref<1280x32xf32, #tpu.memory_space<vmem>>, vector<16xf32>,
      %get3A_1499 = arith.index_cast %mul3A_1495 : i32 to index
      %get3A_1500 = arith.constant 16 : index
      %get3A_1501 = tpu.vector_load %arg12[%get3A_1499, %get3A_1500] {strides = array<i32>} : memref<1280x32xf32, #tpu.memory_space<vmem>>, vector<16xf32>,
      %add3A_1502 = arith.constant 1 : i32
      %add3A_1503 = arith.addi %mul3A_1495, %add3A_1502 : i32
      %get3A_1504 = arith.index_cast %add3A_1503 : i32 to index
      %get3A_1505 = arith.constant 0 : index
      %get3A_1506 = tpu.vector_load %arg12[%get3A_1504, %get3A_1505] {strides = array<i32>} : memref<1280x32xf32, #tpu.memory_space<vmem>>, vector<16xf32>,
      %add3A_1507 = arith.addf %get3A_1498, %get3A_1506 : vector<16xf32>
      %add3A_1508 = arith.constant 1 : i32
      %add3A_1509 = arith.addi %mul3A_1495, %add3A_1508 : i32
      %get3A_1510 = arith.index_cast %add3A_1509 : i32 to index
      %get3A_1511 = arith.constant 16 : index
      %get3A_1512 = tpu.vector_load %arg12[%get3A_1510, %get3A_1511] {strides = array<i32>} : memref<1280x32xf32, #tpu.memory_space<vmem>>, vector<16xf32>,
      %add3A_1513 = arith.addf %get3A_1501, %get3A_1512 : vector<16xf32>
      %add3A_1514 = arith.constant 2 : i32
      %add3A_1515 = arith.addi %mul3A_1495, %add3A_1514 : i32
      %get3A_1516 = arith.index_cast %add3A_1515 : i32 to index
      %get3A_1517 = arith.constant 0 : index
      %get3A_1518 = tpu.vector_load %arg12[%get3A_1516, %get3A_1517] {strides = array<i32>} : memref<1280x32xf32, #tpu.memory_space<vmem>>, vector<16xf32>,
      %add3A_1519 = arith.addf %add3A_1507, %get3A_1518 : vector<16xf32>
      %add3A_1520 = arith.constant 2 : i32
      %add3A_1521 = arith.addi %mul3A_1495, %add3A_1520 : i32
      %get3A_1522 = arith.index_cast %add3A_1521 : i32 to index
      %get3A_1523 = arith.constant 16 : index
      %get3A_1524 = tpu.vector_load %arg12[%get3A_1522, %get3A_1523] {strides = array<i32>} : memref<1280x32xf32, #tpu.memory_space<vmem>>, vector<16xf32>,
      %add3A_1525 = arith.addf %add3A_1513, %get3A_1524 : vector<16xf32>
      %add3A_1526 = arith.constant 3 : i32
      %add3A_1527 = arith.addi %mul3A_1495, %add3A_1526 : i32
      %get3A_1528 = arith.index_cast %add3A_1527 : i32 to index
      %get3A_1529 = arith.constant 0 : index
      %get3A_1530 = tpu.vector_load %arg12[%get3A_1528, %get3A_1529] {strides = array<i32>} : memref<1280x32xf32, #tpu.memory_space<vmem>>, vector<16xf32>,
      %add3A_1531 = arith.addf %add3A_1519, %get3A_1530 : vector<16xf32>
      %add3A_1532 = arith.constant 3 : i32
      %add3A_1533 = arith.addi %mul3A_1495, %add3A_1532 : i32
      %get3A_1534 = arith.index_cast %add3A_1533 : i32 to index
      %get3A_1535 = arith.constant 16 : index
      %get3A_1536 = tpu.vector_load %arg12[%get3A_1534, %get3A_1535] {strides = array<i32>} : memref<1280x32xf32, #tpu.memory_space<vmem>>, vector<16xf32>,
      %add3A_1537 = arith.addf %add3A_1525, %get3A_1536 : vector<16xf32>
      %add3A_1538 = arith.constant 4 : i32
      %add3A_1539 = arith.addi %mul3A_1495, %add3A_1538 : i32
      %get3A_1540 = arith.index_cast %add3A_1539 : i32 to index
      %get3A_1541 = arith.constant 0 : index
      %get3A_1542 = tpu.vector_load %arg12[%get3A_1540, %get3A_1541] {strides = array<i32>} : memref<1280x32xf32, #tpu.memory_space<vmem>>, vector<16xf32>,
      %add3A_1543 = arith.addf %add3A_1531, %get3A_1542 : vector<16xf32>
      %add3A_1544 = arith.constant 4 : i32
      %add3A_1545 = arith.addi %mul3A_1495, %add3A_1544 : i32
      %get3A_1546 = arith.index_cast %add3A_1545 : i32 to index
      %get3A_1547 = arith.constant 16 : index
      %get3A_1548 = tpu.vector_load %arg12[%get3A_1546, %get3A_1547] {strides = array<i32>} : memref<1280x32xf32, #tpu.memory_space<vmem>>, vector<16xf32>,
      %add3A_1549 = arith.addf %add3A_1537, %get3A_1548 : vector<16xf32>
      %add3A_1550 = arith.constant 5 : i32
      %add3A_1551 = arith.addi %mul3A_1495, %add3A_1550 : i32
      %get3A_1552 = arith.index_cast %add3A_1551 : i32 to index
      %get3A_1553 = arith.constant 0 : index
      %get3A_1554 = tpu.vector_load %arg12[%get3A_1552, %get3A_1553] {strides = array<i32>} : memref<1280x32xf32, #tpu.memory_space<vmem>>, vector<16xf32>,
      %add3A_1555 = arith.addf %add3A_1543, %get3A_1554 : vector<16xf32>
      %add3A_1556 = arith.constant 5 : i32
      %add3A_1557 = arith.addi %mul3A_1495, %add3A_1556 : i32
      %get3A_1558 = arith.index_cast %add3A_1557 : i32 to index
      %get3A_1559 = arith.constant 16 : index
      %get3A_1560 = tpu.vector_load %arg12[%get3A_1558, %get3A_1559] {strides = array<i32>} : memref<1280x32xf32, #tpu.memory_space<vmem>>, vector<16xf32>,
      %add3A_1561 = arith.addf %add3A_1549, %get3A_1560 : vector<16xf32>
      %add3A_1562 = arith.constant 6 : i32
      %add3A_1563 = arith.addi %mul3A_1495, %add3A_1562 : i32
      %get3A_1564 = arith.index_cast %add3A_1563 : i32 to index
      %get3A_1565 = arith.constant 0 : index
      %get3A_1566 = tpu.vector_load %arg12[%get3A_1564, %get3A_1565] {strides = array<i32>} : memref<1280x32xf32, #tpu.memory_space<vmem>>, vector<16xf32>,
      %add3A_1567 = arith.addf %add3A_1555, %get3A_1566 : vector<16xf32>
      %add3A_1568 = arith.constant 6 : i32
      %add3A_1569 = arith.addi %mul3A_1495, %add3A_1568 : i32
      %get3A_1570 = arith.index_cast %add3A_1569 : i32 to index
      %get3A_1571 = arith.constant 16 : index
      %get3A_1572 = tpu.vector_load %arg12[%get3A_1570, %get3A_1571] {strides = array<i32>} : memref<1280x32xf32, #tpu.memory_space<vmem>>, vector<16xf32>,
      %add3A_1573 = arith.addf %add3A_1561, %get3A_1572 : vector<16xf32>
      %add3A_1574 = arith.constant 7 : i32
      %add3A_1575 = arith.addi %mul3A_1495, %add3A_1574 : i32
      %get3A_1576 = arith.index_cast %add3A_1575 : i32 to index
      %get3A_1577 = arith.constant 0 : index
      %get3A_1578 = tpu.vector_load %arg12[%get3A_1576, %get3A_1577] {strides = array<i32>} : memref<1280x32xf32, #tpu.memory_space<vmem>>, vector<16xf32>,
      %add3A_1579 = arith.addf %add3A_1567, %get3A_1578 : vector<16xf32>
      %add3A_1580 = arith.constant 7 : i32
      %add3A_1581 = arith.addi %mul3A_1495, %add3A_1580 : i32
      %get3A_1582 = arith.index_cast %add3A_1581 : i32 to index
      %get3A_1583 = arith.constant 16 : index
      %get3A_1584 = tpu.vector_load %arg12[%get3A_1582, %get3A_1583] {strides = array<i32>} : memref<1280x32xf32, #tpu.memory_space<vmem>>, vector<16xf32>,
      %add3A_1585 = arith.addf %add3A_1573, %get3A_1584 : vector<16xf32>
      %add3A_1586 = arith.constant 8 : i32
      %add3A_1587 = arith.addi %mul3A_1495, %add3A_1586 : i32
      %get3A_1588 = arith.index_cast %add3A_1587 : i32 to index
      %get3A_1589 = arith.constant 0 : index
      %get3A_1590 = tpu.vector_load %arg12[%get3A_1588, %get3A_1589] {strides = array<i32>} : memref<1280x32xf32, #tpu.memory_space<vmem>>, vector<16xf32>,
      %add3A_1591 = arith.addf %add3A_1579, %get3A_1590 : vector<16xf32>
      %add3A_1592 = arith.constant 8 : i32
      %add3A_1593 = arith.addi %mul3A_1495, %add3A_1592 : i32
      %get3A_1594 = arith.index_cast %add3A_1593 : i32 to index
      %get3A_1595 = arith.constant 16 : index
      %get3A_1596 = tpu.vector_load %arg12[%get3A_1594, %get3A_1595] {strides = array<i32>} : memref<1280x32xf32, #tpu.memory_space<vmem>>, vector<16xf32>,
      %add3A_1597 = arith.addf %add3A_1585, %get3A_1596 : vector<16xf32>
      %add3A_1598 = arith.constant 9 : i32
      %add3A_1599 = arith.addi %mul3A_1495, %add3A_1598 : i32
      %get3A_1600 = arith.index_cast %add3A_1599 : i32 to index
      %get3A_1601 = arith.constant 0 : index
      %get3A_1602 = tpu.vector_load %arg12[%get3A_1600, %get3A_1601] {strides = array<i32>} : memref<1280x32xf32, #tpu.memory_space<vmem>>, vector<16xf32>,
      %add3A_1603 = arith.addf %add3A_1591, %get3A_1602 : vector<16xf32>
      %add3A_1604 = arith.constant 9 : i32
      %add3A_1605 = arith.addi %mul3A_1495, %add3A_1604 : i32
      %get3A_1606 = arith.index_cast %add3A_1605 : i32 to index
      %get3A_1607 = arith.constant 16 : index
      %get3A_1608 = tpu.vector_load %arg12[%get3A_1606, %get3A_1607] {strides = array<i32>} : memref<1280x32xf32, #tpu.memory_space<vmem>>, vector<16xf32>,
      %add3A_1609 = arith.addf %add3A_1597, %get3A_1608 : vector<16xf32>
      %add3A_1610 = arith.constant 10 : i32
      %add3A_1611 = arith.addi %mul3A_1495, %add3A_1610 : i32
      %get3A_1612 = arith.index_cast %add3A_1611 : i32 to index
      %get3A_1613 = arith.constant 0 : index
      %get3A_1614 = tpu.vector_load %arg12[%get3A_1612, %get3A_1613] {strides = array<i32>} : memref<1280x32xf32, #tpu.memory_space<vmem>>, vector<16xf32>,
      %add3A_1615 = arith.addf %add3A_1603, %get3A_1614 : vector<16xf32>
      %add3A_1616 = arith.constant 10 : i32
      %add3A_1617 = arith.addi %mul3A_1495, %add3A_1616 : i32
      %get3A_1618 = arith.index_cast %add3A_1617 : i32 to index
      %get3A_1619 = arith.constant 16 : index
      %get3A_1620 = tpu.vector_load %arg12[%get3A_1618, %get3A_1619] {strides = array<i32>} : memref<1280x32xf32, #tpu.memory_space<vmem>>, vector<16xf32>,
      %add3A_1621 = arith.addf %add3A_1609, %get3A_1620 : vector<16xf32>
      %add3A_1622 = arith.constant 11 : i32
      %add3A_1623 = arith.addi %mul3A_1495, %add3A_1622 : i32
      %get3A_1624 = arith.index_cast %add3A_1623 : i32 to index
      %get3A_1625 = arith.constant 0 : index
      %get3A_1626 = tpu.vector_load %arg12[%get3A_1624, %get3A_1625] {strides = array<i32>} : memref<1280x32xf32, #tpu.memory_space<vmem>>, vector<16xf32>,
      %add3A_1627 = arith.addf %add3A_1615, %get3A_1626 : vector<16xf32>
      %add3A_1628 = arith.constant 11 : i32
      %add3A_1629 = arith.addi %mul3A_1495, %add3A_1628 : i32
      %get3A_1630 = arith.index_cast %add3A_1629 : i32 to index
      %get3A_1631 = arith.constant 16 : index
      %get3A_1632 = tpu.vector_load %arg12[%get3A_1630, %get3A_1631] {strides = array<i32>} : memref<1280x32xf32, #tpu.memory_space<vmem>>, vector<16xf32>,
      %add3A_1633 = arith.addf %add3A_1621, %get3A_1632 : vector<16xf32>
      %add3A_1634 = arith.constant 12 : i32
      %add3A_1635 = arith.addi %mul3A_1495, %add3A_1634 : i32
      %get3A_1636 = arith.index_cast %add3A_1635 : i32 to index
      %get3A_1637 = arith.constant 0 : index
      %get3A_1638 = tpu.vector_load %arg12[%get3A_1636, %get3A_1637] {strides = array<i32>} : memref<1280x32xf32, #tpu.memory_space<vmem>>, vector<16xf32>,
      %add3A_1639 = arith.addf %add3A_1627, %get3A_1638 : vector<16xf32>
      %add3A_1640 = arith.constant 12 : i32
      %add3A_1641 = arith.addi %mul3A_1495, %add3A_1640 : i32
      %get3A_1642 = arith.index_cast %add3A_1641 : i32 to index
      %get3A_1643 = arith.constant 16 : index
      %get3A_1644 = tpu.vector_load %arg12[%get3A_1642, %get3A_1643] {strides = array<i32>} : memref<1280x32xf32, #tpu.memory_space<vmem>>, vector<16xf32>,
      %add3A_1645 = arith.addf %add3A_1633, %get3A_1644 : vector<16xf32>
      %add3A_1646 = arith.constant 13 : i32
      %add3A_1647 = arith.addi %mul3A_1495, %add3A_1646 : i32
      %get3A_1648 = arith.index_cast %add3A_1647 : i32 to index
      %get3A_1649 = arith.constant 0 : index
      %get3A_1650 = tpu.vector_load %arg12[%get3A_1648, %get3A_1649] {strides = array<i32>} : memref<1280x32xf32, #tpu.memory_space<vmem>>, vector<16xf32>,
      %add3A_1651 = arith.addf %add3A_1639, %get3A_1650 : vector<16xf32>
      %add3A_1652 = arith.constant 13 : i32
      %add3A_1653 = arith.addi %mul3A_1495, %add3A_1652 : i32
      %get3A_1654 = arith.index_cast %add3A_1653 : i32 to index
      %get3A_1655 = arith.constant 16 : index
      %get3A_1656 = tpu.vector_load %arg12[%get3A_1654, %get3A_1655] {strides = array<i32>} : memref<1280x32xf32, #tpu.memory_space<vmem>>, vector<16xf32>,
      %add3A_1657 = arith.addf %add3A_1645, %get3A_1656 : vector<16xf32>
      %add3A_1658 = arith.constant 14 : i32
      %add3A_1659 = arith.addi %mul3A_1495, %add3A_1658 : i32
      %get3A_1660 = arith.index_cast %add3A_1659 : i32 to index
      %get3A_1661 = arith.constant 0 : index
      %get3A_1662 = tpu.vector_load %arg12[%get3A_1660, %get3A_1661] {strides = array<i32>} : memref<1280x32xf32, #tpu.memory_space<vmem>>, vector<16xf32>,
      %add3A_1663 = arith.addf %add3A_1651, %get3A_1662 : vector<16xf32>
      %add3A_1664 = arith.constant 14 : i32
      %add3A_1665 = arith.addi %mul3A_1495, %add3A_1664 : i32
      %get3A_1666 = arith.index_cast %add3A_1665 : i32 to index
      %get3A_1667 = arith.constant 16 : index
      %get3A_1668 = tpu.vector_load %arg12[%get3A_1666, %get3A_1667] {strides = array<i32>} : memref<1280x32xf32, #tpu.memory_space<vmem>>, vector<16xf32>,
      %add3A_1669 = arith.addf %add3A_1657, %get3A_1668 : vector<16xf32>
      %add3A_1670 = arith.constant 15 : i32
      %add3A_1671 = arith.addi %mul3A_1495, %add3A_1670 : i32
      %get3A_1672 = arith.index_cast %add3A_1671 : i32 to index
      %get3A_1673 = arith.constant 0 : index
      %get3A_1674 = tpu.vector_load %arg12[%get3A_1672, %get3A_1673] {strides = array<i32>} : memref<1280x32xf32, #tpu.memory_space<vmem>>, vector<16xf32>,
      %add3A_1675 = arith.addf %add3A_1663, %get3A_1674 : vector<16xf32>
      %add3A_1676 = arith.constant 15 : i32
      %add3A_1677 = arith.addi %mul3A_1495, %add3A_1676 : i32
      %get3A_1678 = arith.index_cast %add3A_1677 : i32 to index
      %get3A_1679 = arith.constant 16 : index
      %get3A_1680 = tpu.vector_load %arg12[%get3A_1678, %get3A_1679] {strides = array<i32>} : memref<1280x32xf32, #tpu.memory_space<vmem>>, vector<16xf32>,
      %add3A_1681 = arith.addf %add3A_1669, %get3A_1680 : vector<16xf32>
      %add3A_1682 = arith.constant 16 : i32
      %add3A_1683 = arith.addi %mul3A_1495, %add3A_1682 : i32
      %get3A_1684 = arith.index_cast %add3A_1683 : i32 to index
      %get3A_1685 = arith.constant 0 : index
      %get3A_1686 = tpu.vector_load %arg12[%get3A_1684, %get3A_1685] {strides = array<i32>} : memref<1280x32xf32, #tpu.memory_space<vmem>>, vector<16xf32>,
      %add3A_1687 = arith.addf %add3A_1675, %get3A_1686 : vector<16xf32>
      %add3A_1688 = arith.constant 16 : i32
      %add3A_1689 = arith.addi %mul3A_1495, %add3A_1688 : i32
      %get3A_1690 = arith.index_cast %add3A_1689 : i32 to index
      %get3A_1691 = arith.constant 16 : index
      %get3A_1692 = tpu.vector_load %arg12[%get3A_1690, %get3A_1691] {strides = array<i32>} : memref<1280x32xf32, #tpu.memory_space<vmem>>, vector<16xf32>,
      %add3A_1693 = arith.addf %add3A_1681, %get3A_1692 : vector<16xf32>
      %add3A_1694 = arith.constant 17 : i32
      %add3A_1695 = arith.addi %mul3A_1495, %add3A_1694 : i32
      %get3A_1696 = arith.index_cast %add3A_1695 : i32 to index
      %get3A_1697 = arith.constant 0 : index
      %get3A_1698 = tpu.vector_load %arg12[%get3A_1696, %get3A_1697] {strides = array<i32>} : memref<1280x32xf32, #tpu.memory_space<vmem>>, vector<16xf32>,
      %add3A_1699 = arith.addf %add3A_1687, %get3A_1698 : vector<16xf32>
      %add3A_1700 = arith.constant 17 : i32
      %add3A_1701 = arith.addi %mul3A_1495, %add3A_1700 : i32
      %get3A_1702 = arith.index_cast %add3A_1701 : i32 to index
      %get3A_1703 = arith.constant 16 : index
      %get3A_1704 = tpu.vector_load %arg12[%get3A_1702, %get3A_1703] {strides = array<i32>} : memref<1280x32xf32, #tpu.memory_space<vmem>>, vector<16xf32>,
      %add3A_1705 = arith.addf %add3A_1693, %get3A_1704 : vector<16xf32>
      %add3A_1706 = arith.constant 18 : i32
      %add3A_1707 = arith.addi %mul3A_1495, %add3A_1706 : i32
      %get3A_1708 = arith.index_cast %add3A_1707 : i32 to index
      %get3A_1709 = arith.constant 0 : index
      %get3A_1710 = tpu.vector_load %arg12[%get3A_1708, %get3A_1709] {strides = array<i32>} : memref<1280x32xf32, #tpu.memory_space<vmem>>, vector<16xf32>,
      %add3A_1711 = arith.addf %add3A_1699, %get3A_1710 : vector<16xf32>
      %add3A_1712 = arith.constant 18 : i32
      %add3A_1713 = arith.addi %mul3A_1495, %add3A_1712 : i32
      %get3A_1714 = arith.index_cast %add3A_1713 : i32 to index
      %get3A_1715 = arith.constant 16 : index
      %get3A_1716 = tpu.vector_load %arg12[%get3A_1714, %get3A_1715] {strides = array<i32>} : memref<1280x32xf32, #tpu.memory_space<vmem>>, vector<16xf32>,
      %add3A_1717 = arith.addf %add3A_1705, %get3A_1716 : vector<16xf32>
      %add3A_1718 = arith.constant 19 : i32
      %add3A_1719 = arith.addi %mul3A_1495, %add3A_1718 : i32
      %get3A_1720 = arith.index_cast %add3A_1719 : i32 to index
      %get3A_1721 = arith.constant 0 : index
      %get3A_1722 = tpu.vector_load %arg12[%get3A_1720, %get3A_1721] {strides = array<i32>} : memref<1280x32xf32, #tpu.memory_space<vmem>>, vector<16xf32>,
      %add3A_1723 = arith.addf %add3A_1711, %get3A_1722 : vector<16xf32>
      %add3A_1724 = arith.constant 19 : i32
      %add3A_1725 = arith.addi %mul3A_1495, %add3A_1724 : i32
      %get3A_1726 = arith.index_cast %add3A_1725 : i32 to index
      %get3A_1727 = arith.constant 16 : index
      %get3A_1728 = tpu.vector_load %arg12[%get3A_1726, %get3A_1727] {strides = array<i32>} : memref<1280x32xf32, #tpu.memory_space<vmem>>, vector<16xf32>,
      %add3A_1729 = arith.addf %add3A_1717, %get3A_1728 : vector<16xf32>
      %mul3A_1730 = arith.constant 20 : i32
      %mul3A_1731 = arith.muli %scan3A_1493, %mul3A_1730 : i32
      %add3A_1732 = arith.constant 3840 : i32
      %add3A_1733 = arith.addi %add3A_1732, %mul3A_1731 : i32
      %get3A_1734 = arith.index_cast %add3A_1733 : i32 to index
      %get3A_1735 = tpu.vector_load %arg8[%get3A_1734] {strides = array<i32>} : memref<10240xi32, #tpu.memory_space<vmem>>, vector<16xi32>,
      %add3A_1736 = arith.constant 4 : i32
      %add3A_1737 = arith.addi %add3A_1733, %add3A_1736 : i32
      %get3A_1738 = arith.index_cast %add3A_1737 : i32 to index
      %get3A_1739 = tpu.vector_load %arg8[%get3A_1738] {strides = array<i32>} : memref<10240xi32, #tpu.memory_space<vmem>>, vector<16xi32>,
      %eq3A = arith.constant 0 : i32
      %eq3A_1740 = vector.broadcast %eq3A : i32 to vector<16xi32>
      %eq3A_1741 = arith.cmpi eq, %get3A_1735, %eq3A_1740 : vector<16xi32>
      %all_reduce_population_count3A = tpu.all_reduce %eq3A_1741 {dim = 0 : i64, kind = #tpu.reduction_kind<sum>} : vector<16xi1> -> vector<16xi32>
      %eq3A_1742 = arith.constant 0 : i32
      %eq3A_1743 = vector.broadcast %eq3A_1742 : i32 to vector<16xi32>
      %eq3A_1744 = arith.cmpi eq, %get3A_1739, %eq3A_1743 : vector<16xi32>
      %and3A = arith.andi %eq3A_1744, %ge3A_126 : vector<16xi1>
      %all_reduce_population_count3A_1745 = tpu.all_reduce %and3A {dim = 0 : i64, kind = #tpu.reduction_kind<sum>} : vector<16xi1> -> vector<16xi32>
      %add3A_1746 = arith.addi %all_reduce_population_count3A, %all_reduce_population_count3A_1745 : vector<16xi32>
      %convert_element_type3A = arith.sitofp %add3A_1746 : vector<16xi32> to vector<16xf32>
      %sub3A = arith.constant 2.000000e+01 : f32
      %sub3A_1747 = vector.broadcast %sub3A : f32 to vector<16xf32>
      %sub3A_1748 = arith.subf %sub3A_1747, %convert_element_type3A : vector<16xf32>
      %max3A = arith.constant 1.000000e+00 : f32
      %max3A_1749 = vector.broadcast %max3A : f32 to vector<16xf32>
      %max3A_1750 = arith.maximumf %sub3A_1748, %max3A_1749 : vector<16xf32>
      %div3A = arith.constant 1.000000e+00 : f32
      %div3A_1751 = vector.broadcast %div3A : f32 to vector<16xf32>
      %div3A_1752 = arith.divf %div3A_1751, %max3A_1750 : vector<16xf32>
      %add3A_1753 = arith.constant 192 : i32
      %add3A_1754 = arith.addi %add3A_1753, %scan3A_1493 : i32
      %get3A_1755 = arith.index_cast %add3A_1754 : i32 to index
      %get3A_1756 = arith.constant 0 : index
      %get3A_1757 = tpu.vector_load %arg10[%get3A_1755, %get3A_1756] {strides = array<i32>} : memref<512x32xf32, #tpu.memory_space<vmem>>, vector<16xf32>,
      %swap3A = arith.index_cast %scan3A_1493 : i32 to index
      %swap3A_1758 = arith.constant 0 : index
      %swap3A_1759 = tpu.vector_load %arg14[%swap3A, %swap3A_1758] {strides = array<i32>} : memref<64x64xf32, #tpu.memory_space<vmem>>, vector<16xf32>,
      tpu.vector_store %arg14[%swap3A, %swap3A_1758], %get3A_1757 {strides = array<i32>} : memref<64x64xf32, #tpu.memory_space<vmem>>, vector<16xf32>,
      %add3A_1760 = arith.constant 192 : i32
      %add3A_1761 = arith.addi %add3A_1760, %scan3A_1493 : i32
      %get3A_1762 = arith.index_cast %add3A_1761 : i32 to index
      %get3A_1763 = arith.constant 16 : index
      %get3A_1764 = tpu.vector_load %arg10[%get3A_1762, %get3A_1763] {strides = array<i32>} : memref<512x32xf32, #tpu.memory_space<vmem>>, vector<16xf32>,
      %swap3A_1765 = arith.index_cast %scan3A_1493 : i32 to index
      %swap3A_1766 = arith.constant 16 : index
      %swap3A_1767 = tpu.vector_load %arg14[%swap3A_1765, %swap3A_1766] {strides = array<i32>} : memref<64x64xf32, #tpu.memory_space<vmem>>, vector<16xf32>,
      tpu.vector_store %arg14[%swap3A_1765, %swap3A_1766], %get3A_1764 {strides = array<i32>} : memref<64x64xf32, #tpu.memory_space<vmem>>, vector<16xf32>,
      %mul3A_1768 = arith.mulf %convert_element_type3A, %get3A_122 : vector<16xf32>
      %sub3A_1769 = arith.subf %add3A_1723, %mul3A_1768 : vector<16xf32>
      %mul3A_1770 = arith.mulf %sub3A_1769, %div3A_1752 : vector<16xf32>
      %swap3A_1771 = arith.index_cast %scan3A_1493 : i32 to index
      %swap3A_1772 = arith.constant 32 : index
      %swap3A_1773 = tpu.vector_load %arg14[%swap3A_1771, %swap3A_1772] {strides = array<i32>} : memref<64x64xf32, #tpu.memory_space<vmem>>, vector<16xf32>,
      tpu.vector_store %arg14[%swap3A_1771, %swap3A_1772], %mul3A_1770 {strides = array<i32>} : memref<64x64xf32, #tpu.memory_space<vmem>>, vector<16xf32>,
      %mul3A_1774 = arith.mulf %convert_element_type3A, %get3A_124 : vector<16xf32>
      %sub3A_1775 = arith.subf %add3A_1729, %mul3A_1774 : vector<16xf32>
      %mul3A_1776 = arith.mulf %sub3A_1775, %div3A_1752 : vector<16xf32>
      %swap3A_1777 = arith.index_cast %scan3A_1493 : i32 to index
      %swap3A_1778 = arith.constant 48 : index
      %swap3A_1779 = tpu.vector_load %arg14[%swap3A_1777, %swap3A_1778] {strides = array<i32>} : memref<64x64xf32, #tpu.memory_space<vmem>>, vector<16xf32>,
      tpu.vector_store %arg14[%swap3A_1777, %swap3A_1778], %mul3A_1776 {strides = array<i32>} : memref<64x64xf32, #tpu.memory_space<vmem>>, vector<16xf32>,
    }
    %scan3A_834 = arith.constant 64 : i32
    %add3A_835 = arith.constant 192 : i32
    %add3A_836 = arith.addi %mul3A_2, %add3A_835 : i32
    %dma_start3A_837 = arith.constant 0 : i32
    %dma_start3A_838 = tpu.memref_slice %arg6[%add3A_836, %dma_start3A_837] : memref<16384x64xf32, #tpu.memory_space<hbm>> -> memref<64x64xf32, #tpu.memory_space<hbm>>
    %dma_start3A_839 = arith.constant 0 : i32
    %dma_start3A_840 = tpu.memref_slice %arg6[%add3A_836, %dma_start3A_839] : memref<16384x64xf32, #tpu.memory_space<hbm>> -> memref<64x64xf32, #tpu.memory_space<hbm>>
    tpu.enqueue_dma source(%arg14 : memref<64x64xf32, #tpu.memory_space<vmem>>) target(%dma_start3A_840 : memref<64x64xf32, #tpu.memory_space<hbm>>) target_semaphore(%arg19 : memref<!tpu.dma_semaphore, #tpu.memory_space<semaphore_mem>>)
    %dma_start3A_841 = arith.constant 0 : i32
    %dma_start3A_842 = arith.constant 0 : i32
    %dma_start3A_843 = tpu.memref_slice %arg12[%dma_start3A_841, %dma_start3A_842] : memref<1280x32xf32, #tpu.memory_space<vmem>> -> memref<128x32xf32, #tpu.memory_space<vmem>>
    %dma_start3A_844 = arith.constant 6400 : i32
    %dma_start3A_845 = tpu.memref_slice %arg8[%dma_start3A_844] : memref<10240xi32, #tpu.memory_space<vmem>> -> memref<128xi32, #tpu.memory_space<vmem>>
    %dma_start3A_846 = arith.constant 0 : i32
    %dma_start3A_847 = arith.constant 0 : i32
    %dma_start3A_848 = tpu.memref_slice %arg5[%dma_start3A_846, %dma_start3A_847] : memref<10000x32xf32, #tpu.memory_space<hbm>> -> memref<10000x32xf32, #tpu.memory_space<hbm>>
    tpu.enqueue_indirect_dma source(%dma_start3A_848 : memref<10000x32xf32, #tpu.memory_space<hbm>>) target(%dma_start3A_843 : memref<128x32xf32, #tpu.memory_space<vmem>>) offsets(%dma_start3A_845 : memref<128xi32, #tpu.memory_space<vmem>>) semaphore(%arg17 : memref<!tpu.dma_semaphore, #tpu.memory_space<semaphore_mem>>)
    %dma_start3A_849 = arith.constant 128 : i32
    %dma_start3A_850 = arith.constant 0 : i32
    %dma_start3A_851 = tpu.memref_slice %arg12[%dma_start3A_849, %dma_start3A_850] : memref<1280x32xf32, #tpu.memory_space<vmem>> -> memref<128x32xf32, #tpu.memory_space<vmem>>
    %dma_start3A_852 = arith.constant 6528 : i32
    %dma_start3A_853 = tpu.memref_slice %arg8[%dma_start3A_852] : memref<10240xi32, #tpu.memory_space<vmem>> -> memref<128xi32, #tpu.memory_space<vmem>>
    %dma_start3A_854 = arith.constant 0 : i32
    %dma_start3A_855 = arith.constant 0 : i32
    %dma_start3A_856 = tpu.memref_slice %arg5[%dma_start3A_854, %dma_start3A_855] : memref<10000x32xf32, #tpu.memory_space<hbm>> -> memref<10000x32xf32, #tpu.memory_space<hbm>>
    tpu.enqueue_indirect_dma source(%dma_start3A_856 : memref<10000x32xf32, #tpu.memory_space<hbm>>) target(%dma_start3A_851 : memref<128x32xf32, #tpu.memory_space<vmem>>) offsets(%dma_start3A_853 : memref<128xi32, #tpu.memory_space<vmem>>) semaphore(%arg17 : memref<!tpu.dma_semaphore, #tpu.memory_space<semaphore_mem>>)
    %dma_start3A_857 = arith.constant 256 : i32
    %dma_start3A_858 = arith.constant 0 : i32
    %dma_start3A_859 = tpu.memref_slice %arg12[%dma_start3A_857, %dma_start3A_858] : memref<1280x32xf32, #tpu.memory_space<vmem>> -> memref<128x32xf32, #tpu.memory_space<vmem>>
    %dma_start3A_860 = arith.constant 6656 : i32
    %dma_start3A_861 = tpu.memref_slice %arg8[%dma_start3A_860] : memref<10240xi32, #tpu.memory_space<vmem>> -> memref<128xi32, #tpu.memory_space<vmem>>
    %dma_start3A_862 = arith.constant 0 : i32
    %dma_start3A_863 = arith.constant 0 : i32
    %dma_start3A_864 = tpu.memref_slice %arg5[%dma_start3A_862, %dma_start3A_863] : memref<10000x32xf32, #tpu.memory_space<hbm>> -> memref<10000x32xf32, #tpu.memory_space<hbm>>
    tpu.enqueue_indirect_dma source(%dma_start3A_864 : memref<10000x32xf32, #tpu.memory_space<hbm>>) target(%dma_start3A_859 : memref<128x32xf32, #tpu.memory_space<vmem>>) offsets(%dma_start3A_861 : memref<128xi32, #tpu.memory_space<vmem>>) semaphore(%arg17 : memref<!tpu.dma_semaphore, #tpu.memory_space<semaphore_mem>>)
    %dma_start3A_865 = arith.constant 384 : i32
    %dma_start3A_866 = arith.constant 0 : i32
    %dma_start3A_867 = tpu.memref_slice %arg12[%dma_start3A_865, %dma_start3A_866] : memref<1280x32xf32, #tpu.memory_space<vmem>> -> memref<128x32xf32, #tpu.memory_space<vmem>>
    %dma_start3A_868 = arith.constant 6784 : i32
    %dma_start3A_869 = tpu.memref_slice %arg8[%dma_start3A_868] : memref<10240xi32, #tpu.memory_space<vmem>> -> memref<128xi32, #tpu.memory_space<vmem>>
    %dma_start3A_870 = arith.constant 0 : i32
    %dma_start3A_871 = arith.constant 0 : i32
    %dma_start3A_872 = tpu.memref_slice %arg5[%dma_start3A_870, %dma_start3A_871] : memref<10000x32xf32, #tpu.memory_space<hbm>> -> memref<10000x32xf32, #tpu.memory_space<hbm>>
    tpu.enqueue_indirect_dma source(%dma_start3A_872 : memref<10000x32xf32, #tpu.memory_space<hbm>>) target(%dma_start3A_867 : memref<128x32xf32, #tpu.memory_space<vmem>>) offsets(%dma_start3A_869 : memref<128xi32, #tpu.memory_space<vmem>>) semaphore(%arg17 : memref<!tpu.dma_semaphore, #tpu.memory_space<semaphore_mem>>)
    %dma_start3A_873 = arith.constant 512 : i32
    %dma_start3A_874 = arith.constant 0 : i32
    %dma_start3A_875 = tpu.memref_slice %arg12[%dma_start3A_873, %dma_start3A_874] : memref<1280x32xf32, #tpu.memory_space<vmem>> -> memref<128x32xf32, #tpu.memory_space<vmem>>
    %dma_start3A_876 = arith.constant 6912 : i32
    %dma_start3A_877 = tpu.memref_slice %arg8[%dma_start3A_876] : memref<10240xi32, #tpu.memory_space<vmem>> -> memref<128xi32, #tpu.memory_space<vmem>>
    %dma_start3A_878 = arith.constant 0 : i32
    %dma_start3A_879 = arith.constant 0 : i32
    %dma_start3A_880 = tpu.memref_slice %arg5[%dma_start3A_878, %dma_start3A_879] : memref<10000x32xf32, #tpu.memory_space<hbm>> -> memref<10000x32xf32, #tpu.memory_space<hbm>>
    tpu.enqueue_indirect_dma source(%dma_start3A_880 : memref<10000x32xf32, #tpu.memory_space<hbm>>) target(%dma_start3A_875 : memref<128x32xf32, #tpu.memory_space<vmem>>) offsets(%dma_start3A_877 : memref<128xi32, #tpu.memory_space<vmem>>) semaphore(%arg17 : memref<!tpu.dma_semaphore, #tpu.memory_space<semaphore_mem>>)
    %dma_start3A_881 = arith.constant 640 : i32
    %dma_start3A_882 = arith.constant 0 : i32
    %dma_start3A_883 = tpu.memref_slice %arg12[%dma_start3A_881, %dma_start3A_882] : memref<1280x32xf32, #tpu.memory_space<vmem>> -> memref<128x32xf32, #tpu.memory_space<vmem>>
    %dma_start3A_884 = arith.constant 7040 : i32
    %dma_start3A_885 = tpu.memref_slice %arg8[%dma_start3A_884] : memref<10240xi32, #tpu.memory_space<vmem>> -> memref<128xi32, #tpu.memory_space<vmem>>
    %dma_start3A_886 = arith.constant 0 : i32
    %dma_start3A_887 = arith.constant 0 : i32
    %dma_start3A_888 = tpu.memref_slice %arg5[%dma_start3A_886, %dma_start3A_887] : memref<10000x32xf32, #tpu.memory_space<hbm>> -> memref<10000x32xf32, #tpu.memory_space<hbm>>
    tpu.enqueue_indirect_dma source(%dma_start3A_888 : memref<10000x32xf32, #tpu.memory_space<hbm>>) target(%dma_start3A_883 : memref<128x32xf32, #tpu.memory_space<vmem>>) offsets(%dma_start3A_885 : memref<128xi32, #tpu.memory_space<vmem>>) semaphore(%arg17 : memref<!tpu.dma_semaphore, #tpu.memory_space<semaphore_mem>>)
    %dma_start3A_889 = arith.constant 768 : i32
    %dma_start3A_890 = arith.constant 0 : i32
    %dma_start3A_891 = tpu.memref_slice %arg12[%dma_start3A_889, %dma_start3A_890] : memref<1280x32xf32, #tpu.memory_space<vmem>> -> memref<128x32xf32, #tpu.memory_space<vmem>>
    %dma_start3A_892 = arith.constant 7168 : i32
    %dma_start3A_893 = tpu.memref_slice %arg8[%dma_start3A_892] : memref<10240xi32, #tpu.memory_space<vmem>> -> memref<128xi32, #tpu.memory_space<vmem>>
    %dma_start3A_894 = arith.constant 0 : i32
    %dma_start3A_895 = arith.constant 0 : i32
    %dma_start3A_896 = tpu.memref_slice %arg5[%dma_start3A_894, %dma_start3A_895] : memref<10000x32xf32, #tpu.memory_space<hbm>> -> memref<10000x32xf32, #tpu.memory_space<hbm>>
    tpu.enqueue_indirect_dma source(%dma_start3A_896 : memref<10000x32xf32, #tpu.memory_space<hbm>>) target(%dma_start3A_891 : memref<128x32xf32, #tpu.memory_space<vmem>>) offsets(%dma_start3A_893 : memref<128xi32, #tpu.memory_space<vmem>>) semaphore(%arg17 : memref<!tpu.dma_semaphore, #tpu.memory_space<semaphore_mem>>)
    %dma_start3A_897 = arith.constant 896 : i32
    %dma_start3A_898 = arith.constant 0 : i32
    %dma_start3A_899 = tpu.memref_slice %arg12[%dma_start3A_897, %dma_start3A_898] : memref<1280x32xf32, #tpu.memory_space<vmem>> -> memref<128x32xf32, #tpu.memory_space<vmem>>
    %dma_start3A_900 = arith.constant 7296 : i32
    %dma_start3A_901 = tpu.memref_slice %arg8[%dma_start3A_900] : memref<10240xi32, #tpu.memory_space<vmem>> -> memref<128xi32, #tpu.memory_space<vmem>>
    %dma_start3A_902 = arith.constant 0 : i32
    %dma_start3A_903 = arith.constant 0 : i32
    %dma_start3A_904 = tpu.memref_slice %arg5[%dma_start3A_902, %dma_start3A_903] : memref<10000x32xf32, #tpu.memory_space<hbm>> -> memref<10000x32xf32, #tpu.memory_space<hbm>>
    tpu.enqueue_indirect_dma source(%dma_start3A_904 : memref<10000x32xf32, #tpu.memory_space<hbm>>) target(%dma_start3A_899 : memref<128x32xf32, #tpu.memory_space<vmem>>) offsets(%dma_start3A_901 : memref<128xi32, #tpu.memory_space<vmem>>) semaphore(%arg17 : memref<!tpu.dma_semaphore, #tpu.memory_space<semaphore_mem>>)
    %dma_start3A_905 = arith.constant 1024 : i32
    %dma_start3A_906 = arith.constant 0 : i32
    %dma_start3A_907 = tpu.memref_slice %arg12[%dma_start3A_905, %dma_start3A_906] : memref<1280x32xf32, #tpu.memory_space<vmem>> -> memref<128x32xf32, #tpu.memory_space<vmem>>
    %dma_start3A_908 = arith.constant 7424 : i32
    %dma_start3A_909 = tpu.memref_slice %arg8[%dma_start3A_908] : memref<10240xi32, #tpu.memory_space<vmem>> -> memref<128xi32, #tpu.memory_space<vmem>>
    %dma_start3A_910 = arith.constant 0 : i32
    %dma_start3A_911 = arith.constant 0 : i32
    %dma_start3A_912 = tpu.memref_slice %arg5[%dma_start3A_910, %dma_start3A_911] : memref<10000x32xf32, #tpu.memory_space<hbm>> -> memref<10000x32xf32, #tpu.memory_space<hbm>>
    tpu.enqueue_indirect_dma source(%dma_start3A_912 : memref<10000x32xf32, #tpu.memory_space<hbm>>) target(%dma_start3A_907 : memref<128x32xf32, #tpu.memory_space<vmem>>) offsets(%dma_start3A_909 : memref<128xi32, #tpu.memory_space<vmem>>) semaphore(%arg17 : memref<!tpu.dma_semaphore, #tpu.memory_space<semaphore_mem>>)
    %dma_start3A_913 = arith.constant 1152 : i32
    %dma_start3A_914 = arith.constant 0 : i32
    %dma_start3A_915 = tpu.memref_slice %arg12[%dma_start3A_913, %dma_start3A_914] : memref<1280x32xf32, #tpu.memory_space<vmem>> -> memref<128x32xf32, #tpu.memory_space<vmem>>
    %dma_start3A_916 = arith.constant 7552 : i32
    %dma_start3A_917 = tpu.memref_slice %arg8[%dma_start3A_916] : memref<10240xi32, #tpu.memory_space<vmem>> -> memref<128xi32, #tpu.memory_space<vmem>>
    %dma_start3A_918 = arith.constant 0 : i32
    %dma_start3A_919 = arith.constant 0 : i32
    %dma_start3A_920 = tpu.memref_slice %arg5[%dma_start3A_918, %dma_start3A_919] : memref<10000x32xf32, #tpu.memory_space<hbm>> -> memref<10000x32xf32, #tpu.memory_space<hbm>>
    tpu.enqueue_indirect_dma source(%dma_start3A_920 : memref<10000x32xf32, #tpu.memory_space<hbm>>) target(%dma_start3A_915 : memref<128x32xf32, #tpu.memory_space<vmem>>) offsets(%dma_start3A_917 : memref<128xi32, #tpu.memory_space<vmem>>) semaphore(%arg17 : memref<!tpu.dma_semaphore, #tpu.memory_space<semaphore_mem>>)
    %dma_wait3A_921 = arith.constant 0 : i32
    %dma_wait3A_922 = arith.constant 0 : i32
    %dma_wait3A_923 = tpu.memref_slice %arg11[%dma_wait3A_921, %dma_wait3A_922] : memref<1280x32xf32, #tpu.memory_space<vmem>> -> memref<128x32xf32, #tpu.memory_space<vmem>>
    %dma_wait3A_924 = arith.constant 5120 : i32
    %dma_wait3A_925 = tpu.memref_slice %arg8[%dma_wait3A_924] : memref<10240xi32, #tpu.memory_space<vmem>> -> memref<128xi32, #tpu.memory_space<vmem>>
    %dma_wait3A_926 = arith.constant 0 : i32
    %dma_wait3A_927 = arith.constant 0 : i32
    %dma_wait3A_928 = tpu.memref_slice %arg5[%dma_wait3A_926, %dma_wait3A_927] : memref<10000x32xf32, #tpu.memory_space<hbm>> -> memref<10000x32xf32, #tpu.memory_space<hbm>>
    tpu.wait_indirect_dma semaphore(%arg16 : memref<!tpu.dma_semaphore, #tpu.memory_space<semaphore_mem>>) src(%dma_wait3A_928 : memref<10000x32xf32, #tpu.memory_space<hbm>>) dst(%dma_wait3A_923 : memref<128x32xf32, #tpu.memory_space<vmem>>)
    %dma_wait3A_929 = arith.constant 128 : i32
    %dma_wait3A_930 = arith.constant 0 : i32
    %dma_wait3A_931 = tpu.memref_slice %arg11[%dma_wait3A_929, %dma_wait3A_930] : memref<1280x32xf32, #tpu.memory_space<vmem>> -> memref<128x32xf32, #tpu.memory_space<vmem>>
    %dma_wait3A_932 = arith.constant 5248 : i32
    %dma_wait3A_933 = tpu.memref_slice %arg8[%dma_wait3A_932] : memref<10240xi32, #tpu.memory_space<vmem>> -> memref<128xi32, #tpu.memory_space<vmem>>
    %dma_wait3A_934 = arith.constant 0 : i32
    %dma_wait3A_935 = arith.constant 0 : i32
    %dma_wait3A_936 = tpu.memref_slice %arg5[%dma_wait3A_934, %dma_wait3A_935] : memref<10000x32xf32, #tpu.memory_space<hbm>> -> memref<10000x32xf32, #tpu.memory_space<hbm>>
    tpu.wait_indirect_dma semaphore(%arg16 : memref<!tpu.dma_semaphore, #tpu.memory_space<semaphore_mem>>) src(%dma_wait3A_936 : memref<10000x32xf32, #tpu.memory_space<hbm>>) dst(%dma_wait3A_931 : memref<128x32xf32, #tpu.memory_space<vmem>>)
    %dma_wait3A_937 = arith.constant 256 : i32
    %dma_wait3A_938 = arith.constant 0 : i32
    %dma_wait3A_939 = tpu.memref_slice %arg11[%dma_wait3A_937, %dma_wait3A_938] : memref<1280x32xf32, #tpu.memory_space<vmem>> -> memref<128x32xf32, #tpu.memory_space<vmem>>
    %dma_wait3A_940 = arith.constant 5376 : i32
    %dma_wait3A_941 = tpu.memref_slice %arg8[%dma_wait3A_940] : memref<10240xi32, #tpu.memory_space<vmem>> -> memref<128xi32, #tpu.memory_space<vmem>>
    %dma_wait3A_942 = arith.constant 0 : i32
    %dma_wait3A_943 = arith.constant 0 : i32
    %dma_wait3A_944 = tpu.memref_slice %arg5[%dma_wait3A_942, %dma_wait3A_943] : memref<10000x32xf32, #tpu.memory_space<hbm>> -> memref<10000x32xf32, #tpu.memory_space<hbm>>
    tpu.wait_indirect_dma semaphore(%arg16 : memref<!tpu.dma_semaphore, #tpu.memory_space<semaphore_mem>>) src(%dma_wait3A_944 : memref<10000x32xf32, #tpu.memory_space<hbm>>) dst(%dma_wait3A_939 : memref<128x32xf32, #tpu.memory_space<vmem>>)
    %dma_wait3A_945 = arith.constant 384 : i32
    %dma_wait3A_946 = arith.constant 0 : i32
    %dma_wait3A_947 = tpu.memref_slice %arg11[%dma_wait3A_945, %dma_wait3A_946] : memref<1280x32xf32, #tpu.memory_space<vmem>> -> memref<128x32xf32, #tpu.memory_space<vmem>>
    %dma_wait3A_948 = arith.constant 5504 : i32
    %dma_wait3A_949 = tpu.memref_slice %arg8[%dma_wait3A_948] : memref<10240xi32, #tpu.memory_space<vmem>> -> memref<128xi32, #tpu.memory_space<vmem>>
    %dma_wait3A_950 = arith.constant 0 : i32
    %dma_wait3A_951 = arith.constant 0 : i32
    %dma_wait3A_952 = tpu.memref_slice %arg5[%dma_wait3A_950, %dma_wait3A_951] : memref<10000x32xf32, #tpu.memory_space<hbm>> -> memref<10000x32xf32, #tpu.memory_space<hbm>>
    tpu.wait_indirect_dma semaphore(%arg16 : memref<!tpu.dma_semaphore, #tpu.memory_space<semaphore_mem>>) src(%dma_wait3A_952 : memref<10000x32xf32, #tpu.memory_space<hbm>>) dst(%dma_wait3A_947 : memref<128x32xf32, #tpu.memory_space<vmem>>)
    %dma_wait3A_953 = arith.constant 512 : i32
    %dma_wait3A_954 = arith.constant 0 : i32
    %dma_wait3A_955 = tpu.memref_slice %arg11[%dma_wait3A_953, %dma_wait3A_954] : memref<1280x32xf32, #tpu.memory_space<vmem>> -> memref<128x32xf32, #tpu.memory_space<vmem>>
    %dma_wait3A_956 = arith.constant 5632 : i32
    %dma_wait3A_957 = tpu.memref_slice %arg8[%dma_wait3A_956] : memref<10240xi32, #tpu.memory_space<vmem>> -> memref<128xi32, #tpu.memory_space<vmem>>
    %dma_wait3A_958 = arith.constant 0 : i32
    %dma_wait3A_959 = arith.constant 0 : i32
    %dma_wait3A_960 = tpu.memref_slice %arg5[%dma_wait3A_958, %dma_wait3A_959] : memref<10000x32xf32, #tpu.memory_space<hbm>> -> memref<10000x32xf32, #tpu.memory_space<hbm>>
    tpu.wait_indirect_dma semaphore(%arg16 : memref<!tpu.dma_semaphore, #tpu.memory_space<semaphore_mem>>) src(%dma_wait3A_960 : memref<10000x32xf32, #tpu.memory_space<hbm>>) dst(%dma_wait3A_955 : memref<128x32xf32, #tpu.memory_space<vmem>>)
    %dma_wait3A_961 = arith.constant 640 : i32
    %dma_wait3A_962 = arith.constant 0 : i32
    %dma_wait3A_963 = tpu.memref_slice %arg11[%dma_wait3A_961, %dma_wait3A_962] : memref<1280x32xf32, #tpu.memory_space<vmem>> -> memref<128x32xf32, #tpu.memory_space<vmem>>
    %dma_wait3A_964 = arith.constant 5760 : i32
    %dma_wait3A_965 = tpu.memref_slice %arg8[%dma_wait3A_964] : memref<10240xi32, #tpu.memory_space<vmem>> -> memref<128xi32, #tpu.memory_space<vmem>>
    %dma_wait3A_966 = arith.constant 0 : i32
    %dma_wait3A_967 = arith.constant 0 : i32
    %dma_wait3A_968 = tpu.memref_slice %arg5[%dma_wait3A_966, %dma_wait3A_967] : memref<10000x32xf32, #tpu.memory_space<hbm>> -> memref<10000x32xf32, #tpu.memory_space<hbm>>
    tpu.wait_indirect_dma semaphore(%arg16 : memref<!tpu.dma_semaphore, #tpu.memory_space<semaphore_mem>>) src(%dma_wait3A_968 : memref<10000x32xf32, #tpu.memory_space<hbm>>) dst(%dma_wait3A_963 : memref<128x32xf32, #tpu.memory_space<vmem>>)
    %dma_wait3A_969 = arith.constant 768 : i32
    %dma_wait3A_970 = arith.constant 0 : i32
    %dma_wait3A_971 = tpu.memref_slice %arg11[%dma_wait3A_969, %dma_wait3A_970] : memref<1280x32xf32, #tpu.memory_space<vmem>> -> memref<128x32xf32, #tpu.memory_space<vmem>>
    %dma_wait3A_972 = arith.constant 5888 : i32
    %dma_wait3A_973 = tpu.memref_slice %arg8[%dma_wait3A_972] : memref<10240xi32, #tpu.memory_space<vmem>> -> memref<128xi32, #tpu.memory_space<vmem>>
    %dma_wait3A_974 = arith.constant 0 : i32
    %dma_wait3A_975 = arith.constant 0 : i32
    %dma_wait3A_976 = tpu.memref_slice %arg5[%dma_wait3A_974, %dma_wait3A_975] : memref<10000x32xf32, #tpu.memory_space<hbm>> -> memref<10000x32xf32, #tpu.memory_space<hbm>>
    tpu.wait_indirect_dma semaphore(%arg16 : memref<!tpu.dma_semaphore, #tpu.memory_space<semaphore_mem>>) src(%dma_wait3A_976 : memref<10000x32xf32, #tpu.memory_space<hbm>>) dst(%dma_wait3A_971 : memref<128x32xf32, #tpu.memory_space<vmem>>)
    %dma_wait3A_977 = arith.constant 896 : i32
    %dma_wait3A_978 = arith.constant 0 : i32
    %dma_wait3A_979 = tpu.memref_slice %arg11[%dma_wait3A_977, %dma_wait3A_978] : memref<1280x32xf32, #tpu.memory_space<vmem>> -> memref<128x32xf32, #tpu.memory_space<vmem>>
    %dma_wait3A_980 = arith.constant 6016 : i32
    %dma_wait3A_981 = tpu.memref_slice %arg8[%dma_wait3A_980] : memref<10240xi32, #tpu.memory_space<vmem>> -> memref<128xi32, #tpu.memory_space<vmem>>
    %dma_wait3A_982 = arith.constant 0 : i32
    %dma_wait3A_983 = arith.constant 0 : i32
    %dma_wait3A_984 = tpu.memref_slice %arg5[%dma_wait3A_982, %dma_wait3A_983] : memref<10000x32xf32, #tpu.memory_space<hbm>> -> memref<10000x32xf32, #tpu.memory_space<hbm>>
    tpu.wait_indirect_dma semaphore(%arg16 : memref<!tpu.dma_semaphore, #tpu.memory_space<semaphore_mem>>) src(%dma_wait3A_984 : memref<10000x32xf32, #tpu.memory_space<hbm>>) dst(%dma_wait3A_979 : memref<128x32xf32, #tpu.memory_space<vmem>>)
    %dma_wait3A_985 = arith.constant 1024 : i32
    %dma_wait3A_986 = arith.constant 0 : i32
    %dma_wait3A_987 = tpu.memref_slice %arg11[%dma_wait3A_985, %dma_wait3A_986] : memref<1280x32xf32, #tpu.memory_space<vmem>> -> memref<128x32xf32, #tpu.memory_space<vmem>>
    %dma_wait3A_988 = arith.constant 6144 : i32
    %dma_wait3A_989 = tpu.memref_slice %arg8[%dma_wait3A_988] : memref<10240xi32, #tpu.memory_space<vmem>> -> memref<128xi32, #tpu.memory_space<vmem>>
    %dma_wait3A_990 = arith.constant 0 : i32
    %dma_wait3A_991 = arith.constant 0 : i32
    %dma_wait3A_992 = tpu.memref_slice %arg5[%dma_wait3A_990, %dma_wait3A_991] : memref<10000x32xf32, #tpu.memory_space<hbm>> -> memref<10000x32xf32, #tpu.memory_space<hbm>>
    tpu.wait_indirect_dma semaphore(%arg16 : memref<!tpu.dma_semaphore, #tpu.memory_space<semaphore_mem>>) src(%dma_wait3A_992 : memref<10000x32xf32, #tpu.memory_space<hbm>>) dst(%dma_wait3A_987 : memref<128x32xf32, #tpu.memory_space<vmem>>)
    %dma_wait3A_993 = arith.constant 1152 : i32
    %dma_wait3A_994 = arith.constant 0 : i32
    %dma_wait3A_995 = tpu.memref_slice %arg11[%dma_wait3A_993, %dma_wait3A_994] : memref<1280x32xf32, #tpu.memory_space<vmem>> -> memref<128x32xf32, #tpu.memory_space<vmem>>
    %dma_wait3A_996 = arith.constant 6272 : i32
    %dma_wait3A_997 = tpu.memref_slice %arg8[%dma_wait3A_996] : memref<10240xi32, #tpu.memory_space<vmem>> -> memref<128xi32, #tpu.memory_space<vmem>>
    %dma_wait3A_998 = arith.constant 0 : i32
    %dma_wait3A_999 = arith.constant 0 : i32
    %dma_wait3A_1000 = tpu.memref_slice %arg5[%dma_wait3A_998, %dma_wait3A_999] : memref<10000x32xf32, #tpu.memory_space<hbm>> -> memref<10000x32xf32, #tpu.memory_space<hbm>>
    tpu.wait_indirect_dma semaphore(%arg16 : memref<!tpu.dma_semaphore, #tpu.memory_space<semaphore_mem>>) src(%dma_wait3A_1000 : memref<10000x32xf32, #tpu.memory_space<hbm>>) dst(%dma_wait3A_995 : memref<128x32xf32, #tpu.memory_space<vmem>>)
    %dma_wait3A_1001 = arith.constant 2 : i32
    %dma_wait3A_1002 = arith.constant 256 : i32
    %dma_wait3A_1003 = arith.constant 0 : i32
    %dma_wait3A_1004 = tpu.memref_slice %arg10[%dma_wait3A_1002, %dma_wait3A_1003] : memref<512x32xf32, #tpu.memory_space<vmem>> -> memref<128x32xf32, #tpu.memory_space<vmem>>
    %dma_wait3A_1005 = arith.constant 0 : i32
    %dma_wait3A_1006 = tpu.memref_slice %arg7[%dma_wait3A_1001, %dma_wait3A_1005] : memref<4x128xi32, #tpu.memory_space<vmem>> -> memref<1x128xi32, #tpu.memory_space<vmem>>
    %dma_wait3A_1007 = tpu.memref_squeeze %dma_wait3A_1006 : memref<1x128xi32, #tpu.memory_space<vmem>> -> memref<128xi32, #tpu.memory_space<vmem>>
    %dma_wait3A_1008 = arith.constant 0 : i32
    %dma_wait3A_1009 = arith.constant 0 : i32
    %dma_wait3A_1010 = tpu.memref_slice %arg4[%dma_wait3A_1008, %dma_wait3A_1009] : memref<100001x32xf32, #tpu.memory_space<hbm>> -> memref<100001x32xf32, #tpu.memory_space<hbm>>
    tpu.wait_indirect_dma semaphore(%arg15 : memref<!tpu.dma_semaphore, #tpu.memory_space<semaphore_mem>>) src(%dma_wait3A_1010 : memref<100001x32xf32, #tpu.memory_space<hbm>>) dst(%dma_wait3A_1004 : memref<128x32xf32, #tpu.memory_space<vmem>>)
    %dma_wait3A_1011 = arith.constant 0 : i32
    %dma_wait3A_1012 = tpu.memref_slice %arg6[%add3A_660, %dma_wait3A_1011] : memref<16384x64xf32, #tpu.memory_space<hbm>> -> memref<64x64xf32, #tpu.memory_space<hbm>>
    %dma_wait3A_1013 = arith.constant 0 : i32
    %dma_wait3A_1014 = tpu.memref_slice %arg6[%add3A_660, %dma_wait3A_1013] : memref<16384x64xf32, #tpu.memory_space<hbm>> -> memref<64x64xf32, #tpu.memory_space<hbm>>
    tpu.wait_dma2 semaphore(%arg18 : memref<!tpu.dma_semaphore, #tpu.memory_space<semaphore_mem>>) src(%arg13 : memref<64x64xf32, #tpu.memory_space<vmem>>) dst(%dma_wait3A_1014 : memref<64x64xf32, #tpu.memory_space<hbm>>)
    %scan3A_1015 = arith.constant 0 : i32
    %scan3A_1016 = arith.constant 0 : i32
    %scan3A_1017 = arith.constant 64 : i32
    %scan3A_1018 = arith.addi %scan3A_1016, %scan3A_1017 : i32
    %scan3A_1019 = arith.constant 1 : i32
    scf.for %scan3A_1493 = %scan3A_1016 to %scan3A_1018 step %scan3A_1019  : i32 {
      %mul3A_1494 = arith.constant 20 : i32
      %mul3A_1495 = arith.muli %scan3A_1493, %mul3A_1494 : i32
      %get3A_1496 = arith.index_cast %mul3A_1495 : i32 to index
      %get3A_1497 = arith.constant 0 : index
      %get3A_1498 = tpu.vector_load %arg11[%get3A_1496, %get3A_1497] {strides = array<i32>} : memref<1280x32xf32, #tpu.memory_space<vmem>>, vector<16xf32>,
      %get3A_1499 = arith.index_cast %mul3A_1495 : i32 to index
      %get3A_1500 = arith.constant 16 : index
      %get3A_1501 = tpu.vector_load %arg11[%get3A_1499, %get3A_1500] {strides = array<i32>} : memref<1280x32xf32, #tpu.memory_space<vmem>>, vector<16xf32>,
      %add3A_1502 = arith.constant 1 : i32
      %add3A_1503 = arith.addi %mul3A_1495, %add3A_1502 : i32
      %get3A_1504 = arith.index_cast %add3A_1503 : i32 to index
      %get3A_1505 = arith.constant 0 : index
      %get3A_1506 = tpu.vector_load %arg11[%get3A_1504, %get3A_1505] {strides = array<i32>} : memref<1280x32xf32, #tpu.memory_space<vmem>>, vector<16xf32>,
      %add3A_1507 = arith.addf %get3A_1498, %get3A_1506 : vector<16xf32>
      %add3A_1508 = arith.constant 1 : i32
      %add3A_1509 = arith.addi %mul3A_1495, %add3A_1508 : i32
      %get3A_1510 = arith.index_cast %add3A_1509 : i32 to index
      %get3A_1511 = arith.constant 16 : index
      %get3A_1512 = tpu.vector_load %arg11[%get3A_1510, %get3A_1511] {strides = array<i32>} : memref<1280x32xf32, #tpu.memory_space<vmem>>, vector<16xf32>,
      %add3A_1513 = arith.addf %get3A_1501, %get3A_1512 : vector<16xf32>
      %add3A_1514 = arith.constant 2 : i32
      %add3A_1515 = arith.addi %mul3A_1495, %add3A_1514 : i32
      %get3A_1516 = arith.index_cast %add3A_1515 : i32 to index
      %get3A_1517 = arith.constant 0 : index
      %get3A_1518 = tpu.vector_load %arg11[%get3A_1516, %get3A_1517] {strides = array<i32>} : memref<1280x32xf32, #tpu.memory_space<vmem>>, vector<16xf32>,
      %add3A_1519 = arith.addf %add3A_1507, %get3A_1518 : vector<16xf32>
      %add3A_1520 = arith.constant 2 : i32
      %add3A_1521 = arith.addi %mul3A_1495, %add3A_1520 : i32
      %get3A_1522 = arith.index_cast %add3A_1521 : i32 to index
      %get3A_1523 = arith.constant 16 : index
      %get3A_1524 = tpu.vector_load %arg11[%get3A_1522, %get3A_1523] {strides = array<i32>} : memref<1280x32xf32, #tpu.memory_space<vmem>>, vector<16xf32>,
      %add3A_1525 = arith.addf %add3A_1513, %get3A_1524 : vector<16xf32>
      %add3A_1526 = arith.constant 3 : i32
      %add3A_1527 = arith.addi %mul3A_1495, %add3A_1526 : i32
      %get3A_1528 = arith.index_cast %add3A_1527 : i32 to index
      %get3A_1529 = arith.constant 0 : index
      %get3A_1530 = tpu.vector_load %arg11[%get3A_1528, %get3A_1529] {strides = array<i32>} : memref<1280x32xf32, #tpu.memory_space<vmem>>, vector<16xf32>,
      %add3A_1531 = arith.addf %add3A_1519, %get3A_1530 : vector<16xf32>
      %add3A_1532 = arith.constant 3 : i32
      %add3A_1533 = arith.addi %mul3A_1495, %add3A_1532 : i32
      %get3A_1534 = arith.index_cast %add3A_1533 : i32 to index
      %get3A_1535 = arith.constant 16 : index
      %get3A_1536 = tpu.vector_load %arg11[%get3A_1534, %get3A_1535] {strides = array<i32>} : memref<1280x32xf32, #tpu.memory_space<vmem>>, vector<16xf32>,
      %add3A_1537 = arith.addf %add3A_1525, %get3A_1536 : vector<16xf32>
      %add3A_1538 = arith.constant 4 : i32
      %add3A_1539 = arith.addi %mul3A_1495, %add3A_1538 : i32
      %get3A_1540 = arith.index_cast %add3A_1539 : i32 to index
      %get3A_1541 = arith.constant 0 : index
      %get3A_1542 = tpu.vector_load %arg11[%get3A_1540, %get3A_1541] {strides = array<i32>} : memref<1280x32xf32, #tpu.memory_space<vmem>>, vector<16xf32>,
      %add3A_1543 = arith.addf %add3A_1531, %get3A_1542 : vector<16xf32>
      %add3A_1544 = arith.constant 4 : i32
      %add3A_1545 = arith.addi %mul3A_1495, %add3A_1544 : i32
      %get3A_1546 = arith.index_cast %add3A_1545 : i32 to index
      %get3A_1547 = arith.constant 16 : index
      %get3A_1548 = tpu.vector_load %arg11[%get3A_1546, %get3A_1547] {strides = array<i32>} : memref<1280x32xf32, #tpu.memory_space<vmem>>, vector<16xf32>,
      %add3A_1549 = arith.addf %add3A_1537, %get3A_1548 : vector<16xf32>
      %add3A_1550 = arith.constant 5 : i32
      %add3A_1551 = arith.addi %mul3A_1495, %add3A_1550 : i32
      %get3A_1552 = arith.index_cast %add3A_1551 : i32 to index
      %get3A_1553 = arith.constant 0 : index
      %get3A_1554 = tpu.vector_load %arg11[%get3A_1552, %get3A_1553] {strides = array<i32>} : memref<1280x32xf32, #tpu.memory_space<vmem>>, vector<16xf32>,
      %add3A_1555 = arith.addf %add3A_1543, %get3A_1554 : vector<16xf32>
      %add3A_1556 = arith.constant 5 : i32
      %add3A_1557 = arith.addi %mul3A_1495, %add3A_1556 : i32
      %get3A_1558 = arith.index_cast %add3A_1557 : i32 to index
      %get3A_1559 = arith.constant 16 : index
      %get3A_1560 = tpu.vector_load %arg11[%get3A_1558, %get3A_1559] {strides = array<i32>} : memref<1280x32xf32, #tpu.memory_space<vmem>>, vector<16xf32>,
      %add3A_1561 = arith.addf %add3A_1549, %get3A_1560 : vector<16xf32>
      %add3A_1562 = arith.constant 6 : i32
      %add3A_1563 = arith.addi %mul3A_1495, %add3A_1562 : i32
      %get3A_1564 = arith.index_cast %add3A_1563 : i32 to index
      %get3A_1565 = arith.constant 0 : index
      %get3A_1566 = tpu.vector_load %arg11[%get3A_1564, %get3A_1565] {strides = array<i32>} : memref<1280x32xf32, #tpu.memory_space<vmem>>, vector<16xf32>,
      %add3A_1567 = arith.addf %add3A_1555, %get3A_1566 : vector<16xf32>
      %add3A_1568 = arith.constant 6 : i32
      %add3A_1569 = arith.addi %mul3A_1495, %add3A_1568 : i32
      %get3A_1570 = arith.index_cast %add3A_1569 : i32 to index
      %get3A_1571 = arith.constant 16 : index
      %get3A_1572 = tpu.vector_load %arg11[%get3A_1570, %get3A_1571] {strides = array<i32>} : memref<1280x32xf32, #tpu.memory_space<vmem>>, vector<16xf32>,
      %add3A_1573 = arith.addf %add3A_1561, %get3A_1572 : vector<16xf32>
      %add3A_1574 = arith.constant 7 : i32
      %add3A_1575 = arith.addi %mul3A_1495, %add3A_1574 : i32
      %get3A_1576 = arith.index_cast %add3A_1575 : i32 to index
      %get3A_1577 = arith.constant 0 : index
      %get3A_1578 = tpu.vector_load %arg11[%get3A_1576, %get3A_1577] {strides = array<i32>} : memref<1280x32xf32, #tpu.memory_space<vmem>>, vector<16xf32>,
      %add3A_1579 = arith.addf %add3A_1567, %get3A_1578 : vector<16xf32>
      %add3A_1580 = arith.constant 7 : i32
      %add3A_1581 = arith.addi %mul3A_1495, %add3A_1580 : i32
      %get3A_1582 = arith.index_cast %add3A_1581 : i32 to index
      %get3A_1583 = arith.constant 16 : index
      %get3A_1584 = tpu.vector_load %arg11[%get3A_1582, %get3A_1583] {strides = array<i32>} : memref<1280x32xf32, #tpu.memory_space<vmem>>, vector<16xf32>,
      %add3A_1585 = arith.addf %add3A_1573, %get3A_1584 : vector<16xf32>
      %add3A_1586 = arith.constant 8 : i32
      %add3A_1587 = arith.addi %mul3A_1495, %add3A_1586 : i32
      %get3A_1588 = arith.index_cast %add3A_1587 : i32 to index
      %get3A_1589 = arith.constant 0 : index
      %get3A_1590 = tpu.vector_load %arg11[%get3A_1588, %get3A_1589] {strides = array<i32>} : memref<1280x32xf32, #tpu.memory_space<vmem>>, vector<16xf32>,
      %add3A_1591 = arith.addf %add3A_1579, %get3A_1590 : vector<16xf32>
      %add3A_1592 = arith.constant 8 : i32
      %add3A_1593 = arith.addi %mul3A_1495, %add3A_1592 : i32
      %get3A_1594 = arith.index_cast %add3A_1593 : i32 to index
      %get3A_1595 = arith.constant 16 : index
      %get3A_1596 = tpu.vector_load %arg11[%get3A_1594, %get3A_1595] {strides = array<i32>} : memref<1280x32xf32, #tpu.memory_space<vmem>>, vector<16xf32>,
      %add3A_1597 = arith.addf %add3A_1585, %get3A_1596 : vector<16xf32>
      %add3A_1598 = arith.constant 9 : i32
      %add3A_1599 = arith.addi %mul3A_1495, %add3A_1598 : i32
      %get3A_1600 = arith.index_cast %add3A_1599 : i32 to index
      %get3A_1601 = arith.constant 0 : index
      %get3A_1602 = tpu.vector_load %arg11[%get3A_1600, %get3A_1601] {strides = array<i32>} : memref<1280x32xf32, #tpu.memory_space<vmem>>, vector<16xf32>,
      %add3A_1603 = arith.addf %add3A_1591, %get3A_1602 : vector<16xf32>
      %add3A_1604 = arith.constant 9 : i32
      %add3A_1605 = arith.addi %mul3A_1495, %add3A_1604 : i32
      %get3A_1606 = arith.index_cast %add3A_1605 : i32 to index
      %get3A_1607 = arith.constant 16 : index
      %get3A_1608 = tpu.vector_load %arg11[%get3A_1606, %get3A_1607] {strides = array<i32>} : memref<1280x32xf32, #tpu.memory_space<vmem>>, vector<16xf32>,
      %add3A_1609 = arith.addf %add3A_1597, %get3A_1608 : vector<16xf32>
      %add3A_1610 = arith.constant 10 : i32
      %add3A_1611 = arith.addi %mul3A_1495, %add3A_1610 : i32
      %get3A_1612 = arith.index_cast %add3A_1611 : i32 to index
      %get3A_1613 = arith.constant 0 : index
      %get3A_1614 = tpu.vector_load %arg11[%get3A_1612, %get3A_1613] {strides = array<i32>} : memref<1280x32xf32, #tpu.memory_space<vmem>>, vector<16xf32>,
      %add3A_1615 = arith.addf %add3A_1603, %get3A_1614 : vector<16xf32>
      %add3A_1616 = arith.constant 10 : i32
      %add3A_1617 = arith.addi %mul3A_1495, %add3A_1616 : i32
      %get3A_1618 = arith.index_cast %add3A_1617 : i32 to index
      %get3A_1619 = arith.constant 16 : index
      %get3A_1620 = tpu.vector_load %arg11[%get3A_1618, %get3A_1619] {strides = array<i32>} : memref<1280x32xf32, #tpu.memory_space<vmem>>, vector<16xf32>,
      %add3A_1621 = arith.addf %add3A_1609, %get3A_1620 : vector<16xf32>
      %add3A_1622 = arith.constant 11 : i32
      %add3A_1623 = arith.addi %mul3A_1495, %add3A_1622 : i32
      %get3A_1624 = arith.index_cast %add3A_1623 : i32 to index
      %get3A_1625 = arith.constant 0 : index
      %get3A_1626 = tpu.vector_load %arg11[%get3A_1624, %get3A_1625] {strides = array<i32>} : memref<1280x32xf32, #tpu.memory_space<vmem>>, vector<16xf32>,
      %add3A_1627 = arith.addf %add3A_1615, %get3A_1626 : vector<16xf32>
      %add3A_1628 = arith.constant 11 : i32
      %add3A_1629 = arith.addi %mul3A_1495, %add3A_1628 : i32
      %get3A_1630 = arith.index_cast %add3A_1629 : i32 to index
      %get3A_1631 = arith.constant 16 : index
      %get3A_1632 = tpu.vector_load %arg11[%get3A_1630, %get3A_1631] {strides = array<i32>} : memref<1280x32xf32, #tpu.memory_space<vmem>>, vector<16xf32>,
      %add3A_1633 = arith.addf %add3A_1621, %get3A_1632 : vector<16xf32>
      %add3A_1634 = arith.constant 12 : i32
      %add3A_1635 = arith.addi %mul3A_1495, %add3A_1634 : i32
      %get3A_1636 = arith.index_cast %add3A_1635 : i32 to index
      %get3A_1637 = arith.constant 0 : index
      %get3A_1638 = tpu.vector_load %arg11[%get3A_1636, %get3A_1637] {strides = array<i32>} : memref<1280x32xf32, #tpu.memory_space<vmem>>, vector<16xf32>,
      %add3A_1639 = arith.addf %add3A_1627, %get3A_1638 : vector<16xf32>
      %add3A_1640 = arith.constant 12 : i32
      %add3A_1641 = arith.addi %mul3A_1495, %add3A_1640 : i32
      %get3A_1642 = arith.index_cast %add3A_1641 : i32 to index
      %get3A_1643 = arith.constant 16 : index
      %get3A_1644 = tpu.vector_load %arg11[%get3A_1642, %get3A_1643] {strides = array<i32>} : memref<1280x32xf32, #tpu.memory_space<vmem>>, vector<16xf32>,
      %add3A_1645 = arith.addf %add3A_1633, %get3A_1644 : vector<16xf32>
      %add3A_1646 = arith.constant 13 : i32
      %add3A_1647 = arith.addi %mul3A_1495, %add3A_1646 : i32
      %get3A_1648 = arith.index_cast %add3A_1647 : i32 to index
      %get3A_1649 = arith.constant 0 : index
      %get3A_1650 = tpu.vector_load %arg11[%get3A_1648, %get3A_1649] {strides = array<i32>} : memref<1280x32xf32, #tpu.memory_space<vmem>>, vector<16xf32>,
      %add3A_1651 = arith.addf %add3A_1639, %get3A_1650 : vector<16xf32>
      %add3A_1652 = arith.constant 13 : i32
      %add3A_1653 = arith.addi %mul3A_1495, %add3A_1652 : i32
      %get3A_1654 = arith.index_cast %add3A_1653 : i32 to index
      %get3A_1655 = arith.constant 16 : index
      %get3A_1656 = tpu.vector_load %arg11[%get3A_1654, %get3A_1655] {strides = array<i32>} : memref<1280x32xf32, #tpu.memory_space<vmem>>, vector<16xf32>,
      %add3A_1657 = arith.addf %add3A_1645, %get3A_1656 : vector<16xf32>
      %add3A_1658 = arith.constant 14 : i32
      %add3A_1659 = arith.addi %mul3A_1495, %add3A_1658 : i32
      %get3A_1660 = arith.index_cast %add3A_1659 : i32 to index
      %get3A_1661 = arith.constant 0 : index
      %get3A_1662 = tpu.vector_load %arg11[%get3A_1660, %get3A_1661] {strides = array<i32>} : memref<1280x32xf32, #tpu.memory_space<vmem>>, vector<16xf32>,
      %add3A_1663 = arith.addf %add3A_1651, %get3A_1662 : vector<16xf32>
      %add3A_1664 = arith.constant 14 : i32
      %add3A_1665 = arith.addi %mul3A_1495, %add3A_1664 : i32
      %get3A_1666 = arith.index_cast %add3A_1665 : i32 to index
      %get3A_1667 = arith.constant 16 : index
      %get3A_1668 = tpu.vector_load %arg11[%get3A_1666, %get3A_1667] {strides = array<i32>} : memref<1280x32xf32, #tpu.memory_space<vmem>>, vector<16xf32>,
      %add3A_1669 = arith.addf %add3A_1657, %get3A_1668 : vector<16xf32>
      %add3A_1670 = arith.constant 15 : i32
      %add3A_1671 = arith.addi %mul3A_1495, %add3A_1670 : i32
      %get3A_1672 = arith.index_cast %add3A_1671 : i32 to index
      %get3A_1673 = arith.constant 0 : index
      %get3A_1674 = tpu.vector_load %arg11[%get3A_1672, %get3A_1673] {strides = array<i32>} : memref<1280x32xf32, #tpu.memory_space<vmem>>, vector<16xf32>,
      %add3A_1675 = arith.addf %add3A_1663, %get3A_1674 : vector<16xf32>
      %add3A_1676 = arith.constant 15 : i32
      %add3A_1677 = arith.addi %mul3A_1495, %add3A_1676 : i32
      %get3A_1678 = arith.index_cast %add3A_1677 : i32 to index
      %get3A_1679 = arith.constant 16 : index
      %get3A_1680 = tpu.vector_load %arg11[%get3A_1678, %get3A_1679] {strides = array<i32>} : memref<1280x32xf32, #tpu.memory_space<vmem>>, vector<16xf32>,
      %add3A_1681 = arith.addf %add3A_1669, %get3A_1680 : vector<16xf32>
      %add3A_1682 = arith.constant 16 : i32
      %add3A_1683 = arith.addi %mul3A_1495, %add3A_1682 : i32
      %get3A_1684 = arith.index_cast %add3A_1683 : i32 to index
      %get3A_1685 = arith.constant 0 : index
      %get3A_1686 = tpu.vector_load %arg11[%get3A_1684, %get3A_1685] {strides = array<i32>} : memref<1280x32xf32, #tpu.memory_space<vmem>>, vector<16xf32>,
      %add3A_1687 = arith.addf %add3A_1675, %get3A_1686 : vector<16xf32>
      %add3A_1688 = arith.constant 16 : i32
      %add3A_1689 = arith.addi %mul3A_1495, %add3A_1688 : i32
      %get3A_1690 = arith.index_cast %add3A_1689 : i32 to index
      %get3A_1691 = arith.constant 16 : index
      %get3A_1692 = tpu.vector_load %arg11[%get3A_1690, %get3A_1691] {strides = array<i32>} : memref<1280x32xf32, #tpu.memory_space<vmem>>, vector<16xf32>,
      %add3A_1693 = arith.addf %add3A_1681, %get3A_1692 : vector<16xf32>
      %add3A_1694 = arith.constant 17 : i32
      %add3A_1695 = arith.addi %mul3A_1495, %add3A_1694 : i32
      %get3A_1696 = arith.index_cast %add3A_1695 : i32 to index
      %get3A_1697 = arith.constant 0 : index
      %get3A_1698 = tpu.vector_load %arg11[%get3A_1696, %get3A_1697] {strides = array<i32>} : memref<1280x32xf32, #tpu.memory_space<vmem>>, vector<16xf32>,
      %add3A_1699 = arith.addf %add3A_1687, %get3A_1698 : vector<16xf32>
      %add3A_1700 = arith.constant 17 : i32
      %add3A_1701 = arith.addi %mul3A_1495, %add3A_1700 : i32
      %get3A_1702 = arith.index_cast %add3A_1701 : i32 to index
      %get3A_1703 = arith.constant 16 : index
      %get3A_1704 = tpu.vector_load %arg11[%get3A_1702, %get3A_1703] {strides = array<i32>} : memref<1280x32xf32, #tpu.memory_space<vmem>>, vector<16xf32>,
      %add3A_1705 = arith.addf %add3A_1693, %get3A_1704 : vector<16xf32>
      %add3A_1706 = arith.constant 18 : i32
      %add3A_1707 = arith.addi %mul3A_1495, %add3A_1706 : i32
      %get3A_1708 = arith.index_cast %add3A_1707 : i32 to index
      %get3A_1709 = arith.constant 0 : index
      %get3A_1710 = tpu.vector_load %arg11[%get3A_1708, %get3A_1709] {strides = array<i32>} : memref<1280x32xf32, #tpu.memory_space<vmem>>, vector<16xf32>,
      %add3A_1711 = arith.addf %add3A_1699, %get3A_1710 : vector<16xf32>
      %add3A_1712 = arith.constant 18 : i32
      %add3A_1713 = arith.addi %mul3A_1495, %add3A_1712 : i32
      %get3A_1714 = arith.index_cast %add3A_1713 : i32 to index
      %get3A_1715 = arith.constant 16 : index
      %get3A_1716 = tpu.vector_load %arg11[%get3A_1714, %get3A_1715] {strides = array<i32>} : memref<1280x32xf32, #tpu.memory_space<vmem>>, vector<16xf32>,
      %add3A_1717 = arith.addf %add3A_1705, %get3A_1716 : vector<16xf32>
      %add3A_1718 = arith.constant 19 : i32
      %add3A_1719 = arith.addi %mul3A_1495, %add3A_1718 : i32
      %get3A_1720 = arith.index_cast %add3A_1719 : i32 to index
      %get3A_1721 = arith.constant 0 : index
      %get3A_1722 = tpu.vector_load %arg11[%get3A_1720, %get3A_1721] {strides = array<i32>} : memref<1280x32xf32, #tpu.memory_space<vmem>>, vector<16xf32>,
      %add3A_1723 = arith.addf %add3A_1711, %get3A_1722 : vector<16xf32>
      %add3A_1724 = arith.constant 19 : i32
      %add3A_1725 = arith.addi %mul3A_1495, %add3A_1724 : i32
      %get3A_1726 = arith.index_cast %add3A_1725 : i32 to index
      %get3A_1727 = arith.constant 16 : index
      %get3A_1728 = tpu.vector_load %arg11[%get3A_1726, %get3A_1727] {strides = array<i32>} : memref<1280x32xf32, #tpu.memory_space<vmem>>, vector<16xf32>,
      %add3A_1729 = arith.addf %add3A_1717, %get3A_1728 : vector<16xf32>
      %mul3A_1730 = arith.constant 20 : i32
      %mul3A_1731 = arith.muli %scan3A_1493, %mul3A_1730 : i32
      %add3A_1732 = arith.constant 5120 : i32
      %add3A_1733 = arith.addi %add3A_1732, %mul3A_1731 : i32
      %get3A_1734 = arith.index_cast %add3A_1733 : i32 to index
      %get3A_1735 = tpu.vector_load %arg8[%get3A_1734] {strides = array<i32>} : memref<10240xi32, #tpu.memory_space<vmem>>, vector<16xi32>,
      %add3A_1736 = arith.constant 4 : i32
      %add3A_1737 = arith.addi %add3A_1733, %add3A_1736 : i32
      %get3A_1738 = arith.index_cast %add3A_1737 : i32 to index
      %get3A_1739 = tpu.vector_load %arg8[%get3A_1738] {strides = array<i32>} : memref<10240xi32, #tpu.memory_space<vmem>>, vector<16xi32>,
      %eq3A = arith.constant 0 : i32
      %eq3A_1740 = vector.broadcast %eq3A : i32 to vector<16xi32>
      %eq3A_1741 = arith.cmpi eq, %get3A_1735, %eq3A_1740 : vector<16xi32>
      %all_reduce_population_count3A = tpu.all_reduce %eq3A_1741 {dim = 0 : i64, kind = #tpu.reduction_kind<sum>} : vector<16xi1> -> vector<16xi32>
      %eq3A_1742 = arith.constant 0 : i32
      %eq3A_1743 = vector.broadcast %eq3A_1742 : i32 to vector<16xi32>
      %eq3A_1744 = arith.cmpi eq, %get3A_1739, %eq3A_1743 : vector<16xi32>
      %and3A = arith.andi %eq3A_1744, %ge3A_126 : vector<16xi1>
      %all_reduce_population_count3A_1745 = tpu.all_reduce %and3A {dim = 0 : i64, kind = #tpu.reduction_kind<sum>} : vector<16xi1> -> vector<16xi32>
      %add3A_1746 = arith.addi %all_reduce_population_count3A, %all_reduce_population_count3A_1745 : vector<16xi32>
      %convert_element_type3A = arith.sitofp %add3A_1746 : vector<16xi32> to vector<16xf32>
      %sub3A = arith.constant 2.000000e+01 : f32
      %sub3A_1747 = vector.broadcast %sub3A : f32 to vector<16xf32>
      %sub3A_1748 = arith.subf %sub3A_1747, %convert_element_type3A : vector<16xf32>
      %max3A = arith.constant 1.000000e+00 : f32
      %max3A_1749 = vector.broadcast %max3A : f32 to vector<16xf32>
      %max3A_1750 = arith.maximumf %sub3A_1748, %max3A_1749 : vector<16xf32>
      %div3A = arith.constant 1.000000e+00 : f32
      %div3A_1751 = vector.broadcast %div3A : f32 to vector<16xf32>
      %div3A_1752 = arith.divf %div3A_1751, %max3A_1750 : vector<16xf32>
      %add3A_1753 = arith.constant 256 : i32
      %add3A_1754 = arith.addi %add3A_1753, %scan3A_1493 : i32
      %get3A_1755 = arith.index_cast %add3A_1754 : i32 to index
      %get3A_1756 = arith.constant 0 : index
      %get3A_1757 = tpu.vector_load %arg10[%get3A_1755, %get3A_1756] {strides = array<i32>} : memref<512x32xf32, #tpu.memory_space<vmem>>, vector<16xf32>,
      %swap3A = arith.index_cast %scan3A_1493 : i32 to index
      %swap3A_1758 = arith.constant 0 : index
      %swap3A_1759 = tpu.vector_load %arg13[%swap3A, %swap3A_1758] {strides = array<i32>} : memref<64x64xf32, #tpu.memory_space<vmem>>, vector<16xf32>,
      tpu.vector_store %arg13[%swap3A, %swap3A_1758], %get3A_1757 {strides = array<i32>} : memref<64x64xf32, #tpu.memory_space<vmem>>, vector<16xf32>,
      %add3A_1760 = arith.constant 256 : i32
      %add3A_1761 = arith.addi %add3A_1760, %scan3A_1493 : i32
      %get3A_1762 = arith.index_cast %add3A_1761 : i32 to index
      %get3A_1763 = arith.constant 16 : index
      %get3A_1764 = tpu.vector_load %arg10[%get3A_1762, %get3A_1763] {strides = array<i32>} : memref<512x32xf32, #tpu.memory_space<vmem>>, vector<16xf32>,
      %swap3A_1765 = arith.index_cast %scan3A_1493 : i32 to index
      %swap3A_1766 = arith.constant 16 : index
      %swap3A_1767 = tpu.vector_load %arg13[%swap3A_1765, %swap3A_1766] {strides = array<i32>} : memref<64x64xf32, #tpu.memory_space<vmem>>, vector<16xf32>,
      tpu.vector_store %arg13[%swap3A_1765, %swap3A_1766], %get3A_1764 {strides = array<i32>} : memref<64x64xf32, #tpu.memory_space<vmem>>, vector<16xf32>,
      %mul3A_1768 = arith.mulf %convert_element_type3A, %get3A_122 : vector<16xf32>
      %sub3A_1769 = arith.subf %add3A_1723, %mul3A_1768 : vector<16xf32>
      %mul3A_1770 = arith.mulf %sub3A_1769, %div3A_1752 : vector<16xf32>
      %swap3A_1771 = arith.index_cast %scan3A_1493 : i32 to index
      %swap3A_1772 = arith.constant 32 : index
      %swap3A_1773 = tpu.vector_load %arg13[%swap3A_1771, %swap3A_1772] {strides = array<i32>} : memref<64x64xf32, #tpu.memory_space<vmem>>, vector<16xf32>,
      tpu.vector_store %arg13[%swap3A_1771, %swap3A_1772], %mul3A_1770 {strides = array<i32>} : memref<64x64xf32, #tpu.memory_space<vmem>>, vector<16xf32>,
      %mul3A_1774 = arith.mulf %convert_element_type3A, %get3A_124 : vector<16xf32>
      %sub3A_1775 = arith.subf %add3A_1729, %mul3A_1774 : vector<16xf32>
      %mul3A_1776 = arith.mulf %sub3A_1775, %div3A_1752 : vector<16xf32>
      %swap3A_1777 = arith.index_cast %scan3A_1493 : i32 to index
      %swap3A_1778 = arith.constant 48 : index
      %swap3A_1779 = tpu.vector_load %arg13[%swap3A_1777, %swap3A_1778] {strides = array<i32>} : memref<64x64xf32, #tpu.memory_space<vmem>>, vector<16xf32>,
      tpu.vector_store %arg13[%swap3A_1777, %swap3A_1778], %mul3A_1776 {strides = array<i32>} : memref<64x64xf32, #tpu.memory_space<vmem>>, vector<16xf32>,
    }
    %scan3A_1020 = arith.constant 64 : i32
    %add3A_1021 = arith.constant 256 : i32
    %add3A_1022 = arith.addi %mul3A_2, %add3A_1021 : i32
    %dma_start3A_1023 = arith.constant 0 : i32
    %dma_start3A_1024 = tpu.memref_slice %arg6[%add3A_1022, %dma_start3A_1023] : memref<16384x64xf32, #tpu.memory_space<hbm>> -> memref<64x64xf32, #tpu.memory_space<hbm>>
    %dma_start3A_1025 = arith.constant 0 : i32
    %dma_start3A_1026 = tpu.memref_slice %arg6[%add3A_1022, %dma_start3A_1025] : memref<16384x64xf32, #tpu.memory_space<hbm>> -> memref<64x64xf32, #tpu.memory_space<hbm>>
    tpu.enqueue_dma source(%arg13 : memref<64x64xf32, #tpu.memory_space<vmem>>) target(%dma_start3A_1026 : memref<64x64xf32, #tpu.memory_space<hbm>>) target_semaphore(%arg18 : memref<!tpu.dma_semaphore, #tpu.memory_space<semaphore_mem>>)
    %dma_start3A_1027 = arith.constant 0 : i32
    %dma_start3A_1028 = arith.constant 0 : i32
    %dma_start3A_1029 = tpu.memref_slice %arg11[%dma_start3A_1027, %dma_start3A_1028] : memref<1280x32xf32, #tpu.memory_space<vmem>> -> memref<128x32xf32, #tpu.memory_space<vmem>>
    %dma_start3A_1030 = arith.constant 7680 : i32
    %dma_start3A_1031 = tpu.memref_slice %arg8[%dma_start3A_1030] : memref<10240xi32, #tpu.memory_space<vmem>> -> memref<128xi32, #tpu.memory_space<vmem>>
    %dma_start3A_1032 = arith.constant 0 : i32
    %dma_start3A_1033 = arith.constant 0 : i32
    %dma_start3A_1034 = tpu.memref_slice %arg5[%dma_start3A_1032, %dma_start3A_1033] : memref<10000x32xf32, #tpu.memory_space<hbm>> -> memref<10000x32xf32, #tpu.memory_space<hbm>>
    tpu.enqueue_indirect_dma source(%dma_start3A_1034 : memref<10000x32xf32, #tpu.memory_space<hbm>>) target(%dma_start3A_1029 : memref<128x32xf32, #tpu.memory_space<vmem>>) offsets(%dma_start3A_1031 : memref<128xi32, #tpu.memory_space<vmem>>) semaphore(%arg16 : memref<!tpu.dma_semaphore, #tpu.memory_space<semaphore_mem>>)
    %dma_start3A_1035 = arith.constant 128 : i32
    %dma_start3A_1036 = arith.constant 0 : i32
    %dma_start3A_1037 = tpu.memref_slice %arg11[%dma_start3A_1035, %dma_start3A_1036] : memref<1280x32xf32, #tpu.memory_space<vmem>> -> memref<128x32xf32, #tpu.memory_space<vmem>>
    %dma_start3A_1038 = arith.constant 7808 : i32
    %dma_start3A_1039 = tpu.memref_slice %arg8[%dma_start3A_1038] : memref<10240xi32, #tpu.memory_space<vmem>> -> memref<128xi32, #tpu.memory_space<vmem>>
    %dma_start3A_1040 = arith.constant 0 : i32
    %dma_start3A_1041 = arith.constant 0 : i32
    %dma_start3A_1042 = tpu.memref_slice %arg5[%dma_start3A_1040, %dma_start3A_1041] : memref<10000x32xf32, #tpu.memory_space<hbm>> -> memref<10000x32xf32, #tpu.memory_space<hbm>>
    tpu.enqueue_indirect_dma source(%dma_start3A_1042 : memref<10000x32xf32, #tpu.memory_space<hbm>>) target(%dma_start3A_1037 : memref<128x32xf32, #tpu.memory_space<vmem>>) offsets(%dma_start3A_1039 : memref<128xi32, #tpu.memory_space<vmem>>) semaphore(%arg16 : memref<!tpu.dma_semaphore, #tpu.memory_space<semaphore_mem>>)
    %dma_start3A_1043 = arith.constant 256 : i32
    %dma_start3A_1044 = arith.constant 0 : i32
    %dma_start3A_1045 = tpu.memref_slice %arg11[%dma_start3A_1043, %dma_start3A_1044] : memref<1280x32xf32, #tpu.memory_space<vmem>> -> memref<128x32xf32, #tpu.memory_space<vmem>>
    %dma_start3A_1046 = arith.constant 7936 : i32
    %dma_start3A_1047 = tpu.memref_slice %arg8[%dma_start3A_1046] : memref<10240xi32, #tpu.memory_space<vmem>> -> memref<128xi32, #tpu.memory_space<vmem>>
    %dma_start3A_1048 = arith.constant 0 : i32
    %dma_start3A_1049 = arith.constant 0 : i32
    %dma_start3A_1050 = tpu.memref_slice %arg5[%dma_start3A_1048, %dma_start3A_1049] : memref<10000x32xf32, #tpu.memory_space<hbm>> -> memref<10000x32xf32, #tpu.memory_space<hbm>>
    tpu.enqueue_indirect_dma source(%dma_start3A_1050 : memref<10000x32xf32, #tpu.memory_space<hbm>>) target(%dma_start3A_1045 : memref<128x32xf32, #tpu.memory_space<vmem>>) offsets(%dma_start3A_1047 : memref<128xi32, #tpu.memory_space<vmem>>) semaphore(%arg16 : memref<!tpu.dma_semaphore, #tpu.memory_space<semaphore_mem>>)
    %dma_start3A_1051 = arith.constant 384 : i32
    %dma_start3A_1052 = arith.constant 0 : i32
    %dma_start3A_1053 = tpu.memref_slice %arg11[%dma_start3A_1051, %dma_start3A_1052] : memref<1280x32xf32, #tpu.memory_space<vmem>> -> memref<128x32xf32, #tpu.memory_space<vmem>>
    %dma_start3A_1054 = arith.constant 8064 : i32
    %dma_start3A_1055 = tpu.memref_slice %arg8[%dma_start3A_1054] : memref<10240xi32, #tpu.memory_space<vmem>> -> memref<128xi32, #tpu.memory_space<vmem>>
    %dma_start3A_1056 = arith.constant 0 : i32
    %dma_start3A_1057 = arith.constant 0 : i32
    %dma_start3A_1058 = tpu.memref_slice %arg5[%dma_start3A_1056, %dma_start3A_1057] : memref<10000x32xf32, #tpu.memory_space<hbm>> -> memref<10000x32xf32, #tpu.memory_space<hbm>>
    tpu.enqueue_indirect_dma source(%dma_start3A_1058 : memref<10000x32xf32, #tpu.memory_space<hbm>>) target(%dma_start3A_1053 : memref<128x32xf32, #tpu.memory_space<vmem>>) offsets(%dma_start3A_1055 : memref<128xi32, #tpu.memory_space<vmem>>) semaphore(%arg16 : memref<!tpu.dma_semaphore, #tpu.memory_space<semaphore_mem>>)
    %dma_start3A_1059 = arith.constant 512 : i32
    %dma_start3A_1060 = arith.constant 0 : i32
    %dma_start3A_1061 = tpu.memref_slice %arg11[%dma_start3A_1059, %dma_start3A_1060] : memref<1280x32xf32, #tpu.memory_space<vmem>> -> memref<128x32xf32, #tpu.memory_space<vmem>>
    %dma_start3A_1062 = arith.constant 8192 : i32
    %dma_start3A_1063 = tpu.memref_slice %arg8[%dma_start3A_1062] : memref<10240xi32, #tpu.memory_space<vmem>> -> memref<128xi32, #tpu.memory_space<vmem>>
    %dma_start3A_1064 = arith.constant 0 : i32
    %dma_start3A_1065 = arith.constant 0 : i32
    %dma_start3A_1066 = tpu.memref_slice %arg5[%dma_start3A_1064, %dma_start3A_1065] : memref<10000x32xf32, #tpu.memory_space<hbm>> -> memref<10000x32xf32, #tpu.memory_space<hbm>>
    tpu.enqueue_indirect_dma source(%dma_start3A_1066 : memref<10000x32xf32, #tpu.memory_space<hbm>>) target(%dma_start3A_1061 : memref<128x32xf32, #tpu.memory_space<vmem>>) offsets(%dma_start3A_1063 : memref<128xi32, #tpu.memory_space<vmem>>) semaphore(%arg16 : memref<!tpu.dma_semaphore, #tpu.memory_space<semaphore_mem>>)
    %dma_start3A_1067 = arith.constant 640 : i32
    %dma_start3A_1068 = arith.constant 0 : i32
    %dma_start3A_1069 = tpu.memref_slice %arg11[%dma_start3A_1067, %dma_start3A_1068] : memref<1280x32xf32, #tpu.memory_space<vmem>> -> memref<128x32xf32, #tpu.memory_space<vmem>>
    %dma_start3A_1070 = arith.constant 8320 : i32
    %dma_start3A_1071 = tpu.memref_slice %arg8[%dma_start3A_1070] : memref<10240xi32, #tpu.memory_space<vmem>> -> memref<128xi32, #tpu.memory_space<vmem>>
    %dma_start3A_1072 = arith.constant 0 : i32
    %dma_start3A_1073 = arith.constant 0 : i32
    %dma_start3A_1074 = tpu.memref_slice %arg5[%dma_start3A_1072, %dma_start3A_1073] : memref<10000x32xf32, #tpu.memory_space<hbm>> -> memref<10000x32xf32, #tpu.memory_space<hbm>>
    tpu.enqueue_indirect_dma source(%dma_start3A_1074 : memref<10000x32xf32, #tpu.memory_space<hbm>>) target(%dma_start3A_1069 : memref<128x32xf32, #tpu.memory_space<vmem>>) offsets(%dma_start3A_1071 : memref<128xi32, #tpu.memory_space<vmem>>) semaphore(%arg16 : memref<!tpu.dma_semaphore, #tpu.memory_space<semaphore_mem>>)
    %dma_start3A_1075 = arith.constant 768 : i32
    %dma_start3A_1076 = arith.constant 0 : i32
    %dma_start3A_1077 = tpu.memref_slice %arg11[%dma_start3A_1075, %dma_start3A_1076] : memref<1280x32xf32, #tpu.memory_space<vmem>> -> memref<128x32xf32, #tpu.memory_space<vmem>>
    %dma_start3A_1078 = arith.constant 8448 : i32
    %dma_start3A_1079 = tpu.memref_slice %arg8[%dma_start3A_1078] : memref<10240xi32, #tpu.memory_space<vmem>> -> memref<128xi32, #tpu.memory_space<vmem>>
    %dma_start3A_1080 = arith.constant 0 : i32
    %dma_start3A_1081 = arith.constant 0 : i32
    %dma_start3A_1082 = tpu.memref_slice %arg5[%dma_start3A_1080, %dma_start3A_1081] : memref<10000x32xf32, #tpu.memory_space<hbm>> -> memref<10000x32xf32, #tpu.memory_space<hbm>>
    tpu.enqueue_indirect_dma source(%dma_start3A_1082 : memref<10000x32xf32, #tpu.memory_space<hbm>>) target(%dma_start3A_1077 : memref<128x32xf32, #tpu.memory_space<vmem>>) offsets(%dma_start3A_1079 : memref<128xi32, #tpu.memory_space<vmem>>) semaphore(%arg16 : memref<!tpu.dma_semaphore, #tpu.memory_space<semaphore_mem>>)
    %dma_start3A_1083 = arith.constant 896 : i32
    %dma_start3A_1084 = arith.constant 0 : i32
    %dma_start3A_1085 = tpu.memref_slice %arg11[%dma_start3A_1083, %dma_start3A_1084] : memref<1280x32xf32, #tpu.memory_space<vmem>> -> memref<128x32xf32, #tpu.memory_space<vmem>>
    %dma_start3A_1086 = arith.constant 8576 : i32
    %dma_start3A_1087 = tpu.memref_slice %arg8[%dma_start3A_1086] : memref<10240xi32, #tpu.memory_space<vmem>> -> memref<128xi32, #tpu.memory_space<vmem>>
    %dma_start3A_1088 = arith.constant 0 : i32
    %dma_start3A_1089 = arith.constant 0 : i32
    %dma_start3A_1090 = tpu.memref_slice %arg5[%dma_start3A_1088, %dma_start3A_1089] : memref<10000x32xf32, #tpu.memory_space<hbm>> -> memref<10000x32xf32, #tpu.memory_space<hbm>>
    tpu.enqueue_indirect_dma source(%dma_start3A_1090 : memref<10000x32xf32, #tpu.memory_space<hbm>>) target(%dma_start3A_1085 : memref<128x32xf32, #tpu.memory_space<vmem>>) offsets(%dma_start3A_1087 : memref<128xi32, #tpu.memory_space<vmem>>) semaphore(%arg16 : memref<!tpu.dma_semaphore, #tpu.memory_space<semaphore_mem>>)
    %dma_start3A_1091 = arith.constant 1024 : i32
    %dma_start3A_1092 = arith.constant 0 : i32
    %dma_start3A_1093 = tpu.memref_slice %arg11[%dma_start3A_1091, %dma_start3A_1092] : memref<1280x32xf32, #tpu.memory_space<vmem>> -> memref<128x32xf32, #tpu.memory_space<vmem>>
    %dma_start3A_1094 = arith.constant 8704 : i32
    %dma_start3A_1095 = tpu.memref_slice %arg8[%dma_start3A_1094] : memref<10240xi32, #tpu.memory_space<vmem>> -> memref<128xi32, #tpu.memory_space<vmem>>
    %dma_start3A_1096 = arith.constant 0 : i32
    %dma_start3A_1097 = arith.constant 0 : i32
    %dma_start3A_1098 = tpu.memref_slice %arg5[%dma_start3A_1096, %dma_start3A_1097] : memref<10000x32xf32, #tpu.memory_space<hbm>> -> memref<10000x32xf32, #tpu.memory_space<hbm>>
    tpu.enqueue_indirect_dma source(%dma_start3A_1098 : memref<10000x32xf32, #tpu.memory_space<hbm>>) target(%dma_start3A_1093 : memref<128x32xf32, #tpu.memory_space<vmem>>) offsets(%dma_start3A_1095 : memref<128xi32, #tpu.memory_space<vmem>>) semaphore(%arg16 : memref<!tpu.dma_semaphore, #tpu.memory_space<semaphore_mem>>)
    %dma_start3A_1099 = arith.constant 1152 : i32
    %dma_start3A_1100 = arith.constant 0 : i32
    %dma_start3A_1101 = tpu.memref_slice %arg11[%dma_start3A_1099, %dma_start3A_1100] : memref<1280x32xf32, #tpu.memory_space<vmem>> -> memref<128x32xf32, #tpu.memory_space<vmem>>
    %dma_start3A_1102 = arith.constant 8832 : i32
    %dma_start3A_1103 = tpu.memref_slice %arg8[%dma_start3A_1102] : memref<10240xi32, #tpu.memory_space<vmem>> -> memref<128xi32, #tpu.memory_space<vmem>>
    %dma_start3A_1104 = arith.constant 0 : i32
    %dma_start3A_1105 = arith.constant 0 : i32
    %dma_start3A_1106 = tpu.memref_slice %arg5[%dma_start3A_1104, %dma_start3A_1105] : memref<10000x32xf32, #tpu.memory_space<hbm>> -> memref<10000x32xf32, #tpu.memory_space<hbm>>
    tpu.enqueue_indirect_dma source(%dma_start3A_1106 : memref<10000x32xf32, #tpu.memory_space<hbm>>) target(%dma_start3A_1101 : memref<128x32xf32, #tpu.memory_space<vmem>>) offsets(%dma_start3A_1103 : memref<128xi32, #tpu.memory_space<vmem>>) semaphore(%arg16 : memref<!tpu.dma_semaphore, #tpu.memory_space<semaphore_mem>>)
    %dma_wait3A_1107 = arith.constant 0 : i32
    %dma_wait3A_1108 = arith.constant 0 : i32
    %dma_wait3A_1109 = tpu.memref_slice %arg12[%dma_wait3A_1107, %dma_wait3A_1108] : memref<1280x32xf32, #tpu.memory_space<vmem>> -> memref<128x32xf32, #tpu.memory_space<vmem>>
    %dma_wait3A_1110 = arith.constant 6400 : i32
    %dma_wait3A_1111 = tpu.memref_slice %arg8[%dma_wait3A_1110] : memref<10240xi32, #tpu.memory_space<vmem>> -> memref<128xi32, #tpu.memory_space<vmem>>
    %dma_wait3A_1112 = arith.constant 0 : i32
    %dma_wait3A_1113 = arith.constant 0 : i32
    %dma_wait3A_1114 = tpu.memref_slice %arg5[%dma_wait3A_1112, %dma_wait3A_1113] : memref<10000x32xf32, #tpu.memory_space<hbm>> -> memref<10000x32xf32, #tpu.memory_space<hbm>>
    tpu.wait_indirect_dma semaphore(%arg17 : memref<!tpu.dma_semaphore, #tpu.memory_space<semaphore_mem>>) src(%dma_wait3A_1114 : memref<10000x32xf32, #tpu.memory_space<hbm>>) dst(%dma_wait3A_1109 : memref<128x32xf32, #tpu.memory_space<vmem>>)
    %dma_wait3A_1115 = arith.constant 128 : i32
    %dma_wait3A_1116 = arith.constant 0 : i32
    %dma_wait3A_1117 = tpu.memref_slice %arg12[%dma_wait3A_1115, %dma_wait3A_1116] : memref<1280x32xf32, #tpu.memory_space<vmem>> -> memref<128x32xf32, #tpu.memory_space<vmem>>
    %dma_wait3A_1118 = arith.constant 6528 : i32
    %dma_wait3A_1119 = tpu.memref_slice %arg8[%dma_wait3A_1118] : memref<10240xi32, #tpu.memory_space<vmem>> -> memref<128xi32, #tpu.memory_space<vmem>>
    %dma_wait3A_1120 = arith.constant 0 : i32
    %dma_wait3A_1121 = arith.constant 0 : i32
    %dma_wait3A_1122 = tpu.memref_slice %arg5[%dma_wait3A_1120, %dma_wait3A_1121] : memref<10000x32xf32, #tpu.memory_space<hbm>> -> memref<10000x32xf32, #tpu.memory_space<hbm>>
    tpu.wait_indirect_dma semaphore(%arg17 : memref<!tpu.dma_semaphore, #tpu.memory_space<semaphore_mem>>) src(%dma_wait3A_1122 : memref<10000x32xf32, #tpu.memory_space<hbm>>) dst(%dma_wait3A_1117 : memref<128x32xf32, #tpu.memory_space<vmem>>)
    %dma_wait3A_1123 = arith.constant 256 : i32
    %dma_wait3A_1124 = arith.constant 0 : i32
    %dma_wait3A_1125 = tpu.memref_slice %arg12[%dma_wait3A_1123, %dma_wait3A_1124] : memref<1280x32xf32, #tpu.memory_space<vmem>> -> memref<128x32xf32, #tpu.memory_space<vmem>>
    %dma_wait3A_1126 = arith.constant 6656 : i32
    %dma_wait3A_1127 = tpu.memref_slice %arg8[%dma_wait3A_1126] : memref<10240xi32, #tpu.memory_space<vmem>> -> memref<128xi32, #tpu.memory_space<vmem>>
    %dma_wait3A_1128 = arith.constant 0 : i32
    %dma_wait3A_1129 = arith.constant 0 : i32
    %dma_wait3A_1130 = tpu.memref_slice %arg5[%dma_wait3A_1128, %dma_wait3A_1129] : memref<10000x32xf32, #tpu.memory_space<hbm>> -> memref<10000x32xf32, #tpu.memory_space<hbm>>
    tpu.wait_indirect_dma semaphore(%arg17 : memref<!tpu.dma_semaphore, #tpu.memory_space<semaphore_mem>>) src(%dma_wait3A_1130 : memref<10000x32xf32, #tpu.memory_space<hbm>>) dst(%dma_wait3A_1125 : memref<128x32xf32, #tpu.memory_space<vmem>>)
    %dma_wait3A_1131 = arith.constant 384 : i32
    %dma_wait3A_1132 = arith.constant 0 : i32
    %dma_wait3A_1133 = tpu.memref_slice %arg12[%dma_wait3A_1131, %dma_wait3A_1132] : memref<1280x32xf32, #tpu.memory_space<vmem>> -> memref<128x32xf32, #tpu.memory_space<vmem>>
    %dma_wait3A_1134 = arith.constant 6784 : i32
    %dma_wait3A_1135 = tpu.memref_slice %arg8[%dma_wait3A_1134] : memref<10240xi32, #tpu.memory_space<vmem>> -> memref<128xi32, #tpu.memory_space<vmem>>
    %dma_wait3A_1136 = arith.constant 0 : i32
    %dma_wait3A_1137 = arith.constant 0 : i32
    %dma_wait3A_1138 = tpu.memref_slice %arg5[%dma_wait3A_1136, %dma_wait3A_1137] : memref<10000x32xf32, #tpu.memory_space<hbm>> -> memref<10000x32xf32, #tpu.memory_space<hbm>>
    tpu.wait_indirect_dma semaphore(%arg17 : memref<!tpu.dma_semaphore, #tpu.memory_space<semaphore_mem>>) src(%dma_wait3A_1138 : memref<10000x32xf32, #tpu.memory_space<hbm>>) dst(%dma_wait3A_1133 : memref<128x32xf32, #tpu.memory_space<vmem>>)
    %dma_wait3A_1139 = arith.constant 512 : i32
    %dma_wait3A_1140 = arith.constant 0 : i32
    %dma_wait3A_1141 = tpu.memref_slice %arg12[%dma_wait3A_1139, %dma_wait3A_1140] : memref<1280x32xf32, #tpu.memory_space<vmem>> -> memref<128x32xf32, #tpu.memory_space<vmem>>
    %dma_wait3A_1142 = arith.constant 6912 : i32
    %dma_wait3A_1143 = tpu.memref_slice %arg8[%dma_wait3A_1142] : memref<10240xi32, #tpu.memory_space<vmem>> -> memref<128xi32, #tpu.memory_space<vmem>>
    %dma_wait3A_1144 = arith.constant 0 : i32
    %dma_wait3A_1145 = arith.constant 0 : i32
    %dma_wait3A_1146 = tpu.memref_slice %arg5[%dma_wait3A_1144, %dma_wait3A_1145] : memref<10000x32xf32, #tpu.memory_space<hbm>> -> memref<10000x32xf32, #tpu.memory_space<hbm>>
    tpu.wait_indirect_dma semaphore(%arg17 : memref<!tpu.dma_semaphore, #tpu.memory_space<semaphore_mem>>) src(%dma_wait3A_1146 : memref<10000x32xf32, #tpu.memory_space<hbm>>) dst(%dma_wait3A_1141 : memref<128x32xf32, #tpu.memory_space<vmem>>)
    %dma_wait3A_1147 = arith.constant 640 : i32
    %dma_wait3A_1148 = arith.constant 0 : i32
    %dma_wait3A_1149 = tpu.memref_slice %arg12[%dma_wait3A_1147, %dma_wait3A_1148] : memref<1280x32xf32, #tpu.memory_space<vmem>> -> memref<128x32xf32, #tpu.memory_space<vmem>>
    %dma_wait3A_1150 = arith.constant 7040 : i32
    %dma_wait3A_1151 = tpu.memref_slice %arg8[%dma_wait3A_1150] : memref<10240xi32, #tpu.memory_space<vmem>> -> memref<128xi32, #tpu.memory_space<vmem>>
    %dma_wait3A_1152 = arith.constant 0 : i32
    %dma_wait3A_1153 = arith.constant 0 : i32
    %dma_wait3A_1154 = tpu.memref_slice %arg5[%dma_wait3A_1152, %dma_wait3A_1153] : memref<10000x32xf32, #tpu.memory_space<hbm>> -> memref<10000x32xf32, #tpu.memory_space<hbm>>
    tpu.wait_indirect_dma semaphore(%arg17 : memref<!tpu.dma_semaphore, #tpu.memory_space<semaphore_mem>>) src(%dma_wait3A_1154 : memref<10000x32xf32, #tpu.memory_space<hbm>>) dst(%dma_wait3A_1149 : memref<128x32xf32, #tpu.memory_space<vmem>>)
    %dma_wait3A_1155 = arith.constant 768 : i32
    %dma_wait3A_1156 = arith.constant 0 : i32
    %dma_wait3A_1157 = tpu.memref_slice %arg12[%dma_wait3A_1155, %dma_wait3A_1156] : memref<1280x32xf32, #tpu.memory_space<vmem>> -> memref<128x32xf32, #tpu.memory_space<vmem>>
    %dma_wait3A_1158 = arith.constant 7168 : i32
    %dma_wait3A_1159 = tpu.memref_slice %arg8[%dma_wait3A_1158] : memref<10240xi32, #tpu.memory_space<vmem>> -> memref<128xi32, #tpu.memory_space<vmem>>
    %dma_wait3A_1160 = arith.constant 0 : i32
    %dma_wait3A_1161 = arith.constant 0 : i32
    %dma_wait3A_1162 = tpu.memref_slice %arg5[%dma_wait3A_1160, %dma_wait3A_1161] : memref<10000x32xf32, #tpu.memory_space<hbm>> -> memref<10000x32xf32, #tpu.memory_space<hbm>>
    tpu.wait_indirect_dma semaphore(%arg17 : memref<!tpu.dma_semaphore, #tpu.memory_space<semaphore_mem>>) src(%dma_wait3A_1162 : memref<10000x32xf32, #tpu.memory_space<hbm>>) dst(%dma_wait3A_1157 : memref<128x32xf32, #tpu.memory_space<vmem>>)
    %dma_wait3A_1163 = arith.constant 896 : i32
    %dma_wait3A_1164 = arith.constant 0 : i32
    %dma_wait3A_1165 = tpu.memref_slice %arg12[%dma_wait3A_1163, %dma_wait3A_1164] : memref<1280x32xf32, #tpu.memory_space<vmem>> -> memref<128x32xf32, #tpu.memory_space<vmem>>
    %dma_wait3A_1166 = arith.constant 7296 : i32
    %dma_wait3A_1167 = tpu.memref_slice %arg8[%dma_wait3A_1166] : memref<10240xi32, #tpu.memory_space<vmem>> -> memref<128xi32, #tpu.memory_space<vmem>>
    %dma_wait3A_1168 = arith.constant 0 : i32
    %dma_wait3A_1169 = arith.constant 0 : i32
    %dma_wait3A_1170 = tpu.memref_slice %arg5[%dma_wait3A_1168, %dma_wait3A_1169] : memref<10000x32xf32, #tpu.memory_space<hbm>> -> memref<10000x32xf32, #tpu.memory_space<hbm>>
    tpu.wait_indirect_dma semaphore(%arg17 : memref<!tpu.dma_semaphore, #tpu.memory_space<semaphore_mem>>) src(%dma_wait3A_1170 : memref<10000x32xf32, #tpu.memory_space<hbm>>) dst(%dma_wait3A_1165 : memref<128x32xf32, #tpu.memory_space<vmem>>)
    %dma_wait3A_1171 = arith.constant 1024 : i32
    %dma_wait3A_1172 = arith.constant 0 : i32
    %dma_wait3A_1173 = tpu.memref_slice %arg12[%dma_wait3A_1171, %dma_wait3A_1172] : memref<1280x32xf32, #tpu.memory_space<vmem>> -> memref<128x32xf32, #tpu.memory_space<vmem>>
    %dma_wait3A_1174 = arith.constant 7424 : i32
    %dma_wait3A_1175 = tpu.memref_slice %arg8[%dma_wait3A_1174] : memref<10240xi32, #tpu.memory_space<vmem>> -> memref<128xi32, #tpu.memory_space<vmem>>
    %dma_wait3A_1176 = arith.constant 0 : i32
    %dma_wait3A_1177 = arith.constant 0 : i32
    %dma_wait3A_1178 = tpu.memref_slice %arg5[%dma_wait3A_1176, %dma_wait3A_1177] : memref<10000x32xf32, #tpu.memory_space<hbm>> -> memref<10000x32xf32, #tpu.memory_space<hbm>>
    tpu.wait_indirect_dma semaphore(%arg17 : memref<!tpu.dma_semaphore, #tpu.memory_space<semaphore_mem>>) src(%dma_wait3A_1178 : memref<10000x32xf32, #tpu.memory_space<hbm>>) dst(%dma_wait3A_1173 : memref<128x32xf32, #tpu.memory_space<vmem>>)
    %dma_wait3A_1179 = arith.constant 1152 : i32
    %dma_wait3A_1180 = arith.constant 0 : i32
    %dma_wait3A_1181 = tpu.memref_slice %arg12[%dma_wait3A_1179, %dma_wait3A_1180] : memref<1280x32xf32, #tpu.memory_space<vmem>> -> memref<128x32xf32, #tpu.memory_space<vmem>>
    %dma_wait3A_1182 = arith.constant 7552 : i32
    %dma_wait3A_1183 = tpu.memref_slice %arg8[%dma_wait3A_1182] : memref<10240xi32, #tpu.memory_space<vmem>> -> memref<128xi32, #tpu.memory_space<vmem>>
    %dma_wait3A_1184 = arith.constant 0 : i32
    %dma_wait3A_1185 = arith.constant 0 : i32
    %dma_wait3A_1186 = tpu.memref_slice %arg5[%dma_wait3A_1184, %dma_wait3A_1185] : memref<10000x32xf32, #tpu.memory_space<hbm>> -> memref<10000x32xf32, #tpu.memory_space<hbm>>
    tpu.wait_indirect_dma semaphore(%arg17 : memref<!tpu.dma_semaphore, #tpu.memory_space<semaphore_mem>>) src(%dma_wait3A_1186 : memref<10000x32xf32, #tpu.memory_space<hbm>>) dst(%dma_wait3A_1181 : memref<128x32xf32, #tpu.memory_space<vmem>>)
    %dma_wait3A_1187 = arith.constant 0 : i32
    %dma_wait3A_1188 = tpu.memref_slice %arg6[%add3A_836, %dma_wait3A_1187] : memref<16384x64xf32, #tpu.memory_space<hbm>> -> memref<64x64xf32, #tpu.memory_space<hbm>>
    %dma_wait3A_1189 = arith.constant 0 : i32
    %dma_wait3A_1190 = tpu.memref_slice %arg6[%add3A_836, %dma_wait3A_1189] : memref<16384x64xf32, #tpu.memory_space<hbm>> -> memref<64x64xf32, #tpu.memory_space<hbm>>
    tpu.wait_dma2 semaphore(%arg19 : memref<!tpu.dma_semaphore, #tpu.memory_space<semaphore_mem>>) src(%arg14 : memref<64x64xf32, #tpu.memory_space<vmem>>) dst(%dma_wait3A_1190 : memref<64x64xf32, #tpu.memory_space<hbm>>)
    %scan3A_1191 = arith.constant 0 : i32
    %scan3A_1192 = arith.constant 0 : i32
    %scan3A_1193 = arith.constant 64 : i32
    %scan3A_1194 = arith.addi %scan3A_1192, %scan3A_1193 : i32
    %scan3A_1195 = arith.constant 1 : i32
    scf.for %scan3A_1493 = %scan3A_1192 to %scan3A_1194 step %scan3A_1195  : i32 {
      %mul3A_1494 = arith.constant 20 : i32
      %mul3A_1495 = arith.muli %scan3A_1493, %mul3A_1494 : i32
      %get3A_1496 = arith.index_cast %mul3A_1495 : i32 to index
      %get3A_1497 = arith.constant 0 : index
      %get3A_1498 = tpu.vector_load %arg12[%get3A_1496, %get3A_1497] {strides = array<i32>} : memref<1280x32xf32, #tpu.memory_space<vmem>>, vector<16xf32>,
      %get3A_1499 = arith.index_cast %mul3A_1495 : i32 to index
      %get3A_1500 = arith.constant 16 : index
      %get3A_1501 = tpu.vector_load %arg12[%get3A_1499, %get3A_1500] {strides = array<i32>} : memref<1280x32xf32, #tpu.memory_space<vmem>>, vector<16xf32>,
      %add3A_1502 = arith.constant 1 : i32
      %add3A_1503 = arith.addi %mul3A_1495, %add3A_1502 : i32
      %get3A_1504 = arith.index_cast %add3A_1503 : i32 to index
      %get3A_1505 = arith.constant 0 : index
      %get3A_1506 = tpu.vector_load %arg12[%get3A_1504, %get3A_1505] {strides = array<i32>} : memref<1280x32xf32, #tpu.memory_space<vmem>>, vector<16xf32>,
      %add3A_1507 = arith.addf %get3A_1498, %get3A_1506 : vector<16xf32>
      %add3A_1508 = arith.constant 1 : i32
      %add3A_1509 = arith.addi %mul3A_1495, %add3A_1508 : i32
      %get3A_1510 = arith.index_cast %add3A_1509 : i32 to index
      %get3A_1511 = arith.constant 16 : index
      %get3A_1512 = tpu.vector_load %arg12[%get3A_1510, %get3A_1511] {strides = array<i32>} : memref<1280x32xf32, #tpu.memory_space<vmem>>, vector<16xf32>,
      %add3A_1513 = arith.addf %get3A_1501, %get3A_1512 : vector<16xf32>
      %add3A_1514 = arith.constant 2 : i32
      %add3A_1515 = arith.addi %mul3A_1495, %add3A_1514 : i32
      %get3A_1516 = arith.index_cast %add3A_1515 : i32 to index
      %get3A_1517 = arith.constant 0 : index
      %get3A_1518 = tpu.vector_load %arg12[%get3A_1516, %get3A_1517] {strides = array<i32>} : memref<1280x32xf32, #tpu.memory_space<vmem>>, vector<16xf32>,
      %add3A_1519 = arith.addf %add3A_1507, %get3A_1518 : vector<16xf32>
      %add3A_1520 = arith.constant 2 : i32
      %add3A_1521 = arith.addi %mul3A_1495, %add3A_1520 : i32
      %get3A_1522 = arith.index_cast %add3A_1521 : i32 to index
      %get3A_1523 = arith.constant 16 : index
      %get3A_1524 = tpu.vector_load %arg12[%get3A_1522, %get3A_1523] {strides = array<i32>} : memref<1280x32xf32, #tpu.memory_space<vmem>>, vector<16xf32>,
      %add3A_1525 = arith.addf %add3A_1513, %get3A_1524 : vector<16xf32>
      %add3A_1526 = arith.constant 3 : i32
      %add3A_1527 = arith.addi %mul3A_1495, %add3A_1526 : i32
      %get3A_1528 = arith.index_cast %add3A_1527 : i32 to index
      %get3A_1529 = arith.constant 0 : index
      %get3A_1530 = tpu.vector_load %arg12[%get3A_1528, %get3A_1529] {strides = array<i32>} : memref<1280x32xf32, #tpu.memory_space<vmem>>, vector<16xf32>,
      %add3A_1531 = arith.addf %add3A_1519, %get3A_1530 : vector<16xf32>
      %add3A_1532 = arith.constant 3 : i32
      %add3A_1533 = arith.addi %mul3A_1495, %add3A_1532 : i32
      %get3A_1534 = arith.index_cast %add3A_1533 : i32 to index
      %get3A_1535 = arith.constant 16 : index
      %get3A_1536 = tpu.vector_load %arg12[%get3A_1534, %get3A_1535] {strides = array<i32>} : memref<1280x32xf32, #tpu.memory_space<vmem>>, vector<16xf32>,
      %add3A_1537 = arith.addf %add3A_1525, %get3A_1536 : vector<16xf32>
      %add3A_1538 = arith.constant 4 : i32
      %add3A_1539 = arith.addi %mul3A_1495, %add3A_1538 : i32
      %get3A_1540 = arith.index_cast %add3A_1539 : i32 to index
      %get3A_1541 = arith.constant 0 : index
      %get3A_1542 = tpu.vector_load %arg12[%get3A_1540, %get3A_1541] {strides = array<i32>} : memref<1280x32xf32, #tpu.memory_space<vmem>>, vector<16xf32>,
      %add3A_1543 = arith.addf %add3A_1531, %get3A_1542 : vector<16xf32>
      %add3A_1544 = arith.constant 4 : i32
      %add3A_1545 = arith.addi %mul3A_1495, %add3A_1544 : i32
      %get3A_1546 = arith.index_cast %add3A_1545 : i32 to index
      %get3A_1547 = arith.constant 16 : index
      %get3A_1548 = tpu.vector_load %arg12[%get3A_1546, %get3A_1547] {strides = array<i32>} : memref<1280x32xf32, #tpu.memory_space<vmem>>, vector<16xf32>,
      %add3A_1549 = arith.addf %add3A_1537, %get3A_1548 : vector<16xf32>
      %add3A_1550 = arith.constant 5 : i32
      %add3A_1551 = arith.addi %mul3A_1495, %add3A_1550 : i32
      %get3A_1552 = arith.index_cast %add3A_1551 : i32 to index
      %get3A_1553 = arith.constant 0 : index
      %get3A_1554 = tpu.vector_load %arg12[%get3A_1552, %get3A_1553] {strides = array<i32>} : memref<1280x32xf32, #tpu.memory_space<vmem>>, vector<16xf32>,
      %add3A_1555 = arith.addf %add3A_1543, %get3A_1554 : vector<16xf32>
      %add3A_1556 = arith.constant 5 : i32
      %add3A_1557 = arith.addi %mul3A_1495, %add3A_1556 : i32
      %get3A_1558 = arith.index_cast %add3A_1557 : i32 to index
      %get3A_1559 = arith.constant 16 : index
      %get3A_1560 = tpu.vector_load %arg12[%get3A_1558, %get3A_1559] {strides = array<i32>} : memref<1280x32xf32, #tpu.memory_space<vmem>>, vector<16xf32>,
      %add3A_1561 = arith.addf %add3A_1549, %get3A_1560 : vector<16xf32>
      %add3A_1562 = arith.constant 6 : i32
      %add3A_1563 = arith.addi %mul3A_1495, %add3A_1562 : i32
      %get3A_1564 = arith.index_cast %add3A_1563 : i32 to index
      %get3A_1565 = arith.constant 0 : index
      %get3A_1566 = tpu.vector_load %arg12[%get3A_1564, %get3A_1565] {strides = array<i32>} : memref<1280x32xf32, #tpu.memory_space<vmem>>, vector<16xf32>,
      %add3A_1567 = arith.addf %add3A_1555, %get3A_1566 : vector<16xf32>
      %add3A_1568 = arith.constant 6 : i32
      %add3A_1569 = arith.addi %mul3A_1495, %add3A_1568 : i32
      %get3A_1570 = arith.index_cast %add3A_1569 : i32 to index
      %get3A_1571 = arith.constant 16 : index
      %get3A_1572 = tpu.vector_load %arg12[%get3A_1570, %get3A_1571] {strides = array<i32>} : memref<1280x32xf32, #tpu.memory_space<vmem>>, vector<16xf32>,
      %add3A_1573 = arith.addf %add3A_1561, %get3A_1572 : vector<16xf32>
      %add3A_1574 = arith.constant 7 : i32
      %add3A_1575 = arith.addi %mul3A_1495, %add3A_1574 : i32
      %get3A_1576 = arith.index_cast %add3A_1575 : i32 to index
      %get3A_1577 = arith.constant 0 : index
      %get3A_1578 = tpu.vector_load %arg12[%get3A_1576, %get3A_1577] {strides = array<i32>} : memref<1280x32xf32, #tpu.memory_space<vmem>>, vector<16xf32>,
      %add3A_1579 = arith.addf %add3A_1567, %get3A_1578 : vector<16xf32>
      %add3A_1580 = arith.constant 7 : i32
      %add3A_1581 = arith.addi %mul3A_1495, %add3A_1580 : i32
      %get3A_1582 = arith.index_cast %add3A_1581 : i32 to index
      %get3A_1583 = arith.constant 16 : index
      %get3A_1584 = tpu.vector_load %arg12[%get3A_1582, %get3A_1583] {strides = array<i32>} : memref<1280x32xf32, #tpu.memory_space<vmem>>, vector<16xf32>,
      %add3A_1585 = arith.addf %add3A_1573, %get3A_1584 : vector<16xf32>
      %add3A_1586 = arith.constant 8 : i32
      %add3A_1587 = arith.addi %mul3A_1495, %add3A_1586 : i32
      %get3A_1588 = arith.index_cast %add3A_1587 : i32 to index
      %get3A_1589 = arith.constant 0 : index
      %get3A_1590 = tpu.vector_load %arg12[%get3A_1588, %get3A_1589] {strides = array<i32>} : memref<1280x32xf32, #tpu.memory_space<vmem>>, vector<16xf32>,
      %add3A_1591 = arith.addf %add3A_1579, %get3A_1590 : vector<16xf32>
      %add3A_1592 = arith.constant 8 : i32
      %add3A_1593 = arith.addi %mul3A_1495, %add3A_1592 : i32
      %get3A_1594 = arith.index_cast %add3A_1593 : i32 to index
      %get3A_1595 = arith.constant 16 : index
      %get3A_1596 = tpu.vector_load %arg12[%get3A_1594, %get3A_1595] {strides = array<i32>} : memref<1280x32xf32, #tpu.memory_space<vmem>>, vector<16xf32>,
      %add3A_1597 = arith.addf %add3A_1585, %get3A_1596 : vector<16xf32>
      %add3A_1598 = arith.constant 9 : i32
      %add3A_1599 = arith.addi %mul3A_1495, %add3A_1598 : i32
      %get3A_1600 = arith.index_cast %add3A_1599 : i32 to index
      %get3A_1601 = arith.constant 0 : index
      %get3A_1602 = tpu.vector_load %arg12[%get3A_1600, %get3A_1601] {strides = array<i32>} : memref<1280x32xf32, #tpu.memory_space<vmem>>, vector<16xf32>,
      %add3A_1603 = arith.addf %add3A_1591, %get3A_1602 : vector<16xf32>
      %add3A_1604 = arith.constant 9 : i32
      %add3A_1605 = arith.addi %mul3A_1495, %add3A_1604 : i32
      %get3A_1606 = arith.index_cast %add3A_1605 : i32 to index
      %get3A_1607 = arith.constant 16 : index
      %get3A_1608 = tpu.vector_load %arg12[%get3A_1606, %get3A_1607] {strides = array<i32>} : memref<1280x32xf32, #tpu.memory_space<vmem>>, vector<16xf32>,
      %add3A_1609 = arith.addf %add3A_1597, %get3A_1608 : vector<16xf32>
      %add3A_1610 = arith.constant 10 : i32
      %add3A_1611 = arith.addi %mul3A_1495, %add3A_1610 : i32
      %get3A_1612 = arith.index_cast %add3A_1611 : i32 to index
      %get3A_1613 = arith.constant 0 : index
      %get3A_1614 = tpu.vector_load %arg12[%get3A_1612, %get3A_1613] {strides = array<i32>} : memref<1280x32xf32, #tpu.memory_space<vmem>>, vector<16xf32>,
      %add3A_1615 = arith.addf %add3A_1603, %get3A_1614 : vector<16xf32>
      %add3A_1616 = arith.constant 10 : i32
      %add3A_1617 = arith.addi %mul3A_1495, %add3A_1616 : i32
      %get3A_1618 = arith.index_cast %add3A_1617 : i32 to index
      %get3A_1619 = arith.constant 16 : index
      %get3A_1620 = tpu.vector_load %arg12[%get3A_1618, %get3A_1619] {strides = array<i32>} : memref<1280x32xf32, #tpu.memory_space<vmem>>, vector<16xf32>,
      %add3A_1621 = arith.addf %add3A_1609, %get3A_1620 : vector<16xf32>
      %add3A_1622 = arith.constant 11 : i32
      %add3A_1623 = arith.addi %mul3A_1495, %add3A_1622 : i32
      %get3A_1624 = arith.index_cast %add3A_1623 : i32 to index
      %get3A_1625 = arith.constant 0 : index
      %get3A_1626 = tpu.vector_load %arg12[%get3A_1624, %get3A_1625] {strides = array<i32>} : memref<1280x32xf32, #tpu.memory_space<vmem>>, vector<16xf32>,
      %add3A_1627 = arith.addf %add3A_1615, %get3A_1626 : vector<16xf32>
      %add3A_1628 = arith.constant 11 : i32
      %add3A_1629 = arith.addi %mul3A_1495, %add3A_1628 : i32
      %get3A_1630 = arith.index_cast %add3A_1629 : i32 to index
      %get3A_1631 = arith.constant 16 : index
      %get3A_1632 = tpu.vector_load %arg12[%get3A_1630, %get3A_1631] {strides = array<i32>} : memref<1280x32xf32, #tpu.memory_space<vmem>>, vector<16xf32>,
      %add3A_1633 = arith.addf %add3A_1621, %get3A_1632 : vector<16xf32>
      %add3A_1634 = arith.constant 12 : i32
      %add3A_1635 = arith.addi %mul3A_1495, %add3A_1634 : i32
      %get3A_1636 = arith.index_cast %add3A_1635 : i32 to index
      %get3A_1637 = arith.constant 0 : index
      %get3A_1638 = tpu.vector_load %arg12[%get3A_1636, %get3A_1637] {strides = array<i32>} : memref<1280x32xf32, #tpu.memory_space<vmem>>, vector<16xf32>,
      %add3A_1639 = arith.addf %add3A_1627, %get3A_1638 : vector<16xf32>
      %add3A_1640 = arith.constant 12 : i32
      %add3A_1641 = arith.addi %mul3A_1495, %add3A_1640 : i32
      %get3A_1642 = arith.index_cast %add3A_1641 : i32 to index
      %get3A_1643 = arith.constant 16 : index
      %get3A_1644 = tpu.vector_load %arg12[%get3A_1642, %get3A_1643] {strides = array<i32>} : memref<1280x32xf32, #tpu.memory_space<vmem>>, vector<16xf32>,
      %add3A_1645 = arith.addf %add3A_1633, %get3A_1644 : vector<16xf32>
      %add3A_1646 = arith.constant 13 : i32
      %add3A_1647 = arith.addi %mul3A_1495, %add3A_1646 : i32
      %get3A_1648 = arith.index_cast %add3A_1647 : i32 to index
      %get3A_1649 = arith.constant 0 : index
      %get3A_1650 = tpu.vector_load %arg12[%get3A_1648, %get3A_1649] {strides = array<i32>} : memref<1280x32xf32, #tpu.memory_space<vmem>>, vector<16xf32>,
      %add3A_1651 = arith.addf %add3A_1639, %get3A_1650 : vector<16xf32>
      %add3A_1652 = arith.constant 13 : i32
      %add3A_1653 = arith.addi %mul3A_1495, %add3A_1652 : i32
      %get3A_1654 = arith.index_cast %add3A_1653 : i32 to index
      %get3A_1655 = arith.constant 16 : index
      %get3A_1656 = tpu.vector_load %arg12[%get3A_1654, %get3A_1655] {strides = array<i32>} : memref<1280x32xf32, #tpu.memory_space<vmem>>, vector<16xf32>,
      %add3A_1657 = arith.addf %add3A_1645, %get3A_1656 : vector<16xf32>
      %add3A_1658 = arith.constant 14 : i32
      %add3A_1659 = arith.addi %mul3A_1495, %add3A_1658 : i32
      %get3A_1660 = arith.index_cast %add3A_1659 : i32 to index
      %get3A_1661 = arith.constant 0 : index
      %get3A_1662 = tpu.vector_load %arg12[%get3A_1660, %get3A_1661] {strides = array<i32>} : memref<1280x32xf32, #tpu.memory_space<vmem>>, vector<16xf32>,
      %add3A_1663 = arith.addf %add3A_1651, %get3A_1662 : vector<16xf32>
      %add3A_1664 = arith.constant 14 : i32
      %add3A_1665 = arith.addi %mul3A_1495, %add3A_1664 : i32
      %get3A_1666 = arith.index_cast %add3A_1665 : i32 to index
      %get3A_1667 = arith.constant 16 : index
      %get3A_1668 = tpu.vector_load %arg12[%get3A_1666, %get3A_1667] {strides = array<i32>} : memref<1280x32xf32, #tpu.memory_space<vmem>>, vector<16xf32>,
      %add3A_1669 = arith.addf %add3A_1657, %get3A_1668 : vector<16xf32>
      %add3A_1670 = arith.constant 15 : i32
      %add3A_1671 = arith.addi %mul3A_1495, %add3A_1670 : i32
      %get3A_1672 = arith.index_cast %add3A_1671 : i32 to index
      %get3A_1673 = arith.constant 0 : index
      %get3A_1674 = tpu.vector_load %arg12[%get3A_1672, %get3A_1673] {strides = array<i32>} : memref<1280x32xf32, #tpu.memory_space<vmem>>, vector<16xf32>,
      %add3A_1675 = arith.addf %add3A_1663, %get3A_1674 : vector<16xf32>
      %add3A_1676 = arith.constant 15 : i32
      %add3A_1677 = arith.addi %mul3A_1495, %add3A_1676 : i32
      %get3A_1678 = arith.index_cast %add3A_1677 : i32 to index
      %get3A_1679 = arith.constant 16 : index
      %get3A_1680 = tpu.vector_load %arg12[%get3A_1678, %get3A_1679] {strides = array<i32>} : memref<1280x32xf32, #tpu.memory_space<vmem>>, vector<16xf32>,
      %add3A_1681 = arith.addf %add3A_1669, %get3A_1680 : vector<16xf32>
      %add3A_1682 = arith.constant 16 : i32
      %add3A_1683 = arith.addi %mul3A_1495, %add3A_1682 : i32
      %get3A_1684 = arith.index_cast %add3A_1683 : i32 to index
      %get3A_1685 = arith.constant 0 : index
      %get3A_1686 = tpu.vector_load %arg12[%get3A_1684, %get3A_1685] {strides = array<i32>} : memref<1280x32xf32, #tpu.memory_space<vmem>>, vector<16xf32>,
      %add3A_1687 = arith.addf %add3A_1675, %get3A_1686 : vector<16xf32>
      %add3A_1688 = arith.constant 16 : i32
      %add3A_1689 = arith.addi %mul3A_1495, %add3A_1688 : i32
      %get3A_1690 = arith.index_cast %add3A_1689 : i32 to index
      %get3A_1691 = arith.constant 16 : index
      %get3A_1692 = tpu.vector_load %arg12[%get3A_1690, %get3A_1691] {strides = array<i32>} : memref<1280x32xf32, #tpu.memory_space<vmem>>, vector<16xf32>,
      %add3A_1693 = arith.addf %add3A_1681, %get3A_1692 : vector<16xf32>
      %add3A_1694 = arith.constant 17 : i32
      %add3A_1695 = arith.addi %mul3A_1495, %add3A_1694 : i32
      %get3A_1696 = arith.index_cast %add3A_1695 : i32 to index
      %get3A_1697 = arith.constant 0 : index
      %get3A_1698 = tpu.vector_load %arg12[%get3A_1696, %get3A_1697] {strides = array<i32>} : memref<1280x32xf32, #tpu.memory_space<vmem>>, vector<16xf32>,
      %add3A_1699 = arith.addf %add3A_1687, %get3A_1698 : vector<16xf32>
      %add3A_1700 = arith.constant 17 : i32
      %add3A_1701 = arith.addi %mul3A_1495, %add3A_1700 : i32
      %get3A_1702 = arith.index_cast %add3A_1701 : i32 to index
      %get3A_1703 = arith.constant 16 : index
      %get3A_1704 = tpu.vector_load %arg12[%get3A_1702, %get3A_1703] {strides = array<i32>} : memref<1280x32xf32, #tpu.memory_space<vmem>>, vector<16xf32>,
      %add3A_1705 = arith.addf %add3A_1693, %get3A_1704 : vector<16xf32>
      %add3A_1706 = arith.constant 18 : i32
      %add3A_1707 = arith.addi %mul3A_1495, %add3A_1706 : i32
      %get3A_1708 = arith.index_cast %add3A_1707 : i32 to index
      %get3A_1709 = arith.constant 0 : index
      %get3A_1710 = tpu.vector_load %arg12[%get3A_1708, %get3A_1709] {strides = array<i32>} : memref<1280x32xf32, #tpu.memory_space<vmem>>, vector<16xf32>,
      %add3A_1711 = arith.addf %add3A_1699, %get3A_1710 : vector<16xf32>
      %add3A_1712 = arith.constant 18 : i32
      %add3A_1713 = arith.addi %mul3A_1495, %add3A_1712 : i32
      %get3A_1714 = arith.index_cast %add3A_1713 : i32 to index
      %get3A_1715 = arith.constant 16 : index
      %get3A_1716 = tpu.vector_load %arg12[%get3A_1714, %get3A_1715] {strides = array<i32>} : memref<1280x32xf32, #tpu.memory_space<vmem>>, vector<16xf32>,
      %add3A_1717 = arith.addf %add3A_1705, %get3A_1716 : vector<16xf32>
      %add3A_1718 = arith.constant 19 : i32
      %add3A_1719 = arith.addi %mul3A_1495, %add3A_1718 : i32
      %get3A_1720 = arith.index_cast %add3A_1719 : i32 to index
      %get3A_1721 = arith.constant 0 : index
      %get3A_1722 = tpu.vector_load %arg12[%get3A_1720, %get3A_1721] {strides = array<i32>} : memref<1280x32xf32, #tpu.memory_space<vmem>>, vector<16xf32>,
      %add3A_1723 = arith.addf %add3A_1711, %get3A_1722 : vector<16xf32>
      %add3A_1724 = arith.constant 19 : i32
      %add3A_1725 = arith.addi %mul3A_1495, %add3A_1724 : i32
      %get3A_1726 = arith.index_cast %add3A_1725 : i32 to index
      %get3A_1727 = arith.constant 16 : index
      %get3A_1728 = tpu.vector_load %arg12[%get3A_1726, %get3A_1727] {strides = array<i32>} : memref<1280x32xf32, #tpu.memory_space<vmem>>, vector<16xf32>,
      %add3A_1729 = arith.addf %add3A_1717, %get3A_1728 : vector<16xf32>
      %mul3A_1730 = arith.constant 20 : i32
      %mul3A_1731 = arith.muli %scan3A_1493, %mul3A_1730 : i32
      %add3A_1732 = arith.constant 6400 : i32
      %add3A_1733 = arith.addi %add3A_1732, %mul3A_1731 : i32
      %get3A_1734 = arith.index_cast %add3A_1733 : i32 to index
      %get3A_1735 = tpu.vector_load %arg8[%get3A_1734] {strides = array<i32>} : memref<10240xi32, #tpu.memory_space<vmem>>, vector<16xi32>,
      %add3A_1736 = arith.constant 4 : i32
      %add3A_1737 = arith.addi %add3A_1733, %add3A_1736 : i32
      %get3A_1738 = arith.index_cast %add3A_1737 : i32 to index
      %get3A_1739 = tpu.vector_load %arg8[%get3A_1738] {strides = array<i32>} : memref<10240xi32, #tpu.memory_space<vmem>>, vector<16xi32>,
      %eq3A = arith.constant 0 : i32
      %eq3A_1740 = vector.broadcast %eq3A : i32 to vector<16xi32>
      %eq3A_1741 = arith.cmpi eq, %get3A_1735, %eq3A_1740 : vector<16xi32>
      %all_reduce_population_count3A = tpu.all_reduce %eq3A_1741 {dim = 0 : i64, kind = #tpu.reduction_kind<sum>} : vector<16xi1> -> vector<16xi32>
      %eq3A_1742 = arith.constant 0 : i32
      %eq3A_1743 = vector.broadcast %eq3A_1742 : i32 to vector<16xi32>
      %eq3A_1744 = arith.cmpi eq, %get3A_1739, %eq3A_1743 : vector<16xi32>
      %and3A = arith.andi %eq3A_1744, %ge3A_126 : vector<16xi1>
      %all_reduce_population_count3A_1745 = tpu.all_reduce %and3A {dim = 0 : i64, kind = #tpu.reduction_kind<sum>} : vector<16xi1> -> vector<16xi32>
      %add3A_1746 = arith.addi %all_reduce_population_count3A, %all_reduce_population_count3A_1745 : vector<16xi32>
      %convert_element_type3A = arith.sitofp %add3A_1746 : vector<16xi32> to vector<16xf32>
      %sub3A = arith.constant 2.000000e+01 : f32
      %sub3A_1747 = vector.broadcast %sub3A : f32 to vector<16xf32>
      %sub3A_1748 = arith.subf %sub3A_1747, %convert_element_type3A : vector<16xf32>
      %max3A = arith.constant 1.000000e+00 : f32
      %max3A_1749 = vector.broadcast %max3A : f32 to vector<16xf32>
      %max3A_1750 = arith.maximumf %sub3A_1748, %max3A_1749 : vector<16xf32>
      %div3A = arith.constant 1.000000e+00 : f32
      %div3A_1751 = vector.broadcast %div3A : f32 to vector<16xf32>
      %div3A_1752 = arith.divf %div3A_1751, %max3A_1750 : vector<16xf32>
      %add3A_1753 = arith.constant 320 : i32
      %add3A_1754 = arith.addi %add3A_1753, %scan3A_1493 : i32
      %get3A_1755 = arith.index_cast %add3A_1754 : i32 to index
      %get3A_1756 = arith.constant 0 : index
      %get3A_1757 = tpu.vector_load %arg10[%get3A_1755, %get3A_1756] {strides = array<i32>} : memref<512x32xf32, #tpu.memory_space<vmem>>, vector<16xf32>,
      %swap3A = arith.index_cast %scan3A_1493 : i32 to index
      %swap3A_1758 = arith.constant 0 : index
      %swap3A_1759 = tpu.vector_load %arg14[%swap3A, %swap3A_1758] {strides = array<i32>} : memref<64x64xf32, #tpu.memory_space<vmem>>, vector<16xf32>,
      tpu.vector_store %arg14[%swap3A, %swap3A_1758], %get3A_1757 {strides = array<i32>} : memref<64x64xf32, #tpu.memory_space<vmem>>, vector<16xf32>,
      %add3A_1760 = arith.constant 320 : i32
      %add3A_1761 = arith.addi %add3A_1760, %scan3A_1493 : i32
      %get3A_1762 = arith.index_cast %add3A_1761 : i32 to index
      %get3A_1763 = arith.constant 16 : index
      %get3A_1764 = tpu.vector_load %arg10[%get3A_1762, %get3A_1763] {strides = array<i32>} : memref<512x32xf32, #tpu.memory_space<vmem>>, vector<16xf32>,
      %swap3A_1765 = arith.index_cast %scan3A_1493 : i32 to index
      %swap3A_1766 = arith.constant 16 : index
      %swap3A_1767 = tpu.vector_load %arg14[%swap3A_1765, %swap3A_1766] {strides = array<i32>} : memref<64x64xf32, #tpu.memory_space<vmem>>, vector<16xf32>,
      tpu.vector_store %arg14[%swap3A_1765, %swap3A_1766], %get3A_1764 {strides = array<i32>} : memref<64x64xf32, #tpu.memory_space<vmem>>, vector<16xf32>,
      %mul3A_1768 = arith.mulf %convert_element_type3A, %get3A_122 : vector<16xf32>
      %sub3A_1769 = arith.subf %add3A_1723, %mul3A_1768 : vector<16xf32>
      %mul3A_1770 = arith.mulf %sub3A_1769, %div3A_1752 : vector<16xf32>
      %swap3A_1771 = arith.index_cast %scan3A_1493 : i32 to index
      %swap3A_1772 = arith.constant 32 : index
      %swap3A_1773 = tpu.vector_load %arg14[%swap3A_1771, %swap3A_1772] {strides = array<i32>} : memref<64x64xf32, #tpu.memory_space<vmem>>, vector<16xf32>,
      tpu.vector_store %arg14[%swap3A_1771, %swap3A_1772], %mul3A_1770 {strides = array<i32>} : memref<64x64xf32, #tpu.memory_space<vmem>>, vector<16xf32>,
      %mul3A_1774 = arith.mulf %convert_element_type3A, %get3A_124 : vector<16xf32>
      %sub3A_1775 = arith.subf %add3A_1729, %mul3A_1774 : vector<16xf32>
      %mul3A_1776 = arith.mulf %sub3A_1775, %div3A_1752 : vector<16xf32>
      %swap3A_1777 = arith.index_cast %scan3A_1493 : i32 to index
      %swap3A_1778 = arith.constant 48 : index
      %swap3A_1779 = tpu.vector_load %arg14[%swap3A_1777, %swap3A_1778] {strides = array<i32>} : memref<64x64xf32, #tpu.memory_space<vmem>>, vector<16xf32>,
      tpu.vector_store %arg14[%swap3A_1777, %swap3A_1778], %mul3A_1776 {strides = array<i32>} : memref<64x64xf32, #tpu.memory_space<vmem>>, vector<16xf32>,
    }
    %scan3A_1196 = arith.constant 64 : i32
    %add3A_1197 = arith.constant 320 : i32
    %add3A_1198 = arith.addi %mul3A_2, %add3A_1197 : i32
    %dma_start3A_1199 = arith.constant 0 : i32
    %dma_start3A_1200 = tpu.memref_slice %arg6[%add3A_1198, %dma_start3A_1199] : memref<16384x64xf32, #tpu.memory_space<hbm>> -> memref<64x64xf32, #tpu.memory_space<hbm>>
    %dma_start3A_1201 = arith.constant 0 : i32
    %dma_start3A_1202 = tpu.memref_slice %arg6[%add3A_1198, %dma_start3A_1201] : memref<16384x64xf32, #tpu.memory_space<hbm>> -> memref<64x64xf32, #tpu.memory_space<hbm>>
    tpu.enqueue_dma source(%arg14 : memref<64x64xf32, #tpu.memory_space<vmem>>) target(%dma_start3A_1202 : memref<64x64xf32, #tpu.memory_space<hbm>>) target_semaphore(%arg19 : memref<!tpu.dma_semaphore, #tpu.memory_space<semaphore_mem>>)
    %dma_start3A_1203 = arith.constant 0 : i32
    %dma_start3A_1204 = arith.constant 0 : i32
    %dma_start3A_1205 = tpu.memref_slice %arg12[%dma_start3A_1203, %dma_start3A_1204] : memref<1280x32xf32, #tpu.memory_space<vmem>> -> memref<128x32xf32, #tpu.memory_space<vmem>>
    %dma_start3A_1206 = arith.constant 8960 : i32
    %dma_start3A_1207 = tpu.memref_slice %arg8[%dma_start3A_1206] : memref<10240xi32, #tpu.memory_space<vmem>> -> memref<128xi32, #tpu.memory_space<vmem>>
    %dma_start3A_1208 = arith.constant 0 : i32
    %dma_start3A_1209 = arith.constant 0 : i32
    %dma_start3A_1210 = tpu.memref_slice %arg5[%dma_start3A_1208, %dma_start3A_1209] : memref<10000x32xf32, #tpu.memory_space<hbm>> -> memref<10000x32xf32, #tpu.memory_space<hbm>>
    tpu.enqueue_indirect_dma source(%dma_start3A_1210 : memref<10000x32xf32, #tpu.memory_space<hbm>>) target(%dma_start3A_1205 : memref<128x32xf32, #tpu.memory_space<vmem>>) offsets(%dma_start3A_1207 : memref<128xi32, #tpu.memory_space<vmem>>) semaphore(%arg17 : memref<!tpu.dma_semaphore, #tpu.memory_space<semaphore_mem>>)
    %dma_start3A_1211 = arith.constant 128 : i32
    %dma_start3A_1212 = arith.constant 0 : i32
    %dma_start3A_1213 = tpu.memref_slice %arg12[%dma_start3A_1211, %dma_start3A_1212] : memref<1280x32xf32, #tpu.memory_space<vmem>> -> memref<128x32xf32, #tpu.memory_space<vmem>>
    %dma_start3A_1214 = arith.constant 9088 : i32
    %dma_start3A_1215 = tpu.memref_slice %arg8[%dma_start3A_1214] : memref<10240xi32, #tpu.memory_space<vmem>> -> memref<128xi32, #tpu.memory_space<vmem>>
    %dma_start3A_1216 = arith.constant 0 : i32
    %dma_start3A_1217 = arith.constant 0 : i32
    %dma_start3A_1218 = tpu.memref_slice %arg5[%dma_start3A_1216, %dma_start3A_1217] : memref<10000x32xf32, #tpu.memory_space<hbm>> -> memref<10000x32xf32, #tpu.memory_space<hbm>>
    tpu.enqueue_indirect_dma source(%dma_start3A_1218 : memref<10000x32xf32, #tpu.memory_space<hbm>>) target(%dma_start3A_1213 : memref<128x32xf32, #tpu.memory_space<vmem>>) offsets(%dma_start3A_1215 : memref<128xi32, #tpu.memory_space<vmem>>) semaphore(%arg17 : memref<!tpu.dma_semaphore, #tpu.memory_space<semaphore_mem>>)
    %dma_start3A_1219 = arith.constant 256 : i32
    %dma_start3A_1220 = arith.constant 0 : i32
    %dma_start3A_1221 = tpu.memref_slice %arg12[%dma_start3A_1219, %dma_start3A_1220] : memref<1280x32xf32, #tpu.memory_space<vmem>> -> memref<128x32xf32, #tpu.memory_space<vmem>>
    %dma_start3A_1222 = arith.constant 9216 : i32
    %dma_start3A_1223 = tpu.memref_slice %arg8[%dma_start3A_1222] : memref<10240xi32, #tpu.memory_space<vmem>> -> memref<128xi32, #tpu.memory_space<vmem>>
    %dma_start3A_1224 = arith.constant 0 : i32
    %dma_start3A_1225 = arith.constant 0 : i32
    %dma_start3A_1226 = tpu.memref_slice %arg5[%dma_start3A_1224, %dma_start3A_1225] : memref<10000x32xf32, #tpu.memory_space<hbm>> -> memref<10000x32xf32, #tpu.memory_space<hbm>>
    tpu.enqueue_indirect_dma source(%dma_start3A_1226 : memref<10000x32xf32, #tpu.memory_space<hbm>>) target(%dma_start3A_1221 : memref<128x32xf32, #tpu.memory_space<vmem>>) offsets(%dma_start3A_1223 : memref<128xi32, #tpu.memory_space<vmem>>) semaphore(%arg17 : memref<!tpu.dma_semaphore, #tpu.memory_space<semaphore_mem>>)
    %dma_start3A_1227 = arith.constant 384 : i32
    %dma_start3A_1228 = arith.constant 0 : i32
    %dma_start3A_1229 = tpu.memref_slice %arg12[%dma_start3A_1227, %dma_start3A_1228] : memref<1280x32xf32, #tpu.memory_space<vmem>> -> memref<128x32xf32, #tpu.memory_space<vmem>>
    %dma_start3A_1230 = arith.constant 9344 : i32
    %dma_start3A_1231 = tpu.memref_slice %arg8[%dma_start3A_1230] : memref<10240xi32, #tpu.memory_space<vmem>> -> memref<128xi32, #tpu.memory_space<vmem>>
    %dma_start3A_1232 = arith.constant 0 : i32
    %dma_start3A_1233 = arith.constant 0 : i32
    %dma_start3A_1234 = tpu.memref_slice %arg5[%dma_start3A_1232, %dma_start3A_1233] : memref<10000x32xf32, #tpu.memory_space<hbm>> -> memref<10000x32xf32, #tpu.memory_space<hbm>>
    tpu.enqueue_indirect_dma source(%dma_start3A_1234 : memref<10000x32xf32, #tpu.memory_space<hbm>>) target(%dma_start3A_1229 : memref<128x32xf32, #tpu.memory_space<vmem>>) offsets(%dma_start3A_1231 : memref<128xi32, #tpu.memory_space<vmem>>) semaphore(%arg17 : memref<!tpu.dma_semaphore, #tpu.memory_space<semaphore_mem>>)
    %dma_start3A_1235 = arith.constant 512 : i32
    %dma_start3A_1236 = arith.constant 0 : i32
    %dma_start3A_1237 = tpu.memref_slice %arg12[%dma_start3A_1235, %dma_start3A_1236] : memref<1280x32xf32, #tpu.memory_space<vmem>> -> memref<128x32xf32, #tpu.memory_space<vmem>>
    %dma_start3A_1238 = arith.constant 9472 : i32
    %dma_start3A_1239 = tpu.memref_slice %arg8[%dma_start3A_1238] : memref<10240xi32, #tpu.memory_space<vmem>> -> memref<128xi32, #tpu.memory_space<vmem>>
    %dma_start3A_1240 = arith.constant 0 : i32
    %dma_start3A_1241 = arith.constant 0 : i32
    %dma_start3A_1242 = tpu.memref_slice %arg5[%dma_start3A_1240, %dma_start3A_1241] : memref<10000x32xf32, #tpu.memory_space<hbm>> -> memref<10000x32xf32, #tpu.memory_space<hbm>>
    tpu.enqueue_indirect_dma source(%dma_start3A_1242 : memref<10000x32xf32, #tpu.memory_space<hbm>>) target(%dma_start3A_1237 : memref<128x32xf32, #tpu.memory_space<vmem>>) offsets(%dma_start3A_1239 : memref<128xi32, #tpu.memory_space<vmem>>) semaphore(%arg17 : memref<!tpu.dma_semaphore, #tpu.memory_space<semaphore_mem>>)
    %dma_start3A_1243 = arith.constant 640 : i32
    %dma_start3A_1244 = arith.constant 0 : i32
    %dma_start3A_1245 = tpu.memref_slice %arg12[%dma_start3A_1243, %dma_start3A_1244] : memref<1280x32xf32, #tpu.memory_space<vmem>> -> memref<128x32xf32, #tpu.memory_space<vmem>>
    %dma_start3A_1246 = arith.constant 9600 : i32
    %dma_start3A_1247 = tpu.memref_slice %arg8[%dma_start3A_1246] : memref<10240xi32, #tpu.memory_space<vmem>> -> memref<128xi32, #tpu.memory_space<vmem>>
    %dma_start3A_1248 = arith.constant 0 : i32
    %dma_start3A_1249 = arith.constant 0 : i32
    %dma_start3A_1250 = tpu.memref_slice %arg5[%dma_start3A_1248, %dma_start3A_1249] : memref<10000x32xf32, #tpu.memory_space<hbm>> -> memref<10000x32xf32, #tpu.memory_space<hbm>>
    tpu.enqueue_indirect_dma source(%dma_start3A_1250 : memref<10000x32xf32, #tpu.memory_space<hbm>>) target(%dma_start3A_1245 : memref<128x32xf32, #tpu.memory_space<vmem>>) offsets(%dma_start3A_1247 : memref<128xi32, #tpu.memory_space<vmem>>) semaphore(%arg17 : memref<!tpu.dma_semaphore, #tpu.memory_space<semaphore_mem>>)
    %dma_start3A_1251 = arith.constant 768 : i32
    %dma_start3A_1252 = arith.constant 0 : i32
    %dma_start3A_1253 = tpu.memref_slice %arg12[%dma_start3A_1251, %dma_start3A_1252] : memref<1280x32xf32, #tpu.memory_space<vmem>> -> memref<128x32xf32, #tpu.memory_space<vmem>>
    %dma_start3A_1254 = arith.constant 9728 : i32
    %dma_start3A_1255 = tpu.memref_slice %arg8[%dma_start3A_1254] : memref<10240xi32, #tpu.memory_space<vmem>> -> memref<128xi32, #tpu.memory_space<vmem>>
    %dma_start3A_1256 = arith.constant 0 : i32
    %dma_start3A_1257 = arith.constant 0 : i32
    %dma_start3A_1258 = tpu.memref_slice %arg5[%dma_start3A_1256, %dma_start3A_1257] : memref<10000x32xf32, #tpu.memory_space<hbm>> -> memref<10000x32xf32, #tpu.memory_space<hbm>>
    tpu.enqueue_indirect_dma source(%dma_start3A_1258 : memref<10000x32xf32, #tpu.memory_space<hbm>>) target(%dma_start3A_1253 : memref<128x32xf32, #tpu.memory_space<vmem>>) offsets(%dma_start3A_1255 : memref<128xi32, #tpu.memory_space<vmem>>) semaphore(%arg17 : memref<!tpu.dma_semaphore, #tpu.memory_space<semaphore_mem>>)
    %dma_start3A_1259 = arith.constant 896 : i32
    %dma_start3A_1260 = arith.constant 0 : i32
    %dma_start3A_1261 = tpu.memref_slice %arg12[%dma_start3A_1259, %dma_start3A_1260] : memref<1280x32xf32, #tpu.memory_space<vmem>> -> memref<128x32xf32, #tpu.memory_space<vmem>>
    %dma_start3A_1262 = arith.constant 9856 : i32
    %dma_start3A_1263 = tpu.memref_slice %arg8[%dma_start3A_1262] : memref<10240xi32, #tpu.memory_space<vmem>> -> memref<128xi32, #tpu.memory_space<vmem>>
    %dma_start3A_1264 = arith.constant 0 : i32
    %dma_start3A_1265 = arith.constant 0 : i32
    %dma_start3A_1266 = tpu.memref_slice %arg5[%dma_start3A_1264, %dma_start3A_1265] : memref<10000x32xf32, #tpu.memory_space<hbm>> -> memref<10000x32xf32, #tpu.memory_space<hbm>>
    tpu.enqueue_indirect_dma source(%dma_start3A_1266 : memref<10000x32xf32, #tpu.memory_space<hbm>>) target(%dma_start3A_1261 : memref<128x32xf32, #tpu.memory_space<vmem>>) offsets(%dma_start3A_1263 : memref<128xi32, #tpu.memory_space<vmem>>) semaphore(%arg17 : memref<!tpu.dma_semaphore, #tpu.memory_space<semaphore_mem>>)
    %dma_start3A_1267 = arith.constant 1024 : i32
    %dma_start3A_1268 = arith.constant 0 : i32
    %dma_start3A_1269 = tpu.memref_slice %arg12[%dma_start3A_1267, %dma_start3A_1268] : memref<1280x32xf32, #tpu.memory_space<vmem>> -> memref<128x32xf32, #tpu.memory_space<vmem>>
    %dma_start3A_1270 = arith.constant 9984 : i32
    %dma_start3A_1271 = tpu.memref_slice %arg8[%dma_start3A_1270] : memref<10240xi32, #tpu.memory_space<vmem>> -> memref<128xi32, #tpu.memory_space<vmem>>
    %dma_start3A_1272 = arith.constant 0 : i32
    %dma_start3A_1273 = arith.constant 0 : i32
    %dma_start3A_1274 = tpu.memref_slice %arg5[%dma_start3A_1272, %dma_start3A_1273] : memref<10000x32xf32, #tpu.memory_space<hbm>> -> memref<10000x32xf32, #tpu.memory_space<hbm>>
    tpu.enqueue_indirect_dma source(%dma_start3A_1274 : memref<10000x32xf32, #tpu.memory_space<hbm>>) target(%dma_start3A_1269 : memref<128x32xf32, #tpu.memory_space<vmem>>) offsets(%dma_start3A_1271 : memref<128xi32, #tpu.memory_space<vmem>>) semaphore(%arg17 : memref<!tpu.dma_semaphore, #tpu.memory_space<semaphore_mem>>)
    %dma_start3A_1275 = arith.constant 1152 : i32
    %dma_start3A_1276 = arith.constant 0 : i32
    %dma_start3A_1277 = tpu.memref_slice %arg12[%dma_start3A_1275, %dma_start3A_1276] : memref<1280x32xf32, #tpu.memory_space<vmem>> -> memref<128x32xf32, #tpu.memory_space<vmem>>
    %dma_start3A_1278 = arith.constant 10112 : i32
    %dma_start3A_1279 = tpu.memref_slice %arg8[%dma_start3A_1278] : memref<10240xi32, #tpu.memory_space<vmem>> -> memref<128xi32, #tpu.memory_space<vmem>>
    %dma_start3A_1280 = arith.constant 0 : i32
    %dma_start3A_1281 = arith.constant 0 : i32
    %dma_start3A_1282 = tpu.memref_slice %arg5[%dma_start3A_1280, %dma_start3A_1281] : memref<10000x32xf32, #tpu.memory_space<hbm>> -> memref<10000x32xf32, #tpu.memory_space<hbm>>
    tpu.enqueue_indirect_dma source(%dma_start3A_1282 : memref<10000x32xf32, #tpu.memory_space<hbm>>) target(%dma_start3A_1277 : memref<128x32xf32, #tpu.memory_space<vmem>>) offsets(%dma_start3A_1279 : memref<128xi32, #tpu.memory_space<vmem>>) semaphore(%arg17 : memref<!tpu.dma_semaphore, #tpu.memory_space<semaphore_mem>>)
    %dma_wait3A_1283 = arith.constant 0 : i32
    %dma_wait3A_1284 = arith.constant 0 : i32
    %dma_wait3A_1285 = tpu.memref_slice %arg11[%dma_wait3A_1283, %dma_wait3A_1284] : memref<1280x32xf32, #tpu.memory_space<vmem>> -> memref<128x32xf32, #tpu.memory_space<vmem>>
    %dma_wait3A_1286 = arith.constant 7680 : i32
    %dma_wait3A_1287 = tpu.memref_slice %arg8[%dma_wait3A_1286] : memref<10240xi32, #tpu.memory_space<vmem>> -> memref<128xi32, #tpu.memory_space<vmem>>
    %dma_wait3A_1288 = arith.constant 0 : i32
    %dma_wait3A_1289 = arith.constant 0 : i32
    %dma_wait3A_1290 = tpu.memref_slice %arg5[%dma_wait3A_1288, %dma_wait3A_1289] : memref<10000x32xf32, #tpu.memory_space<hbm>> -> memref<10000x32xf32, #tpu.memory_space<hbm>>
    tpu.wait_indirect_dma semaphore(%arg16 : memref<!tpu.dma_semaphore, #tpu.memory_space<semaphore_mem>>) src(%dma_wait3A_1290 : memref<10000x32xf32, #tpu.memory_space<hbm>>) dst(%dma_wait3A_1285 : memref<128x32xf32, #tpu.memory_space<vmem>>)
    %dma_wait3A_1291 = arith.constant 128 : i32
    %dma_wait3A_1292 = arith.constant 0 : i32
    %dma_wait3A_1293 = tpu.memref_slice %arg11[%dma_wait3A_1291, %dma_wait3A_1292] : memref<1280x32xf32, #tpu.memory_space<vmem>> -> memref<128x32xf32, #tpu.memory_space<vmem>>
    %dma_wait3A_1294 = arith.constant 7808 : i32
    %dma_wait3A_1295 = tpu.memref_slice %arg8[%dma_wait3A_1294] : memref<10240xi32, #tpu.memory_space<vmem>> -> memref<128xi32, #tpu.memory_space<vmem>>
    %dma_wait3A_1296 = arith.constant 0 : i32
    %dma_wait3A_1297 = arith.constant 0 : i32
    %dma_wait3A_1298 = tpu.memref_slice %arg5[%dma_wait3A_1296, %dma_wait3A_1297] : memref<10000x32xf32, #tpu.memory_space<hbm>> -> memref<10000x32xf32, #tpu.memory_space<hbm>>
    tpu.wait_indirect_dma semaphore(%arg16 : memref<!tpu.dma_semaphore, #tpu.memory_space<semaphore_mem>>) src(%dma_wait3A_1298 : memref<10000x32xf32, #tpu.memory_space<hbm>>) dst(%dma_wait3A_1293 : memref<128x32xf32, #tpu.memory_space<vmem>>)
    %dma_wait3A_1299 = arith.constant 256 : i32
    %dma_wait3A_1300 = arith.constant 0 : i32
    %dma_wait3A_1301 = tpu.memref_slice %arg11[%dma_wait3A_1299, %dma_wait3A_1300] : memref<1280x32xf32, #tpu.memory_space<vmem>> -> memref<128x32xf32, #tpu.memory_space<vmem>>
    %dma_wait3A_1302 = arith.constant 7936 : i32
    %dma_wait3A_1303 = tpu.memref_slice %arg8[%dma_wait3A_1302] : memref<10240xi32, #tpu.memory_space<vmem>> -> memref<128xi32, #tpu.memory_space<vmem>>
    %dma_wait3A_1304 = arith.constant 0 : i32
    %dma_wait3A_1305 = arith.constant 0 : i32
    %dma_wait3A_1306 = tpu.memref_slice %arg5[%dma_wait3A_1304, %dma_wait3A_1305] : memref<10000x32xf32, #tpu.memory_space<hbm>> -> memref<10000x32xf32, #tpu.memory_space<hbm>>
    tpu.wait_indirect_dma semaphore(%arg16 : memref<!tpu.dma_semaphore, #tpu.memory_space<semaphore_mem>>) src(%dma_wait3A_1306 : memref<10000x32xf32, #tpu.memory_space<hbm>>) dst(%dma_wait3A_1301 : memref<128x32xf32, #tpu.memory_space<vmem>>)
    %dma_wait3A_1307 = arith.constant 384 : i32
    %dma_wait3A_1308 = arith.constant 0 : i32
    %dma_wait3A_1309 = tpu.memref_slice %arg11[%dma_wait3A_1307, %dma_wait3A_1308] : memref<1280x32xf32, #tpu.memory_space<vmem>> -> memref<128x32xf32, #tpu.memory_space<vmem>>
    %dma_wait3A_1310 = arith.constant 8064 : i32
    %dma_wait3A_1311 = tpu.memref_slice %arg8[%dma_wait3A_1310] : memref<10240xi32, #tpu.memory_space<vmem>> -> memref<128xi32, #tpu.memory_space<vmem>>
    %dma_wait3A_1312 = arith.constant 0 : i32
    %dma_wait3A_1313 = arith.constant 0 : i32
    %dma_wait3A_1314 = tpu.memref_slice %arg5[%dma_wait3A_1312, %dma_wait3A_1313] : memref<10000x32xf32, #tpu.memory_space<hbm>> -> memref<10000x32xf32, #tpu.memory_space<hbm>>
    tpu.wait_indirect_dma semaphore(%arg16 : memref<!tpu.dma_semaphore, #tpu.memory_space<semaphore_mem>>) src(%dma_wait3A_1314 : memref<10000x32xf32, #tpu.memory_space<hbm>>) dst(%dma_wait3A_1309 : memref<128x32xf32, #tpu.memory_space<vmem>>)
    %dma_wait3A_1315 = arith.constant 512 : i32
    %dma_wait3A_1316 = arith.constant 0 : i32
    %dma_wait3A_1317 = tpu.memref_slice %arg11[%dma_wait3A_1315, %dma_wait3A_1316] : memref<1280x32xf32, #tpu.memory_space<vmem>> -> memref<128x32xf32, #tpu.memory_space<vmem>>
    %dma_wait3A_1318 = arith.constant 8192 : i32
    %dma_wait3A_1319 = tpu.memref_slice %arg8[%dma_wait3A_1318] : memref<10240xi32, #tpu.memory_space<vmem>> -> memref<128xi32, #tpu.memory_space<vmem>>
    %dma_wait3A_1320 = arith.constant 0 : i32
    %dma_wait3A_1321 = arith.constant 0 : i32
    %dma_wait3A_1322 = tpu.memref_slice %arg5[%dma_wait3A_1320, %dma_wait3A_1321] : memref<10000x32xf32, #tpu.memory_space<hbm>> -> memref<10000x32xf32, #tpu.memory_space<hbm>>
    tpu.wait_indirect_dma semaphore(%arg16 : memref<!tpu.dma_semaphore, #tpu.memory_space<semaphore_mem>>) src(%dma_wait3A_1322 : memref<10000x32xf32, #tpu.memory_space<hbm>>) dst(%dma_wait3A_1317 : memref<128x32xf32, #tpu.memory_space<vmem>>)
    %dma_wait3A_1323 = arith.constant 640 : i32
    %dma_wait3A_1324 = arith.constant 0 : i32
    %dma_wait3A_1325 = tpu.memref_slice %arg11[%dma_wait3A_1323, %dma_wait3A_1324] : memref<1280x32xf32, #tpu.memory_space<vmem>> -> memref<128x32xf32, #tpu.memory_space<vmem>>
    %dma_wait3A_1326 = arith.constant 8320 : i32
    %dma_wait3A_1327 = tpu.memref_slice %arg8[%dma_wait3A_1326] : memref<10240xi32, #tpu.memory_space<vmem>> -> memref<128xi32, #tpu.memory_space<vmem>>
    %dma_wait3A_1328 = arith.constant 0 : i32
    %dma_wait3A_1329 = arith.constant 0 : i32
    %dma_wait3A_1330 = tpu.memref_slice %arg5[%dma_wait3A_1328, %dma_wait3A_1329] : memref<10000x32xf32, #tpu.memory_space<hbm>> -> memref<10000x32xf32, #tpu.memory_space<hbm>>
    tpu.wait_indirect_dma semaphore(%arg16 : memref<!tpu.dma_semaphore, #tpu.memory_space<semaphore_mem>>) src(%dma_wait3A_1330 : memref<10000x32xf32, #tpu.memory_space<hbm>>) dst(%dma_wait3A_1325 : memref<128x32xf32, #tpu.memory_space<vmem>>)
    %dma_wait3A_1331 = arith.constant 768 : i32
    %dma_wait3A_1332 = arith.constant 0 : i32
    %dma_wait3A_1333 = tpu.memref_slice %arg11[%dma_wait3A_1331, %dma_wait3A_1332] : memref<1280x32xf32, #tpu.memory_space<vmem>> -> memref<128x32xf32, #tpu.memory_space<vmem>>
    %dma_wait3A_1334 = arith.constant 8448 : i32
    %dma_wait3A_1335 = tpu.memref_slice %arg8[%dma_wait3A_1334] : memref<10240xi32, #tpu.memory_space<vmem>> -> memref<128xi32, #tpu.memory_space<vmem>>
    %dma_wait3A_1336 = arith.constant 0 : i32
    %dma_wait3A_1337 = arith.constant 0 : i32
    %dma_wait3A_1338 = tpu.memref_slice %arg5[%dma_wait3A_1336, %dma_wait3A_1337] : memref<10000x32xf32, #tpu.memory_space<hbm>> -> memref<10000x32xf32, #tpu.memory_space<hbm>>
    tpu.wait_indirect_dma semaphore(%arg16 : memref<!tpu.dma_semaphore, #tpu.memory_space<semaphore_mem>>) src(%dma_wait3A_1338 : memref<10000x32xf32, #tpu.memory_space<hbm>>) dst(%dma_wait3A_1333 : memref<128x32xf32, #tpu.memory_space<vmem>>)
    %dma_wait3A_1339 = arith.constant 896 : i32
    %dma_wait3A_1340 = arith.constant 0 : i32
    %dma_wait3A_1341 = tpu.memref_slice %arg11[%dma_wait3A_1339, %dma_wait3A_1340] : memref<1280x32xf32, #tpu.memory_space<vmem>> -> memref<128x32xf32, #tpu.memory_space<vmem>>
    %dma_wait3A_1342 = arith.constant 8576 : i32
    %dma_wait3A_1343 = tpu.memref_slice %arg8[%dma_wait3A_1342] : memref<10240xi32, #tpu.memory_space<vmem>> -> memref<128xi32, #tpu.memory_space<vmem>>
    %dma_wait3A_1344 = arith.constant 0 : i32
    %dma_wait3A_1345 = arith.constant 0 : i32
    %dma_wait3A_1346 = tpu.memref_slice %arg5[%dma_wait3A_1344, %dma_wait3A_1345] : memref<10000x32xf32, #tpu.memory_space<hbm>> -> memref<10000x32xf32, #tpu.memory_space<hbm>>
    tpu.wait_indirect_dma semaphore(%arg16 : memref<!tpu.dma_semaphore, #tpu.memory_space<semaphore_mem>>) src(%dma_wait3A_1346 : memref<10000x32xf32, #tpu.memory_space<hbm>>) dst(%dma_wait3A_1341 : memref<128x32xf32, #tpu.memory_space<vmem>>)
    %dma_wait3A_1347 = arith.constant 1024 : i32
    %dma_wait3A_1348 = arith.constant 0 : i32
    %dma_wait3A_1349 = tpu.memref_slice %arg11[%dma_wait3A_1347, %dma_wait3A_1348] : memref<1280x32xf32, #tpu.memory_space<vmem>> -> memref<128x32xf32, #tpu.memory_space<vmem>>
    %dma_wait3A_1350 = arith.constant 8704 : i32
    %dma_wait3A_1351 = tpu.memref_slice %arg8[%dma_wait3A_1350] : memref<10240xi32, #tpu.memory_space<vmem>> -> memref<128xi32, #tpu.memory_space<vmem>>
    %dma_wait3A_1352 = arith.constant 0 : i32
    %dma_wait3A_1353 = arith.constant 0 : i32
    %dma_wait3A_1354 = tpu.memref_slice %arg5[%dma_wait3A_1352, %dma_wait3A_1353] : memref<10000x32xf32, #tpu.memory_space<hbm>> -> memref<10000x32xf32, #tpu.memory_space<hbm>>
    tpu.wait_indirect_dma semaphore(%arg16 : memref<!tpu.dma_semaphore, #tpu.memory_space<semaphore_mem>>) src(%dma_wait3A_1354 : memref<10000x32xf32, #tpu.memory_space<hbm>>) dst(%dma_wait3A_1349 : memref<128x32xf32, #tpu.memory_space<vmem>>)
    %dma_wait3A_1355 = arith.constant 1152 : i32
    %dma_wait3A_1356 = arith.constant 0 : i32
    %dma_wait3A_1357 = tpu.memref_slice %arg11[%dma_wait3A_1355, %dma_wait3A_1356] : memref<1280x32xf32, #tpu.memory_space<vmem>> -> memref<128x32xf32, #tpu.memory_space<vmem>>
    %dma_wait3A_1358 = arith.constant 8832 : i32
    %dma_wait3A_1359 = tpu.memref_slice %arg8[%dma_wait3A_1358] : memref<10240xi32, #tpu.memory_space<vmem>> -> memref<128xi32, #tpu.memory_space<vmem>>
    %dma_wait3A_1360 = arith.constant 0 : i32
    %dma_wait3A_1361 = arith.constant 0 : i32
    %dma_wait3A_1362 = tpu.memref_slice %arg5[%dma_wait3A_1360, %dma_wait3A_1361] : memref<10000x32xf32, #tpu.memory_space<hbm>> -> memref<10000x32xf32, #tpu.memory_space<hbm>>
    tpu.wait_indirect_dma semaphore(%arg16 : memref<!tpu.dma_semaphore, #tpu.memory_space<semaphore_mem>>) src(%dma_wait3A_1362 : memref<10000x32xf32, #tpu.memory_space<hbm>>) dst(%dma_wait3A_1357 : memref<128x32xf32, #tpu.memory_space<vmem>>)
    %dma_wait3A_1363 = arith.constant 3 : i32
    %dma_wait3A_1364 = arith.constant 384 : i32
    %dma_wait3A_1365 = arith.constant 0 : i32
    %dma_wait3A_1366 = tpu.memref_slice %arg10[%dma_wait3A_1364, %dma_wait3A_1365] : memref<512x32xf32, #tpu.memory_space<vmem>> -> memref<128x32xf32, #tpu.memory_space<vmem>>
    %dma_wait3A_1367 = arith.constant 0 : i32
    %dma_wait3A_1368 = tpu.memref_slice %arg7[%dma_wait3A_1363, %dma_wait3A_1367] : memref<4x128xi32, #tpu.memory_space<vmem>> -> memref<1x128xi32, #tpu.memory_space<vmem>>
    %dma_wait3A_1369 = tpu.memref_squeeze %dma_wait3A_1368 : memref<1x128xi32, #tpu.memory_space<vmem>> -> memref<128xi32, #tpu.memory_space<vmem>>
    %dma_wait3A_1370 = arith.constant 0 : i32
    %dma_wait3A_1371 = arith.constant 0 : i32
    %dma_wait3A_1372 = tpu.memref_slice %arg4[%dma_wait3A_1370, %dma_wait3A_1371] : memref<100001x32xf32, #tpu.memory_space<hbm>> -> memref<100001x32xf32, #tpu.memory_space<hbm>>
    tpu.wait_indirect_dma semaphore(%arg15 : memref<!tpu.dma_semaphore, #tpu.memory_space<semaphore_mem>>) src(%dma_wait3A_1372 : memref<100001x32xf32, #tpu.memory_space<hbm>>) dst(%dma_wait3A_1366 : memref<128x32xf32, #tpu.memory_space<vmem>>)
    %dma_wait3A_1373 = arith.constant 0 : i32
    %dma_wait3A_1374 = tpu.memref_slice %arg6[%add3A_1022, %dma_wait3A_1373] : memref<16384x64xf32, #tpu.memory_space<hbm>> -> memref<64x64xf32, #tpu.memory_space<hbm>>
    %dma_wait3A_1375 = arith.constant 0 : i32
    %dma_wait3A_1376 = tpu.memref_slice %arg6[%add3A_1022, %dma_wait3A_1375] : memref<16384x64xf32, #tpu.memory_space<hbm>> -> memref<64x64xf32, #tpu.memory_space<hbm>>
    tpu.wait_dma2 semaphore(%arg18 : memref<!tpu.dma_semaphore, #tpu.memory_space<semaphore_mem>>) src(%arg13 : memref<64x64xf32, #tpu.memory_space<vmem>>) dst(%dma_wait3A_1376 : memref<64x64xf32, #tpu.memory_space<hbm>>)
    %scan3A_1377 = arith.constant 0 : i32
    %scan3A_1378 = arith.constant 0 : i32
    %scan3A_1379 = arith.constant 64 : i32
    %scan3A_1380 = arith.addi %scan3A_1378, %scan3A_1379 : i32
    %scan3A_1381 = arith.constant 1 : i32
    scf.for %scan3A_1493 = %scan3A_1378 to %scan3A_1380 step %scan3A_1381  : i32 {
      %mul3A_1494 = arith.constant 20 : i32
      %mul3A_1495 = arith.muli %scan3A_1493, %mul3A_1494 : i32
      %get3A_1496 = arith.index_cast %mul3A_1495 : i32 to index
      %get3A_1497 = arith.constant 0 : index
      %get3A_1498 = tpu.vector_load %arg11[%get3A_1496, %get3A_1497] {strides = array<i32>} : memref<1280x32xf32, #tpu.memory_space<vmem>>, vector<16xf32>,
      %get3A_1499 = arith.index_cast %mul3A_1495 : i32 to index
      %get3A_1500 = arith.constant 16 : index
      %get3A_1501 = tpu.vector_load %arg11[%get3A_1499, %get3A_1500] {strides = array<i32>} : memref<1280x32xf32, #tpu.memory_space<vmem>>, vector<16xf32>,
      %add3A_1502 = arith.constant 1 : i32
      %add3A_1503 = arith.addi %mul3A_1495, %add3A_1502 : i32
      %get3A_1504 = arith.index_cast %add3A_1503 : i32 to index
      %get3A_1505 = arith.constant 0 : index
      %get3A_1506 = tpu.vector_load %arg11[%get3A_1504, %get3A_1505] {strides = array<i32>} : memref<1280x32xf32, #tpu.memory_space<vmem>>, vector<16xf32>,
      %add3A_1507 = arith.addf %get3A_1498, %get3A_1506 : vector<16xf32>
      %add3A_1508 = arith.constant 1 : i32
      %add3A_1509 = arith.addi %mul3A_1495, %add3A_1508 : i32
      %get3A_1510 = arith.index_cast %add3A_1509 : i32 to index
      %get3A_1511 = arith.constant 16 : index
      %get3A_1512 = tpu.vector_load %arg11[%get3A_1510, %get3A_1511] {strides = array<i32>} : memref<1280x32xf32, #tpu.memory_space<vmem>>, vector<16xf32>,
      %add3A_1513 = arith.addf %get3A_1501, %get3A_1512 : vector<16xf32>
      %add3A_1514 = arith.constant 2 : i32
      %add3A_1515 = arith.addi %mul3A_1495, %add3A_1514 : i32
      %get3A_1516 = arith.index_cast %add3A_1515 : i32 to index
      %get3A_1517 = arith.constant 0 : index
      %get3A_1518 = tpu.vector_load %arg11[%get3A_1516, %get3A_1517] {strides = array<i32>} : memref<1280x32xf32, #tpu.memory_space<vmem>>, vector<16xf32>,
      %add3A_1519 = arith.addf %add3A_1507, %get3A_1518 : vector<16xf32>
      %add3A_1520 = arith.constant 2 : i32
      %add3A_1521 = arith.addi %mul3A_1495, %add3A_1520 : i32
      %get3A_1522 = arith.index_cast %add3A_1521 : i32 to index
      %get3A_1523 = arith.constant 16 : index
      %get3A_1524 = tpu.vector_load %arg11[%get3A_1522, %get3A_1523] {strides = array<i32>} : memref<1280x32xf32, #tpu.memory_space<vmem>>, vector<16xf32>,
      %add3A_1525 = arith.addf %add3A_1513, %get3A_1524 : vector<16xf32>
      %add3A_1526 = arith.constant 3 : i32
      %add3A_1527 = arith.addi %mul3A_1495, %add3A_1526 : i32
      %get3A_1528 = arith.index_cast %add3A_1527 : i32 to index
      %get3A_1529 = arith.constant 0 : index
      %get3A_1530 = tpu.vector_load %arg11[%get3A_1528, %get3A_1529] {strides = array<i32>} : memref<1280x32xf32, #tpu.memory_space<vmem>>, vector<16xf32>,
      %add3A_1531 = arith.addf %add3A_1519, %get3A_1530 : vector<16xf32>
      %add3A_1532 = arith.constant 3 : i32
      %add3A_1533 = arith.addi %mul3A_1495, %add3A_1532 : i32
      %get3A_1534 = arith.index_cast %add3A_1533 : i32 to index
      %get3A_1535 = arith.constant 16 : index
      %get3A_1536 = tpu.vector_load %arg11[%get3A_1534, %get3A_1535] {strides = array<i32>} : memref<1280x32xf32, #tpu.memory_space<vmem>>, vector<16xf32>,
      %add3A_1537 = arith.addf %add3A_1525, %get3A_1536 : vector<16xf32>
      %add3A_1538 = arith.constant 4 : i32
      %add3A_1539 = arith.addi %mul3A_1495, %add3A_1538 : i32
      %get3A_1540 = arith.index_cast %add3A_1539 : i32 to index
      %get3A_1541 = arith.constant 0 : index
      %get3A_1542 = tpu.vector_load %arg11[%get3A_1540, %get3A_1541] {strides = array<i32>} : memref<1280x32xf32, #tpu.memory_space<vmem>>, vector<16xf32>,
      %add3A_1543 = arith.addf %add3A_1531, %get3A_1542 : vector<16xf32>
      %add3A_1544 = arith.constant 4 : i32
      %add3A_1545 = arith.addi %mul3A_1495, %add3A_1544 : i32
      %get3A_1546 = arith.index_cast %add3A_1545 : i32 to index
      %get3A_1547 = arith.constant 16 : index
      %get3A_1548 = tpu.vector_load %arg11[%get3A_1546, %get3A_1547] {strides = array<i32>} : memref<1280x32xf32, #tpu.memory_space<vmem>>, vector<16xf32>,
      %add3A_1549 = arith.addf %add3A_1537, %get3A_1548 : vector<16xf32>
      %add3A_1550 = arith.constant 5 : i32
      %add3A_1551 = arith.addi %mul3A_1495, %add3A_1550 : i32
      %get3A_1552 = arith.index_cast %add3A_1551 : i32 to index
      %get3A_1553 = arith.constant 0 : index
      %get3A_1554 = tpu.vector_load %arg11[%get3A_1552, %get3A_1553] {strides = array<i32>} : memref<1280x32xf32, #tpu.memory_space<vmem>>, vector<16xf32>,
      %add3A_1555 = arith.addf %add3A_1543, %get3A_1554 : vector<16xf32>
      %add3A_1556 = arith.constant 5 : i32
      %add3A_1557 = arith.addi %mul3A_1495, %add3A_1556 : i32
      %get3A_1558 = arith.index_cast %add3A_1557 : i32 to index
      %get3A_1559 = arith.constant 16 : index
      %get3A_1560 = tpu.vector_load %arg11[%get3A_1558, %get3A_1559] {strides = array<i32>} : memref<1280x32xf32, #tpu.memory_space<vmem>>, vector<16xf32>,
      %add3A_1561 = arith.addf %add3A_1549, %get3A_1560 : vector<16xf32>
      %add3A_1562 = arith.constant 6 : i32
      %add3A_1563 = arith.addi %mul3A_1495, %add3A_1562 : i32
      %get3A_1564 = arith.index_cast %add3A_1563 : i32 to index
      %get3A_1565 = arith.constant 0 : index
      %get3A_1566 = tpu.vector_load %arg11[%get3A_1564, %get3A_1565] {strides = array<i32>} : memref<1280x32xf32, #tpu.memory_space<vmem>>, vector<16xf32>,
      %add3A_1567 = arith.addf %add3A_1555, %get3A_1566 : vector<16xf32>
      %add3A_1568 = arith.constant 6 : i32
      %add3A_1569 = arith.addi %mul3A_1495, %add3A_1568 : i32
      %get3A_1570 = arith.index_cast %add3A_1569 : i32 to index
      %get3A_1571 = arith.constant 16 : index
      %get3A_1572 = tpu.vector_load %arg11[%get3A_1570, %get3A_1571] {strides = array<i32>} : memref<1280x32xf32, #tpu.memory_space<vmem>>, vector<16xf32>,
      %add3A_1573 = arith.addf %add3A_1561, %get3A_1572 : vector<16xf32>
      %add3A_1574 = arith.constant 7 : i32
      %add3A_1575 = arith.addi %mul3A_1495, %add3A_1574 : i32
      %get3A_1576 = arith.index_cast %add3A_1575 : i32 to index
      %get3A_1577 = arith.constant 0 : index
      %get3A_1578 = tpu.vector_load %arg11[%get3A_1576, %get3A_1577] {strides = array<i32>} : memref<1280x32xf32, #tpu.memory_space<vmem>>, vector<16xf32>,
      %add3A_1579 = arith.addf %add3A_1567, %get3A_1578 : vector<16xf32>
      %add3A_1580 = arith.constant 7 : i32
      %add3A_1581 = arith.addi %mul3A_1495, %add3A_1580 : i32
      %get3A_1582 = arith.index_cast %add3A_1581 : i32 to index
      %get3A_1583 = arith.constant 16 : index
      %get3A_1584 = tpu.vector_load %arg11[%get3A_1582, %get3A_1583] {strides = array<i32>} : memref<1280x32xf32, #tpu.memory_space<vmem>>, vector<16xf32>,
      %add3A_1585 = arith.addf %add3A_1573, %get3A_1584 : vector<16xf32>
      %add3A_1586 = arith.constant 8 : i32
      %add3A_1587 = arith.addi %mul3A_1495, %add3A_1586 : i32
      %get3A_1588 = arith.index_cast %add3A_1587 : i32 to index
      %get3A_1589 = arith.constant 0 : index
      %get3A_1590 = tpu.vector_load %arg11[%get3A_1588, %get3A_1589] {strides = array<i32>} : memref<1280x32xf32, #tpu.memory_space<vmem>>, vector<16xf32>,
      %add3A_1591 = arith.addf %add3A_1579, %get3A_1590 : vector<16xf32>
      %add3A_1592 = arith.constant 8 : i32
      %add3A_1593 = arith.addi %mul3A_1495, %add3A_1592 : i32
      %get3A_1594 = arith.index_cast %add3A_1593 : i32 to index
      %get3A_1595 = arith.constant 16 : index
      %get3A_1596 = tpu.vector_load %arg11[%get3A_1594, %get3A_1595] {strides = array<i32>} : memref<1280x32xf32, #tpu.memory_space<vmem>>, vector<16xf32>,
      %add3A_1597 = arith.addf %add3A_1585, %get3A_1596 : vector<16xf32>
      %add3A_1598 = arith.constant 9 : i32
      %add3A_1599 = arith.addi %mul3A_1495, %add3A_1598 : i32
      %get3A_1600 = arith.index_cast %add3A_1599 : i32 to index
      %get3A_1601 = arith.constant 0 : index
      %get3A_1602 = tpu.vector_load %arg11[%get3A_1600, %get3A_1601] {strides = array<i32>} : memref<1280x32xf32, #tpu.memory_space<vmem>>, vector<16xf32>,
      %add3A_1603 = arith.addf %add3A_1591, %get3A_1602 : vector<16xf32>
      %add3A_1604 = arith.constant 9 : i32
      %add3A_1605 = arith.addi %mul3A_1495, %add3A_1604 : i32
      %get3A_1606 = arith.index_cast %add3A_1605 : i32 to index
      %get3A_1607 = arith.constant 16 : index
      %get3A_1608 = tpu.vector_load %arg11[%get3A_1606, %get3A_1607] {strides = array<i32>} : memref<1280x32xf32, #tpu.memory_space<vmem>>, vector<16xf32>,
      %add3A_1609 = arith.addf %add3A_1597, %get3A_1608 : vector<16xf32>
      %add3A_1610 = arith.constant 10 : i32
      %add3A_1611 = arith.addi %mul3A_1495, %add3A_1610 : i32
      %get3A_1612 = arith.index_cast %add3A_1611 : i32 to index
      %get3A_1613 = arith.constant 0 : index
      %get3A_1614 = tpu.vector_load %arg11[%get3A_1612, %get3A_1613] {strides = array<i32>} : memref<1280x32xf32, #tpu.memory_space<vmem>>, vector<16xf32>,
      %add3A_1615 = arith.addf %add3A_1603, %get3A_1614 : vector<16xf32>
      %add3A_1616 = arith.constant 10 : i32
      %add3A_1617 = arith.addi %mul3A_1495, %add3A_1616 : i32
      %get3A_1618 = arith.index_cast %add3A_1617 : i32 to index
      %get3A_1619 = arith.constant 16 : index
      %get3A_1620 = tpu.vector_load %arg11[%get3A_1618, %get3A_1619] {strides = array<i32>} : memref<1280x32xf32, #tpu.memory_space<vmem>>, vector<16xf32>,
      %add3A_1621 = arith.addf %add3A_1609, %get3A_1620 : vector<16xf32>
      %add3A_1622 = arith.constant 11 : i32
      %add3A_1623 = arith.addi %mul3A_1495, %add3A_1622 : i32
      %get3A_1624 = arith.index_cast %add3A_1623 : i32 to index
      %get3A_1625 = arith.constant 0 : index
      %get3A_1626 = tpu.vector_load %arg11[%get3A_1624, %get3A_1625] {strides = array<i32>} : memref<1280x32xf32, #tpu.memory_space<vmem>>, vector<16xf32>,
      %add3A_1627 = arith.addf %add3A_1615, %get3A_1626 : vector<16xf32>
      %add3A_1628 = arith.constant 11 : i32
      %add3A_1629 = arith.addi %mul3A_1495, %add3A_1628 : i32
      %get3A_1630 = arith.index_cast %add3A_1629 : i32 to index
      %get3A_1631 = arith.constant 16 : index
      %get3A_1632 = tpu.vector_load %arg11[%get3A_1630, %get3A_1631] {strides = array<i32>} : memref<1280x32xf32, #tpu.memory_space<vmem>>, vector<16xf32>,
      %add3A_1633 = arith.addf %add3A_1621, %get3A_1632 : vector<16xf32>
      %add3A_1634 = arith.constant 12 : i32
      %add3A_1635 = arith.addi %mul3A_1495, %add3A_1634 : i32
      %get3A_1636 = arith.index_cast %add3A_1635 : i32 to index
      %get3A_1637 = arith.constant 0 : index
      %get3A_1638 = tpu.vector_load %arg11[%get3A_1636, %get3A_1637] {strides = array<i32>} : memref<1280x32xf32, #tpu.memory_space<vmem>>, vector<16xf32>,
      %add3A_1639 = arith.addf %add3A_1627, %get3A_1638 : vector<16xf32>
      %add3A_1640 = arith.constant 12 : i32
      %add3A_1641 = arith.addi %mul3A_1495, %add3A_1640 : i32
      %get3A_1642 = arith.index_cast %add3A_1641 : i32 to index
      %get3A_1643 = arith.constant 16 : index
      %get3A_1644 = tpu.vector_load %arg11[%get3A_1642, %get3A_1643] {strides = array<i32>} : memref<1280x32xf32, #tpu.memory_space<vmem>>, vector<16xf32>,
      %add3A_1645 = arith.addf %add3A_1633, %get3A_1644 : vector<16xf32>
      %add3A_1646 = arith.constant 13 : i32
      %add3A_1647 = arith.addi %mul3A_1495, %add3A_1646 : i32
      %get3A_1648 = arith.index_cast %add3A_1647 : i32 to index
      %get3A_1649 = arith.constant 0 : index
      %get3A_1650 = tpu.vector_load %arg11[%get3A_1648, %get3A_1649] {strides = array<i32>} : memref<1280x32xf32, #tpu.memory_space<vmem>>, vector<16xf32>,
      %add3A_1651 = arith.addf %add3A_1639, %get3A_1650 : vector<16xf32>
      %add3A_1652 = arith.constant 13 : i32
      %add3A_1653 = arith.addi %mul3A_1495, %add3A_1652 : i32
      %get3A_1654 = arith.index_cast %add3A_1653 : i32 to index
      %get3A_1655 = arith.constant 16 : index
      %get3A_1656 = tpu.vector_load %arg11[%get3A_1654, %get3A_1655] {strides = array<i32>} : memref<1280x32xf32, #tpu.memory_space<vmem>>, vector<16xf32>,
      %add3A_1657 = arith.addf %add3A_1645, %get3A_1656 : vector<16xf32>
      %add3A_1658 = arith.constant 14 : i32
      %add3A_1659 = arith.addi %mul3A_1495, %add3A_1658 : i32
      %get3A_1660 = arith.index_cast %add3A_1659 : i32 to index
      %get3A_1661 = arith.constant 0 : index
      %get3A_1662 = tpu.vector_load %arg11[%get3A_1660, %get3A_1661] {strides = array<i32>} : memref<1280x32xf32, #tpu.memory_space<vmem>>, vector<16xf32>,
      %add3A_1663 = arith.addf %add3A_1651, %get3A_1662 : vector<16xf32>
      %add3A_1664 = arith.constant 14 : i32
      %add3A_1665 = arith.addi %mul3A_1495, %add3A_1664 : i32
      %get3A_1666 = arith.index_cast %add3A_1665 : i32 to index
      %get3A_1667 = arith.constant 16 : index
      %get3A_1668 = tpu.vector_load %arg11[%get3A_1666, %get3A_1667] {strides = array<i32>} : memref<1280x32xf32, #tpu.memory_space<vmem>>, vector<16xf32>,
      %add3A_1669 = arith.addf %add3A_1657, %get3A_1668 : vector<16xf32>
      %add3A_1670 = arith.constant 15 : i32
      %add3A_1671 = arith.addi %mul3A_1495, %add3A_1670 : i32
      %get3A_1672 = arith.index_cast %add3A_1671 : i32 to index
      %get3A_1673 = arith.constant 0 : index
      %get3A_1674 = tpu.vector_load %arg11[%get3A_1672, %get3A_1673] {strides = array<i32>} : memref<1280x32xf32, #tpu.memory_space<vmem>>, vector<16xf32>,
      %add3A_1675 = arith.addf %add3A_1663, %get3A_1674 : vector<16xf32>
      %add3A_1676 = arith.constant 15 : i32
      %add3A_1677 = arith.addi %mul3A_1495, %add3A_1676 : i32
      %get3A_1678 = arith.index_cast %add3A_1677 : i32 to index
      %get3A_1679 = arith.constant 16 : index
      %get3A_1680 = tpu.vector_load %arg11[%get3A_1678, %get3A_1679] {strides = array<i32>} : memref<1280x32xf32, #tpu.memory_space<vmem>>, vector<16xf32>,
      %add3A_1681 = arith.addf %add3A_1669, %get3A_1680 : vector<16xf32>
      %add3A_1682 = arith.constant 16 : i32
      %add3A_1683 = arith.addi %mul3A_1495, %add3A_1682 : i32
      %get3A_1684 = arith.index_cast %add3A_1683 : i32 to index
      %get3A_1685 = arith.constant 0 : index
      %get3A_1686 = tpu.vector_load %arg11[%get3A_1684, %get3A_1685] {strides = array<i32>} : memref<1280x32xf32, #tpu.memory_space<vmem>>, vector<16xf32>,
      %add3A_1687 = arith.addf %add3A_1675, %get3A_1686 : vector<16xf32>
      %add3A_1688 = arith.constant 16 : i32
      %add3A_1689 = arith.addi %mul3A_1495, %add3A_1688 : i32
      %get3A_1690 = arith.index_cast %add3A_1689 : i32 to index
      %get3A_1691 = arith.constant 16 : index
      %get3A_1692 = tpu.vector_load %arg11[%get3A_1690, %get3A_1691] {strides = array<i32>} : memref<1280x32xf32, #tpu.memory_space<vmem>>, vector<16xf32>,
      %add3A_1693 = arith.addf %add3A_1681, %get3A_1692 : vector<16xf32>
      %add3A_1694 = arith.constant 17 : i32
      %add3A_1695 = arith.addi %mul3A_1495, %add3A_1694 : i32
      %get3A_1696 = arith.index_cast %add3A_1695 : i32 to index
      %get3A_1697 = arith.constant 0 : index
      %get3A_1698 = tpu.vector_load %arg11[%get3A_1696, %get3A_1697] {strides = array<i32>} : memref<1280x32xf32, #tpu.memory_space<vmem>>, vector<16xf32>,
      %add3A_1699 = arith.addf %add3A_1687, %get3A_1698 : vector<16xf32>
      %add3A_1700 = arith.constant 17 : i32
      %add3A_1701 = arith.addi %mul3A_1495, %add3A_1700 : i32
      %get3A_1702 = arith.index_cast %add3A_1701 : i32 to index
      %get3A_1703 = arith.constant 16 : index
      %get3A_1704 = tpu.vector_load %arg11[%get3A_1702, %get3A_1703] {strides = array<i32>} : memref<1280x32xf32, #tpu.memory_space<vmem>>, vector<16xf32>,
      %add3A_1705 = arith.addf %add3A_1693, %get3A_1704 : vector<16xf32>
      %add3A_1706 = arith.constant 18 : i32
      %add3A_1707 = arith.addi %mul3A_1495, %add3A_1706 : i32
      %get3A_1708 = arith.index_cast %add3A_1707 : i32 to index
      %get3A_1709 = arith.constant 0 : index
      %get3A_1710 = tpu.vector_load %arg11[%get3A_1708, %get3A_1709] {strides = array<i32>} : memref<1280x32xf32, #tpu.memory_space<vmem>>, vector<16xf32>,
      %add3A_1711 = arith.addf %add3A_1699, %get3A_1710 : vector<16xf32>
      %add3A_1712 = arith.constant 18 : i32
      %add3A_1713 = arith.addi %mul3A_1495, %add3A_1712 : i32
      %get3A_1714 = arith.index_cast %add3A_1713 : i32 to index
      %get3A_1715 = arith.constant 16 : index
      %get3A_1716 = tpu.vector_load %arg11[%get3A_1714, %get3A_1715] {strides = array<i32>} : memref<1280x32xf32, #tpu.memory_space<vmem>>, vector<16xf32>,
      %add3A_1717 = arith.addf %add3A_1705, %get3A_1716 : vector<16xf32>
      %add3A_1718 = arith.constant 19 : i32
      %add3A_1719 = arith.addi %mul3A_1495, %add3A_1718 : i32
      %get3A_1720 = arith.index_cast %add3A_1719 : i32 to index
      %get3A_1721 = arith.constant 0 : index
      %get3A_1722 = tpu.vector_load %arg11[%get3A_1720, %get3A_1721] {strides = array<i32>} : memref<1280x32xf32, #tpu.memory_space<vmem>>, vector<16xf32>,
      %add3A_1723 = arith.addf %add3A_1711, %get3A_1722 : vector<16xf32>
      %add3A_1724 = arith.constant 19 : i32
      %add3A_1725 = arith.addi %mul3A_1495, %add3A_1724 : i32
      %get3A_1726 = arith.index_cast %add3A_1725 : i32 to index
      %get3A_1727 = arith.constant 16 : index
      %get3A_1728 = tpu.vector_load %arg11[%get3A_1726, %get3A_1727] {strides = array<i32>} : memref<1280x32xf32, #tpu.memory_space<vmem>>, vector<16xf32>,
      %add3A_1729 = arith.addf %add3A_1717, %get3A_1728 : vector<16xf32>
      %mul3A_1730 = arith.constant 20 : i32
      %mul3A_1731 = arith.muli %scan3A_1493, %mul3A_1730 : i32
      %add3A_1732 = arith.constant 7680 : i32
      %add3A_1733 = arith.addi %add3A_1732, %mul3A_1731 : i32
      %get3A_1734 = arith.index_cast %add3A_1733 : i32 to index
      %get3A_1735 = tpu.vector_load %arg8[%get3A_1734] {strides = array<i32>} : memref<10240xi32, #tpu.memory_space<vmem>>, vector<16xi32>,
      %add3A_1736 = arith.constant 4 : i32
      %add3A_1737 = arith.addi %add3A_1733, %add3A_1736 : i32
      %get3A_1738 = arith.index_cast %add3A_1737 : i32 to index
      %get3A_1739 = tpu.vector_load %arg8[%get3A_1738] {strides = array<i32>} : memref<10240xi32, #tpu.memory_space<vmem>>, vector<16xi32>,
      %eq3A = arith.constant 0 : i32
      %eq3A_1740 = vector.broadcast %eq3A : i32 to vector<16xi32>
      %eq3A_1741 = arith.cmpi eq, %get3A_1735, %eq3A_1740 : vector<16xi32>
      %all_reduce_population_count3A = tpu.all_reduce %eq3A_1741 {dim = 0 : i64, kind = #tpu.reduction_kind<sum>} : vector<16xi1> -> vector<16xi32>
      %eq3A_1742 = arith.constant 0 : i32
      %eq3A_1743 = vector.broadcast %eq3A_1742 : i32 to vector<16xi32>
      %eq3A_1744 = arith.cmpi eq, %get3A_1739, %eq3A_1743 : vector<16xi32>
      %and3A = arith.andi %eq3A_1744, %ge3A_126 : vector<16xi1>
      %all_reduce_population_count3A_1745 = tpu.all_reduce %and3A {dim = 0 : i64, kind = #tpu.reduction_kind<sum>} : vector<16xi1> -> vector<16xi32>
      %add3A_1746 = arith.addi %all_reduce_population_count3A, %all_reduce_population_count3A_1745 : vector<16xi32>
      %convert_element_type3A = arith.sitofp %add3A_1746 : vector<16xi32> to vector<16xf32>
      %sub3A = arith.constant 2.000000e+01 : f32
      %sub3A_1747 = vector.broadcast %sub3A : f32 to vector<16xf32>
      %sub3A_1748 = arith.subf %sub3A_1747, %convert_element_type3A : vector<16xf32>
      %max3A = arith.constant 1.000000e+00 : f32
      %max3A_1749 = vector.broadcast %max3A : f32 to vector<16xf32>
      %max3A_1750 = arith.maximumf %sub3A_1748, %max3A_1749 : vector<16xf32>
      %div3A = arith.constant 1.000000e+00 : f32
      %div3A_1751 = vector.broadcast %div3A : f32 to vector<16xf32>
      %div3A_1752 = arith.divf %div3A_1751, %max3A_1750 : vector<16xf32>
      %add3A_1753 = arith.constant 384 : i32
      %add3A_1754 = arith.addi %add3A_1753, %scan3A_1493 : i32
      %get3A_1755 = arith.index_cast %add3A_1754 : i32 to index
      %get3A_1756 = arith.constant 0 : index
      %get3A_1757 = tpu.vector_load %arg10[%get3A_1755, %get3A_1756] {strides = array<i32>} : memref<512x32xf32, #tpu.memory_space<vmem>>, vector<16xf32>,
      %swap3A = arith.index_cast %scan3A_1493 : i32 to index
      %swap3A_1758 = arith.constant 0 : index
      %swap3A_1759 = tpu.vector_load %arg13[%swap3A, %swap3A_1758] {strides = array<i32>} : memref<64x64xf32, #tpu.memory_space<vmem>>, vector<16xf32>,
      tpu.vector_store %arg13[%swap3A, %swap3A_1758], %get3A_1757 {strides = array<i32>} : memref<64x64xf32, #tpu.memory_space<vmem>>, vector<16xf32>,
      %add3A_1760 = arith.constant 384 : i32
      %add3A_1761 = arith.addi %add3A_1760, %scan3A_1493 : i32
      %get3A_1762 = arith.index_cast %add3A_1761 : i32 to index
      %get3A_1763 = arith.constant 16 : index
      %get3A_1764 = tpu.vector_load %arg10[%get3A_1762, %get3A_1763] {strides = array<i32>} : memref<512x32xf32, #tpu.memory_space<vmem>>, vector<16xf32>,
      %swap3A_1765 = arith.index_cast %scan3A_1493 : i32 to index
      %swap3A_1766 = arith.constant 16 : index
      %swap3A_1767 = tpu.vector_load %arg13[%swap3A_1765, %swap3A_1766] {strides = array<i32>} : memref<64x64xf32, #tpu.memory_space<vmem>>, vector<16xf32>,
      tpu.vector_store %arg13[%swap3A_1765, %swap3A_1766], %get3A_1764 {strides = array<i32>} : memref<64x64xf32, #tpu.memory_space<vmem>>, vector<16xf32>,
      %mul3A_1768 = arith.mulf %convert_element_type3A, %get3A_122 : vector<16xf32>
      %sub3A_1769 = arith.subf %add3A_1723, %mul3A_1768 : vector<16xf32>
      %mul3A_1770 = arith.mulf %sub3A_1769, %div3A_1752 : vector<16xf32>
      %swap3A_1771 = arith.index_cast %scan3A_1493 : i32 to index
      %swap3A_1772 = arith.constant 32 : index
      %swap3A_1773 = tpu.vector_load %arg13[%swap3A_1771, %swap3A_1772] {strides = array<i32>} : memref<64x64xf32, #tpu.memory_space<vmem>>, vector<16xf32>,
      tpu.vector_store %arg13[%swap3A_1771, %swap3A_1772], %mul3A_1770 {strides = array<i32>} : memref<64x64xf32, #tpu.memory_space<vmem>>, vector<16xf32>,
      %mul3A_1774 = arith.mulf %convert_element_type3A, %get3A_124 : vector<16xf32>
      %sub3A_1775 = arith.subf %add3A_1729, %mul3A_1774 : vector<16xf32>
      %mul3A_1776 = arith.mulf %sub3A_1775, %div3A_1752 : vector<16xf32>
      %swap3A_1777 = arith.index_cast %scan3A_1493 : i32 to index
      %swap3A_1778 = arith.constant 48 : index
      %swap3A_1779 = tpu.vector_load %arg13[%swap3A_1777, %swap3A_1778] {strides = array<i32>} : memref<64x64xf32, #tpu.memory_space<vmem>>, vector<16xf32>,
      tpu.vector_store %arg13[%swap3A_1777, %swap3A_1778], %mul3A_1776 {strides = array<i32>} : memref<64x64xf32, #tpu.memory_space<vmem>>, vector<16xf32>,
    }
    %scan3A_1382 = arith.constant 64 : i32
    %add3A_1383 = arith.constant 384 : i32
    %add3A_1384 = arith.addi %mul3A_2, %add3A_1383 : i32
    %dma_start3A_1385 = arith.constant 0 : i32
    %dma_start3A_1386 = tpu.memref_slice %arg6[%add3A_1384, %dma_start3A_1385] : memref<16384x64xf32, #tpu.memory_space<hbm>> -> memref<64x64xf32, #tpu.memory_space<hbm>>
    %dma_start3A_1387 = arith.constant 0 : i32
    %dma_start3A_1388 = tpu.memref_slice %arg6[%add3A_1384, %dma_start3A_1387] : memref<16384x64xf32, #tpu.memory_space<hbm>> -> memref<64x64xf32, #tpu.memory_space<hbm>>
    tpu.enqueue_dma source(%arg13 : memref<64x64xf32, #tpu.memory_space<vmem>>) target(%dma_start3A_1388 : memref<64x64xf32, #tpu.memory_space<hbm>>) target_semaphore(%arg18 : memref<!tpu.dma_semaphore, #tpu.memory_space<semaphore_mem>>)
    %dma_wait3A_1389 = arith.constant 0 : i32
    %dma_wait3A_1390 = arith.constant 0 : i32
    %dma_wait3A_1391 = tpu.memref_slice %arg12[%dma_wait3A_1389, %dma_wait3A_1390] : memref<1280x32xf32, #tpu.memory_space<vmem>> -> memref<128x32xf32, #tpu.memory_space<vmem>>
    %dma_wait3A_1392 = arith.constant 8960 : i32
    %dma_wait3A_1393 = tpu.memref_slice %arg8[%dma_wait3A_1392] : memref<10240xi32, #tpu.memory_space<vmem>> -> memref<128xi32, #tpu.memory_space<vmem>>
    %dma_wait3A_1394 = arith.constant 0 : i32
    %dma_wait3A_1395 = arith.constant 0 : i32
    %dma_wait3A_1396 = tpu.memref_slice %arg5[%dma_wait3A_1394, %dma_wait3A_1395] : memref<10000x32xf32, #tpu.memory_space<hbm>> -> memref<10000x32xf32, #tpu.memory_space<hbm>>
    tpu.wait_indirect_dma semaphore(%arg17 : memref<!tpu.dma_semaphore, #tpu.memory_space<semaphore_mem>>) src(%dma_wait3A_1396 : memref<10000x32xf32, #tpu.memory_space<hbm>>) dst(%dma_wait3A_1391 : memref<128x32xf32, #tpu.memory_space<vmem>>)
    %dma_wait3A_1397 = arith.constant 128 : i32
    %dma_wait3A_1398 = arith.constant 0 : i32
    %dma_wait3A_1399 = tpu.memref_slice %arg12[%dma_wait3A_1397, %dma_wait3A_1398] : memref<1280x32xf32, #tpu.memory_space<vmem>> -> memref<128x32xf32, #tpu.memory_space<vmem>>
    %dma_wait3A_1400 = arith.constant 9088 : i32
    %dma_wait3A_1401 = tpu.memref_slice %arg8[%dma_wait3A_1400] : memref<10240xi32, #tpu.memory_space<vmem>> -> memref<128xi32, #tpu.memory_space<vmem>>
    %dma_wait3A_1402 = arith.constant 0 : i32
    %dma_wait3A_1403 = arith.constant 0 : i32
    %dma_wait3A_1404 = tpu.memref_slice %arg5[%dma_wait3A_1402, %dma_wait3A_1403] : memref<10000x32xf32, #tpu.memory_space<hbm>> -> memref<10000x32xf32, #tpu.memory_space<hbm>>
    tpu.wait_indirect_dma semaphore(%arg17 : memref<!tpu.dma_semaphore, #tpu.memory_space<semaphore_mem>>) src(%dma_wait3A_1404 : memref<10000x32xf32, #tpu.memory_space<hbm>>) dst(%dma_wait3A_1399 : memref<128x32xf32, #tpu.memory_space<vmem>>)
    %dma_wait3A_1405 = arith.constant 256 : i32
    %dma_wait3A_1406 = arith.constant 0 : i32
    %dma_wait3A_1407 = tpu.memref_slice %arg12[%dma_wait3A_1405, %dma_wait3A_1406] : memref<1280x32xf32, #tpu.memory_space<vmem>> -> memref<128x32xf32, #tpu.memory_space<vmem>>
    %dma_wait3A_1408 = arith.constant 9216 : i32
    %dma_wait3A_1409 = tpu.memref_slice %arg8[%dma_wait3A_1408] : memref<10240xi32, #tpu.memory_space<vmem>> -> memref<128xi32, #tpu.memory_space<vmem>>
    %dma_wait3A_1410 = arith.constant 0 : i32
    %dma_wait3A_1411 = arith.constant 0 : i32
    %dma_wait3A_1412 = tpu.memref_slice %arg5[%dma_wait3A_1410, %dma_wait3A_1411] : memref<10000x32xf32, #tpu.memory_space<hbm>> -> memref<10000x32xf32, #tpu.memory_space<hbm>>
    tpu.wait_indirect_dma semaphore(%arg17 : memref<!tpu.dma_semaphore, #tpu.memory_space<semaphore_mem>>) src(%dma_wait3A_1412 : memref<10000x32xf32, #tpu.memory_space<hbm>>) dst(%dma_wait3A_1407 : memref<128x32xf32, #tpu.memory_space<vmem>>)
    %dma_wait3A_1413 = arith.constant 384 : i32
    %dma_wait3A_1414 = arith.constant 0 : i32
    %dma_wait3A_1415 = tpu.memref_slice %arg12[%dma_wait3A_1413, %dma_wait3A_1414] : memref<1280x32xf32, #tpu.memory_space<vmem>> -> memref<128x32xf32, #tpu.memory_space<vmem>>
    %dma_wait3A_1416 = arith.constant 9344 : i32
    %dma_wait3A_1417 = tpu.memref_slice %arg8[%dma_wait3A_1416] : memref<10240xi32, #tpu.memory_space<vmem>> -> memref<128xi32, #tpu.memory_space<vmem>>
    %dma_wait3A_1418 = arith.constant 0 : i32
    %dma_wait3A_1419 = arith.constant 0 : i32
    %dma_wait3A_1420 = tpu.memref_slice %arg5[%dma_wait3A_1418, %dma_wait3A_1419] : memref<10000x32xf32, #tpu.memory_space<hbm>> -> memref<10000x32xf32, #tpu.memory_space<hbm>>
    tpu.wait_indirect_dma semaphore(%arg17 : memref<!tpu.dma_semaphore, #tpu.memory_space<semaphore_mem>>) src(%dma_wait3A_1420 : memref<10000x32xf32, #tpu.memory_space<hbm>>) dst(%dma_wait3A_1415 : memref<128x32xf32, #tpu.memory_space<vmem>>)
    %dma_wait3A_1421 = arith.constant 512 : i32
    %dma_wait3A_1422 = arith.constant 0 : i32
    %dma_wait3A_1423 = tpu.memref_slice %arg12[%dma_wait3A_1421, %dma_wait3A_1422] : memref<1280x32xf32, #tpu.memory_space<vmem>> -> memref<128x32xf32, #tpu.memory_space<vmem>>
    %dma_wait3A_1424 = arith.constant 9472 : i32
    %dma_wait3A_1425 = tpu.memref_slice %arg8[%dma_wait3A_1424] : memref<10240xi32, #tpu.memory_space<vmem>> -> memref<128xi32, #tpu.memory_space<vmem>>
    %dma_wait3A_1426 = arith.constant 0 : i32
    %dma_wait3A_1427 = arith.constant 0 : i32
    %dma_wait3A_1428 = tpu.memref_slice %arg5[%dma_wait3A_1426, %dma_wait3A_1427] : memref<10000x32xf32, #tpu.memory_space<hbm>> -> memref<10000x32xf32, #tpu.memory_space<hbm>>
    tpu.wait_indirect_dma semaphore(%arg17 : memref<!tpu.dma_semaphore, #tpu.memory_space<semaphore_mem>>) src(%dma_wait3A_1428 : memref<10000x32xf32, #tpu.memory_space<hbm>>) dst(%dma_wait3A_1423 : memref<128x32xf32, #tpu.memory_space<vmem>>)
    %dma_wait3A_1429 = arith.constant 640 : i32
    %dma_wait3A_1430 = arith.constant 0 : i32
    %dma_wait3A_1431 = tpu.memref_slice %arg12[%dma_wait3A_1429, %dma_wait3A_1430] : memref<1280x32xf32, #tpu.memory_space<vmem>> -> memref<128x32xf32, #tpu.memory_space<vmem>>
    %dma_wait3A_1432 = arith.constant 9600 : i32
    %dma_wait3A_1433 = tpu.memref_slice %arg8[%dma_wait3A_1432] : memref<10240xi32, #tpu.memory_space<vmem>> -> memref<128xi32, #tpu.memory_space<vmem>>
    %dma_wait3A_1434 = arith.constant 0 : i32
    %dma_wait3A_1435 = arith.constant 0 : i32
    %dma_wait3A_1436 = tpu.memref_slice %arg5[%dma_wait3A_1434, %dma_wait3A_1435] : memref<10000x32xf32, #tpu.memory_space<hbm>> -> memref<10000x32xf32, #tpu.memory_space<hbm>>
    tpu.wait_indirect_dma semaphore(%arg17 : memref<!tpu.dma_semaphore, #tpu.memory_space<semaphore_mem>>) src(%dma_wait3A_1436 : memref<10000x32xf32, #tpu.memory_space<hbm>>) dst(%dma_wait3A_1431 : memref<128x32xf32, #tpu.memory_space<vmem>>)
    %dma_wait3A_1437 = arith.constant 768 : i32
    %dma_wait3A_1438 = arith.constant 0 : i32
    %dma_wait3A_1439 = tpu.memref_slice %arg12[%dma_wait3A_1437, %dma_wait3A_1438] : memref<1280x32xf32, #tpu.memory_space<vmem>> -> memref<128x32xf32, #tpu.memory_space<vmem>>
    %dma_wait3A_1440 = arith.constant 9728 : i32
    %dma_wait3A_1441 = tpu.memref_slice %arg8[%dma_wait3A_1440] : memref<10240xi32, #tpu.memory_space<vmem>> -> memref<128xi32, #tpu.memory_space<vmem>>
    %dma_wait3A_1442 = arith.constant 0 : i32
    %dma_wait3A_1443 = arith.constant 0 : i32
    %dma_wait3A_1444 = tpu.memref_slice %arg5[%dma_wait3A_1442, %dma_wait3A_1443] : memref<10000x32xf32, #tpu.memory_space<hbm>> -> memref<10000x32xf32, #tpu.memory_space<hbm>>
    tpu.wait_indirect_dma semaphore(%arg17 : memref<!tpu.dma_semaphore, #tpu.memory_space<semaphore_mem>>) src(%dma_wait3A_1444 : memref<10000x32xf32, #tpu.memory_space<hbm>>) dst(%dma_wait3A_1439 : memref<128x32xf32, #tpu.memory_space<vmem>>)
    %dma_wait3A_1445 = arith.constant 896 : i32
    %dma_wait3A_1446 = arith.constant 0 : i32
    %dma_wait3A_1447 = tpu.memref_slice %arg12[%dma_wait3A_1445, %dma_wait3A_1446] : memref<1280x32xf32, #tpu.memory_space<vmem>> -> memref<128x32xf32, #tpu.memory_space<vmem>>
    %dma_wait3A_1448 = arith.constant 9856 : i32
    %dma_wait3A_1449 = tpu.memref_slice %arg8[%dma_wait3A_1448] : memref<10240xi32, #tpu.memory_space<vmem>> -> memref<128xi32, #tpu.memory_space<vmem>>
    %dma_wait3A_1450 = arith.constant 0 : i32
    %dma_wait3A_1451 = arith.constant 0 : i32
    %dma_wait3A_1452 = tpu.memref_slice %arg5[%dma_wait3A_1450, %dma_wait3A_1451] : memref<10000x32xf32, #tpu.memory_space<hbm>> -> memref<10000x32xf32, #tpu.memory_space<hbm>>
    tpu.wait_indirect_dma semaphore(%arg17 : memref<!tpu.dma_semaphore, #tpu.memory_space<semaphore_mem>>) src(%dma_wait3A_1452 : memref<10000x32xf32, #tpu.memory_space<hbm>>) dst(%dma_wait3A_1447 : memref<128x32xf32, #tpu.memory_space<vmem>>)
    %dma_wait3A_1453 = arith.constant 1024 : i32
    %dma_wait3A_1454 = arith.constant 0 : i32
    %dma_wait3A_1455 = tpu.memref_slice %arg12[%dma_wait3A_1453, %dma_wait3A_1454] : memref<1280x32xf32, #tpu.memory_space<vmem>> -> memref<128x32xf32, #tpu.memory_space<vmem>>
    %dma_wait3A_1456 = arith.constant 9984 : i32
    %dma_wait3A_1457 = tpu.memref_slice %arg8[%dma_wait3A_1456] : memref<10240xi32, #tpu.memory_space<vmem>> -> memref<128xi32, #tpu.memory_space<vmem>>
    %dma_wait3A_1458 = arith.constant 0 : i32
    %dma_wait3A_1459 = arith.constant 0 : i32
    %dma_wait3A_1460 = tpu.memref_slice %arg5[%dma_wait3A_1458, %dma_wait3A_1459] : memref<10000x32xf32, #tpu.memory_space<hbm>> -> memref<10000x32xf32, #tpu.memory_space<hbm>>
    tpu.wait_indirect_dma semaphore(%arg17 : memref<!tpu.dma_semaphore, #tpu.memory_space<semaphore_mem>>) src(%dma_wait3A_1460 : memref<10000x32xf32, #tpu.memory_space<hbm>>) dst(%dma_wait3A_1455 : memref<128x32xf32, #tpu.memory_space<vmem>>)
    %dma_wait3A_1461 = arith.constant 1152 : i32
    %dma_wait3A_1462 = arith.constant 0 : i32
    %dma_wait3A_1463 = tpu.memref_slice %arg12[%dma_wait3A_1461, %dma_wait3A_1462] : memref<1280x32xf32, #tpu.memory_space<vmem>> -> memref<128x32xf32, #tpu.memory_space<vmem>>
    %dma_wait3A_1464 = arith.constant 10112 : i32
    %dma_wait3A_1465 = tpu.memref_slice %arg8[%dma_wait3A_1464] : memref<10240xi32, #tpu.memory_space<vmem>> -> memref<128xi32, #tpu.memory_space<vmem>>
    %dma_wait3A_1466 = arith.constant 0 : i32
    %dma_wait3A_1467 = arith.constant 0 : i32
    %dma_wait3A_1468 = tpu.memref_slice %arg5[%dma_wait3A_1466, %dma_wait3A_1467] : memref<10000x32xf32, #tpu.memory_space<hbm>> -> memref<10000x32xf32, #tpu.memory_space<hbm>>
    tpu.wait_indirect_dma semaphore(%arg17 : memref<!tpu.dma_semaphore, #tpu.memory_space<semaphore_mem>>) src(%dma_wait3A_1468 : memref<10000x32xf32, #tpu.memory_space<hbm>>) dst(%dma_wait3A_1463 : memref<128x32xf32, #tpu.memory_space<vmem>>)
    %dma_wait3A_1469 = arith.constant 0 : i32
    %dma_wait3A_1470 = tpu.memref_slice %arg6[%add3A_1198, %dma_wait3A_1469] : memref<16384x64xf32, #tpu.memory_space<hbm>> -> memref<64x64xf32, #tpu.memory_space<hbm>>
    %dma_wait3A_1471 = arith.constant 0 : i32
    %dma_wait3A_1472 = tpu.memref_slice %arg6[%add3A_1198, %dma_wait3A_1471] : memref<16384x64xf32, #tpu.memory_space<hbm>> -> memref<64x64xf32, #tpu.memory_space<hbm>>
    tpu.wait_dma2 semaphore(%arg19 : memref<!tpu.dma_semaphore, #tpu.memory_space<semaphore_mem>>) src(%arg14 : memref<64x64xf32, #tpu.memory_space<vmem>>) dst(%dma_wait3A_1472 : memref<64x64xf32, #tpu.memory_space<hbm>>)
    %scan3A_1473 = arith.constant 0 : i32
    %scan3A_1474 = arith.constant 0 : i32
    %scan3A_1475 = arith.constant 64 : i32
    %scan3A_1476 = arith.addi %scan3A_1474, %scan3A_1475 : i32
    %scan3A_1477 = arith.constant 1 : i32
    scf.for %scan3A_1493 = %scan3A_1474 to %scan3A_1476 step %scan3A_1477  : i32 {
      %mul3A_1494 = arith.constant 20 : i32
      %mul3A_1495 = arith.muli %scan3A_1493, %mul3A_1494 : i32
      %get3A_1496 = arith.index_cast %mul3A_1495 : i32 to index
      %get3A_1497 = arith.constant 0 : index
      %get3A_1498 = tpu.vector_load %arg12[%get3A_1496, %get3A_1497] {strides = array<i32>} : memref<1280x32xf32, #tpu.memory_space<vmem>>, vector<16xf32>,
      %get3A_1499 = arith.index_cast %mul3A_1495 : i32 to index
      %get3A_1500 = arith.constant 16 : index
      %get3A_1501 = tpu.vector_load %arg12[%get3A_1499, %get3A_1500] {strides = array<i32>} : memref<1280x32xf32, #tpu.memory_space<vmem>>, vector<16xf32>,
      %add3A_1502 = arith.constant 1 : i32
      %add3A_1503 = arith.addi %mul3A_1495, %add3A_1502 : i32
      %get3A_1504 = arith.index_cast %add3A_1503 : i32 to index
      %get3A_1505 = arith.constant 0 : index
      %get3A_1506 = tpu.vector_load %arg12[%get3A_1504, %get3A_1505] {strides = array<i32>} : memref<1280x32xf32, #tpu.memory_space<vmem>>, vector<16xf32>,
      %add3A_1507 = arith.addf %get3A_1498, %get3A_1506 : vector<16xf32>
      %add3A_1508 = arith.constant 1 : i32
      %add3A_1509 = arith.addi %mul3A_1495, %add3A_1508 : i32
      %get3A_1510 = arith.index_cast %add3A_1509 : i32 to index
      %get3A_1511 = arith.constant 16 : index
      %get3A_1512 = tpu.vector_load %arg12[%get3A_1510, %get3A_1511] {strides = array<i32>} : memref<1280x32xf32, #tpu.memory_space<vmem>>, vector<16xf32>,
      %add3A_1513 = arith.addf %get3A_1501, %get3A_1512 : vector<16xf32>
      %add3A_1514 = arith.constant 2 : i32
      %add3A_1515 = arith.addi %mul3A_1495, %add3A_1514 : i32
      %get3A_1516 = arith.index_cast %add3A_1515 : i32 to index
      %get3A_1517 = arith.constant 0 : index
      %get3A_1518 = tpu.vector_load %arg12[%get3A_1516, %get3A_1517] {strides = array<i32>} : memref<1280x32xf32, #tpu.memory_space<vmem>>, vector<16xf32>,
      %add3A_1519 = arith.addf %add3A_1507, %get3A_1518 : vector<16xf32>
      %add3A_1520 = arith.constant 2 : i32
      %add3A_1521 = arith.addi %mul3A_1495, %add3A_1520 : i32
      %get3A_1522 = arith.index_cast %add3A_1521 : i32 to index
      %get3A_1523 = arith.constant 16 : index
      %get3A_1524 = tpu.vector_load %arg12[%get3A_1522, %get3A_1523] {strides = array<i32>} : memref<1280x32xf32, #tpu.memory_space<vmem>>, vector<16xf32>,
      %add3A_1525 = arith.addf %add3A_1513, %get3A_1524 : vector<16xf32>
      %add3A_1526 = arith.constant 3 : i32
      %add3A_1527 = arith.addi %mul3A_1495, %add3A_1526 : i32
      %get3A_1528 = arith.index_cast %add3A_1527 : i32 to index
      %get3A_1529 = arith.constant 0 : index
      %get3A_1530 = tpu.vector_load %arg12[%get3A_1528, %get3A_1529] {strides = array<i32>} : memref<1280x32xf32, #tpu.memory_space<vmem>>, vector<16xf32>,
      %add3A_1531 = arith.addf %add3A_1519, %get3A_1530 : vector<16xf32>
      %add3A_1532 = arith.constant 3 : i32
      %add3A_1533 = arith.addi %mul3A_1495, %add3A_1532 : i32
      %get3A_1534 = arith.index_cast %add3A_1533 : i32 to index
      %get3A_1535 = arith.constant 16 : index
      %get3A_1536 = tpu.vector_load %arg12[%get3A_1534, %get3A_1535] {strides = array<i32>} : memref<1280x32xf32, #tpu.memory_space<vmem>>, vector<16xf32>,
      %add3A_1537 = arith.addf %add3A_1525, %get3A_1536 : vector<16xf32>
      %add3A_1538 = arith.constant 4 : i32
      %add3A_1539 = arith.addi %mul3A_1495, %add3A_1538 : i32
      %get3A_1540 = arith.index_cast %add3A_1539 : i32 to index
      %get3A_1541 = arith.constant 0 : index
      %get3A_1542 = tpu.vector_load %arg12[%get3A_1540, %get3A_1541] {strides = array<i32>} : memref<1280x32xf32, #tpu.memory_space<vmem>>, vector<16xf32>,
      %add3A_1543 = arith.addf %add3A_1531, %get3A_1542 : vector<16xf32>
      %add3A_1544 = arith.constant 4 : i32
      %add3A_1545 = arith.addi %mul3A_1495, %add3A_1544 : i32
      %get3A_1546 = arith.index_cast %add3A_1545 : i32 to index
      %get3A_1547 = arith.constant 16 : index
      %get3A_1548 = tpu.vector_load %arg12[%get3A_1546, %get3A_1547] {strides = array<i32>} : memref<1280x32xf32, #tpu.memory_space<vmem>>, vector<16xf32>,
      %add3A_1549 = arith.addf %add3A_1537, %get3A_1548 : vector<16xf32>
      %add3A_1550 = arith.constant 5 : i32
      %add3A_1551 = arith.addi %mul3A_1495, %add3A_1550 : i32
      %get3A_1552 = arith.index_cast %add3A_1551 : i32 to index
      %get3A_1553 = arith.constant 0 : index
      %get3A_1554 = tpu.vector_load %arg12[%get3A_1552, %get3A_1553] {strides = array<i32>} : memref<1280x32xf32, #tpu.memory_space<vmem>>, vector<16xf32>,
      %add3A_1555 = arith.addf %add3A_1543, %get3A_1554 : vector<16xf32>
      %add3A_1556 = arith.constant 5 : i32
      %add3A_1557 = arith.addi %mul3A_1495, %add3A_1556 : i32
      %get3A_1558 = arith.index_cast %add3A_1557 : i32 to index
      %get3A_1559 = arith.constant 16 : index
      %get3A_1560 = tpu.vector_load %arg12[%get3A_1558, %get3A_1559] {strides = array<i32>} : memref<1280x32xf32, #tpu.memory_space<vmem>>, vector<16xf32>,
      %add3A_1561 = arith.addf %add3A_1549, %get3A_1560 : vector<16xf32>
      %add3A_1562 = arith.constant 6 : i32
      %add3A_1563 = arith.addi %mul3A_1495, %add3A_1562 : i32
      %get3A_1564 = arith.index_cast %add3A_1563 : i32 to index
      %get3A_1565 = arith.constant 0 : index
      %get3A_1566 = tpu.vector_load %arg12[%get3A_1564, %get3A_1565] {strides = array<i32>} : memref<1280x32xf32, #tpu.memory_space<vmem>>, vector<16xf32>,
      %add3A_1567 = arith.addf %add3A_1555, %get3A_1566 : vector<16xf32>
      %add3A_1568 = arith.constant 6 : i32
      %add3A_1569 = arith.addi %mul3A_1495, %add3A_1568 : i32
      %get3A_1570 = arith.index_cast %add3A_1569 : i32 to index
      %get3A_1571 = arith.constant 16 : index
      %get3A_1572 = tpu.vector_load %arg12[%get3A_1570, %get3A_1571] {strides = array<i32>} : memref<1280x32xf32, #tpu.memory_space<vmem>>, vector<16xf32>,
      %add3A_1573 = arith.addf %add3A_1561, %get3A_1572 : vector<16xf32>
      %add3A_1574 = arith.constant 7 : i32
      %add3A_1575 = arith.addi %mul3A_1495, %add3A_1574 : i32
      %get3A_1576 = arith.index_cast %add3A_1575 : i32 to index
      %get3A_1577 = arith.constant 0 : index
      %get3A_1578 = tpu.vector_load %arg12[%get3A_1576, %get3A_1577] {strides = array<i32>} : memref<1280x32xf32, #tpu.memory_space<vmem>>, vector<16xf32>,
      %add3A_1579 = arith.addf %add3A_1567, %get3A_1578 : vector<16xf32>
      %add3A_1580 = arith.constant 7 : i32
      %add3A_1581 = arith.addi %mul3A_1495, %add3A_1580 : i32
      %get3A_1582 = arith.index_cast %add3A_1581 : i32 to index
      %get3A_1583 = arith.constant 16 : index
      %get3A_1584 = tpu.vector_load %arg12[%get3A_1582, %get3A_1583] {strides = array<i32>} : memref<1280x32xf32, #tpu.memory_space<vmem>>, vector<16xf32>,
      %add3A_1585 = arith.addf %add3A_1573, %get3A_1584 : vector<16xf32>
      %add3A_1586 = arith.constant 8 : i32
      %add3A_1587 = arith.addi %mul3A_1495, %add3A_1586 : i32
      %get3A_1588 = arith.index_cast %add3A_1587 : i32 to index
      %get3A_1589 = arith.constant 0 : index
      %get3A_1590 = tpu.vector_load %arg12[%get3A_1588, %get3A_1589] {strides = array<i32>} : memref<1280x32xf32, #tpu.memory_space<vmem>>, vector<16xf32>,
      %add3A_1591 = arith.addf %add3A_1579, %get3A_1590 : vector<16xf32>
      %add3A_1592 = arith.constant 8 : i32
      %add3A_1593 = arith.addi %mul3A_1495, %add3A_1592 : i32
      %get3A_1594 = arith.index_cast %add3A_1593 : i32 to index
      %get3A_1595 = arith.constant 16 : index
      %get3A_1596 = tpu.vector_load %arg12[%get3A_1594, %get3A_1595] {strides = array<i32>} : memref<1280x32xf32, #tpu.memory_space<vmem>>, vector<16xf32>,
      %add3A_1597 = arith.addf %add3A_1585, %get3A_1596 : vector<16xf32>
      %add3A_1598 = arith.constant 9 : i32
      %add3A_1599 = arith.addi %mul3A_1495, %add3A_1598 : i32
      %get3A_1600 = arith.index_cast %add3A_1599 : i32 to index
      %get3A_1601 = arith.constant 0 : index
      %get3A_1602 = tpu.vector_load %arg12[%get3A_1600, %get3A_1601] {strides = array<i32>} : memref<1280x32xf32, #tpu.memory_space<vmem>>, vector<16xf32>,
      %add3A_1603 = arith.addf %add3A_1591, %get3A_1602 : vector<16xf32>
      %add3A_1604 = arith.constant 9 : i32
      %add3A_1605 = arith.addi %mul3A_1495, %add3A_1604 : i32
      %get3A_1606 = arith.index_cast %add3A_1605 : i32 to index
      %get3A_1607 = arith.constant 16 : index
      %get3A_1608 = tpu.vector_load %arg12[%get3A_1606, %get3A_1607] {strides = array<i32>} : memref<1280x32xf32, #tpu.memory_space<vmem>>, vector<16xf32>,
      %add3A_1609 = arith.addf %add3A_1597, %get3A_1608 : vector<16xf32>
      %add3A_1610 = arith.constant 10 : i32
      %add3A_1611 = arith.addi %mul3A_1495, %add3A_1610 : i32
      %get3A_1612 = arith.index_cast %add3A_1611 : i32 to index
      %get3A_1613 = arith.constant 0 : index
      %get3A_1614 = tpu.vector_load %arg12[%get3A_1612, %get3A_1613] {strides = array<i32>} : memref<1280x32xf32, #tpu.memory_space<vmem>>, vector<16xf32>,
      %add3A_1615 = arith.addf %add3A_1603, %get3A_1614 : vector<16xf32>
      %add3A_1616 = arith.constant 10 : i32
      %add3A_1617 = arith.addi %mul3A_1495, %add3A_1616 : i32
      %get3A_1618 = arith.index_cast %add3A_1617 : i32 to index
      %get3A_1619 = arith.constant 16 : index
      %get3A_1620 = tpu.vector_load %arg12[%get3A_1618, %get3A_1619] {strides = array<i32>} : memref<1280x32xf32, #tpu.memory_space<vmem>>, vector<16xf32>,
      %add3A_1621 = arith.addf %add3A_1609, %get3A_1620 : vector<16xf32>
      %add3A_1622 = arith.constant 11 : i32
      %add3A_1623 = arith.addi %mul3A_1495, %add3A_1622 : i32
      %get3A_1624 = arith.index_cast %add3A_1623 : i32 to index
      %get3A_1625 = arith.constant 0 : index
      %get3A_1626 = tpu.vector_load %arg12[%get3A_1624, %get3A_1625] {strides = array<i32>} : memref<1280x32xf32, #tpu.memory_space<vmem>>, vector<16xf32>,
      %add3A_1627 = arith.addf %add3A_1615, %get3A_1626 : vector<16xf32>
      %add3A_1628 = arith.constant 11 : i32
      %add3A_1629 = arith.addi %mul3A_1495, %add3A_1628 : i32
      %get3A_1630 = arith.index_cast %add3A_1629 : i32 to index
      %get3A_1631 = arith.constant 16 : index
      %get3A_1632 = tpu.vector_load %arg12[%get3A_1630, %get3A_1631] {strides = array<i32>} : memref<1280x32xf32, #tpu.memory_space<vmem>>, vector<16xf32>,
      %add3A_1633 = arith.addf %add3A_1621, %get3A_1632 : vector<16xf32>
      %add3A_1634 = arith.constant 12 : i32
      %add3A_1635 = arith.addi %mul3A_1495, %add3A_1634 : i32
      %get3A_1636 = arith.index_cast %add3A_1635 : i32 to index
      %get3A_1637 = arith.constant 0 : index
      %get3A_1638 = tpu.vector_load %arg12[%get3A_1636, %get3A_1637] {strides = array<i32>} : memref<1280x32xf32, #tpu.memory_space<vmem>>, vector<16xf32>,
      %add3A_1639 = arith.addf %add3A_1627, %get3A_1638 : vector<16xf32>
      %add3A_1640 = arith.constant 12 : i32
      %add3A_1641 = arith.addi %mul3A_1495, %add3A_1640 : i32
      %get3A_1642 = arith.index_cast %add3A_1641 : i32 to index
      %get3A_1643 = arith.constant 16 : index
      %get3A_1644 = tpu.vector_load %arg12[%get3A_1642, %get3A_1643] {strides = array<i32>} : memref<1280x32xf32, #tpu.memory_space<vmem>>, vector<16xf32>,
      %add3A_1645 = arith.addf %add3A_1633, %get3A_1644 : vector<16xf32>
      %add3A_1646 = arith.constant 13 : i32
      %add3A_1647 = arith.addi %mul3A_1495, %add3A_1646 : i32
      %get3A_1648 = arith.index_cast %add3A_1647 : i32 to index
      %get3A_1649 = arith.constant 0 : index
      %get3A_1650 = tpu.vector_load %arg12[%get3A_1648, %get3A_1649] {strides = array<i32>} : memref<1280x32xf32, #tpu.memory_space<vmem>>, vector<16xf32>,
      %add3A_1651 = arith.addf %add3A_1639, %get3A_1650 : vector<16xf32>
      %add3A_1652 = arith.constant 13 : i32
      %add3A_1653 = arith.addi %mul3A_1495, %add3A_1652 : i32
      %get3A_1654 = arith.index_cast %add3A_1653 : i32 to index
      %get3A_1655 = arith.constant 16 : index
      %get3A_1656 = tpu.vector_load %arg12[%get3A_1654, %get3A_1655] {strides = array<i32>} : memref<1280x32xf32, #tpu.memory_space<vmem>>, vector<16xf32>,
      %add3A_1657 = arith.addf %add3A_1645, %get3A_1656 : vector<16xf32>
      %add3A_1658 = arith.constant 14 : i32
      %add3A_1659 = arith.addi %mul3A_1495, %add3A_1658 : i32
      %get3A_1660 = arith.index_cast %add3A_1659 : i32 to index
      %get3A_1661 = arith.constant 0 : index
      %get3A_1662 = tpu.vector_load %arg12[%get3A_1660, %get3A_1661] {strides = array<i32>} : memref<1280x32xf32, #tpu.memory_space<vmem>>, vector<16xf32>,
      %add3A_1663 = arith.addf %add3A_1651, %get3A_1662 : vector<16xf32>
      %add3A_1664 = arith.constant 14 : i32
      %add3A_1665 = arith.addi %mul3A_1495, %add3A_1664 : i32
      %get3A_1666 = arith.index_cast %add3A_1665 : i32 to index
      %get3A_1667 = arith.constant 16 : index
      %get3A_1668 = tpu.vector_load %arg12[%get3A_1666, %get3A_1667] {strides = array<i32>} : memref<1280x32xf32, #tpu.memory_space<vmem>>, vector<16xf32>,
      %add3A_1669 = arith.addf %add3A_1657, %get3A_1668 : vector<16xf32>
      %add3A_1670 = arith.constant 15 : i32
      %add3A_1671 = arith.addi %mul3A_1495, %add3A_1670 : i32
      %get3A_1672 = arith.index_cast %add3A_1671 : i32 to index
      %get3A_1673 = arith.constant 0 : index
      %get3A_1674 = tpu.vector_load %arg12[%get3A_1672, %get3A_1673] {strides = array<i32>} : memref<1280x32xf32, #tpu.memory_space<vmem>>, vector<16xf32>,
      %add3A_1675 = arith.addf %add3A_1663, %get3A_1674 : vector<16xf32>
      %add3A_1676 = arith.constant 15 : i32
      %add3A_1677 = arith.addi %mul3A_1495, %add3A_1676 : i32
      %get3A_1678 = arith.index_cast %add3A_1677 : i32 to index
      %get3A_1679 = arith.constant 16 : index
      %get3A_1680 = tpu.vector_load %arg12[%get3A_1678, %get3A_1679] {strides = array<i32>} : memref<1280x32xf32, #tpu.memory_space<vmem>>, vector<16xf32>,
      %add3A_1681 = arith.addf %add3A_1669, %get3A_1680 : vector<16xf32>
      %add3A_1682 = arith.constant 16 : i32
      %add3A_1683 = arith.addi %mul3A_1495, %add3A_1682 : i32
      %get3A_1684 = arith.index_cast %add3A_1683 : i32 to index
      %get3A_1685 = arith.constant 0 : index
      %get3A_1686 = tpu.vector_load %arg12[%get3A_1684, %get3A_1685] {strides = array<i32>} : memref<1280x32xf32, #tpu.memory_space<vmem>>, vector<16xf32>,
      %add3A_1687 = arith.addf %add3A_1675, %get3A_1686 : vector<16xf32>
      %add3A_1688 = arith.constant 16 : i32
      %add3A_1689 = arith.addi %mul3A_1495, %add3A_1688 : i32
      %get3A_1690 = arith.index_cast %add3A_1689 : i32 to index
      %get3A_1691 = arith.constant 16 : index
      %get3A_1692 = tpu.vector_load %arg12[%get3A_1690, %get3A_1691] {strides = array<i32>} : memref<1280x32xf32, #tpu.memory_space<vmem>>, vector<16xf32>,
      %add3A_1693 = arith.addf %add3A_1681, %get3A_1692 : vector<16xf32>
      %add3A_1694 = arith.constant 17 : i32
      %add3A_1695 = arith.addi %mul3A_1495, %add3A_1694 : i32
      %get3A_1696 = arith.index_cast %add3A_1695 : i32 to index
      %get3A_1697 = arith.constant 0 : index
      %get3A_1698 = tpu.vector_load %arg12[%get3A_1696, %get3A_1697] {strides = array<i32>} : memref<1280x32xf32, #tpu.memory_space<vmem>>, vector<16xf32>,
      %add3A_1699 = arith.addf %add3A_1687, %get3A_1698 : vector<16xf32>
      %add3A_1700 = arith.constant 17 : i32
      %add3A_1701 = arith.addi %mul3A_1495, %add3A_1700 : i32
      %get3A_1702 = arith.index_cast %add3A_1701 : i32 to index
      %get3A_1703 = arith.constant 16 : index
      %get3A_1704 = tpu.vector_load %arg12[%get3A_1702, %get3A_1703] {strides = array<i32>} : memref<1280x32xf32, #tpu.memory_space<vmem>>, vector<16xf32>,
      %add3A_1705 = arith.addf %add3A_1693, %get3A_1704 : vector<16xf32>
      %add3A_1706 = arith.constant 18 : i32
      %add3A_1707 = arith.addi %mul3A_1495, %add3A_1706 : i32
      %get3A_1708 = arith.index_cast %add3A_1707 : i32 to index
      %get3A_1709 = arith.constant 0 : index
      %get3A_1710 = tpu.vector_load %arg12[%get3A_1708, %get3A_1709] {strides = array<i32>} : memref<1280x32xf32, #tpu.memory_space<vmem>>, vector<16xf32>,
      %add3A_1711 = arith.addf %add3A_1699, %get3A_1710 : vector<16xf32>
      %add3A_1712 = arith.constant 18 : i32
      %add3A_1713 = arith.addi %mul3A_1495, %add3A_1712 : i32
      %get3A_1714 = arith.index_cast %add3A_1713 : i32 to index
      %get3A_1715 = arith.constant 16 : index
      %get3A_1716 = tpu.vector_load %arg12[%get3A_1714, %get3A_1715] {strides = array<i32>} : memref<1280x32xf32, #tpu.memory_space<vmem>>, vector<16xf32>,
      %add3A_1717 = arith.addf %add3A_1705, %get3A_1716 : vector<16xf32>
      %add3A_1718 = arith.constant 19 : i32
      %add3A_1719 = arith.addi %mul3A_1495, %add3A_1718 : i32
      %get3A_1720 = arith.index_cast %add3A_1719 : i32 to index
      %get3A_1721 = arith.constant 0 : index
      %get3A_1722 = tpu.vector_load %arg12[%get3A_1720, %get3A_1721] {strides = array<i32>} : memref<1280x32xf32, #tpu.memory_space<vmem>>, vector<16xf32>,
      %add3A_1723 = arith.addf %add3A_1711, %get3A_1722 : vector<16xf32>
      %add3A_1724 = arith.constant 19 : i32
      %add3A_1725 = arith.addi %mul3A_1495, %add3A_1724 : i32
      %get3A_1726 = arith.index_cast %add3A_1725 : i32 to index
      %get3A_1727 = arith.constant 16 : index
      %get3A_1728 = tpu.vector_load %arg12[%get3A_1726, %get3A_1727] {strides = array<i32>} : memref<1280x32xf32, #tpu.memory_space<vmem>>, vector<16xf32>,
      %add3A_1729 = arith.addf %add3A_1717, %get3A_1728 : vector<16xf32>
      %mul3A_1730 = arith.constant 20 : i32
      %mul3A_1731 = arith.muli %scan3A_1493, %mul3A_1730 : i32
      %add3A_1732 = arith.constant 8960 : i32
      %add3A_1733 = arith.addi %add3A_1732, %mul3A_1731 : i32
      %get3A_1734 = arith.index_cast %add3A_1733 : i32 to index
      %get3A_1735 = tpu.vector_load %arg8[%get3A_1734] {strides = array<i32>} : memref<10240xi32, #tpu.memory_space<vmem>>, vector<16xi32>,
      %add3A_1736 = arith.constant 4 : i32
      %add3A_1737 = arith.addi %add3A_1733, %add3A_1736 : i32
      %get3A_1738 = arith.index_cast %add3A_1737 : i32 to index
      %get3A_1739 = tpu.vector_load %arg8[%get3A_1738] {strides = array<i32>} : memref<10240xi32, #tpu.memory_space<vmem>>, vector<16xi32>,
      %eq3A = arith.constant 0 : i32
      %eq3A_1740 = vector.broadcast %eq3A : i32 to vector<16xi32>
      %eq3A_1741 = arith.cmpi eq, %get3A_1735, %eq3A_1740 : vector<16xi32>
      %all_reduce_population_count3A = tpu.all_reduce %eq3A_1741 {dim = 0 : i64, kind = #tpu.reduction_kind<sum>} : vector<16xi1> -> vector<16xi32>
      %eq3A_1742 = arith.constant 0 : i32
      %eq3A_1743 = vector.broadcast %eq3A_1742 : i32 to vector<16xi32>
      %eq3A_1744 = arith.cmpi eq, %get3A_1739, %eq3A_1743 : vector<16xi32>
      %and3A = arith.andi %eq3A_1744, %ge3A_126 : vector<16xi1>
      %all_reduce_population_count3A_1745 = tpu.all_reduce %and3A {dim = 0 : i64, kind = #tpu.reduction_kind<sum>} : vector<16xi1> -> vector<16xi32>
      %add3A_1746 = arith.addi %all_reduce_population_count3A, %all_reduce_population_count3A_1745 : vector<16xi32>
      %convert_element_type3A = arith.sitofp %add3A_1746 : vector<16xi32> to vector<16xf32>
      %sub3A = arith.constant 2.000000e+01 : f32
      %sub3A_1747 = vector.broadcast %sub3A : f32 to vector<16xf32>
      %sub3A_1748 = arith.subf %sub3A_1747, %convert_element_type3A : vector<16xf32>
      %max3A = arith.constant 1.000000e+00 : f32
      %max3A_1749 = vector.broadcast %max3A : f32 to vector<16xf32>
      %max3A_1750 = arith.maximumf %sub3A_1748, %max3A_1749 : vector<16xf32>
      %div3A = arith.constant 1.000000e+00 : f32
      %div3A_1751 = vector.broadcast %div3A : f32 to vector<16xf32>
      %div3A_1752 = arith.divf %div3A_1751, %max3A_1750 : vector<16xf32>
      %add3A_1753 = arith.constant 448 : i32
      %add3A_1754 = arith.addi %add3A_1753, %scan3A_1493 : i32
      %get3A_1755 = arith.index_cast %add3A_1754 : i32 to index
      %get3A_1756 = arith.constant 0 : index
      %get3A_1757 = tpu.vector_load %arg10[%get3A_1755, %get3A_1756] {strides = array<i32>} : memref<512x32xf32, #tpu.memory_space<vmem>>, vector<16xf32>,
      %swap3A = arith.index_cast %scan3A_1493 : i32 to index
      %swap3A_1758 = arith.constant 0 : index
      %swap3A_1759 = tpu.vector_load %arg14[%swap3A, %swap3A_1758] {strides = array<i32>} : memref<64x64xf32, #tpu.memory_space<vmem>>, vector<16xf32>,
      tpu.vector_store %arg14[%swap3A, %swap3A_1758], %get3A_1757 {strides = array<i32>} : memref<64x64xf32, #tpu.memory_space<vmem>>, vector<16xf32>,
      %add3A_1760 = arith.constant 448 : i32
      %add3A_1761 = arith.addi %add3A_1760, %scan3A_1493 : i32
      %get3A_1762 = arith.index_cast %add3A_1761 : i32 to index
      %get3A_1763 = arith.constant 16 : index
      %get3A_1764 = tpu.vector_load %arg10[%get3A_1762, %get3A_1763] {strides = array<i32>} : memref<512x32xf32, #tpu.memory_space<vmem>>, vector<16xf32>,
      %swap3A_1765 = arith.index_cast %scan3A_1493 : i32 to index
      %swap3A_1766 = arith.constant 16 : index
      %swap3A_1767 = tpu.vector_load %arg14[%swap3A_1765, %swap3A_1766] {strides = array<i32>} : memref<64x64xf32, #tpu.memory_space<vmem>>, vector<16xf32>,
      tpu.vector_store %arg14[%swap3A_1765, %swap3A_1766], %get3A_1764 {strides = array<i32>} : memref<64x64xf32, #tpu.memory_space<vmem>>, vector<16xf32>,
      %mul3A_1768 = arith.mulf %convert_element_type3A, %get3A_122 : vector<16xf32>
      %sub3A_1769 = arith.subf %add3A_1723, %mul3A_1768 : vector<16xf32>
      %mul3A_1770 = arith.mulf %sub3A_1769, %div3A_1752 : vector<16xf32>
      %swap3A_1771 = arith.index_cast %scan3A_1493 : i32 to index
      %swap3A_1772 = arith.constant 32 : index
      %swap3A_1773 = tpu.vector_load %arg14[%swap3A_1771, %swap3A_1772] {strides = array<i32>} : memref<64x64xf32, #tpu.memory_space<vmem>>, vector<16xf32>,
      tpu.vector_store %arg14[%swap3A_1771, %swap3A_1772], %mul3A_1770 {strides = array<i32>} : memref<64x64xf32, #tpu.memory_space<vmem>>, vector<16xf32>,
      %mul3A_1774 = arith.mulf %convert_element_type3A, %get3A_124 : vector<16xf32>
      %sub3A_1775 = arith.subf %add3A_1729, %mul3A_1774 : vector<16xf32>
      %mul3A_1776 = arith.mulf %sub3A_1775, %div3A_1752 : vector<16xf32>
      %swap3A_1777 = arith.index_cast %scan3A_1493 : i32 to index
      %swap3A_1778 = arith.constant 48 : index
      %swap3A_1779 = tpu.vector_load %arg14[%swap3A_1777, %swap3A_1778] {strides = array<i32>} : memref<64x64xf32, #tpu.memory_space<vmem>>, vector<16xf32>,
      tpu.vector_store %arg14[%swap3A_1777, %swap3A_1778], %mul3A_1776 {strides = array<i32>} : memref<64x64xf32, #tpu.memory_space<vmem>>, vector<16xf32>,
    }
    %scan3A_1478 = arith.constant 64 : i32
    %add3A_1479 = arith.constant 448 : i32
    %add3A_1480 = arith.addi %mul3A_2, %add3A_1479 : i32
    %dma_start3A_1481 = arith.constant 0 : i32
    %dma_start3A_1482 = tpu.memref_slice %arg6[%add3A_1480, %dma_start3A_1481] : memref<16384x64xf32, #tpu.memory_space<hbm>> -> memref<64x64xf32, #tpu.memory_space<hbm>>
    %dma_start3A_1483 = arith.constant 0 : i32
    %dma_start3A_1484 = tpu.memref_slice %arg6[%add3A_1480, %dma_start3A_1483] : memref<16384x64xf32, #tpu.memory_space<hbm>> -> memref<64x64xf32, #tpu.memory_space<hbm>>
    tpu.enqueue_dma source(%arg14 : memref<64x64xf32, #tpu.memory_space<vmem>>) target(%dma_start3A_1484 : memref<64x64xf32, #tpu.memory_space<hbm>>) target_semaphore(%arg19 : memref<!tpu.dma_semaphore, #tpu.memory_space<semaphore_mem>>)
    %dma_wait3A_1485 = arith.constant 0 : i32
    %dma_wait3A_1486 = tpu.memref_slice %arg6[%add3A_1384, %dma_wait3A_1485] : memref<16384x64xf32, #tpu.memory_space<hbm>> -> memref<64x64xf32, #tpu.memory_space<hbm>>
    %dma_wait3A_1487 = arith.constant 0 : i32
    %dma_wait3A_1488 = tpu.memref_slice %arg6[%add3A_1384, %dma_wait3A_1487] : memref<16384x64xf32, #tpu.memory_space<hbm>> -> memref<64x64xf32, #tpu.memory_space<hbm>>
    tpu.wait_dma2 semaphore(%arg18 : memref<!tpu.dma_semaphore, #tpu.memory_space<semaphore_mem>>) src(%arg13 : memref<64x64xf32, #tpu.memory_space<vmem>>) dst(%dma_wait3A_1488 : memref<64x64xf32, #tpu.memory_space<hbm>>)
    %dma_wait3A_1489 = arith.constant 0 : i32
    %dma_wait3A_1490 = tpu.memref_slice %arg6[%add3A_1480, %dma_wait3A_1489] : memref<16384x64xf32, #tpu.memory_space<hbm>> -> memref<64x64xf32, #tpu.memory_space<hbm>>
    %dma_wait3A_1491 = arith.constant 0 : i32
    %dma_wait3A_1492 = tpu.memref_slice %arg6[%add3A_1480, %dma_wait3A_1491] : memref<16384x64xf32, #tpu.memory_space<hbm>> -> memref<64x64xf32, #tpu.memory_space<hbm>>
    tpu.wait_dma2 semaphore(%arg19 : memref<!tpu.dma_semaphore, #tpu.memory_space<semaphore_mem>>) src(%arg14 : memref<64x64xf32, #tpu.memory_space<vmem>>) dst(%dma_wait3A_1492 : memref<64x64xf32, #tpu.memory_space<hbm>>)
    return
  }
}

</mosaic_0001>

<sc_bundles>
// kernel: kernel.3.cloned.1.call-start
scs
__scs_entry_jumppad:
0x0: {  	(pc) =	sbr.rel $0x88, $3  }
0x1: {  	(tag) =	ssettag $0x0;
	lr =	simm.s32 $0x1  }
0x2: {  	[smem:$0x3F9D] =	sst lr;
	_ =	strace $0xD0000000  }
0x3: {  	_ = 	snop  }
0x4: {  	_ = 	snop  }
0x5: {  	_ = 	snop  }
0x6: {  	_ = 	snop  }
0x7: {  	_ = 	snop  }
__scs_overlays_trampoline_lowered:
0x8: {  	[smem:$0x3FAC] =	sst s0  }
0x9: {  	[smem:$0x3FAD] =	sst s1  }
0xa: {  	[smem:$0x3FAE] =	sst s2  }
0xb: {  	[smem:$0x3FAF] =	sst s3  }
0xc: {  	[smem:$0x3FB0] =	sst s4  }
0xd: {  	[smem:$0x3FB1] =	sst s5  }
0xe: {  	[smem:$0x3FB2] =	sst s6  }
0xf: {  	[smem:$0x3FB3] =	sst s7  }
0x10: {  	[smem:$0x3FB4] =	sst s8  }
0x11: {  	[smem:$0x3FB5] =	sst s9;
	s0 =	simm.s32 @!p0 $0x0  }
0x12: {  	s1 =	sld [smem:$0x3F9B];
	s0 =	simm.s32 @p0 $0x1  }
0x13: {  	[smem:$0x3FB6] =	sst s0;
	s0 =	simm.s32 @!p1 $0x0  }
0x14: {  	s2 =	sld [smem:$0x3F9A];
	s0 =	simm.s32 @p1 $0x1  }
0x15: {  	[smem:$0x3FB7] =	sst s0;
	s0 =	simm.s32 @!p2 $0x0  }
0x16: {  	s3 =	sld [smem:$0x3FDB];
	s0 =	simm.s32 @p2 $0x1  }
0x17: {  	s4 =	simm.s32 $0x1BF5;
	[smem:$0x3FB9] =	sst s0  }
0x18: {  	s0 =	sld [smem:$0x3F9C];
	_ =	swait.ge [sflag:s4], $0x0  }
0x19: {  	s7 =	sld [smem:$0x3F9D]  }
0x1a: {  	s8 =	sadd.s32 $0xFFFFE003, lr  }
0x1b: {  	s9 =	sadd.s32 $0xFFFFFEF7, lr;
	s5 =	simm.s32 $0xFFFFFFFF;
	p2 =	slt.u32 s8, $0xFFFFF086  }
0x1c: {  	p1 =	slt.u32 s9, $0xF7A;
	s5 =	simm.s32 @!p2 $0x0  }
0x1d: {  	s5 =	simm.s32 @p1 $0x1;
	p0 =	seq.s32 s7, s2  }
0x1e: {  	s7 =	smul.u32 @!p0 $0xF7A, s2;
	p2 =	seq.s32 @!p0 s5, $0x0  }
0x1f: {  	s9 =	smul.u32 $0xF7A, s1;
	s8 =	simm.s32 @!p0 $0x1BF5;
	p2 =	por !p2, p0  }
0x20: {  	[sflag:s8] =	ssyncset.s32 @!p0 $0xFFFFF086;
	s6 =	sadd.s32 @!p0 s3, s7;
	s7 =	simm.s32 @!p0 $0x108  }
0x21: {  	s3 =	sadd.s32 s3, s9;
	s6 =	sadd.s32 @!p0 $0x88, s6;
	s7 =	simm.s32 @p2 $0x1082  }
0x22: {  	[simem:s7], [sflag:s8] =	dma.local @!p0 [hbm:s6], $0xF7A  }
0x23: {  	s9 =	sor.u32 $0xD0000000, s2;
	s6 =	simm.s32 $0x108;
	_ =	swait.ge @!p0 [sflag:s8], $0x0  }
0x24: {  	s3 =	sadd.s32 $0x88, s3;
	s6 =	simm.s32 @!p1 $0x1082;
	[sflag:s4] =	ssyncset.s32 $0xFFFFF086  }
0x25: {  	[simem:s6], [sflag:s4] =	dma.local [hbm:s3], $0xF7A  }
0x26: {  	[smem:$0x3F9D] =	sst s1;
	(tag) =	ssettag s2;
	_ =	strace s9  }
0x27: {  	s1 =	sld [smem:$0x3FAD]  }
0x28: {  	s2 =	sld [smem:$0x3FAE]  }
0x29: {  	s4 =	sld [smem:$0x3FB0]  }
0x2a: {  	p0 =	seq.s32 s5, $0x0;
	s5 =	sld [smem:$0x3FB1]  }
0x2b: {  	s6 =	sld [smem:$0x3FB2]  }
0x2c: {  	s7 =	sld [smem:$0x3FB3]  }
0x2d: {  	s3 =	simm.s32 $0x108;
	s8 =	sld [smem:$0x3FB4]  }
0x2e: {  	s3 =	simm.s32 @!p0 $0x1082;
	s9 =	sld [smem:$0x3FB5]  }
0x2f: {  	lr =	sadd.s32 s0, s3;
	s0 =	sld [smem:$0x3FAC]  }
0x30: {  	s3 =	sld [smem:$0x3FAF]  }
0x31: {  	[smem:$0x3FB8] =	sst s10  }
0x32: {  	s10 =	sld [smem:$0x3FB6];
	_ =	sdelay $0x3  }
0x33: {  	p0 =	seq.s32 s10, $0x1;
	s10 =	sld [smem:$0x3FB8];
	_ =	sdelay $0x3  }
0x34: {  	[smem:$0x3FB8] =	sst s10  }
0x35: {  	s10 =	sld [smem:$0x3FB7];
	_ =	sdelay $0x3  }
0x36: {  	p1 =	seq.s32 s10, $0x1;
	s10 =	sld [smem:$0x3FB8];
	_ =	sdelay $0x3  }
0x37: {  	[smem:$0x3FB8] =	sst s10  }
0x38: {  	s10 =	sld [smem:$0x3FB9]  }
0x39: {  	_ = 	snop;
	(pc) =	sbr.ind lr, $3  }
0x3a: {  	_ = 	snop  }
0x3b: {  	_ = 	snop  }
0x3c: {  	p2 =	seq.s32 s10, $0x1;
	s10 =	sld [smem:$0x3FB8]  }
0x3d: {  	_ =	shalt  }
0x3e: {  	_ =	shalt  }
0x3f: {  	_ =	shalt  }
0x40: {  	_ =	shalt  }
0x41: {  	_ =	shalt  }
0x42: {  	_ =	shalt  }
0x43: {  	_ =	shalt  }
0x44: {  	_ =	shalt  }
0x45: {  	_ =	shalt  }
0x46: {  	_ =	shalt  }
0x47: {  	_ =	shalt  }
0x48: {  	_ =	shalt  }
0x49: {  	_ =	shalt  }
0x4a: {  	_ =	shalt  }
0x4b: {  	_ =	shalt  }
0x4c: {  	_ =	shalt  }
0x4d: {  	_ =	shalt  }
0x4e: {  	_ =	shalt  }
0x4f: {  	_ =	shalt  }
0x50: {  	_ =	shalt  }
0x51: {  	_ =	shalt  }
0x52: {  	_ =	shalt  }
0x53: {  	_ =	shalt  }
0x54: {  	_ =	shalt  }
0x55: {  	_ =	shalt  }
0x56: {  	_ =	shalt  }
0x57: {  	_ =	shalt  }
0x58: {  	_ =	shalt  }
0x59: {  	_ =	shalt  }
0x5a: {  	_ =	shalt  }
0x5b: {  	_ =	shalt  }
0x5c: {  	_ =	shalt  }
0x5d: {  	_ =	shalt  }
0x5e: {  	_ =	shalt  }
0x5f: {  	_ =	shalt  }
0x60: {  	_ =	shalt  }
0x61: {  	_ =	shalt  }
0x62: {  	_ =	shalt  }
0x63: {  	_ =	shalt  }
0x64: {  	_ =	shalt  }
0x65: {  	_ =	shalt  }
0x66: {  	_ =	shalt  }
0x67: {  	_ =	shalt  }
0x68: {  	_ =	shalt  }
0x69: {  	_ =	shalt  }
0x6a: {  	_ =	shalt  }
0x6b: {  	_ =	shalt  }
0x6c: {  	_ =	shalt  }
0x6d: {  	_ =	shalt  }
0x6e: {  	_ =	shalt  }
0x6f: {  	_ =	shalt  }
0x70: {  	_ =	shalt  }
0x71: {  	_ =	shalt  }
0x72: {  	_ =	shalt  }
0x73: {  	_ =	shalt  }
0x74: {  	_ =	shalt  }
0x75: {  	_ =	shalt  }
0x76: {  	_ =	shalt  }
0x77: {  	_ =	shalt  }
0x78: {  	_ =	shalt  }
0x79: {  	_ =	shalt  }
0x7a: {  	_ =	shalt  }
0x7b: {  	_ =	shalt  }
0x7c: {  	_ =	shalt  }
0x7d: {  	_ =	shalt  }
0x7e: {  	_ =	shalt  }
0x7f: {  	_ =	shalt  }
0x80: {  	_ =	shalt  }
0x81: {  	_ =	shalt  }
0x82: {  	_ =	shalt  }
0x83: {  	_ =	shalt  }
0x84: {  	_ =	shalt  }
0x85: {  	_ =	shalt  }
0x86: {  	_ =	shalt  }
0x87: {  	_ =	shalt  }
.Lfunc_end0:
.L_simem_size_0:
called_computation_lowered:
.L_overlay_start_0:
0x88: {  	s2 =	sld [smem:$0x3FD9]  }
0x89: {  	s3 =	sld [smem:$0x3FFE];
	_ =	sdelay $0x1  }
0x8a: {  	s1 =	srdreg.scid  }
0x8b: {  	s0 =	sand.u32 $0x1, s1  }
0x8c: {  	s17 =	sshll.u32 s0, $0xA;
	s2 =	sadd.s32 s3, s2  }
0x8d: {  	s2 =	sadd.s32 s2, s17  }
0x8e: {  	[smem:$0x3FC4] =	sst s2  }
0x8f: {  	_ = 	snop  }
0x90: {  	s2 =	sld [smem:$0x3FC9]  }
0x91: {  	s18 =	sld [smem:$0x3FD0];
	(tm) =	ssettm $0x1  }
0x92: {  	s4 =	sld [smem:$0x3FFB];
	_ =	sdelay $0x3  }
0x93: {  	_ =	strace s4  }
0x94: {  	s4 =	sld [smem:$0x3FFC];
	_ =	sdelay $0x3  }
0x95: {  	_ =	strace s4  }
0x96: {  	s4 =	sld [smem:$0x3FFD];
	_ =	sdelay $0x3  }
0x97: {  	_ =	strace s4  }
0x98: {  	_ =	strace $0x8FFFFFFF  }
0x99: {  	s19 =	sld [smem:$0x3FDB];
	_ =	sdelay $0x1  }
0x9a: {  	s5 =	simm.s32 $_scs_section_size  }
0x9b: {  	s6 =	simm.s32 $_size__tile_overlayer_lowered;
	s7 =	simm.s32 $_tile_overlayer_lowered  }
0x9c: {  	s22 =	simm.s32 $0x1BFF;
	s21 =	sshll.u32 s7, $0x1;
	s4 =	sadd.s32 s5, s19  }
0x9d: {  	s8 =	simm.s32 $0x0;
	s20 =	sshll.u32 s6, $0x1;
	s6 =	sadd.s32 s21, s4  }
0x9e: {  	[timem:s8], [sflag:s22] =	dma.local [hbm:s6], s20  }
0x9f: {  	_ =	swait.ge [sflag:s22], s20  }
0xa0: {  	s5 =	ssub.s32 $0x0, s20;
	[sflag:s22] =	ssyncset.done $0x0  }
0xa1: {  	[sflag:s22] =	ssyncadd.s32 s5;
	_ =	sdelay $0x1  }
0xa2: {  	s23 =	simm.s32 $0x1B8B  }
0xa3: {  	_ =	swait.ge [sflag:s23], $0x1  }
0xa4: {  	[sflag:s23] =	ssyncset.done $0x0  }
0xa5: {  	s25 =	simm.s32 $0x1B8E;
	s24 =	sld [smem:$0x3FFE];
	[sflag:s23] =	ssyncadd.s32 $0xFFFFFFFF  }
0xa6: {  	s26 =	simm.s32 $execute0_lowered;
	[smem:$0x3FD2] =	sst s25  }
0xa7: {  	s6 =	sshll.u32 s26, $0x1;
	_ =	strace $0x80000046;
	[dreg:$0x1] =	wrdreg $0xFFFFFFFF  }
0xa8: {  	s28 =	simm.s32 $_size_execute0_lowered;
	s4 =	sadd.s32 s4, s6;
	[dreg:$0x0] =	wrdreg $0x0  }
0xa9: {  	s6 =	sshll.u32 s28, $0x1;
	[dreg:$0x2] =	wrdreg s4  }
0xaa: {  	[dreg:$0x3] =	wrdreg s6  }
0xab: {  	[dreg:$0x4] =	wrdreg $0xC0  }
0xac: {  	_ =	task [dreg:s8], $0x5FFFF  }
0xad: {  	[dreg:$0x1] =	wrdreg $0xFFFFFFFF  }
0xae: {  	[dreg:$0x0] =	wrdreg $0x60  }
0xaf: {  	[dreg:$0x2] =	wrdreg s2  }
0xb0: {  	[dreg:$0x3] =	wrdreg s24  }
0xb1: {  	[dreg:$0x4] =	wrdreg s18  }
0xb2: {  	[dreg:$0x5] =	wrdreg $0x9  }
0xb3: {  	_ =	task.clear_ibuf [dreg:s8], $0x6FFFF;
	_ =	strace $0x90000046  }
0xb4: {  	s29 =	simm.s32 $0x9;
	_ =	strace $0x80000048  }
0xb5: {  	_ =	swait.ge [sflag:s29], $0x1  }
0xb6: {  	[sflag:s29] =	ssyncadd.s32 $0xFFFFFFFF  }
0xb7: {  	_ =	strace $0x90000048  }
0xb8: {  	_ =	sfence  }
0xb9: {  	s30 =	sld [smem:$0x0];
	_ =	sdelay $0x2  }
0xba: {  	s31 =	sshll.u32 s1, $0xD;
	s1 =	sshrl.u32 s1, $0x2  }
0xbb: {  	s3 =	sand.u32 $0x4000, s31;
	s1 =	sadd.s32 s1, s30  }
0xbc: {  	s0 =	sor.u32 s3, s0;
	s1 =	sshll.u32 s1, $0x11  }
0xbd: {  	s0 =	sor.u32 s1, s0  }
0xbe: {  	s0 =	sadd.s32 $0x8F2B, s0  }
0xbf: {  	[sflag:s0] =	ssyncadd.remote.s32 $0x1  }
0xc0: {  	_ =	sfence.sel $0xFFFF  }
0xc1: {  	[dreg:$0x0] =	wrdreg $0xFFFFFFFF;
	(pc) =	sbr.abs _section_cstart, $3  }
0xc2: {  	[dreg:$0x1] =	wrdreg $0xFFFFFFFF  }
0xc3: {  	_ =	task.clear_ibuf [dreg:s8], $0x2FFFF;
	_ =	strace $0x9FFFFFFF  }
0xc4: {  	(tm) =	ssettm $0x7FFFFFFF  }
0xc5: {  	_ =	shalt  }
tec
execute0_lowered:
.L_overlay_start_1:
0x0: {  	(tag) =	ssettag $0x1  }
0x1: {  	s0 =	rddreg [dreg:$0x0];
	s1 =	srdreg.scid  }
0x2: {  	s2 =	stileid.u32;
	s4 =	rddreg [dreg:$0x1]  }
0x3: {  	s5 =	rddreg [dreg:$0x2];
	s16 =	simm.s32 $0x6;
	s19 =	simm.s32 $0x80  }
0x4: {  	s18 =	simm.s32 $0x11A20;
	s30 =	simm.s32 $0x12A20;
	s17 =	simm.s32 $0x14A20  }
0x5: {  	s10 =	simm.s32 $0x19A20;
	s11 =	simm.s32 $0x2;
	s12 =	simm.s32 $0x1  }
0x6: {  	s13 =	simm.s32 $0x1AA20;
	s14 =	simm.s32 $0x3;
	s15 =	simm.s32 $0x1BA20  }
0x7: {  	s29 =	simm.s32 $0x0;
	s1 =	sand.u32 $0x1, s1;
	s2 =	sshll.u32 s2, $0x1  }
0x8: {  	s6 =	sor.u32 s1, s2;
	s2 =	simm.s32 $0x0;
	s1 =	ssub.s32 $0x2, s1  }
0x9: {  	s3 =	smul.u32 $0x500, s6;
	[smem:$0x7FF] =	sst s2;
	s9 =	sshll.u32 s6, $0x6  }
0xa: {  	s8 =	sshrl.u32 s1, $0x1;
	s6 =	sshll.u32 s6, $0xC;
	s0 =	sadd.s32 s0, s9  }
0xb: {  	_ =	strace $0x80000047;
	s20 =	sadd.s32 s5, s6;
	[dreg:$0x4] =	wrdreg s0  }
0xc: {  	s1 =	ssub.s32 s1, s8;
	s22 =	sadd.s32 $0x200, s20;
	[dreg:$0x5] =	wrdreg s20  }
0xd: {  	s5 =	simm.s32 $0x15A20;
	s23 =	sadd.s32 $0x400, s20;
	[dreg:$0x7] =	wrdreg s22  }
0xe: {  	s8 =	simm.s32 $0x17A20;
	s24 =	sadd.s32 $0x600, s20;
	[dreg:$0x8] =	wrdreg s23  }
0xf: {  	s9 =	simm.s32 $0x18A20;
	s25 =	sadd.s32 $0x800, s20;
	[dreg:$0x9] =	wrdreg s24  }
0x10: {  	s6 =	simm.s32 $0x4;
	s26 =	sadd.s32 $0xA00, s20;
	[dreg:$0xa] =	wrdreg s25  }
0x11: {  	s7 =	sadd.s32 s3, s4;
	s28 =	sadd.s32 $0xC00, s20;
	[dreg:$0xb] =	wrdreg s26  }
0x12: {  	s3 =	sadd.s32 $0x187400, s4;
	s0 =	sadd.s32 $0xE00, s20;
	[dreg:$0xc] =	wrdreg s28  }
0x13: {  	s4 =	sadd.s32 $0xA800, s4;
	s31 =	smax.u32 s1, $0x1;
	[dreg:$0xd] =	wrdreg s0  }
0x14: {  	s1 =	simm.s32 $0xEA20;
	s21 =	sadd.s32 $0x800, s7;
	[dreg:$0xe] =	wrdreg s31  }
0x15: {  	s25 =	simm.s32 $0x10A20;
	s23 =	simm.s32 $0x13A20;
	s7 =	simm.s32 $0x16A20  }
0x16: {  	vm0 =	vcmask $0x3F30;
	s26 =	simm.s32 $0x5;
	[dreg:$0x6] =	wrdreg s21;
	s21 =	simm.s32 $0xFA20  }
.LBB2_1:
0x17: {  	s0 =	rddreg [dreg:$0x4]  }
0x18: {  	[tilespmem:s2], [sflag:$0x6] =	stream.linear.gather [hbm4b:s0+s2], $0x200, $0x38;
	[tilespmem:$0x1CA20] =	vst v63  }
0x19: {  	_ =	swait.ge [sflag:s16], $0x200  }
0x1a: {  	[sflag:s16] =	ssyncset.done $0x0  }
0x1b: {  	s20 =	simm.s32 $0x200;
	s31 =	rddreg [dreg:$0x6];
	[sflag:s16] =	ssyncadd.s32 $0xFFFFFE00  }
0x1c: {  	[tilespmem:s20], [sflag:$0x6] =	stream.linear.gather [hbm4b:s31+s2], $0x2800, $0x38;
	[tilespmem:$0x1CA20] =	vst v63  }
0x1d: {  	_ =	swait.ge [sflag:s16], $0x2800  }
0x1e: {  	[sflag:s16] =	ssyncset.done $0x0  }
0x1f: {  	s22 =	simm.s32 $0x2A00;
	[sflag:s16] =	ssyncadd.s32 $0xFFFFD800  }
0x20: {  	[tilespmem:s22], [sflag:$0x6] =	stream.linear.gather [hbm4b:s4+s2], $0x20, $0x38;
	[tilespmem:$0x1CA20] =	vst v63  }
0x21: {  	_ =	swait.ge [sflag:s16], $0x20  }
0x22: {  	[sflag:s16] =	ssyncset.done $0x0  }
0x23: {  	s24 =	simm.s32 $0x2A20;
	[sflag:s16] =	ssyncadd.s32 $0xFFFFFFE0  }
0x24: {  	[tilespmem:s24], [sflag:$0x1] =	stream.indirect.gather [hbm4b:s3+s19], $0x20, s2, s19, $0xb8;
	[tilespmem:$0x1CA20] =	vst v63  }
0x25: {  	s28 =	simm.s32 $0x3A20  }
0x26: {  	[tilespmem:s28], [sflag:$0x1] =	stream.indirect.gather [hbm4b:s3+s19], $0x20, s19, s19, $0xb8;
	[tilespmem:$0x1CA20] =	vst v63  }
0x27: {  	s31 =	simm.s32 $0x100;
	s22 =	simm.s32 $0x4A20  }
0x28: {  	[tilespmem:s22], [sflag:$0x1] =	stream.indirect.gather [hbm4b:s3+s19], $0x20, s31, s19, $0xb8;
	[tilespmem:$0x1CA20] =	vst v63  }
0x29: {  	s24 =	simm.s32 $0x180;
	s28 =	simm.s32 $0x5A20  }
0x2a: {  	[tilespmem:s28], [sflag:$0x1] =	stream.indirect.gather [hbm4b:s3+s19], $0x20, s24, s19, $0xb8;
	[tilespmem:$0x1CA20] =	vst v63  }
0x2b: {  	s31 =	simm.s32 $0x6A20  }
0x2c: {  	[tilespmem:s31], [sflag:$0x2] =	stream.indirect.gather [hbm4b:s4+s19], $0x20, s20, s19, $0xb8;
	[tilespmem:$0x1CA20] =	vst v63  }
0x2d: {  	s22 =	simm.s32 $0x280;
	s24 =	simm.s32 $0x7A20  }
0x2e: {  	[tilespmem:s24], [sflag:$0x2] =	stream.indirect.gather [hbm4b:s4+s19], $0x20, s22, s19, $0xb8;
	[tilespmem:$0x1CA20] =	vst v63  }
0x2f: {  	s28 =	simm.s32 $0x300;
	s31 =	simm.s32 $0x8A20  }
0x30: {  	[tilespmem:s31], [sflag:$0x2] =	stream.indirect.gather [hbm4b:s4+s19], $0x20, s28, s19, $0xb8;
	[tilespmem:$0x1CA20] =	vst v63  }
0x31: {  	s22 =	simm.s32 $0x380;
	s24 =	simm.s32 $0x9A20  }
0x32: {  	[tilespmem:s24], [sflag:$0x2] =	stream.indirect.gather [hbm4b:s4+s19], $0x20, s22, s19, $0xb8;
	[tilespmem:$0x1CA20] =	vst v63  }
0x33: {  	s28 =	simm.s32 $0x400;
	s31 =	simm.s32 $0xAA20  }
0x34: {  	[tilespmem:s31], [sflag:$0x2] =	stream.indirect.gather [hbm4b:s4+s19], $0x20, s28, s19, $0xb8;
	[tilespmem:$0x1CA20] =	vst v63  }
0x35: {  	s22 =	simm.s32 $0x480;
	s24 =	simm.s32 $0xBA20  }
0x36: {  	[tilespmem:s24], [sflag:$0x2] =	stream.indirect.gather [hbm4b:s4+s19], $0x20, s22, s19, $0xb8;
	[tilespmem:$0x1CA20] =	vst v63  }
0x37: {  	s28 =	simm.s32 $0x500;
	s31 =	simm.s32 $0xCA20  }
0x38: {  	[tilespmem:s31], [sflag:$0x2] =	stream.indirect.gather [hbm4b:s4+s19], $0x20, s28, s19, $0xb8;
	[tilespmem:$0x1CA20] =	vst v63  }
0x39: {  	s22 =	simm.s32 $0x580;
	s24 =	simm.s32 $0xDA20  }
0x3a: {  	[tilespmem:s24], [sflag:$0x2] =	stream.indirect.gather [hbm4b:s4+s19], $0x20, s22, s19, $0xb8;
	[tilespmem:$0x1CA20] =	vst v63  }
0x3b: {  	s28 =	simm.s32 $0x600  }
0x3c: {  	[tilespmem:s1], [sflag:$0x2] =	stream.indirect.gather [hbm4b:s4+s19], $0x20, s28, s19, $0xb8;
	[tilespmem:$0x1CA20] =	vst v63  }
0x3d: {  	s31 =	simm.s32 $0x680  }
0x3e: {  	[tilespmem:s21], [sflag:$0x2] =	stream.indirect.gather [hbm4b:s4+s19], $0x20, s31, s19, $0xb8;
	[tilespmem:$0x1CA20] =	vst v63  }
0x3f: {  	s20 =	simm.s32 $0x700;
	v0 =	vld [tilespmem:$0x2A00]  }
0x40: {  	v1 =	vld [tilespmem:$0x2A10];
	[tilespmem:s25], [sflag:$0x3] =	stream.indirect.gather [hbm4b:s4+s19], $0x20, s20, s19, $0xb8  }
0x41: {  	s22 =	simm.s32 $0x780  }
0x42: {  	[tilespmem:s18], [sflag:$0x3] =	stream.indirect.gather [hbm4b:s4+s19], $0x20, s22, s19, $0xb8;
	[tilespmem:$0x1CA20] =	vst v63  }
0x43: {  	s24 =	simm.s32 $0x800  }
0x44: {  	[tilespmem:s30], [sflag:$0x3] =	stream.indirect.gather [hbm4b:s4+s19], $0x20, s24, s19, $0xb8;
	[tilespmem:$0x1CA20] =	vst v63  }
0x45: {  	s28 =	simm.s32 $0x880  }
0x46: {  	[tilespmem:s23], [sflag:$0x3] =	stream.indirect.gather [hbm4b:s4+s19], $0x20, s28, s19, $0xb8;
	[tilespmem:$0x1CA20] =	vst v63  }
0x47: {  	s31 =	simm.s32 $0x900  }
0x48: {  	[tilespmem:s17], [sflag:$0x3] =	stream.indirect.gather [hbm4b:s4+s19], $0x20, s31, s19, $0xb8;
	[tilespmem:$0x1CA20] =	vst v63  }
0x49: {  	s20 =	simm.s32 $0x980  }
0x4a: {  	[tilespmem:s5], [sflag:$0x3] =	stream.indirect.gather [hbm4b:s4+s19], $0x20, s20, s19, $0xb8;
	[tilespmem:$0x1CA20] =	vst v63  }
0x4b: {  	s22 =	simm.s32 $0xA00  }
0x4c: {  	[tilespmem:s7], [sflag:$0x3] =	stream.indirect.gather [hbm4b:s4+s19], $0x20, s22, s19, $0xb8;
	[tilespmem:$0x1CA20] =	vst v63  }
0x4d: {  	s24 =	simm.s32 $0xA80  }
0x4e: {  	[tilespmem:s8], [sflag:$0x3] =	stream.indirect.gather [hbm4b:s4+s19], $0x20, s24, s19, $0xb8;
	[tilespmem:$0x1CA20] =	vst v63  }
0x4f: {  	s28 =	simm.s32 $0xB00  }
0x50: {  	[tilespmem:s9], [sflag:$0x3] =	stream.indirect.gather [hbm4b:s4+s19], $0x20, s28, s19, $0xb8;
	[tilespmem:$0x1CA20] =	vst v63  }
0x51: {  	s31 =	simm.s32 $0xB80  }
0x52: {  	[tilespmem:s10], [sflag:$0x3] =	stream.indirect.gather [hbm4b:s4+s19], $0x20, s31, s19, $0xb8;
	[tilespmem:$0x1CA20] =	vst v63  }
0x53: {  	_ =	swait.ge [sflag:s11], $0x1000  }
0x54: {  	[sflag:s11] =	ssyncset.done $0x0  }
0x55: {  	[sflag:s11] =	ssyncadd.s32 $0xFFFFF000  }
0x56: {  	_ =	swait.ge [sflag:s11], $0x1000  }
0x57: {  	[sflag:s11] =	ssyncset.done $0x0  }
0x58: {  	[sflag:s11] =	ssyncadd.s32 $0xFFFFF000  }
0x59: {  	_ =	swait.ge [sflag:s11], $0x1000  }
0x5a: {  	[sflag:s11] =	ssyncset.done $0x0  }
0x5b: {  	[sflag:s11] =	ssyncadd.s32 $0xFFFFF000  }
0x5c: {  	_ =	swait.ge [sflag:s11], $0x1000  }
0x5d: {  	[sflag:s11] =	ssyncset.done $0x0  }
0x5e: {  	[sflag:s11] =	ssyncadd.s32 $0xFFFFF000  }
0x5f: {  	_ =	swait.ge [sflag:s11], $0x1000  }
0x60: {  	[sflag:s11] =	ssyncset.done $0x0  }
0x61: {  	[sflag:s11] =	ssyncadd.s32 $0xFFFFF000  }
0x62: {  	_ =	swait.ge [sflag:s11], $0x1000  }
0x63: {  	[sflag:s11] =	ssyncset.done $0x0  }
0x64: {  	[sflag:s11] =	ssyncadd.s32 $0xFFFFF000  }
0x65: {  	_ =	swait.ge [sflag:s11], $0x1000  }
0x66: {  	[sflag:s11] =	ssyncset.done $0x0  }
0x67: {  	[sflag:s11] =	ssyncadd.s32 $0xFFFFF000  }
0x68: {  	_ =	swait.ge [sflag:s11], $0x1000  }
0x69: {  	[sflag:s11] =	ssyncset.done $0x0  }
0x6a: {  	[sflag:s11] =	ssyncadd.s32 $0xFFFFF000  }
0x6b: {  	_ =	swait.ge [sflag:s11], $0x1000  }
0x6c: {  	[sflag:s11] =	ssyncset.done $0x0  }
0x6d: {  	[sflag:s11] =	ssyncadd.s32 $0xFFFFF000  }
0x6e: {  	_ =	swait.ge [sflag:s11], $0x1000  }
0x6f: {  	[sflag:s11] =	ssyncset.done $0x0  }
0x70: {  	[sflag:s11] =	ssyncadd.s32 $0xFFFFF000  }
0x71: {  	_ =	swait.ge [sflag:s12], $0x1000  }
0x72: {  	s0 =	simm.s32 $0x10;
	s20 =	simm.s32 $0x1AA40;
	[sflag:s12] =	ssyncset.done $0x0  }
0x73: {  	s22 =	simm.s32 $0x2A30;
	s24 =	simm.s32 $0x6B60;
	[sflag:s12] =	ssyncadd.s32 $0xFFFFF000  }
.LBB2_2:
0x74: {  	v2 =	vld [tilespmem:s24+$0xFFFFFEC0]  }
0x75: {  	v3 =	vld [tilespmem:s24+$0xFFFFFED0]  }
0x76: {  	v4 =	vld [tilespmem:s24+$0xFFFFFEE0]  }
0x77: {  	v5 =	vld [tilespmem:s24+$0xFFFFFEF0]  }
0x78: {  	v6 =	vld [tilespmem:s24+$0xFFFFFF00]  }
0x79: {  	v7 =	vld [tilespmem:s24+$0xFFFFFF10]  }
0x7a: {  	v8 =	vld [tilespmem:s24+$0xFFFFFF20]  }
0x7b: {  	v9 =	vld [tilespmem:s24+$0xFFFFFF30]  }
0x7c: {  	v10 =	vld [tilespmem:s24+$0xFFFFFF40]  }
0x7d: {  	v11 =	vld [tilespmem:s24+$0xFFFFFF50]  }
0x7e: {  	v26 =	vld [tilespmem:s24+$0xFFFFFF60];
	v2 =	vadd.f32 v4, v2  }
0x7f: {  	v27 =	vld [tilespmem:s24+$0xFFFFFF70];
	v3 =	vadd.f32 v5, v3  }
0x80: {  	v28 =	vld [tilespmem:s24+$0xFFFFFF80];
	v2 =	vadd.f32 v6, v2  }
0x81: {  	v29 =	vld [tilespmem:s24+$0xFFFFFF90];
	v3 =	vadd.f32 v7, v3  }
0x82: {  	v30 =	vld [tilespmem:s24+$0xFFFFFFA0];
	v2 =	vadd.f32 v8, v2  }
0x83: {  	v31 =	vld [tilespmem:s24+$0xFFFFFFB0];
	v3 =	vadd.f32 v9, v3  }
0x84: {  	v32 =	vld [tilespmem:s24+$0xFFFFFFC0];
	v2 =	vadd.f32 v10, v2  }
0x85: {  	v33 =	vld [tilespmem:s24+$0xFFFFFFD0];
	v3 =	vadd.f32 v11, v3  }
0x86: {  	v34 =	vld [tilespmem:s24+$0xFFFFFFE0];
	v2 =	vadd.f32 v26, v2  }
0x87: {  	v35 =	vld [tilespmem:s24+$0xFFFFFFF0];
	v3 =	vadd.f32 v27, v3  }
0x88: {  	v36 =	vld [tilespmem:s24+$0x0];
	v2 =	vadd.f32 v28, v2  }
0x89: {  	v37 =	vld [tilespmem:s24+$0x10];
	v3 =	vadd.f32 v29, v3  }
0x8a: {  	v38 =	vld [tilespmem:s24+$0x20];
	v2 =	vadd.f32 v30, v2  }
0x8b: {  	v39 =	vld [tilespmem:s24+$0x30];
	v3 =	vadd.f32 v31, v3  }
0x8c: {  	v40 =	vld [tilespmem:s24+$0x40];
	s31 =	sshra.s32 s0, $0x2;
	v2 =	vadd.f32 v32, v2  }
0x8d: {  	v41 =	vld [tilespmem:s31+$0x200];
	v3 =	vadd.f32 v33, v3  }
0x8e: {  	v42 =	vld [tilespmem:s31+$0x1FC];
	v2 =	vadd.f32 v34, v2  }
0x8f: {  	v43 =	vld [tilespmem:s24+$0x50];
	v3 =	vadd.f32 v35, v3  }
0x90: {  	v44 =	vld [tilespmem:s24+$0x60];
	v2 =	vadd.f32 v36, v2  }
0x91: {  	v45 =	vld [tilespmem:s24+$0x70];
	v3 =	vadd.f32 v37, v3  }
0x92: {  	v46 =	vld [tilespmem:s24+$0x80];
	vm1 =	veq.s32 v41, $0x0;
	v2 =	vadd.f32 v38, v2  }
0x93: {  	v47 =	vld [tilespmem:s24+$0x90];
	vm2 =	veq.s32 v42, $0x0;
	vm1 =	vmand vm1, vm0;
	v3 =	vadd.f32 v39, v3  }
0x94: {  	v48 =	vld [tilespmem:s24+$0xA0];
	v4 =	vmpcnt.ones.xlane vm2;
	v49 =	vmpcnt.ones.xlane vm1;
	v2 =	vadd.f32 v40, v2  }
0x95: {  	v50 =	vld [tilespmem:s24+$0xB0];
	v3 =	vadd.f32 v43, v3  }
0x96: {  	v51 =	vld [tilespmem:s24+$0xC0];
	v4 =	vadd.s32 v4, v49;
	v2 =	vadd.f32 v44, v2  }
0x97: {  	v52 =	vld [tilespmem:s24+$0xD0];
	v4 =	vcvt.s32.f32 v4;
	v3 =	vadd.f32 v45, v3  }
0x98: {  	v53 =	vld [tilespmem:s24+$0xE0];
	v2 =	vadd.f32 v46, v2  }
0x99: {  	v54 =	vld [tilespmem:s24+$0xF0];
	v55 =	vsub.f32 $2.000000000e+01, v4;
	v3 =	vadd.f32 v47, v3  }
0x9a: {  	v56 =	vld [tilespmem:s24+$0x100];
	v2 =	vadd.f32 v48, v2  }
0x9b: {  	v57 =	vld [tilespmem:s24+$0x110];
	v11 =	vmax.f32 v55, $1.000000000e+00;
	v3 =	vadd.f32 v50, v3  }
0x9c: {  	v58 =	vld [tilespmem:s22+$0xFFFFFFF0];
	(erf) = vrcp.f32 v11;
	v2 =	vadd.f32 v51, v2  }
0x9d: {  	v59 =	vld [tilespmem:s24+$0x120];
	v3 =	vadd.f32 v52, v3  }
0x9e: {  	v60 =	vld [tilespmem:s24+$0x130];
	v2 =	vadd.f32 v53, v2  }
0x9f: {  	v3 =	vadd.f32 v54, v3  }
0xa0: {  	v2 =	vadd.f32 v56, v2  }
0xa1: {  	[tilespmem:s20+$0xFFFFFFE0] =	vst v58;
	v3 =	vadd.f32 v57, v3  }
0xa2: {  	v61 =	vld [tilespmem:s22+$0x0];
	v62 =	vmul.f32 v4, v0;
	v2 =	vadd.f32 v59, v2  }
0xa3: {  	v4 =	vmul.f32 v4, v1;
	v3 =	vadd.f32 v60, v3  }
0xa4: {  	p0 =	sne.s32 s0, $0x13C0;
	v2 =	vsub.f32 v2, v62  }
.Ltmp0:
0xa5: {  	v63 =	vpop (erf);
	v3 =	vsub.f32 v3, v4;
	(pc) =	sbr.rel @p0 .LBB2_2-.Ltmp0, $4  }
0xa6: {  	v2 =	vmul.f32 v63, v2  }
0xa7: {  	[tilespmem:s20+$0xFFFFFFF0] =	vst v61;
	v3 =	vmul.f32 v63, v3  }
0xa8: {  	s24 =	sadd.s32 $0x280, s24;
	[tilespmem:s20+$0x0] =	vst v2  }
0xa9: {  	s0 =	sadd.s32 $0x50, s0;
	s22 =	sadd.s32 $0x20, s22;
	[tilespmem:s20+$0x10] =	vst v3;
	s20 =	sadd.s32 $0x40, s20  }
0xaa: {  	s31 =	simm.s32 $0x0;
	s0 =	rddreg [dreg:$0x5]  }
0xab: {  	[hbm4b:s0+s31] =	stream.linear.scatter [tilespmem:s13], [sflag:$0x4], $0x1000, $0x38;
	[tilespmem:$0x1CA20] =	vst v63  }
0xac: {  	s28 =	simm.s32 $0x6A20;
	s20 =	simm.s32 $0xC00  }
0xad: {  	[tilespmem:s28], [sflag:$0x2] =	stream.indirect.gather [hbm4b:s4+s19], $0x20, s20, s19, $0xb8;
	[tilespmem:$0x1CA20] =	vst v63  }
0xae: {  	s22 =	simm.s32 $0xC80;
	s20 =	simm.s32 $0x7A20  }
0xaf: {  	[tilespmem:s20], [sflag:$0x2] =	stream.indirect.gather [hbm4b:s4+s19], $0x20, s22, s19, $0xb8;
	[tilespmem:$0x1CA20] =	vst v63  }
0xb0: {  	s24 =	simm.s32 $0x8A20;
	s28 =	simm.s32 $0xD00  }
0xb1: {  	[tilespmem:s24], [sflag:$0x2] =	stream.indirect.gather [hbm4b:s4+s19], $0x20, s28, s19, $0xb8;
	[tilespmem:$0x1CA20] =	vst v63  }
0xb2: {  	s20 =	simm.s32 $0x9A20;
	s22 =	simm.s32 $0xD80  }
0xb3: {  	[tilespmem:s20], [sflag:$0x2] =	stream.indirect.gather [hbm4b:s4+s19], $0x20, s22, s19, $0xb8;
	[tilespmem:$0x1CA20] =	vst v63  }
0xb4: {  	s24 =	simm.s32 $0xAA20;
	s28 =	simm.s32 $0xE00  }
0xb5: {  	[tilespmem:s24], [sflag:$0x2] =	stream.indirect.gather [hbm4b:s4+s19], $0x20, s28, s19, $0xb8;
	[tilespmem:$0x1CA20] =	vst v63  }
0xb6: {  	s20 =	simm.s32 $0xBA20;
	s22 =	simm.s32 $0xE80  }
0xb7: {  	[tilespmem:s20], [sflag:$0x2] =	stream.indirect.gather [hbm4b:s4+s19], $0x20, s22, s19, $0xb8;
	[tilespmem:$0x1CA20] =	vst v63  }
0xb8: {  	s24 =	simm.s32 $0xCA20;
	s28 =	simm.s32 $0xF00  }
0xb9: {  	[tilespmem:s24], [sflag:$0x2] =	stream.indirect.gather [hbm4b:s4+s19], $0x20, s28, s19, $0xb8;
	[tilespmem:$0x1CA20] =	vst v63  }
0xba: {  	s20 =	simm.s32 $0xDA20;
	s22 =	simm.s32 $0xF80  }
0xbb: {  	[tilespmem:s20], [sflag:$0x2] =	stream.indirect.gather [hbm4b:s4+s19], $0x20, s22, s19, $0xb8;
	[tilespmem:$0x1CA20] =	vst v63  }
0xbc: {  	s24 =	simm.s32 $0x1000  }
0xbd: {  	[tilespmem:s1], [sflag:$0x2] =	stream.indirect.gather [hbm4b:s4+s19], $0x20, s24, s19, $0xb8;
	[tilespmem:$0x1CA20] =	vst v63  }
0xbe: {  	s28 =	simm.s32 $0x1080  }
0xbf: {  	[tilespmem:s21], [sflag:$0x2] =	stream.indirect.gather [hbm4b:s4+s19], $0x20, s28, s19, $0xb8;
	[tilespmem:$0x1CA20] =	vst v63  }
0xc0: {  	_ =	swait.ge [sflag:s14], $0x1000  }
0xc1: {  	[sflag:s14] =	ssyncset.done $0x0  }
0xc2: {  	[sflag:s14] =	ssyncadd.s32 $0xFFFFF000  }
0xc3: {  	_ =	swait.ge [sflag:s14], $0x1000  }
0xc4: {  	[sflag:s14] =	ssyncset.done $0x0  }
0xc5: {  	[sflag:s14] =	ssyncadd.s32 $0xFFFFF000  }
0xc6: {  	_ =	swait.ge [sflag:s14], $0x1000  }
0xc7: {  	[sflag:s14] =	ssyncset.done $0x0  }
0xc8: {  	[sflag:s14] =	ssyncadd.s32 $0xFFFFF000  }
0xc9: {  	_ =	swait.ge [sflag:s14], $0x1000  }
0xca: {  	[sflag:s14] =	ssyncset.done $0x0  }
0xcb: {  	[sflag:s14] =	ssyncadd.s32 $0xFFFFF000  }
0xcc: {  	_ =	swait.ge [sflag:s14], $0x1000  }
0xcd: {  	[sflag:s14] =	ssyncset.done $0x0  }
0xce: {  	[sflag:s14] =	ssyncadd.s32 $0xFFFFF000  }
0xcf: {  	_ =	swait.ge [sflag:s14], $0x1000  }
0xd0: {  	[sflag:s14] =	ssyncset.done $0x0  }
0xd1: {  	[sflag:s14] =	ssyncadd.s32 $0xFFFFF000  }
0xd2: {  	_ =	swait.ge [sflag:s14], $0x1000  }
0xd3: {  	[sflag:s14] =	ssyncset.done $0x0  }
0xd4: {  	[sflag:s14] =	ssyncadd.s32 $0xFFFFF000  }
0xd5: {  	_ =	swait.ge [sflag:s14], $0x1000  }
0xd6: {  	[sflag:s14] =	ssyncset.done $0x0  }
0xd7: {  	[sflag:s14] =	ssyncadd.s32 $0xFFFFF000  }
0xd8: {  	_ =	swait.ge [sflag:s14], $0x1000  }
0xd9: {  	[sflag:s14] =	ssyncset.done $0x0  }
0xda: {  	[sflag:s14] =	ssyncadd.s32 $0xFFFFF000  }
0xdb: {  	_ =	swait.ge [sflag:s14], $0x1000  }
0xdc: {  	s0 =	simm.s32 $0x704;
	s20 =	simm.s32 $0x1BA40;
	[sflag:s14] =	ssyncset.done $0x0  }
0xdd: {  	s22 =	simm.s32 $0x3230;
	s24 =	simm.s32 $0x10B60;
	[sflag:s14] =	ssyncadd.s32 $0xFFFFF000  }
.LBB2_4:
0xde: {  	v2 =	vld [tilespmem:s24+$0xFFFFFEC0]  }
0xdf: {  	v3 =	vld [tilespmem:s24+$0xFFFFFED0]  }
0xe0: {  	v4 =	vld [tilespmem:s24+$0xFFFFFEE0]  }
0xe1: {  	v5 =	vld [tilespmem:s24+$0xFFFFFEF0]  }
0xe2: {  	v6 =	vld [tilespmem:s24+$0xFFFFFF00]  }
0xe3: {  	v7 =	vld [tilespmem:s24+$0xFFFFFF10]  }
0xe4: {  	v8 =	vld [tilespmem:s24+$0xFFFFFF20]  }
0xe5: {  	v9 =	vld [tilespmem:s24+$0xFFFFFF30]  }
0xe6: {  	v10 =	vld [tilespmem:s24+$0xFFFFFF40]  }
0xe7: {  	v11 =	vld [tilespmem:s24+$0xFFFFFF50]  }
0xe8: {  	v26 =	vld [tilespmem:s24+$0xFFFFFF60];
	v2 =	vadd.f32 v4, v2  }
0xe9: {  	v27 =	vld [tilespmem:s24+$0xFFFFFF70];
	v3 =	vadd.f32 v5, v3  }
0xea: {  	v28 =	vld [tilespmem:s24+$0xFFFFFF80];
	v2 =	vadd.f32 v6, v2  }
0xeb: {  	v29 =	vld [tilespmem:s24+$0xFFFFFF90];
	v3 =	vadd.f32 v7, v3  }
0xec: {  	v30 =	vld [tilespmem:s24+$0xFFFFFFA0];
	v2 =	vadd.f32 v8, v2  }
0xed: {  	v31 =	vld [tilespmem:s24+$0xFFFFFFB0];
	v3 =	vadd.f32 v9, v3  }
0xee: {  	v32 =	vld [tilespmem:s24+$0xFFFFFFC0];
	v2 =	vadd.f32 v10, v2  }
0xef: {  	v33 =	vld [tilespmem:s24+$0xFFFFFFD0];
	v3 =	vadd.f32 v11, v3  }
0xf0: {  	v34 =	vld [tilespmem:s24+$0xFFFFFFE0];
	v2 =	vadd.f32 v26, v2  }
0xf1: {  	v35 =	vld [tilespmem:s24+$0xFFFFFFF0];
	v3 =	vadd.f32 v27, v3  }
0xf2: {  	v36 =	vld [tilespmem:s24+$0x0];
	v2 =	vadd.f32 v28, v2  }
0xf3: {  	v37 =	vld [tilespmem:s24+$0x10];
	v3 =	vadd.f32 v29, v3  }
0xf4: {  	v38 =	vld [tilespmem:s24+$0x20];
	v2 =	vadd.f32 v30, v2  }
0xf5: {  	v39 =	vld [tilespmem:s24+$0x30];
	v3 =	vadd.f32 v31, v3  }
0xf6: {  	v40 =	vld [tilespmem:s24+$0x40];
	v2 =	vadd.f32 v32, v2  }
0xf7: {  	s28 =	sand.u32 $0x7FC, s31;
	v41 =	vld [tilespmem:s0+$0x0];
	v3 =	vadd.f32 v33, v3  }
0xf8: {  	v42 =	vld [tilespmem:s28+$0x700];
	v2 =	vadd.f32 v34, v2  }
0xf9: {  	v43 =	vld [tilespmem:s24+$0x50];
	v3 =	vadd.f32 v35, v3  }
0xfa: {  	v44 =	vld [tilespmem:s24+$0x60];
	v2 =	vadd.f32 v36, v2  }
0xfb: {  	v45 =	vld [tilespmem:s24+$0x70];
	v3 =	vadd.f32 v37, v3  }
0xfc: {  	v46 =	vld [tilespmem:s24+$0x80];
	vm1 =	veq.s32 v41, $0x0;
	v2 =	vadd.f32 v38, v2  }
0xfd: {  	v47 =	vld [tilespmem:s24+$0x90];
	vm2 =	veq.s32 v42, $0x0;
	vm1 =	vmand vm1, vm0;
	v3 =	vadd.f32 v39, v3  }
0xfe: {  	v48 =	vld [tilespmem:s24+$0xA0];
	v4 =	vmpcnt.ones.xlane vm2;
	v49 =	vmpcnt.ones.xlane vm1;
	v2 =	vadd.f32 v40, v2  }
0xff: {  	v50 =	vld [tilespmem:s24+$0xB0];
	v3 =	vadd.f32 v43, v3  }
0x100: {  	v51 =	vld [tilespmem:s24+$0xC0];
	v4 =	vadd.s32 v4, v49;
	v2 =	vadd.f32 v44, v2  }
0x101: {  	v52 =	vld [tilespmem:s24+$0xD0];
	v4 =	vcvt.s32.f32 v4;
	v3 =	vadd.f32 v45, v3  }
0x102: {  	v53 =	vld [tilespmem:s24+$0xE0];
	v2 =	vadd.f32 v46, v2  }
0x103: {  	v54 =	vld [tilespmem:s24+$0xF0];
	v55 =	vsub.f32 $2.000000000e+01, v4;
	v3 =	vadd.f32 v47, v3  }
0x104: {  	v56 =	vld [tilespmem:s24+$0x100];
	v2 =	vadd.f32 v48, v2  }
0x105: {  	v57 =	vld [tilespmem:s24+$0x110];
	v11 =	vmax.f32 v55, $1.000000000e+00;
	v3 =	vadd.f32 v50, v3  }
0x106: {  	v58 =	vld [tilespmem:s22+$0xFFFFFFF0];
	(erf) = vrcp.f32 v11;
	v2 =	vadd.f32 v51, v2  }
0x107: {  	v59 =	vld [tilespmem:s24+$0x120];
	v3 =	vadd.f32 v52, v3  }
0x108: {  	v60 =	vld [tilespmem:s24+$0x130];
	v2 =	vadd.f32 v53, v2  }
0x109: {  	v3 =	vadd.f32 v54, v3  }
0x10a: {  	v2 =	vadd.f32 v56, v2  }
0x10b: {  	[tilespmem:s20+$0xFFFFFFE0] =	vst v58;
	v3 =	vadd.f32 v57, v3  }
0x10c: {  	v61 =	vld [tilespmem:s22+$0x0];
	v62 =	vmul.f32 v4, v0;
	v2 =	vadd.f32 v59, v2  }
0x10d: {  	v4 =	vmul.f32 v4, v1;
	v3 =	vadd.f32 v60, v3  }
0x10e: {  	p0 =	sne.s32 s31, $0x4EC;
	v2 =	vsub.f32 v2, v62  }
.Ltmp1:
0x10f: {  	v63 =	vpop (erf);
	v3 =	vsub.f32 v3, v4;
	(pc) =	sbr.rel @p0 .LBB2_4-.Ltmp1, $4  }
0x110: {  	v2 =	vmul.f32 v63, v2  }
0x111: {  	[tilespmem:s20+$0xFFFFFFF0] =	vst v61;
	v3 =	vmul.f32 v63, v3  }
0x112: {  	s0 =	sadd.s32 $0x14, s0;
	s24 =	sadd.s32 $0x280, s24;
	[tilespmem:s20+$0x0] =	vst v2  }
0x113: {  	s31 =	sadd.s32 $0x14, s31;
	s22 =	sadd.s32 $0x20, s22;
	[tilespmem:s20+$0x10] =	vst v3;
	s20 =	sadd.s32 $0x40, s20  }
0x114: {  	s31 =	simm.s32 $0x0;
	s0 =	rddreg [dreg:$0x7]  }
0x115: {  	[hbm4b:s0+s31] =	stream.linear.scatter [tilespmem:s15], [sflag:$0x5], $0x1000, $0x38;
	[tilespmem:$0x1CA20] =	vst v63  }
0x116: {  	s24 =	simm.s32 $0x1100  }
0x117: {  	[tilespmem:s25], [sflag:$0x3] =	stream.indirect.gather [hbm4b:s4+s19], $0x20, s24, s19, $0xb8;
	[tilespmem:$0x1CA20] =	vst v63  }
0x118: {  	s28 =	simm.s32 $0x1180  }
0x119: {  	[tilespmem:s18], [sflag:$0x3] =	stream.indirect.gather [hbm4b:s4+s19], $0x20, s28, s19, $0xb8;
	[tilespmem:$0x1CA20] =	vst v63  }
0x11a: {  	s20 =	simm.s32 $0x1200  }
0x11b: {  	[tilespmem:s30], [sflag:$0x3] =	stream.indirect.gather [hbm4b:s4+s19], $0x20, s20, s19, $0xb8;
	[tilespmem:$0x1CA20] =	vst v63  }
0x11c: {  	s22 =	simm.s32 $0x1280  }
0x11d: {  	[tilespmem:s23], [sflag:$0x3] =	stream.indirect.gather [hbm4b:s4+s19], $0x20, s22, s19, $0xb8;
	[tilespmem:$0x1CA20] =	vst v63  }
0x11e: {  	s24 =	simm.s32 $0x1300  }
0x11f: {  	[tilespmem:s17], [sflag:$0x3] =	stream.indirect.gather [hbm4b:s4+s19], $0x20, s24, s19, $0xb8;
	[tilespmem:$0x1CA20] =	vst v63  }
0x120: {  	s28 =	simm.s32 $0x1380  }
0x121: {  	[tilespmem:s5], [sflag:$0x3] =	stream.indirect.gather [hbm4b:s4+s19], $0x20, s28, s19, $0xb8;
	[tilespmem:$0x1CA20] =	vst v63  }
0x122: {  	s20 =	simm.s32 $0x1400  }
0x123: {  	[tilespmem:s7], [sflag:$0x3] =	stream.indirect.gather [hbm4b:s4+s19], $0x20, s20, s19, $0xb8;
	[tilespmem:$0x1CA20] =	vst v63  }
0x124: {  	s22 =	simm.s32 $0x1480  }
0x125: {  	[tilespmem:s8], [sflag:$0x3] =	stream.indirect.gather [hbm4b:s4+s19], $0x20, s22, s19, $0xb8;
	[tilespmem:$0x1CA20] =	vst v63  }
0x126: {  	s24 =	simm.s32 $0x1500  }
0x127: {  	[tilespmem:s9], [sflag:$0x3] =	stream.indirect.gather [hbm4b:s4+s19], $0x20, s24, s19, $0xb8;
	[tilespmem:$0x1CA20] =	vst v63  }
0x128: {  	s28 =	simm.s32 $0x1580  }
0x129: {  	[tilespmem:s10], [sflag:$0x3] =	stream.indirect.gather [hbm4b:s4+s19], $0x20, s28, s19, $0xb8;
	[tilespmem:$0x1CA20] =	vst v63  }
0x12a: {  	_ =	swait.ge [sflag:s11], $0x1000  }
0x12b: {  	[sflag:s11] =	ssyncset.done $0x0  }
0x12c: {  	[sflag:s11] =	ssyncadd.s32 $0xFFFFF000  }
0x12d: {  	_ =	swait.ge [sflag:s11], $0x1000  }
0x12e: {  	[sflag:s11] =	ssyncset.done $0x0  }
0x12f: {  	[sflag:s11] =	ssyncadd.s32 $0xFFFFF000  }
0x130: {  	_ =	swait.ge [sflag:s11], $0x1000  }
0x131: {  	[sflag:s11] =	ssyncset.done $0x0  }
0x132: {  	[sflag:s11] =	ssyncadd.s32 $0xFFFFF000  }
0x133: {  	_ =	swait.ge [sflag:s11], $0x1000  }
0x134: {  	[sflag:s11] =	ssyncset.done $0x0  }
0x135: {  	[sflag:s11] =	ssyncadd.s32 $0xFFFFF000  }
0x136: {  	_ =	swait.ge [sflag:s11], $0x1000  }
0x137: {  	[sflag:s11] =	ssyncset.done $0x0  }
0x138: {  	[sflag:s11] =	ssyncadd.s32 $0xFFFFF000  }
0x139: {  	_ =	swait.ge [sflag:s11], $0x1000  }
0x13a: {  	[sflag:s11] =	ssyncset.done $0x0  }
0x13b: {  	[sflag:s11] =	ssyncadd.s32 $0xFFFFF000  }
0x13c: {  	_ =	swait.ge [sflag:s11], $0x1000  }
0x13d: {  	[sflag:s11] =	ssyncset.done $0x0  }
0x13e: {  	[sflag:s11] =	ssyncadd.s32 $0xFFFFF000  }
0x13f: {  	_ =	swait.ge [sflag:s11], $0x1000  }
0x140: {  	[sflag:s11] =	ssyncset.done $0x0  }
0x141: {  	[sflag:s11] =	ssyncadd.s32 $0xFFFFF000  }
0x142: {  	_ =	swait.ge [sflag:s11], $0x1000  }
0x143: {  	[sflag:s11] =	ssyncset.done $0x0  }
0x144: {  	[sflag:s11] =	ssyncadd.s32 $0xFFFFF000  }
0x145: {  	_ =	swait.ge [sflag:s11], $0x1000  }
0x146: {  	[sflag:s11] =	ssyncset.done $0x0  }
0x147: {  	[sflag:s11] =	ssyncadd.s32 $0xFFFFF000  }
0x148: {  	_ =	swait.ge [sflag:s12], $0x1000  }
0x149: {  	[sflag:s12] =	ssyncset.done $0x0  }
0x14a: {  	[sflag:s12] =	ssyncadd.s32 $0xFFFFF000  }
0x14b: {  	_ =	swait.ge [sflag:s6], $0x1000  }
0x14c: {  	s0 =	simm.s32 $0xC04;
	s20 =	simm.s32 $0x1AA40;
	[sflag:s6] =	ssyncset.done $0x0  }
0x14d: {  	s22 =	simm.s32 $0x3A30;
	s24 =	simm.s32 $0x6B60;
	[sflag:s6] =	ssyncadd.s32 $0xFFFFF000  }
.LBB2_6:
0x14e: {  	v2 =	vld [tilespmem:s24+$0xFFFFFEC0]  }
0x14f: {  	v3 =	vld [tilespmem:s24+$0xFFFFFED0]  }
0x150: {  	v4 =	vld [tilespmem:s24+$0xFFFFFEE0]  }
0x151: {  	v5 =	vld [tilespmem:s24+$0xFFFFFEF0]  }
0x152: {  	v6 =	vld [tilespmem:s24+$0xFFFFFF00]  }
0x153: {  	v7 =	vld [tilespmem:s24+$0xFFFFFF10]  }
0x154: {  	v8 =	vld [tilespmem:s24+$0xFFFFFF20]  }
0x155: {  	v9 =	vld [tilespmem:s24+$0xFFFFFF30]  }
0x156: {  	v10 =	vld [tilespmem:s24+$0xFFFFFF40]  }
0x157: {  	v11 =	vld [tilespmem:s24+$0xFFFFFF50]  }
0x158: {  	v26 =	vld [tilespmem:s24+$0xFFFFFF60];
	v2 =	vadd.f32 v4, v2  }
0x159: {  	v27 =	vld [tilespmem:s24+$0xFFFFFF70];
	v3 =	vadd.f32 v5, v3  }
0x15a: {  	v28 =	vld [tilespmem:s24+$0xFFFFFF80];
	v2 =	vadd.f32 v6, v2  }
0x15b: {  	v29 =	vld [tilespmem:s24+$0xFFFFFF90];
	v3 =	vadd.f32 v7, v3  }
0x15c: {  	v30 =	vld [tilespmem:s24+$0xFFFFFFA0];
	v2 =	vadd.f32 v8, v2  }
0x15d: {  	v31 =	vld [tilespmem:s24+$0xFFFFFFB0];
	v3 =	vadd.f32 v9, v3  }
0x15e: {  	v32 =	vld [tilespmem:s24+$0xFFFFFFC0];
	v2 =	vadd.f32 v10, v2  }
0x15f: {  	v33 =	vld [tilespmem:s24+$0xFFFFFFD0];
	v3 =	vadd.f32 v11, v3  }
0x160: {  	v34 =	vld [tilespmem:s24+$0xFFFFFFE0];
	v2 =	vadd.f32 v26, v2  }
0x161: {  	v35 =	vld [tilespmem:s24+$0xFFFFFFF0];
	v3 =	vadd.f32 v27, v3  }
0x162: {  	v36 =	vld [tilespmem:s24+$0x0];
	v2 =	vadd.f32 v28, v2  }
0x163: {  	v37 =	vld [tilespmem:s24+$0x10];
	v3 =	vadd.f32 v29, v3  }
0x164: {  	v38 =	vld [tilespmem:s24+$0x20];
	v2 =	vadd.f32 v30, v2  }
0x165: {  	v39 =	vld [tilespmem:s24+$0x30];
	v3 =	vadd.f32 v31, v3  }
0x166: {  	v40 =	vld [tilespmem:s24+$0x40];
	v2 =	vadd.f32 v32, v2  }
0x167: {  	s28 =	sand.u32 $0x7FC, s31;
	v41 =	vld [tilespmem:s0+$0x0];
	v3 =	vadd.f32 v33, v3  }
0x168: {  	v42 =	vld [tilespmem:s28+$0xC00];
	v2 =	vadd.f32 v34, v2  }
0x169: {  	v43 =	vld [tilespmem:s24+$0x50];
	v3 =	vadd.f32 v35, v3  }
0x16a: {  	v44 =	vld [tilespmem:s24+$0x60];
	v2 =	vadd.f32 v36, v2  }
0x16b: {  	v45 =	vld [tilespmem:s24+$0x70];
	v3 =	vadd.f32 v37, v3  }
0x16c: {  	v46 =	vld [tilespmem:s24+$0x80];
	vm1 =	veq.s32 v41, $0x0;
	v2 =	vadd.f32 v38, v2  }
0x16d: {  	v47 =	vld [tilespmem:s24+$0x90];
	vm2 =	veq.s32 v42, $0x0;
	vm1 =	vmand vm1, vm0;
	v3 =	vadd.f32 v39, v3  }
0x16e: {  	v48 =	vld [tilespmem:s24+$0xA0];
	v4 =	vmpcnt.ones.xlane vm2;
	v49 =	vmpcnt.ones.xlane vm1;
	v2 =	vadd.f32 v40, v2  }
0x16f: {  	v50 =	vld [tilespmem:s24+$0xB0];
	v3 =	vadd.f32 v43, v3  }
0x170: {  	v51 =	vld [tilespmem:s24+$0xC0];
	v4 =	vadd.s32 v4, v49;
	v2 =	vadd.f32 v44, v2  }
0x171: {  	v52 =	vld [tilespmem:s24+$0xD0];
	v4 =	vcvt.s32.f32 v4;
	v3 =	vadd.f32 v45, v3  }
0x172: {  	v53 =	vld [tilespmem:s24+$0xE0];
	v2 =	vadd.f32 v46, v2  }
0x173: {  	v54 =	vld [tilespmem:s24+$0xF0];
	v55 =	vsub.f32 $2.000000000e+01, v4;
	v3 =	vadd.f32 v47, v3  }
0x174: {  	v56 =	vld [tilespmem:s24+$0x100];
	v2 =	vadd.f32 v48, v2  }
0x175: {  	v57 =	vld [tilespmem:s24+$0x110];
	v11 =	vmax.f32 v55, $1.000000000e+00;
	v3 =	vadd.f32 v50, v3  }
0x176: {  	v58 =	vld [tilespmem:s22+$0xFFFFFFF0];
	(erf) = vrcp.f32 v11;
	v2 =	vadd.f32 v51, v2  }
0x177: {  	v59 =	vld [tilespmem:s24+$0x120];
	v3 =	vadd.f32 v52, v3  }
0x178: {  	v60 =	vld [tilespmem:s24+$0x130];
	v2 =	vadd.f32 v53, v2  }
0x179: {  	v3 =	vadd.f32 v54, v3  }
0x17a: {  	v2 =	vadd.f32 v56, v2  }
0x17b: {  	[tilespmem:s20+$0xFFFFFFE0] =	vst v58;
	v3 =	vadd.f32 v57, v3  }
0x17c: {  	v61 =	vld [tilespmem:s22+$0x0];
	v62 =	vmul.f32 v4, v0;
	v2 =	vadd.f32 v59, v2  }
0x17d: {  	v4 =	vmul.f32 v4, v1;
	v3 =	vadd.f32 v60, v3  }
0x17e: {  	p0 =	sne.s32 s31, $0x4EC;
	v2 =	vsub.f32 v2, v62  }
.Ltmp2:
0x17f: {  	v63 =	vpop (erf);
	v3 =	vsub.f32 v3, v4;
	(pc) =	sbr.rel @p0 .LBB2_6-.Ltmp2, $4  }
0x180: {  	v2 =	vmul.f32 v63, v2  }
0x181: {  	[tilespmem:s20+$0xFFFFFFF0] =	vst v61;
	v3 =	vmul.f32 v63, v3  }
0x182: {  	s0 =	sadd.s32 $0x14, s0;
	s24 =	sadd.s32 $0x280, s24;
	[tilespmem:s20+$0x0] =	vst v2  }
0x183: {  	s31 =	sadd.s32 $0x14, s31;
	s22 =	sadd.s32 $0x20, s22;
	[tilespmem:s20+$0x10] =	vst v3;
	s20 =	sadd.s32 $0x40, s20  }
0x184: {  	s31 =	simm.s32 $0x0;
	s0 =	rddreg [dreg:$0x8]  }
0x185: {  	[hbm4b:s0+s31] =	stream.linear.scatter [tilespmem:s13], [sflag:$0x4], $0x1000, $0x38;
	[tilespmem:$0x1CA20] =	vst v63  }
0x186: {  	s28 =	simm.s32 $0x6A20;
	s20 =	simm.s32 $0x1600  }
0x187: {  	[tilespmem:s28], [sflag:$0x2] =	stream.indirect.gather [hbm4b:s4+s19], $0x20, s20, s19, $0xb8;
	[tilespmem:$0x1CA20] =	vst v63  }
0x188: {  	s22 =	simm.s32 $0x1680;
	s20 =	simm.s32 $0x7A20  }
0x189: {  	[tilespmem:s20], [sflag:$0x2] =	stream.indirect.gather [hbm4b:s4+s19], $0x20, s22, s19, $0xb8;
	[tilespmem:$0x1CA20] =	vst v63  }
0x18a: {  	s24 =	simm.s32 $0x8A20;
	s28 =	simm.s32 $0x1700  }
0x18b: {  	[tilespmem:s24], [sflag:$0x2] =	stream.indirect.gather [hbm4b:s4+s19], $0x20, s28, s19, $0xb8;
	[tilespmem:$0x1CA20] =	vst v63  }
0x18c: {  	s20 =	simm.s32 $0x9A20;
	s22 =	simm.s32 $0x1780  }
0x18d: {  	[tilespmem:s20], [sflag:$0x2] =	stream.indirect.gather [hbm4b:s4+s19], $0x20, s22, s19, $0xb8;
	[tilespmem:$0x1CA20] =	vst v63  }
0x18e: {  	s24 =	simm.s32 $0xAA20;
	s28 =	simm.s32 $0x1800  }
0x18f: {  	[tilespmem:s24], [sflag:$0x2] =	stream.indirect.gather [hbm4b:s4+s19], $0x20, s28, s19, $0xb8;
	[tilespmem:$0x1CA20] =	vst v63  }
0x190: {  	s20 =	simm.s32 $0xBA20;
	s22 =	simm.s32 $0x1880  }
0x191: {  	[tilespmem:s20], [sflag:$0x2] =	stream.indirect.gather [hbm4b:s4+s19], $0x20, s22, s19, $0xb8;
	[tilespmem:$0x1CA20] =	vst v63  }
0x192: {  	s24 =	simm.s32 $0xCA20;
	s28 =	simm.s32 $0x1900  }
0x193: {  	[tilespmem:s24], [sflag:$0x2] =	stream.indirect.gather [hbm4b:s4+s19], $0x20, s28, s19, $0xb8;
	[tilespmem:$0x1CA20] =	vst v63  }
0x194: {  	s20 =	simm.s32 $0xDA20;
	s22 =	simm.s32 $0x1980  }
0x195: {  	[tilespmem:s20], [sflag:$0x2] =	stream.indirect.gather [hbm4b:s4+s19], $0x20, s22, s19, $0xb8;
	[tilespmem:$0x1CA20] =	vst v63  }
0x196: {  	s24 =	simm.s32 $0x1A00  }
0x197: {  	[tilespmem:s1], [sflag:$0x2] =	stream.indirect.gather [hbm4b:s4+s19], $0x20, s24, s19, $0xb8;
	[tilespmem:$0x1CA20] =	vst v63  }
0x198: {  	s28 =	simm.s32 $0x1A80  }
0x199: {  	[tilespmem:s21], [sflag:$0x2] =	stream.indirect.gather [hbm4b:s4+s19], $0x20, s28, s19, $0xb8;
	[tilespmem:$0x1CA20] =	vst v63  }
0x19a: {  	_ =	swait.ge [sflag:s14], $0x1000  }
0x19b: {  	[sflag:s14] =	ssyncset.done $0x0  }
0x19c: {  	[sflag:s14] =	ssyncadd.s32 $0xFFFFF000  }
0x19d: {  	_ =	swait.ge [sflag:s14], $0x1000  }
0x19e: {  	[sflag:s14] =	ssyncset.done $0x0  }
0x19f: {  	[sflag:s14] =	ssyncadd.s32 $0xFFFFF000  }
0x1a0: {  	_ =	swait.ge [sflag:s14], $0x1000  }
0x1a1: {  	[sflag:s14] =	ssyncset.done $0x0  }
0x1a2: {  	[sflag:s14] =	ssyncadd.s32 $0xFFFFF000  }
0x1a3: {  	_ =	swait.ge [sflag:s14], $0x1000  }
0x1a4: {  	[sflag:s14] =	ssyncset.done $0x0  }
0x1a5: {  	[sflag:s14] =	ssyncadd.s32 $0xFFFFF000  }
0x1a6: {  	_ =	swait.ge [sflag:s14], $0x1000  }
0x1a7: {  	[sflag:s14] =	ssyncset.done $0x0  }
0x1a8: {  	[sflag:s14] =	ssyncadd.s32 $0xFFFFF000  }
0x1a9: {  	_ =	swait.ge [sflag:s14], $0x1000  }
0x1aa: {  	[sflag:s14] =	ssyncset.done $0x0  }
0x1ab: {  	[sflag:s14] =	ssyncadd.s32 $0xFFFFF000  }
0x1ac: {  	_ =	swait.ge [sflag:s14], $0x1000  }
0x1ad: {  	[sflag:s14] =	ssyncset.done $0x0  }
0x1ae: {  	[sflag:s14] =	ssyncadd.s32 $0xFFFFF000  }
0x1af: {  	_ =	swait.ge [sflag:s14], $0x1000  }
0x1b0: {  	[sflag:s14] =	ssyncset.done $0x0  }
0x1b1: {  	[sflag:s14] =	ssyncadd.s32 $0xFFFFF000  }
0x1b2: {  	_ =	swait.ge [sflag:s14], $0x1000  }
0x1b3: {  	[sflag:s14] =	ssyncset.done $0x0  }
0x1b4: {  	[sflag:s14] =	ssyncadd.s32 $0xFFFFF000  }
0x1b5: {  	_ =	swait.ge [sflag:s14], $0x1000  }
0x1b6: {  	[sflag:s14] =	ssyncset.done $0x0  }
0x1b7: {  	[sflag:s14] =	ssyncadd.s32 $0xFFFFF000  }
0x1b8: {  	_ =	swait.ge [sflag:s26], $0x1000  }
0x1b9: {  	s0 =	simm.s32 $0x1104;
	s20 =	simm.s32 $0x1BA40;
	[sflag:s26] =	ssyncset.done $0x0  }
0x1ba: {  	s22 =	simm.s32 $0x4230;
	s24 =	simm.s32 $0x10B60;
	[sflag:s26] =	ssyncadd.s32 $0xFFFFF000  }
.LBB2_8:
0x1bb: {  	v2 =	vld [tilespmem:s24+$0xFFFFFEC0]  }
0x1bc: {  	v3 =	vld [tilespmem:s24+$0xFFFFFED0]  }
0x1bd: {  	v4 =	vld [tilespmem:s24+$0xFFFFFEE0]  }
0x1be: {  	v5 =	vld [tilespmem:s24+$0xFFFFFEF0]  }
0x1bf: {  	v6 =	vld [tilespmem:s24+$0xFFFFFF00]  }
0x1c0: {  	v7 =	vld [tilespmem:s24+$0xFFFFFF10]  }
0x1c1: {  	v8 =	vld [tilespmem:s24+$0xFFFFFF20]  }
0x1c2: {  	v9 =	vld [tilespmem:s24+$0xFFFFFF30]  }
0x1c3: {  	v10 =	vld [tilespmem:s24+$0xFFFFFF40]  }
0x1c4: {  	v11 =	vld [tilespmem:s24+$0xFFFFFF50]  }
0x1c5: {  	v26 =	vld [tilespmem:s24+$0xFFFFFF60];
	v2 =	vadd.f32 v4, v2  }
0x1c6: {  	v27 =	vld [tilespmem:s24+$0xFFFFFF70];
	v3 =	vadd.f32 v5, v3  }
0x1c7: {  	v28 =	vld [tilespmem:s24+$0xFFFFFF80];
	v2 =	vadd.f32 v6, v2  }
0x1c8: {  	v29 =	vld [tilespmem:s24+$0xFFFFFF90];
	v3 =	vadd.f32 v7, v3  }
0x1c9: {  	v30 =	vld [tilespmem:s24+$0xFFFFFFA0];
	v2 =	vadd.f32 v8, v2  }
0x1ca: {  	v31 =	vld [tilespmem:s24+$0xFFFFFFB0];
	v3 =	vadd.f32 v9, v3  }
0x1cb: {  	v32 =	vld [tilespmem:s24+$0xFFFFFFC0];
	v2 =	vadd.f32 v10, v2  }
0x1cc: {  	v33 =	vld [tilespmem:s24+$0xFFFFFFD0];
	v3 =	vadd.f32 v11, v3  }
0x1cd: {  	v34 =	vld [tilespmem:s24+$0xFFFFFFE0];
	v2 =	vadd.f32 v26, v2  }
0x1ce: {  	v35 =	vld [tilespmem:s24+$0xFFFFFFF0];
	v3 =	vadd.f32 v27, v3  }
0x1cf: {  	v36 =	vld [tilespmem:s24+$0x0];
	v2 =	vadd.f32 v28, v2  }
0x1d0: {  	v37 =	vld [tilespmem:s24+$0x10];
	v3 =	vadd.f32 v29, v3  }
0x1d1: {  	v38 =	vld [tilespmem:s24+$0x20];
	v2 =	vadd.f32 v30, v2  }
0x1d2: {  	v39 =	vld [tilespmem:s24+$0x30];
	v3 =	vadd.f32 v31, v3  }
0x1d3: {  	v40 =	vld [tilespmem:s24+$0x40];
	v2 =	vadd.f32 v32, v2  }
0x1d4: {  	s28 =	sand.u32 $0x7FC, s31;
	v41 =	vld [tilespmem:s0+$0x0];
	v3 =	vadd.f32 v33, v3  }
0x1d5: {  	v42 =	vld [tilespmem:s28+$0x1100];
	v2 =	vadd.f32 v34, v2  }
0x1d6: {  	v43 =	vld [tilespmem:s24+$0x50];
	v3 =	vadd.f32 v35, v3  }
0x1d7: {  	v44 =	vld [tilespmem:s24+$0x60];
	v2 =	vadd.f32 v36, v2  }
0x1d8: {  	v45 =	vld [tilespmem:s24+$0x70];
	v3 =	vadd.f32 v37, v3  }
0x1d9: {  	v46 =	vld [tilespmem:s24+$0x80];
	vm1 =	veq.s32 v41, $0x0;
	v2 =	vadd.f32 v38, v2  }
0x1da: {  	v47 =	vld [tilespmem:s24+$0x90];
	vm2 =	veq.s32 v42, $0x0;
	vm1 =	vmand vm1, vm0;
	v3 =	vadd.f32 v39, v3  }
0x1db: {  	v48 =	vld [tilespmem:s24+$0xA0];
	v4 =	vmpcnt.ones.xlane vm2;
	v49 =	vmpcnt.ones.xlane vm1;
	v2 =	vadd.f32 v40, v2  }
0x1dc: {  	v50 =	vld [tilespmem:s24+$0xB0];
	v3 =	vadd.f32 v43, v3  }
0x1dd: {  	v51 =	vld [tilespmem:s24+$0xC0];
	v4 =	vadd.s32 v4, v49;
	v2 =	vadd.f32 v44, v2  }
0x1de: {  	v52 =	vld [tilespmem:s24+$0xD0];
	v4 =	vcvt.s32.f32 v4;
	v3 =	vadd.f32 v45, v3  }
0x1df: {  	v53 =	vld [tilespmem:s24+$0xE0];
	v2 =	vadd.f32 v46, v2  }
0x1e0: {  	v54 =	vld [tilespmem:s24+$0xF0];
	v55 =	vsub.f32 $2.000000000e+01, v4;
	v3 =	vadd.f32 v47, v3  }
0x1e1: {  	v56 =	vld [tilespmem:s24+$0x100];
	v2 =	vadd.f32 v48, v2  }
0x1e2: {  	v57 =	vld [tilespmem:s24+$0x110];
	v11 =	vmax.f32 v55, $1.000000000e+00;
	v3 =	vadd.f32 v50, v3  }
0x1e3: {  	v58 =	vld [tilespmem:s22+$0xFFFFFFF0];
	(erf) = vrcp.f32 v11;
	v2 =	vadd.f32 v51, v2  }
0x1e4: {  	v59 =	vld [tilespmem:s24+$0x120];
	v3 =	vadd.f32 v52, v3  }
0x1e5: {  	v60 =	vld [tilespmem:s24+$0x130];
	v2 =	vadd.f32 v53, v2  }
0x1e6: {  	v3 =	vadd.f32 v54, v3  }
0x1e7: {  	v2 =	vadd.f32 v56, v2  }
0x1e8: {  	[tilespmem:s20+$0xFFFFFFE0] =	vst v58;
	v3 =	vadd.f32 v57, v3  }
0x1e9: {  	v61 =	vld [tilespmem:s22+$0x0];
	v62 =	vmul.f32 v4, v0;
	v2 =	vadd.f32 v59, v2  }
0x1ea: {  	v4 =	vmul.f32 v4, v1;
	v3 =	vadd.f32 v60, v3  }
0x1eb: {  	p0 =	sne.s32 s31, $0x4EC;
	v2 =	vsub.f32 v2, v62  }
.Ltmp3:
0x1ec: {  	v63 =	vpop (erf);
	v3 =	vsub.f32 v3, v4;
	(pc) =	sbr.rel @p0 .LBB2_8-.Ltmp3, $4  }
0x1ed: {  	v2 =	vmul.f32 v63, v2  }
0x1ee: {  	[tilespmem:s20+$0xFFFFFFF0] =	vst v61;
	v3 =	vmul.f32 v63, v3  }
0x1ef: {  	s0 =	sadd.s32 $0x14, s0;
	s24 =	sadd.s32 $0x280, s24;
	[tilespmem:s20+$0x0] =	vst v2  }
0x1f0: {  	s31 =	sadd.s32 $0x14, s31;
	s22 =	sadd.s32 $0x20, s22;
	[tilespmem:s20+$0x10] =	vst v3;
	s20 =	sadd.s32 $0x40, s20  }
0x1f1: {  	s31 =	simm.s32 $0x0;
	s0 =	rddreg [dreg:$0x9]  }
0x1f2: {  	[hbm4b:s0+s31] =	stream.linear.scatter [tilespmem:s15], [sflag:$0x5], $0x1000, $0x38;
	[tilespmem:$0x1CA20] =	vst v63  }
0x1f3: {  	s24 =	simm.s32 $0x1B00  }
0x1f4: {  	[tilespmem:s25], [sflag:$0x3] =	stream.indirect.gather [hbm4b:s4+s19], $0x20, s24, s19, $0xb8;
	[tilespmem:$0x1CA20] =	vst v63  }
0x1f5: {  	s28 =	simm.s32 $0x1B80  }
0x1f6: {  	[tilespmem:s18], [sflag:$0x3] =	stream.indirect.gather [hbm4b:s4+s19], $0x20, s28, s19, $0xb8;
	[tilespmem:$0x1CA20] =	vst v63  }
0x1f7: {  	s20 =	simm.s32 $0x1C00  }
0x1f8: {  	[tilespmem:s30], [sflag:$0x3] =	stream.indirect.gather [hbm4b:s4+s19], $0x20, s20, s19, $0xb8;
	[tilespmem:$0x1CA20] =	vst v63  }
0x1f9: {  	s22 =	simm.s32 $0x1C80  }
0x1fa: {  	[tilespmem:s23], [sflag:$0x3] =	stream.indirect.gather [hbm4b:s4+s19], $0x20, s22, s19, $0xb8;
	[tilespmem:$0x1CA20] =	vst v63  }
0x1fb: {  	s24 =	simm.s32 $0x1D00  }
0x1fc: {  	[tilespmem:s17], [sflag:$0x3] =	stream.indirect.gather [hbm4b:s4+s19], $0x20, s24, s19, $0xb8;
	[tilespmem:$0x1CA20] =	vst v63  }
0x1fd: {  	s28 =	simm.s32 $0x1D80  }
0x1fe: {  	[tilespmem:s5], [sflag:$0x3] =	stream.indirect.gather [hbm4b:s4+s19], $0x20, s28, s19, $0xb8;
	[tilespmem:$0x1CA20] =	vst v63  }
0x1ff: {  	s20 =	simm.s32 $0x1E00  }
0x200: {  	[tilespmem:s7], [sflag:$0x3] =	stream.indirect.gather [hbm4b:s4+s19], $0x20, s20, s19, $0xb8;
	[tilespmem:$0x1CA20] =	vst v63  }
0x201: {  	s22 =	simm.s32 $0x1E80  }
0x202: {  	[tilespmem:s8], [sflag:$0x3] =	stream.indirect.gather [hbm4b:s4+s19], $0x20, s22, s19, $0xb8;
	[tilespmem:$0x1CA20] =	vst v63  }
0x203: {  	s24 =	simm.s32 $0x1F00  }
0x204: {  	[tilespmem:s9], [sflag:$0x3] =	stream.indirect.gather [hbm4b:s4+s19], $0x20, s24, s19, $0xb8;
	[tilespmem:$0x1CA20] =	vst v63  }
0x205: {  	s28 =	simm.s32 $0x1F80  }
0x206: {  	[tilespmem:s10], [sflag:$0x3] =	stream.indirect.gather [hbm4b:s4+s19], $0x20, s28, s19, $0xb8;
	[tilespmem:$0x1CA20] =	vst v63  }
0x207: {  	_ =	swait.ge [sflag:s11], $0x1000  }
0x208: {  	[sflag:s11] =	ssyncset.done $0x0  }
0x209: {  	[sflag:s11] =	ssyncadd.s32 $0xFFFFF000  }
0x20a: {  	_ =	swait.ge [sflag:s11], $0x1000  }
0x20b: {  	[sflag:s11] =	ssyncset.done $0x0  }
0x20c: {  	[sflag:s11] =	ssyncadd.s32 $0xFFFFF000  }
0x20d: {  	_ =	swait.ge [sflag:s11], $0x1000  }
0x20e: {  	[sflag:s11] =	ssyncset.done $0x0  }
0x20f: {  	[sflag:s11] =	ssyncadd.s32 $0xFFFFF000  }
0x210: {  	_ =	swait.ge [sflag:s11], $0x1000  }
0x211: {  	[sflag:s11] =	ssyncset.done $0x0  }
0x212: {  	[sflag:s11] =	ssyncadd.s32 $0xFFFFF000  }
0x213: {  	_ =	swait.ge [sflag:s11], $0x1000  }
0x214: {  	[sflag:s11] =	ssyncset.done $0x0  }
0x215: {  	[sflag:s11] =	ssyncadd.s32 $0xFFFFF000  }
0x216: {  	_ =	swait.ge [sflag:s11], $0x1000  }
0x217: {  	[sflag:s11] =	ssyncset.done $0x0  }
0x218: {  	[sflag:s11] =	ssyncadd.s32 $0xFFFFF000  }
0x219: {  	_ =	swait.ge [sflag:s11], $0x1000  }
0x21a: {  	[sflag:s11] =	ssyncset.done $0x0  }
0x21b: {  	[sflag:s11] =	ssyncadd.s32 $0xFFFFF000  }
0x21c: {  	_ =	swait.ge [sflag:s11], $0x1000  }
0x21d: {  	[sflag:s11] =	ssyncset.done $0x0  }
0x21e: {  	[sflag:s11] =	ssyncadd.s32 $0xFFFFF000  }
0x21f: {  	_ =	swait.ge [sflag:s11], $0x1000  }
0x220: {  	[sflag:s11] =	ssyncset.done $0x0  }
0x221: {  	[sflag:s11] =	ssyncadd.s32 $0xFFFFF000  }
0x222: {  	_ =	swait.ge [sflag:s11], $0x1000  }
0x223: {  	[sflag:s11] =	ssyncset.done $0x0  }
0x224: {  	[sflag:s11] =	ssyncadd.s32 $0xFFFFF000  }
0x225: {  	_ =	swait.ge [sflag:s12], $0x1000  }
0x226: {  	[sflag:s12] =	ssyncset.done $0x0  }
0x227: {  	[sflag:s12] =	ssyncadd.s32 $0xFFFFF000  }
0x228: {  	_ =	swait.ge [sflag:s6], $0x1000  }
0x229: {  	s0 =	simm.s32 $0x1604;
	s20 =	simm.s32 $0x1AA40;
	[sflag:s6] =	ssyncset.done $0x0  }
0x22a: {  	s22 =	simm.s32 $0x4A30;
	s24 =	simm.s32 $0x6B60;
	[sflag:s6] =	ssyncadd.s32 $0xFFFFF000  }
.LBB2_10:
0x22b: {  	v2 =	vld [tilespmem:s24+$0xFFFFFEC0]  }
0x22c: {  	v3 =	vld [tilespmem:s24+$0xFFFFFED0]  }
0x22d: {  	v4 =	vld [tilespmem:s24+$0xFFFFFEE0]  }
0x22e: {  	v5 =	vld [tilespmem:s24+$0xFFFFFEF0]  }
0x22f: {  	v6 =	vld [tilespmem:s24+$0xFFFFFF00]  }
0x230: {  	v7 =	vld [tilespmem:s24+$0xFFFFFF10]  }
0x231: {  	v8 =	vld [tilespmem:s24+$0xFFFFFF20]  }
0x232: {  	v9 =	vld [tilespmem:s24+$0xFFFFFF30]  }
0x233: {  	v10 =	vld [tilespmem:s24+$0xFFFFFF40]  }
0x234: {  	v11 =	vld [tilespmem:s24+$0xFFFFFF50]  }
0x235: {  	v26 =	vld [tilespmem:s24+$0xFFFFFF60];
	v2 =	vadd.f32 v4, v2  }
0x236: {  	v27 =	vld [tilespmem:s24+$0xFFFFFF70];
	v3 =	vadd.f32 v5, v3  }
0x237: {  	v28 =	vld [tilespmem:s24+$0xFFFFFF80];
	v2 =	vadd.f32 v6, v2  }
0x238: {  	v29 =	vld [tilespmem:s24+$0xFFFFFF90];
	v3 =	vadd.f32 v7, v3  }
0x239: {  	v30 =	vld [tilespmem:s24+$0xFFFFFFA0];
	v2 =	vadd.f32 v8, v2  }
0x23a: {  	v31 =	vld [tilespmem:s24+$0xFFFFFFB0];
	v3 =	vadd.f32 v9, v3  }
0x23b: {  	v32 =	vld [tilespmem:s24+$0xFFFFFFC0];
	v2 =	vadd.f32 v10, v2  }
0x23c: {  	v33 =	vld [tilespmem:s24+$0xFFFFFFD0];
	v3 =	vadd.f32 v11, v3  }
0x23d: {  	v34 =	vld [tilespmem:s24+$0xFFFFFFE0];
	v2 =	vadd.f32 v26, v2  }
0x23e: {  	v35 =	vld [tilespmem:s24+$0xFFFFFFF0];
	v3 =	vadd.f32 v27, v3  }
0x23f: {  	v36 =	vld [tilespmem:s24+$0x0];
	v2 =	vadd.f32 v28, v2  }
0x240: {  	v37 =	vld [tilespmem:s24+$0x10];
	v3 =	vadd.f32 v29, v3  }
0x241: {  	v38 =	vld [tilespmem:s24+$0x20];
	v2 =	vadd.f32 v30, v2  }
0x242: {  	v39 =	vld [tilespmem:s24+$0x30];
	v3 =	vadd.f32 v31, v3  }
0x243: {  	v40 =	vld [tilespmem:s24+$0x40];
	v2 =	vadd.f32 v32, v2  }
0x244: {  	s28 =	sand.u32 $0x7FC, s31;
	v41 =	vld [tilespmem:s0+$0x0];
	v3 =	vadd.f32 v33, v3  }
0x245: {  	v42 =	vld [tilespmem:s28+$0x1600];
	v2 =	vadd.f32 v34, v2  }
0x246: {  	v43 =	vld [tilespmem:s24+$0x50];
	v3 =	vadd.f32 v35, v3  }
0x247: {  	v44 =	vld [tilespmem:s24+$0x60];
	v2 =	vadd.f32 v36, v2  }
0x248: {  	v45 =	vld [tilespmem:s24+$0x70];
	v3 =	vadd.f32 v37, v3  }
0x249: {  	v46 =	vld [tilespmem:s24+$0x80];
	vm1 =	veq.s32 v41, $0x0;
	v2 =	vadd.f32 v38, v2  }
0x24a: {  	v47 =	vld [tilespmem:s24+$0x90];
	vm2 =	veq.s32 v42, $0x0;
	vm1 =	vmand vm1, vm0;
	v3 =	vadd.f32 v39, v3  }
0x24b: {  	v48 =	vld [tilespmem:s24+$0xA0];
	v4 =	vmpcnt.ones.xlane vm2;
	v49 =	vmpcnt.ones.xlane vm1;
	v2 =	vadd.f32 v40, v2  }
0x24c: {  	v50 =	vld [tilespmem:s24+$0xB0];
	v3 =	vadd.f32 v43, v3  }
0x24d: {  	v51 =	vld [tilespmem:s24+$0xC0];
	v4 =	vadd.s32 v4, v49;
	v2 =	vadd.f32 v44, v2  }
0x24e: {  	v52 =	vld [tilespmem:s24+$0xD0];
	v4 =	vcvt.s32.f32 v4;
	v3 =	vadd.f32 v45, v3  }
0x24f: {  	v53 =	vld [tilespmem:s24+$0xE0];
	v2 =	vadd.f32 v46, v2  }
0x250: {  	v54 =	vld [tilespmem:s24+$0xF0];
	v55 =	vsub.f32 $2.000000000e+01, v4;
	v3 =	vadd.f32 v47, v3  }
0x251: {  	v56 =	vld [tilespmem:s24+$0x100];
	v2 =	vadd.f32 v48, v2  }
0x252: {  	v57 =	vld [tilespmem:s24+$0x110];
	v11 =	vmax.f32 v55, $1.000000000e+00;
	v3 =	vadd.f32 v50, v3  }
0x253: {  	v58 =	vld [tilespmem:s22+$0xFFFFFFF0];
	(erf) = vrcp.f32 v11;
	v2 =	vadd.f32 v51, v2  }
0x254: {  	v59 =	vld [tilespmem:s24+$0x120];
	v3 =	vadd.f32 v52, v3  }
0x255: {  	v60 =	vld [tilespmem:s24+$0x130];
	v2 =	vadd.f32 v53, v2  }
0x256: {  	v3 =	vadd.f32 v54, v3  }
0x257: {  	v2 =	vadd.f32 v56, v2  }
0x258: {  	[tilespmem:s20+$0xFFFFFFE0] =	vst v58;
	v3 =	vadd.f32 v57, v3  }
0x259: {  	v61 =	vld [tilespmem:s22+$0x0];
	v62 =	vmul.f32 v4, v0;
	v2 =	vadd.f32 v59, v2  }
0x25a: {  	v4 =	vmul.f32 v4, v1;
	v3 =	vadd.f32 v60, v3  }
0x25b: {  	p0 =	sne.s32 s31, $0x4EC;
	v2 =	vsub.f32 v2, v62  }
.Ltmp4:
0x25c: {  	v63 =	vpop (erf);
	v3 =	vsub.f32 v3, v4;
	(pc) =	sbr.rel @p0 .LBB2_10-.Ltmp4, $4  }
0x25d: {  	v2 =	vmul.f32 v63, v2  }
0x25e: {  	[tilespmem:s20+$0xFFFFFFF0] =	vst v61;
	v3 =	vmul.f32 v63, v3  }
0x25f: {  	s0 =	sadd.s32 $0x14, s0;
	s24 =	sadd.s32 $0x280, s24;
	[tilespmem:s20+$0x0] =	vst v2  }
0x260: {  	s31 =	sadd.s32 $0x14, s31;
	s22 =	sadd.s32 $0x20, s22;
	[tilespmem:s20+$0x10] =	vst v3;
	s20 =	sadd.s32 $0x40, s20  }
0x261: {  	s31 =	simm.s32 $0x0;
	s0 =	rddreg [dreg:$0xa]  }
0x262: {  	[hbm4b:s0+s31] =	stream.linear.scatter [tilespmem:s13], [sflag:$0x4], $0x1000, $0x38;
	[tilespmem:$0x1CA20] =	vst v63  }
0x263: {  	s28 =	simm.s32 $0x6A20;
	s20 =	simm.s32 $0x2000  }
0x264: {  	[tilespmem:s28], [sflag:$0x2] =	stream.indirect.gather [hbm4b:s4+s19], $0x20, s20, s19, $0xb8;
	[tilespmem:$0x1CA20] =	vst v63  }
0x265: {  	s22 =	simm.s32 $0x2080;
	s20 =	simm.s32 $0x7A20  }
0x266: {  	[tilespmem:s20], [sflag:$0x2] =	stream.indirect.gather [hbm4b:s4+s19], $0x20, s22, s19, $0xb8;
	[tilespmem:$0x1CA20] =	vst v63  }
0x267: {  	s24 =	simm.s32 $0x8A20;
	s28 =	simm.s32 $0x2100  }
0x268: {  	[tilespmem:s24], [sflag:$0x2] =	stream.indirect.gather [hbm4b:s4+s19], $0x20, s28, s19, $0xb8;
	[tilespmem:$0x1CA20] =	vst v63  }
0x269: {  	s20 =	simm.s32 $0x9A20;
	s22 =	simm.s32 $0x2180  }
0x26a: {  	[tilespmem:s20], [sflag:$0x2] =	stream.indirect.gather [hbm4b:s4+s19], $0x20, s22, s19, $0xb8;
	[tilespmem:$0x1CA20] =	vst v63  }
0x26b: {  	s24 =	simm.s32 $0xAA20;
	s28 =	simm.s32 $0x2200  }
0x26c: {  	[tilespmem:s24], [sflag:$0x2] =	stream.indirect.gather [hbm4b:s4+s19], $0x20, s28, s19, $0xb8;
	[tilespmem:$0x1CA20] =	vst v63  }
0x26d: {  	s20 =	simm.s32 $0xBA20;
	s22 =	simm.s32 $0x2280  }
0x26e: {  	[tilespmem:s20], [sflag:$0x2] =	stream.indirect.gather [hbm4b:s4+s19], $0x20, s22, s19, $0xb8;
	[tilespmem:$0x1CA20] =	vst v63  }
0x26f: {  	s24 =	simm.s32 $0xCA20;
	s28 =	simm.s32 $0x2300  }
0x270: {  	[tilespmem:s24], [sflag:$0x2] =	stream.indirect.gather [hbm4b:s4+s19], $0x20, s28, s19, $0xb8;
	[tilespmem:$0x1CA20] =	vst v63  }
0x271: {  	s20 =	simm.s32 $0xDA20;
	s22 =	simm.s32 $0x2380  }
0x272: {  	[tilespmem:s20], [sflag:$0x2] =	stream.indirect.gather [hbm4b:s4+s19], $0x20, s22, s19, $0xb8;
	[tilespmem:$0x1CA20] =	vst v63  }
0x273: {  	s24 =	simm.s32 $0x2400  }
0x274: {  	[tilespmem:s1], [sflag:$0x2] =	stream.indirect.gather [hbm4b:s4+s19], $0x20, s24, s19, $0xb8;
	[tilespmem:$0x1CA20] =	vst v63  }
0x275: {  	s28 =	simm.s32 $0x2480  }
0x276: {  	[tilespmem:s21], [sflag:$0x2] =	stream.indirect.gather [hbm4b:s4+s19], $0x20, s28, s19, $0xb8;
	[tilespmem:$0x1CA20] =	vst v63  }
0x277: {  	_ =	swait.ge [sflag:s14], $0x1000  }
0x278: {  	[sflag:s14] =	ssyncset.done $0x0  }
0x279: {  	[sflag:s14] =	ssyncadd.s32 $0xFFFFF000  }
0x27a: {  	_ =	swait.ge [sflag:s14], $0x1000  }
0x27b: {  	[sflag:s14] =	ssyncset.done $0x0  }
0x27c: {  	[sflag:s14] =	ssyncadd.s32 $0xFFFFF000  }
0x27d: {  	_ =	swait.ge [sflag:s14], $0x1000  }
0x27e: {  	[sflag:s14] =	ssyncset.done $0x0  }
0x27f: {  	[sflag:s14] =	ssyncadd.s32 $0xFFFFF000  }
0x280: {  	_ =	swait.ge [sflag:s14], $0x1000  }
0x281: {  	[sflag:s14] =	ssyncset.done $0x0  }
0x282: {  	[sflag:s14] =	ssyncadd.s32 $0xFFFFF000  }
0x283: {  	_ =	swait.ge [sflag:s14], $0x1000  }
0x284: {  	[sflag:s14] =	ssyncset.done $0x0  }
0x285: {  	[sflag:s14] =	ssyncadd.s32 $0xFFFFF000  }
0x286: {  	_ =	swait.ge [sflag:s14], $0x1000  }
0x287: {  	[sflag:s14] =	ssyncset.done $0x0  }
0x288: {  	[sflag:s14] =	ssyncadd.s32 $0xFFFFF000  }
0x289: {  	_ =	swait.ge [sflag:s14], $0x1000  }
0x28a: {  	[sflag:s14] =	ssyncset.done $0x0  }
0x28b: {  	[sflag:s14] =	ssyncadd.s32 $0xFFFFF000  }
0x28c: {  	_ =	swait.ge [sflag:s14], $0x1000  }
0x28d: {  	[sflag:s14] =	ssyncset.done $0x0  }
0x28e: {  	[sflag:s14] =	ssyncadd.s32 $0xFFFFF000  }
0x28f: {  	_ =	swait.ge [sflag:s14], $0x1000  }
0x290: {  	[sflag:s14] =	ssyncset.done $0x0  }
0x291: {  	[sflag:s14] =	ssyncadd.s32 $0xFFFFF000  }
0x292: {  	_ =	swait.ge [sflag:s14], $0x1000  }
0x293: {  	[sflag:s14] =	ssyncset.done $0x0  }
0x294: {  	[sflag:s14] =	ssyncadd.s32 $0xFFFFF000  }
0x295: {  	_ =	swait.ge [sflag:s26], $0x1000  }
0x296: {  	s0 =	simm.s32 $0x1B04;
	s20 =	simm.s32 $0x1BA40;
	[sflag:s26] =	ssyncset.done $0x0  }
0x297: {  	s22 =	simm.s32 $0x5230;
	s24 =	simm.s32 $0x10B60;
	[sflag:s26] =	ssyncadd.s32 $0xFFFFF000  }
.LBB2_12:
0x298: {  	v2 =	vld [tilespmem:s24+$0xFFFFFEC0]  }
0x299: {  	v3 =	vld [tilespmem:s24+$0xFFFFFED0]  }
0x29a: {  	v4 =	vld [tilespmem:s24+$0xFFFFFEE0]  }
0x29b: {  	v5 =	vld [tilespmem:s24+$0xFFFFFEF0]  }
0x29c: {  	v6 =	vld [tilespmem:s24+$0xFFFFFF00]  }
0x29d: {  	v7 =	vld [tilespmem:s24+$0xFFFFFF10]  }
0x29e: {  	v8 =	vld [tilespmem:s24+$0xFFFFFF20]  }
0x29f: {  	v9 =	vld [tilespmem:s24+$0xFFFFFF30]  }
0x2a0: {  	v10 =	vld [tilespmem:s24+$0xFFFFFF40]  }
0x2a1: {  	v11 =	vld [tilespmem:s24+$0xFFFFFF50]  }
0x2a2: {  	v26 =	vld [tilespmem:s24+$0xFFFFFF60];
	v2 =	vadd.f32 v4, v2  }
0x2a3: {  	v27 =	vld [tilespmem:s24+$0xFFFFFF70];
	v3 =	vadd.f32 v5, v3  }
0x2a4: {  	v28 =	vld [tilespmem:s24+$0xFFFFFF80];
	v2 =	vadd.f32 v6, v2  }
0x2a5: {  	v29 =	vld [tilespmem:s24+$0xFFFFFF90];
	v3 =	vadd.f32 v7, v3  }
0x2a6: {  	v30 =	vld [tilespmem:s24+$0xFFFFFFA0];
	v2 =	vadd.f32 v8, v2  }
0x2a7: {  	v31 =	vld [tilespmem:s24+$0xFFFFFFB0];
	v3 =	vadd.f32 v9, v3  }
0x2a8: {  	v32 =	vld [tilespmem:s24+$0xFFFFFFC0];
	v2 =	vadd.f32 v10, v2  }
0x2a9: {  	v33 =	vld [tilespmem:s24+$0xFFFFFFD0];
	v3 =	vadd.f32 v11, v3  }
0x2aa: {  	v34 =	vld [tilespmem:s24+$0xFFFFFFE0];
	v2 =	vadd.f32 v26, v2  }
0x2ab: {  	v35 =	vld [tilespmem:s24+$0xFFFFFFF0];
	v3 =	vadd.f32 v27, v3  }
0x2ac: {  	v36 =	vld [tilespmem:s24+$0x0];
	v2 =	vadd.f32 v28, v2  }
0x2ad: {  	v37 =	vld [tilespmem:s24+$0x10];
	v3 =	vadd.f32 v29, v3  }
0x2ae: {  	v38 =	vld [tilespmem:s24+$0x20];
	v2 =	vadd.f32 v30, v2  }
0x2af: {  	v39 =	vld [tilespmem:s24+$0x30];
	v3 =	vadd.f32 v31, v3  }
0x2b0: {  	v40 =	vld [tilespmem:s24+$0x40];
	v2 =	vadd.f32 v32, v2  }
0x2b1: {  	s28 =	sand.u32 $0x7FC, s31;
	v41 =	vld [tilespmem:s0+$0x0];
	v3 =	vadd.f32 v33, v3  }
0x2b2: {  	v42 =	vld [tilespmem:s28+$0x1B00];
	v2 =	vadd.f32 v34, v2  }
0x2b3: {  	v43 =	vld [tilespmem:s24+$0x50];
	v3 =	vadd.f32 v35, v3  }
0x2b4: {  	v44 =	vld [tilespmem:s24+$0x60];
	v2 =	vadd.f32 v36, v2  }
0x2b5: {  	v45 =	vld [tilespmem:s24+$0x70];
	v3 =	vadd.f32 v37, v3  }
0x2b6: {  	v46 =	vld [tilespmem:s24+$0x80];
	vm1 =	veq.s32 v41, $0x0;
	v2 =	vadd.f32 v38, v2  }
0x2b7: {  	v47 =	vld [tilespmem:s24+$0x90];
	vm2 =	veq.s32 v42, $0x0;
	vm1 =	vmand vm1, vm0;
	v3 =	vadd.f32 v39, v3  }
0x2b8: {  	v48 =	vld [tilespmem:s24+$0xA0];
	v4 =	vmpcnt.ones.xlane vm2;
	v49 =	vmpcnt.ones.xlane vm1;
	v2 =	vadd.f32 v40, v2  }
0x2b9: {  	v50 =	vld [tilespmem:s24+$0xB0];
	v3 =	vadd.f32 v43, v3  }
0x2ba: {  	v51 =	vld [tilespmem:s24+$0xC0];
	v4 =	vadd.s32 v4, v49;
	v2 =	vadd.f32 v44, v2  }
0x2bb: {  	v52 =	vld [tilespmem:s24+$0xD0];
	v4 =	vcvt.s32.f32 v4;
	v3 =	vadd.f32 v45, v3  }
0x2bc: {  	v53 =	vld [tilespmem:s24+$0xE0];
	v2 =	vadd.f32 v46, v2  }
0x2bd: {  	v54 =	vld [tilespmem:s24+$0xF0];
	v55 =	vsub.f32 $2.000000000e+01, v4;
	v3 =	vadd.f32 v47, v3  }
0x2be: {  	v56 =	vld [tilespmem:s24+$0x100];
	v2 =	vadd.f32 v48, v2  }
0x2bf: {  	v57 =	vld [tilespmem:s24+$0x110];
	v11 =	vmax.f32 v55, $1.000000000e+00;
	v3 =	vadd.f32 v50, v3  }
0x2c0: {  	v58 =	vld [tilespmem:s22+$0xFFFFFFF0];
	(erf) = vrcp.f32 v11;
	v2 =	vadd.f32 v51, v2  }
0x2c1: {  	v59 =	vld [tilespmem:s24+$0x120];
	v3 =	vadd.f32 v52, v3  }
0x2c2: {  	v60 =	vld [tilespmem:s24+$0x130];
	v2 =	vadd.f32 v53, v2  }
0x2c3: {  	v3 =	vadd.f32 v54, v3  }
0x2c4: {  	v2 =	vadd.f32 v56, v2  }
0x2c5: {  	[tilespmem:s20+$0xFFFFFFE0] =	vst v58;
	v3 =	vadd.f32 v57, v3  }
0x2c6: {  	v61 =	vld [tilespmem:s22+$0x0];
	v62 =	vmul.f32 v4, v0;
	v2 =	vadd.f32 v59, v2  }
0x2c7: {  	v4 =	vmul.f32 v4, v1;
	v3 =	vadd.f32 v60, v3  }
0x2c8: {  	p0 =	sne.s32 s31, $0x4EC;
	v2 =	vsub.f32 v2, v62  }
.Ltmp5:
0x2c9: {  	v63 =	vpop (erf);
	v3 =	vsub.f32 v3, v4;
	(pc) =	sbr.rel @p0 .LBB2_12-.Ltmp5, $4  }
0x2ca: {  	v2 =	vmul.f32 v63, v2  }
0x2cb: {  	[tilespmem:s20+$0xFFFFFFF0] =	vst v61;
	v3 =	vmul.f32 v63, v3  }
0x2cc: {  	s0 =	sadd.s32 $0x14, s0;
	s24 =	sadd.s32 $0x280, s24;
	[tilespmem:s20+$0x0] =	vst v2  }
0x2cd: {  	s31 =	sadd.s32 $0x14, s31;
	s22 =	sadd.s32 $0x20, s22;
	[tilespmem:s20+$0x10] =	vst v3;
	s20 =	sadd.s32 $0x40, s20  }
0x2ce: {  	s31 =	simm.s32 $0x0;
	s0 =	rddreg [dreg:$0xb]  }
0x2cf: {  	[hbm4b:s0+s31] =	stream.linear.scatter [tilespmem:s15], [sflag:$0x5], $0x1000, $0x38;
	[tilespmem:$0x1CA20] =	vst v63  }
0x2d0: {  	s24 =	simm.s32 $0x2500  }
0x2d1: {  	[tilespmem:s25], [sflag:$0x3] =	stream.indirect.gather [hbm4b:s4+s19], $0x20, s24, s19, $0xb8;
	[tilespmem:$0x1CA20] =	vst v63  }
0x2d2: {  	s28 =	simm.s32 $0x2580  }
0x2d3: {  	[tilespmem:s18], [sflag:$0x3] =	stream.indirect.gather [hbm4b:s4+s19], $0x20, s28, s19, $0xb8;
	[tilespmem:$0x1CA20] =	vst v63  }
0x2d4: {  	s20 =	simm.s32 $0x2600  }
0x2d5: {  	[tilespmem:s30], [sflag:$0x3] =	stream.indirect.gather [hbm4b:s4+s19], $0x20, s20, s19, $0xb8;
	[tilespmem:$0x1CA20] =	vst v63  }
0x2d6: {  	s22 =	simm.s32 $0x2680  }
0x2d7: {  	[tilespmem:s23], [sflag:$0x3] =	stream.indirect.gather [hbm4b:s4+s19], $0x20, s22, s19, $0xb8;
	[tilespmem:$0x1CA20] =	vst v63  }
0x2d8: {  	s24 =	simm.s32 $0x2700  }
0x2d9: {  	[tilespmem:s17], [sflag:$0x3] =	stream.indirect.gather [hbm4b:s4+s19], $0x20, s24, s19, $0xb8;
	[tilespmem:$0x1CA20] =	vst v63  }
0x2da: {  	s28 =	simm.s32 $0x2780  }
0x2db: {  	[tilespmem:s5], [sflag:$0x3] =	stream.indirect.gather [hbm4b:s4+s19], $0x20, s28, s19, $0xb8;
	[tilespmem:$0x1CA20] =	vst v63  }
0x2dc: {  	s20 =	simm.s32 $0x2800  }
0x2dd: {  	[tilespmem:s7], [sflag:$0x3] =	stream.indirect.gather [hbm4b:s4+s19], $0x20, s20, s19, $0xb8;
	[tilespmem:$0x1CA20] =	vst v63  }
0x2de: {  	s22 =	simm.s32 $0x2880  }
0x2df: {  	[tilespmem:s8], [sflag:$0x3] =	stream.indirect.gather [hbm4b:s4+s19], $0x20, s22, s19, $0xb8;
	[tilespmem:$0x1CA20] =	vst v63  }
0x2e0: {  	s24 =	simm.s32 $0x2900  }
0x2e1: {  	[tilespmem:s9], [sflag:$0x3] =	stream.indirect.gather [hbm4b:s4+s19], $0x20, s24, s19, $0xb8;
	[tilespmem:$0x1CA20] =	vst v63  }
0x2e2: {  	s28 =	simm.s32 $0x2980  }
0x2e3: {  	[tilespmem:s10], [sflag:$0x3] =	stream.indirect.gather [hbm4b:s4+s19], $0x20, s28, s19, $0xb8;
	[tilespmem:$0x1CA20] =	vst v63  }
0x2e4: {  	_ =	swait.ge [sflag:s11], $0x1000  }
0x2e5: {  	[sflag:s11] =	ssyncset.done $0x0  }
0x2e6: {  	[sflag:s11] =	ssyncadd.s32 $0xFFFFF000  }
0x2e7: {  	_ =	swait.ge [sflag:s11], $0x1000  }
0x2e8: {  	[sflag:s11] =	ssyncset.done $0x0  }
0x2e9: {  	[sflag:s11] =	ssyncadd.s32 $0xFFFFF000  }
0x2ea: {  	_ =	swait.ge [sflag:s11], $0x1000  }
0x2eb: {  	[sflag:s11] =	ssyncset.done $0x0  }
0x2ec: {  	[sflag:s11] =	ssyncadd.s32 $0xFFFFF000  }
0x2ed: {  	_ =	swait.ge [sflag:s11], $0x1000  }
0x2ee: {  	[sflag:s11] =	ssyncset.done $0x0  }
0x2ef: {  	[sflag:s11] =	ssyncadd.s32 $0xFFFFF000  }
0x2f0: {  	_ =	swait.ge [sflag:s11], $0x1000  }
0x2f1: {  	[sflag:s11] =	ssyncset.done $0x0  }
0x2f2: {  	[sflag:s11] =	ssyncadd.s32 $0xFFFFF000  }
0x2f3: {  	_ =	swait.ge [sflag:s11], $0x1000  }
0x2f4: {  	[sflag:s11] =	ssyncset.done $0x0  }
0x2f5: {  	[sflag:s11] =	ssyncadd.s32 $0xFFFFF000  }
0x2f6: {  	_ =	swait.ge [sflag:s11], $0x1000  }
0x2f7: {  	[sflag:s11] =	ssyncset.done $0x0  }
0x2f8: {  	[sflag:s11] =	ssyncadd.s32 $0xFFFFF000  }
0x2f9: {  	_ =	swait.ge [sflag:s11], $0x1000  }
0x2fa: {  	[sflag:s11] =	ssyncset.done $0x0  }
0x2fb: {  	[sflag:s11] =	ssyncadd.s32 $0xFFFFF000  }
0x2fc: {  	_ =	swait.ge [sflag:s11], $0x1000  }
0x2fd: {  	[sflag:s11] =	ssyncset.done $0x0  }
0x2fe: {  	[sflag:s11] =	ssyncadd.s32 $0xFFFFF000  }
0x2ff: {  	_ =	swait.ge [sflag:s11], $0x1000  }
0x300: {  	[sflag:s11] =	ssyncset.done $0x0  }
0x301: {  	[sflag:s11] =	ssyncadd.s32 $0xFFFFF000  }
0x302: {  	_ =	swait.ge [sflag:s12], $0x1000  }
0x303: {  	[sflag:s12] =	ssyncset.done $0x0  }
0x304: {  	[sflag:s12] =	ssyncadd.s32 $0xFFFFF000  }
0x305: {  	_ =	swait.ge [sflag:s6], $0x1000  }
0x306: {  	s0 =	simm.s32 $0x2004;
	s20 =	simm.s32 $0x1AA40;
	[sflag:s6] =	ssyncset.done $0x0  }
0x307: {  	s22 =	simm.s32 $0x5A30;
	s24 =	simm.s32 $0x6B60;
	[sflag:s6] =	ssyncadd.s32 $0xFFFFF000  }
.LBB2_14:
0x308: {  	v2 =	vld [tilespmem:s24+$0xFFFFFEC0]  }
0x309: {  	v3 =	vld [tilespmem:s24+$0xFFFFFED0]  }
0x30a: {  	v4 =	vld [tilespmem:s24+$0xFFFFFEE0]  }
0x30b: {  	v5 =	vld [tilespmem:s24+$0xFFFFFEF0]  }
0x30c: {  	v6 =	vld [tilespmem:s24+$0xFFFFFF00]  }
0x30d: {  	v7 =	vld [tilespmem:s24+$0xFFFFFF10]  }
0x30e: {  	v8 =	vld [tilespmem:s24+$0xFFFFFF20]  }
0x30f: {  	v9 =	vld [tilespmem:s24+$0xFFFFFF30]  }
0x310: {  	v10 =	vld [tilespmem:s24+$0xFFFFFF40]  }
0x311: {  	v11 =	vld [tilespmem:s24+$0xFFFFFF50]  }
0x312: {  	v26 =	vld [tilespmem:s24+$0xFFFFFF60];
	v2 =	vadd.f32 v4, v2  }
0x313: {  	v27 =	vld [tilespmem:s24+$0xFFFFFF70];
	v3 =	vadd.f32 v5, v3  }
0x314: {  	v28 =	vld [tilespmem:s24+$0xFFFFFF80];
	v2 =	vadd.f32 v6, v2  }
0x315: {  	v29 =	vld [tilespmem:s24+$0xFFFFFF90];
	v3 =	vadd.f32 v7, v3  }
0x316: {  	v30 =	vld [tilespmem:s24+$0xFFFFFFA0];
	v2 =	vadd.f32 v8, v2  }
0x317: {  	v31 =	vld [tilespmem:s24+$0xFFFFFFB0];
	v3 =	vadd.f32 v9, v3  }
0x318: {  	v32 =	vld [tilespmem:s24+$0xFFFFFFC0];
	v2 =	vadd.f32 v10, v2  }
0x319: {  	v33 =	vld [tilespmem:s24+$0xFFFFFFD0];
	v3 =	vadd.f32 v11, v3  }
0x31a: {  	v34 =	vld [tilespmem:s24+$0xFFFFFFE0];
	v2 =	vadd.f32 v26, v2  }
0x31b: {  	v35 =	vld [tilespmem:s24+$0xFFFFFFF0];
	v3 =	vadd.f32 v27, v3  }
0x31c: {  	v36 =	vld [tilespmem:s24+$0x0];
	v2 =	vadd.f32 v28, v2  }
0x31d: {  	v37 =	vld [tilespmem:s24+$0x10];
	v3 =	vadd.f32 v29, v3  }
0x31e: {  	v38 =	vld [tilespmem:s24+$0x20];
	v2 =	vadd.f32 v30, v2  }
0x31f: {  	v39 =	vld [tilespmem:s24+$0x30];
	v3 =	vadd.f32 v31, v3  }
0x320: {  	v40 =	vld [tilespmem:s24+$0x40];
	v2 =	vadd.f32 v32, v2  }
0x321: {  	s28 =	sand.u32 $0x7FC, s31;
	v41 =	vld [tilespmem:s0+$0x0];
	v3 =	vadd.f32 v33, v3  }
0x322: {  	v42 =	vld [tilespmem:s28+$0x2000];
	v2 =	vadd.f32 v34, v2  }
0x323: {  	v43 =	vld [tilespmem:s24+$0x50];
	v3 =	vadd.f32 v35, v3  }
0x324: {  	v44 =	vld [tilespmem:s24+$0x60];
	v2 =	vadd.f32 v36, v2  }
0x325: {  	v45 =	vld [tilespmem:s24+$0x70];
	v3 =	vadd.f32 v37, v3  }
0x326: {  	v46 =	vld [tilespmem:s24+$0x80];
	vm1 =	veq.s32 v41, $0x0;
	v2 =	vadd.f32 v38, v2  }
0x327: {  	v47 =	vld [tilespmem:s24+$0x90];
	vm2 =	veq.s32 v42, $0x0;
	vm1 =	vmand vm1, vm0;
	v3 =	vadd.f32 v39, v3  }
0x328: {  	v48 =	vld [tilespmem:s24+$0xA0];
	v4 =	vmpcnt.ones.xlane vm2;
	v49 =	vmpcnt.ones.xlane vm1;
	v2 =	vadd.f32 v40, v2  }
0x329: {  	v50 =	vld [tilespmem:s24+$0xB0];
	v3 =	vadd.f32 v43, v3  }
0x32a: {  	v51 =	vld [tilespmem:s24+$0xC0];
	v4 =	vadd.s32 v4, v49;
	v2 =	vadd.f32 v44, v2  }
0x32b: {  	v52 =	vld [tilespmem:s24+$0xD0];
	v4 =	vcvt.s32.f32 v4;
	v3 =	vadd.f32 v45, v3  }
0x32c: {  	v53 =	vld [tilespmem:s24+$0xE0];
	v2 =	vadd.f32 v46, v2  }
0x32d: {  	v54 =	vld [tilespmem:s24+$0xF0];
	v55 =	vsub.f32 $2.000000000e+01, v4;
	v3 =	vadd.f32 v47, v3  }
0x32e: {  	v56 =	vld [tilespmem:s24+$0x100];
	v2 =	vadd.f32 v48, v2  }
0x32f: {  	v57 =	vld [tilespmem:s24+$0x110];
	v11 =	vmax.f32 v55, $1.000000000e+00;
	v3 =	vadd.f32 v50, v3  }
0x330: {  	v58 =	vld [tilespmem:s22+$0xFFFFFFF0];
	(erf) = vrcp.f32 v11;
	v2 =	vadd.f32 v51, v2  }
0x331: {  	v59 =	vld [tilespmem:s24+$0x120];
	v3 =	vadd.f32 v52, v3  }
0x332: {  	v60 =	vld [tilespmem:s24+$0x130];
	v2 =	vadd.f32 v53, v2  }
0x333: {  	v3 =	vadd.f32 v54, v3  }
0x334: {  	v2 =	vadd.f32 v56, v2  }
0x335: {  	[tilespmem:s20+$0xFFFFFFE0] =	vst v58;
	v3 =	vadd.f32 v57, v3  }
0x336: {  	v61 =	vld [tilespmem:s22+$0x0];
	v62 =	vmul.f32 v4, v0;
	v2 =	vadd.f32 v59, v2  }
0x337: {  	v4 =	vmul.f32 v4, v1;
	v3 =	vadd.f32 v60, v3  }
0x338: {  	p0 =	sne.s32 s31, $0x4EC;
	v2 =	vsub.f32 v2, v62  }
.Ltmp6:
0x339: {  	v63 =	vpop (erf);
	v3 =	vsub.f32 v3, v4;
	(pc) =	sbr.rel @p0 .LBB2_14-.Ltmp6, $4  }
0x33a: {  	v2 =	vmul.f32 v63, v2  }
0x33b: {  	[tilespmem:s20+$0xFFFFFFF0] =	vst v61;
	v3 =	vmul.f32 v63, v3  }
0x33c: {  	s0 =	sadd.s32 $0x14, s0;
	s24 =	sadd.s32 $0x280, s24;
	[tilespmem:s20+$0x0] =	vst v2  }
0x33d: {  	s31 =	sadd.s32 $0x14, s31;
	s22 =	sadd.s32 $0x20, s22;
	[tilespmem:s20+$0x10] =	vst v3;
	s20 =	sadd.s32 $0x40, s20  }
0x33e: {  	s31 =	simm.s32 $0x0;
	s0 =	rddreg [dreg:$0xc]  }
0x33f: {  	[hbm4b:s0+s31] =	stream.linear.scatter [tilespmem:s13], [sflag:$0x4], $0x1000, $0x38;
	[tilespmem:$0x1CA20] =	vst v63  }
0x340: {  	_ =	swait.ge [sflag:s14], $0x1000  }
0x341: {  	[sflag:s14] =	ssyncset.done $0x0  }
0x342: {  	[sflag:s14] =	ssyncadd.s32 $0xFFFFF000  }
0x343: {  	_ =	swait.ge [sflag:s14], $0x1000  }
0x344: {  	[sflag:s14] =	ssyncset.done $0x0  }
0x345: {  	[sflag:s14] =	ssyncadd.s32 $0xFFFFF000  }
0x346: {  	_ =	swait.ge [sflag:s14], $0x1000  }
0x347: {  	[sflag:s14] =	ssyncset.done $0x0  }
0x348: {  	[sflag:s14] =	ssyncadd.s32 $0xFFFFF000  }
0x349: {  	_ =	swait.ge [sflag:s14], $0x1000  }
0x34a: {  	[sflag:s14] =	ssyncset.done $0x0  }
0x34b: {  	[sflag:s14] =	ssyncadd.s32 $0xFFFFF000  }
0x34c: {  	_ =	swait.ge [sflag:s14], $0x1000  }
0x34d: {  	[sflag:s14] =	ssyncset.done $0x0  }
0x34e: {  	[sflag:s14] =	ssyncadd.s32 $0xFFFFF000  }
0x34f: {  	_ =	swait.ge [sflag:s14], $0x1000  }
0x350: {  	[sflag:s14] =	ssyncset.done $0x0  }
0x351: {  	[sflag:s14] =	ssyncadd.s32 $0xFFFFF000  }
0x352: {  	_ =	swait.ge [sflag:s14], $0x1000  }
0x353: {  	[sflag:s14] =	ssyncset.done $0x0  }
0x354: {  	[sflag:s14] =	ssyncadd.s32 $0xFFFFF000  }
0x355: {  	_ =	swait.ge [sflag:s14], $0x1000  }
0x356: {  	[sflag:s14] =	ssyncset.done $0x0  }
0x357: {  	[sflag:s14] =	ssyncadd.s32 $0xFFFFF000  }
0x358: {  	_ =	swait.ge [sflag:s14], $0x1000  }
0x359: {  	[sflag:s14] =	ssyncset.done $0x0  }
0x35a: {  	[sflag:s14] =	ssyncadd.s32 $0xFFFFF000  }
0x35b: {  	_ =	swait.ge [sflag:s14], $0x1000  }
0x35c: {  	[sflag:s14] =	ssyncset.done $0x0  }
0x35d: {  	[sflag:s14] =	ssyncadd.s32 $0xFFFFF000  }
0x35e: {  	_ =	swait.ge [sflag:s26], $0x1000  }
0x35f: {  	s20 =	simm.s32 $0x1BA40;
	s22 =	simm.s32 $0x6230;
	[sflag:s26] =	ssyncset.done $0x0  }
0x360: {  	s24 =	simm.s32 $0x10B60;
	s0 =	simm.s32 $0x2504;
	[sflag:s26] =	ssyncadd.s32 $0xFFFFF000  }
.LBB2_16:
0x361: {  	v2 =	vld [tilespmem:s24+$0xFFFFFEC0]  }
0x362: {  	v3 =	vld [tilespmem:s24+$0xFFFFFED0]  }
0x363: {  	v4 =	vld [tilespmem:s24+$0xFFFFFEE0]  }
0x364: {  	v5 =	vld [tilespmem:s24+$0xFFFFFEF0]  }
0x365: {  	v6 =	vld [tilespmem:s24+$0xFFFFFF00]  }
0x366: {  	v7 =	vld [tilespmem:s24+$0xFFFFFF10]  }
0x367: {  	v8 =	vld [tilespmem:s24+$0xFFFFFF20]  }
0x368: {  	v9 =	vld [tilespmem:s24+$0xFFFFFF30]  }
0x369: {  	v10 =	vld [tilespmem:s24+$0xFFFFFF40]  }
0x36a: {  	v11 =	vld [tilespmem:s24+$0xFFFFFF50]  }
0x36b: {  	v26 =	vld [tilespmem:s24+$0xFFFFFF60];
	v2 =	vadd.f32 v4, v2  }
0x36c: {  	v27 =	vld [tilespmem:s24+$0xFFFFFF70];
	v3 =	vadd.f32 v5, v3  }
0x36d: {  	v28 =	vld [tilespmem:s24+$0xFFFFFF80];
	v2 =	vadd.f32 v6, v2  }
0x36e: {  	v29 =	vld [tilespmem:s24+$0xFFFFFF90];
	v3 =	vadd.f32 v7, v3  }
0x36f: {  	v30 =	vld [tilespmem:s24+$0xFFFFFFA0];
	v2 =	vadd.f32 v8, v2  }
0x370: {  	v31 =	vld [tilespmem:s24+$0xFFFFFFB0];
	v3 =	vadd.f32 v9, v3  }
0x371: {  	v32 =	vld [tilespmem:s24+$0xFFFFFFC0];
	v2 =	vadd.f32 v10, v2  }
0x372: {  	v33 =	vld [tilespmem:s24+$0xFFFFFFD0];
	v3 =	vadd.f32 v11, v3  }
0x373: {  	v34 =	vld [tilespmem:s24+$0xFFFFFFE0];
	v2 =	vadd.f32 v26, v2  }
0x374: {  	v35 =	vld [tilespmem:s24+$0xFFFFFFF0];
	v3 =	vadd.f32 v27, v3  }
0x375: {  	v36 =	vld [tilespmem:s24+$0x0];
	v2 =	vadd.f32 v28, v2  }
0x376: {  	v37 =	vld [tilespmem:s24+$0x10];
	v3 =	vadd.f32 v29, v3  }
0x377: {  	v38 =	vld [tilespmem:s24+$0x20];
	v2 =	vadd.f32 v30, v2  }
0x378: {  	v39 =	vld [tilespmem:s24+$0x30];
	v3 =	vadd.f32 v31, v3  }
0x379: {  	v40 =	vld [tilespmem:s24+$0x40];
	v2 =	vadd.f32 v32, v2  }
0x37a: {  	s28 =	sand.u32 $0x7FC, s31;
	v41 =	vld [tilespmem:s0+$0x0];
	v3 =	vadd.f32 v33, v3  }
0x37b: {  	v42 =	vld [tilespmem:s28+$0x2500];
	v2 =	vadd.f32 v34, v2  }
0x37c: {  	v43 =	vld [tilespmem:s24+$0x50];
	v3 =	vadd.f32 v35, v3  }
0x37d: {  	v44 =	vld [tilespmem:s24+$0x60];
	v2 =	vadd.f32 v36, v2  }
0x37e: {  	v45 =	vld [tilespmem:s24+$0x70];
	v3 =	vadd.f32 v37, v3  }
0x37f: {  	v46 =	vld [tilespmem:s24+$0x80];
	vm1 =	veq.s32 v41, $0x0;
	v2 =	vadd.f32 v38, v2  }
0x380: {  	v47 =	vld [tilespmem:s24+$0x90];
	vm2 =	veq.s32 v42, $0x0;
	vm1 =	vmand vm1, vm0;
	v3 =	vadd.f32 v39, v3  }
0x381: {  	v48 =	vld [tilespmem:s24+$0xA0];
	v4 =	vmpcnt.ones.xlane vm2;
	v49 =	vmpcnt.ones.xlane vm1;
	v2 =	vadd.f32 v40, v2  }
0x382: {  	v50 =	vld [tilespmem:s24+$0xB0];
	v3 =	vadd.f32 v43, v3  }
0x383: {  	v51 =	vld [tilespmem:s24+$0xC0];
	v4 =	vadd.s32 v4, v49;
	v2 =	vadd.f32 v44, v2  }
0x384: {  	v52 =	vld [tilespmem:s24+$0xD0];
	v4 =	vcvt.s32.f32 v4;
	v3 =	vadd.f32 v45, v3  }
0x385: {  	v53 =	vld [tilespmem:s24+$0xE0];
	v2 =	vadd.f32 v46, v2  }
0x386: {  	v54 =	vld [tilespmem:s24+$0xF0];
	v55 =	vsub.f32 $2.000000000e+01, v4;
	v3 =	vadd.f32 v47, v3  }
0x387: {  	v56 =	vld [tilespmem:s24+$0x100];
	v2 =	vadd.f32 v48, v2  }
0x388: {  	v57 =	vld [tilespmem:s24+$0x110];
	v11 =	vmax.f32 v55, $1.000000000e+00;
	v3 =	vadd.f32 v50, v3  }
0x389: {  	v58 =	vld [tilespmem:s22+$0xFFFFFFF0];
	(erf) = vrcp.f32 v11;
	v2 =	vadd.f32 v51, v2  }
0x38a: {  	v59 =	vld [tilespmem:s24+$0x120];
	v3 =	vadd.f32 v52, v3  }
0x38b: {  	v60 =	vld [tilespmem:s24+$0x130];
	v2 =	vadd.f32 v53, v2  }
0x38c: {  	v3 =	vadd.f32 v54, v3  }
0x38d: {  	v2 =	vadd.f32 v56, v2  }
0x38e: {  	[tilespmem:s20+$0xFFFFFFE0] =	vst v58;
	v3 =	vadd.f32 v57, v3  }
0x38f: {  	v61 =	vld [tilespmem:s22+$0x0];
	v62 =	vmul.f32 v4, v0;
	v2 =	vadd.f32 v59, v2  }
0x390: {  	v4 =	vmul.f32 v4, v1;
	v3 =	vadd.f32 v60, v3  }
0x391: {  	p0 =	sne.s32 s31, $0x4EC;
	v2 =	vsub.f32 v2, v62  }
.Ltmp7:
0x392: {  	v63 =	vpop (erf);
	v3 =	vsub.f32 v3, v4;
	(pc) =	sbr.rel @p0 .LBB2_16-.Ltmp7, $4  }
0x393: {  	v2 =	vmul.f32 v63, v2  }
0x394: {  	[tilespmem:s20+$0xFFFFFFF0] =	vst v61;
	v3 =	vmul.f32 v63, v3  }
0x395: {  	s0 =	sadd.s32 $0x14, s0;
	s24 =	sadd.s32 $0x280, s24;
	[tilespmem:s20+$0x0] =	vst v2  }
0x396: {  	s31 =	sadd.s32 $0x14, s31;
	s22 =	sadd.s32 $0x20, s22;
	[tilespmem:s20+$0x10] =	vst v3;
	s20 =	sadd.s32 $0x40, s20  }
0x397: {  	s0 =	rddreg [dreg:$0xd]  }
0x398: {  	[hbm4b:s0+s2] =	stream.linear.scatter [tilespmem:s15], [sflag:$0x5], $0x1000, $0x38;
	[tilespmem:$0x1CA20] =	vst v63  }
0x399: {  	_ =	swait.ge [sflag:s6], $0x1000  }
0x39a: {  	[sflag:s6] =	ssyncset.done $0x0  }
0x39b: {  	[sflag:s6] =	ssyncadd.s32 $0xFFFFF000  }
0x39c: {  	_ =	swait.ge [sflag:s26], $0x1000  }
0x39d: {  	s29 =	sadd.s32 $0x1, s29;
	s31 =	rddreg [dreg:$0xe]  }
0x39e: {  	p0 =	sne.s32 s29, s31  }
.Ltmp8:
0x39f: {  	_ = 	snop;
	(pc) =	sbr.rel @p0 .LBB2_1-.Ltmp8, $3  }
0x3a0: {  	_ =	sdelay $0x1  }
0x3a1: {  	[sflag:s26] =	ssyncset.done $0x0  }
0x3a2: {  	[sflag:s26] =	ssyncadd.s32 $0xFFFFF000  }
0x3a3: {  	_ =	sfence.sel $0x180000  }
0x3a4: {  	[bflag:$0x0] =	sbarrier.arrive $0xFFFF  }
0x3a5: {  	_ =	strace $0x90000047  }
0x3a6: {  	s0 =	stileid.u32;
	[bflag:$0x2] =	sbarrier.arrive $0xFFFF  }
0x3a7: {  	p0 =	sne.s32 s0, $0x0;
	s0 =	rddreg [dreg:$0x3]  }
0x3a8: {  	s0 =	sadd.s32 @!p0 $0x100000, s0  }
0x3a9: {  	[sflag:s0] =	ssyncadd.tile.s32 @!p0 $0x1;
	_ =	shalt  }
.Lfunc_end2:
_tile_overlayer_lowered:
.L_overlay_start_2:
0x3aa: {  	(tag) =	ssettag $0x2  }
0x3ab: {  	s0 =	rddreg [dreg:$0x0];
	s2 =	stileid.u32  }
0x3ac: {  	s1 =	rddreg [dreg:$0x1];
	p0 =	sne.s32 s2, $0x0  }
0x3ad: {  	s3 =	rddreg [dreg:$0x2];
	[bflag:$0x3] =	sbarrier.arrive $0xFFFF;
	s2 =	simm.s32 @!p0 $0x1C06  }
0x3ae: {  	[timem:s3], [sflag:s2] =	dma.local @!p0 [hbm:s0], s1  }
0x3af: {  	s0 =	simm.s32 @!p0 $0x6  }
0x3b0: {  	_ =	swait.ge @!p0 [sflag:s0], s1  }
0x3b1: {  	s1 =	ssub.s32 @!p0 $0x0, s1;
	[sflag:s0] =	ssyncset.done @!p0 $0x0  }
0x3b2: {  	[sflag:s0] =	ssyncadd.s32 @!p0 s1  }
0x3b3: {  	[bflag:$0x3] =	sbarrier.arrive $0xFFFF  }
0x3b4: {  	_ =	shalt  }

</sc_bundles>
